<compile_context>
chip_gen: v7x
topology: tpu7x:2x2x1
jax: 0.10.2.dev20260603
libtpu: 0.0.44.dev20260713+nightly
codegen_flags: <defaults>
</compile_context>

<pallas_src>
import functools

import jax
import jax.numpy as jnp
from jax import lax
from jax.experimental import pallas as pl
from jax.experimental.pallas import tpu as pltpu
from jax.experimental.pallas import tpu_sc as plsc

VOCAB = 1000000
EMBED = 64
HIDDEN = 256
OUT = 1024
B = 1024
T = 20


_NC, _NS = 2, 16
_NW = _NC * _NS
_N = B * T
_N_PER_W = _N // _NW
_C = 32
_NCH = _N_PER_W // _C
_TROW = 8



def _gather_body(idx_hbm, table_hbm, out_hbm, idx_v, tiles_v,
                 comp_v, sem_a, sem_b):
    wid = lax.axis_index("s") * _NC + lax.axis_index("c")
    pltpu.sync_copy(idx_hbm.at[pl.ds(wid * _N_PER_W, _N_PER_W)], idx_v)

    def issue(c, buf, sem):
        def issue_group(g, carry):
            idxv = idx_v[pl.ds(c * _C + g * 16, 16)]
            tidv = lax.shift_right_logical(idxv, 3)
            for j in range(16):
                pltpu.async_copy(
                    table_hbm.at[tidv[j]], tiles_v.at[buf, g * 16 + j], sem)
            return carry

        lax.fori_loop(0, _C // 16, issue_group, 0)

    def drain(buf, sem):
        pltpu.make_async_copy(
            table_hbm.at[pl.ds(0, _C)], tiles_v.at[buf], sem).wait()

    def extract(c, buf):
        def ext_group(g, carry):
            idxv = idx_v[pl.ds(c * _C + g * 16, 16)]
            subv = lax.rem(idxv, 8)
            for j in range(16):
                s = subv[j]
                r = g * 16 + j
                for k in range(EMBED // 16):
                    comp_v[r, pl.ds(k * 16, 16)] = (
                        tiles_v[buf, r, s, pl.ds(k * 16, 16)])
            return carry

        lax.fori_loop(0, _C // 16, ext_group, 0)
        pltpu.sync_copy(
            comp_v, out_hbm.at[pl.ds(wid * _N_PER_W + c * _C, _C)])

    issue(0, 0, sem_a)

    def pair_body(p, carry):
        c0 = p * 2
        drain(0, sem_a)
        issue(c0 + 1, 1, sem_b)
        extract(c0, 0)
        drain(1, sem_b)

        @pl.when(p + 1 < _NCH // 2)
        def _():
            issue(c0 + 2, 0, sem_a)

        extract(c0 + 1, 1)
        return carry

    lax.fori_loop(0, _NCH // 2, pair_body, 0)


_gather_call_cache = []


def _gather_call(idx, table3):
    if not _gather_call_cache:
        _gather_call_cache.append(functools.partial(
            pl.kernel,
            out_type=jax.ShapeDtypeStruct((_N, EMBED), jnp.float32),
            mesh=plsc.VectorSubcoreMesh(core_axis_name="c", subcore_axis_name="s"),
            scratch_types=[
                pltpu.VMEM((_N_PER_W,), jnp.int32),
                pltpu.VMEM((2, _C, _TROW, EMBED), jnp.float32),
                pltpu.VMEM((_C, EMBED), jnp.float32),
                pltpu.SemaphoreType.DMA,
                pltpu.SemaphoreType.DMA,
            ],
        )(_gather_body))
    return _gather_call_cache[0](idx, table3)



_NB = 1
_BB = B // _NB
_H4 = 4 * HIDDEN


def _sigmoid(v):
    return 0.5 * jnp.tanh(0.5 * v) + 0.5


def _lstm_body(e_ref, w0, b0, w1, b1, fcw, fcb,
               out_ref, hn_ref, cn_ref, h0, c0, h1, c1, xh0, xh1):
    h0[...] = jnp.zeros((_BB, HIDDEN), jnp.float32)
    c0[...] = jnp.zeros((_BB, HIDDEN), jnp.float32)
    h1[...] = jnp.zeros((_BB, HIDDEN), jnp.float32)
    c1[...] = jnp.zeros((_BB, HIDDEN), jnp.float32)
    xh0[...] = jnp.zeros((_BB, HIDDEN + 128), jnp.bfloat16)
    xh1[...] = jnp.zeros((_BB, 2 * HIDDEN), jnp.bfloat16)

    def gates(g, c_prev):
        i = _sigmoid(g[:, 0:HIDDEN])
        f = _sigmoid(g[:, HIDDEN:2 * HIDDEN])
        gg = jnp.tanh(g[:, 2 * HIDDEN:3 * HIDDEN])
        o = _sigmoid(g[:, 3 * HIDDEN:4 * HIDDEN])
        c_new = f * c_prev + i * gg
        h_new = o * jnp.tanh(c_new)
        return h_new, c_new

    def step(t, carry):
        xh0[:, HIDDEN:HIDDEN + 128] = e_ref[t]
        g0 = jnp.dot(xh0[...], w0[...],
                     preferred_element_type=jnp.float32) + b0[...]
        h0_new, c0_new = gates(g0, c0[...])
        h0[...] = h0_new
        c0[...] = c0_new
        h0_bf = h0_new.astype(jnp.bfloat16)
        xh0[:, 0:HIDDEN] = h0_bf
        xh1[:, 0:HIDDEN] = h0_bf
        g1 = jnp.dot(xh1[...], w1[...],
                     preferred_element_type=jnp.float32) + b1[...]
        h1_new, c1_new = gates(g1, c1[...])
        h1[...] = h1_new
        c1[...] = c1_new
        xh1[:, HIDDEN:2 * HIDDEN] = h1_new.astype(jnp.bfloat16)
        return carry

    lax.fori_loop(0, T, step, 0)

    out_ref[...] = (jnp.dot(h1[...], fcw[...], preferred_element_type=jnp.float32)
                    + fcb[...])
    hn_ref[0] = h0[...]
    hn_ref[1] = h1[...]
    cn_ref[0] = c0[...]
    cn_ref[1] = c1[...]


def _full(shape):
    return pl.BlockSpec(shape, lambda i: (0,) * len(shape))


_lstm_call = pl.pallas_call(
    _lstm_body,
    grid=(_NB,),
    in_specs=[
        pl.BlockSpec((T, _BB, 128), lambda i: (0, i, 0)),
        _full((HIDDEN + 128, _H4)),
        _full((1, _H4)),
        _full((2 * HIDDEN, _H4)),
        _full((1, _H4)),
        _full((HIDDEN, OUT)),
        _full((1, OUT)),
    ],
    out_specs=[
        pl.BlockSpec((_BB, OUT), lambda i: (i, 0)),
        pl.BlockSpec((2, _BB, HIDDEN), lambda i: (0, i, 0)),
        pl.BlockSpec((2, _BB, HIDDEN), lambda i: (0, i, 0)),
    ],
    out_shape=[
        jax.ShapeDtypeStruct((B, OUT), jnp.float32),
        jax.ShapeDtypeStruct((2, B, HIDDEN), jnp.float32),
        jax.ShapeDtypeStruct((2, B, HIDDEN), jnp.float32),
    ],
    scratch_shapes=[pltpu.VMEM((_BB, HIDDEN), jnp.float32)] * 4 + [
        pltpu.VMEM((_BB, HIDDEN + 128), jnp.bfloat16),
        pltpu.VMEM((_BB, 2 * HIDDEN), jnp.bfloat16),
    ],
    compiler_params=pltpu.CompilerParams(
        dimension_semantics=("arbitrary",),
    ),
)


def kernel(x, emb, W_ih_l0, W_hh_l0, b_ih_l0, b_hh_l0,
           W_ih_l1, W_hh_l1, b_ih_l1, b_hh_l1, fc_W, fc_b):
    idx = x.T.reshape(_N)
    table3 = emb.reshape(VOCAB // _TROW, _TROW, EMBED)
    e_flat = _gather_call(idx, table3)
    e2 = jnp.pad(e_flat.astype(jnp.bfloat16).reshape(T, B, EMBED),
                 ((0, 0), (0, 0), (0, 128 - EMBED)))

    w0 = jnp.concatenate(
        [W_hh_l0.T, W_ih_l0.T,
         jnp.zeros((128 - EMBED, _H4), jnp.float32)], axis=0
    ).astype(jnp.bfloat16)
    w1 = jnp.concatenate([W_ih_l1.T, W_hh_l1.T], axis=0).astype(jnp.bfloat16)

    out, h_n, c_n = _lstm_call(
        e2,
        w0, (b_ih_l0 + b_hh_l0).reshape(1, _H4),
        w1, (b_ih_l1 + b_hh_l1).reshape(1, _H4),
        fc_W.T, fc_b.reshape(1, OUT),
    )
    return (out, h_n, c_n)

# --- scband reference (transcript-rebuilt; emitter-appended) ---
"""Pipeline reference for scband-char-rnn-66417374265689 (READ-ONLY COPY).

The authoritative reference and input builder live on the scoring server;
editing this copy changes nothing except your own understanding.
"""

import jax, jax.numpy as jnp
import numpy as np

VOCAB = 1000000
EMBED = 64
HIDDEN = 256
OUT = 1024
B = 1024
T = 20


def setup_inputs(seed: int = 0) -> dict:
    key = jax.random.key(seed)
    ks = jax.random.split(key, 12)
    s = 0.05
    inp = {}
    inp['x'] = jax.random.randint(ks[0], (B, T), 0, VOCAB, dtype=jnp.int32)
    inp['emb'] = jax.random.normal(ks[1], (VOCAB, EMBED), dtype=jnp.float32) * s
    inp['W_ih_l0'] = jax.random.normal(ks[2], (4 * HIDDEN, EMBED), dtype=jnp.float32) * s
    inp['W_hh_l0'] = jax.random.normal(ks[3], (4 * HIDDEN, HIDDEN), dtype=jnp.float32) * s
    inp['b_ih_l0'] = jax.random.normal(ks[4], (4 * HIDDEN,), dtype=jnp.float32) * s
    inp['b_hh_l0'] = jax.random.normal(ks[5], (4 * HIDDEN,), dtype=jnp.float32) * s
    inp['W_ih_l1'] = jax.random.normal(ks[6], (4 * HIDDEN, HIDDEN), dtype=jnp.float32) * s
    inp['W_hh_l1'] = jax.random.normal(ks[7], (4 * HIDDEN, HIDDEN), dtype=jnp.float32) * s
    inp['b_ih_l1'] = jax.random.normal(ks[8], (4 * HIDDEN,), dtype=jnp.float32) * s
    inp['b_hh_l1'] = jax.random.normal(ks[9], (4 * HIDDEN,), dtype=jnp.float32) * s
    inp['fc_W'] = jax.random.normal(ks[10], (OUT, HIDDEN), dtype=jnp.float32) * s
    inp['fc_b'] = jax.random.normal(ks[11], (OUT,), dtype=jnp.float32) * s
    return inp


def _lstm_layer(xs, W_ih, W_hh, b_ih, b_hh):
    # xs: [T, B, in_dim]; PyTorch LSTM gate order: i, f, g, o
    H = W_hh.shape[1]
    bsz = xs.shape[1]

    def step(carry, x_t):
        h, c = carry
        g = x_t @ W_ih.T + h @ W_hh.T + b_ih + b_hh
        i, f, gg, o = jnp.split(g, 4, axis=-1)
        i = jax.nn.sigmoid(i)
        f = jax.nn.sigmoid(f)
        gg = jnp.tanh(gg)
        o = jax.nn.sigmoid(o)
        c_new = f * c + i * gg
        h_new = o * jnp.tanh(c_new)
        return (h_new, c_new), h_new

    h0 = jnp.zeros((bsz, H), dtype=xs.dtype)
    c0 = jnp.zeros((bsz, H), dtype=xs.dtype)
    (hF, cF), ys = jax.lax.scan(step, (h0, c0), xs)
    return ys, hF, cF


def reference(x, emb, W_ih_l0, W_hh_l0, b_ih_l0, b_hh_l0, W_ih_l1, W_hh_l1, b_ih_l1, b_hh_l1, fc_W, fc_b):
    # embedding lookup (SparseCore gather)
    e = jnp.take(emb, x, axis=0)  # [B, T, E]
    # dropout is identity in eval mode
    xs = jnp.swapaxes(e, 0, 1)  # [T, B, E]
    ys0, h0f, c0f = _lstm_layer(xs, W_ih_l0, W_hh_l0, b_ih_l0, b_hh_l0)
    ys1, h1f, c1f = _lstm_layer(ys0, W_ih_l1, W_hh_l1, b_ih_l1, b_hh_l1)
    last = ys1[-1]  # out[:, -1, :]
    out = last @ fc_W.T + fc_b
    h_n = jnp.stack([h0f, h1f], axis=0)
    c_n = jnp.stack([c0f, c1f], axis=0)
    return (out, h_n, c_n)

if __name__ == "__main__":
    import jax
    _d = setup_inputs()
    print(jax.jit(kernel)(*tuple(_d.values())))

</pallas_src>

<mosaic_0001>
#map = affine_map<(d0, d1) -> (0)>
#map1 = affine_map<(d0, d1) -> (0, 0, 0)>
#map2 = affine_map<(d0, d1) -> (0, 0)>
module attributes {stable_mosaic.version = 14 : i64} {
  func.func @_gather_body(%arg0: i32, %arg1: i32, %arg2: memref<20480xi32, #tpu.memory_space<hbm>>, %arg3: memref<125000x8x64xf32, #tpu.memory_space<hbm>>, %arg4: memref<20480x64xf32, #tpu.memory_space<hbm>>, %arg5: memref<640xi32, #tpu.memory_space<vmem>>, %arg6: memref<2x32x8x64xf32, #tpu.memory_space<vmem>>, %arg7: memref<32x64xf32, #tpu.memory_space<vmem>>, %arg8: memref<!tpu.dma_semaphore, #tpu.memory_space<semaphore_mem>>, %arg9: memref<!tpu.dma_semaphore, #tpu.memory_space<semaphore_mem>>) attributes {dimension_semantics = [#tpu.dimension_semantics<core_parallel>, #tpu.dimension_semantics<subcore_parallel>], iteration_bounds = array<i64: 2, 16>, scalar_prefetch = 0 : i64, scratch_operands = 5 : i64, tpu.core_type = #tpu.core_type<sc_vector_subcore>, window_params = [{transform_indices = #map}, {transform_indices = #map1}, {transform_indices = #map2}]} {
    %mul3A = arith.constant 2 : i32
    %mul3A_0 = arith.muli %arg1, %mul3A : i32
    %add3A = arith.addi %mul3A_0, %arg0 : i32
    %mul3A_1 = arith.constant 640 : i32
    %mul3A_2 = arith.muli %add3A, %mul3A_1 : i32
    "tpu.region"() ({
      %run_scoped3A = tpu.sem_alloc : memref<!tpu.dma_semaphore, #tpu.memory_space<semaphore_mem>>
      %dma_start3A = tpu.memref_slice %arg2[%mul3A_2] : memref<20480xi32, #tpu.memory_space<hbm>> -> memref<640xi32, #tpu.memory_space<hbm>>
      %dma_start3A_14 = tpu.memref_slice %arg2[%mul3A_2] : memref<20480xi32, #tpu.memory_space<hbm>> -> memref<640xi32, #tpu.memory_space<hbm>>
      tpu.enqueue_dma source(%dma_start3A_14 : memref<640xi32, #tpu.memory_space<hbm>>) target(%arg5 : memref<640xi32, #tpu.memory_space<vmem>>) target_semaphore(%run_scoped3A : memref<!tpu.dma_semaphore, #tpu.memory_space<semaphore_mem>>)
      %dma_wait3A = tpu.memref_slice %arg2[%mul3A_2] : memref<20480xi32, #tpu.memory_space<hbm>> -> memref<640xi32, #tpu.memory_space<hbm>>
      %dma_wait3A_15 = tpu.memref_slice %arg2[%mul3A_2] : memref<20480xi32, #tpu.memory_space<hbm>> -> memref<640xi32, #tpu.memory_space<hbm>>
      tpu.wait_dma2 semaphore(%run_scoped3A : memref<!tpu.dma_semaphore, #tpu.memory_space<semaphore_mem>>) src(%dma_wait3A_15 : memref<640xi32, #tpu.memory_space<hbm>>) dst(%arg5 : memref<640xi32, #tpu.memory_space<vmem>>)
      tpu.yield
    }) : () -> ()
    %scan3A = arith.constant 0 : i32
    %scan3A_3 = arith.constant 0 : i32
    %scan3A_4 = arith.constant 2 : i32
    %scan3A_5 = arith.addi %scan3A_3, %scan3A_4 : i32
    %scan3A_6 = arith.constant 1 : i32
    scf.for %scan3A_14 = %scan3A_3 to %scan3A_5 step %scan3A_6  : i32 {
      %mul3A_15 = arith.constant 16 : i32
      %mul3A_16 = arith.muli %scan3A_14, %mul3A_15 : i32
      %add3A_17 = arith.constant 0 : i32
      %add3A_18 = arith.addi %add3A_17, %mul3A_16 : i32
      %get3A = arith.index_cast %add3A_18 : i32 to index
      %get3A_19 = tpu.vector_load %arg5[%get3A] {strides = array<i32>} : memref<640xi32, #tpu.memory_space<vmem>>, vector<16xi32>,
      %get3A_20 = vector.shape_cast %get3A_19 : vector<16xi32> to vector<16xi32>
      %shift_right_logical3A = arith.constant 3 : i32
      %shift_right_logical3A_21 = vector.broadcast %shift_right_logical3A : i32 to vector<16xi32>
      %shift_right_logical3A_22 = arith.shrui %get3A_20, %shift_right_logical3A_21 : vector<16xi32>
      %slice3A = vector.extract_strided_slice %shift_right_logical3A_22 {offsets = [0], sizes = [1], strides = [1]} : vector<16xi32> to vector<1xi32>
      %squeeze3A = vector.extract %slice3A[0] : i32 from vector<1xi32>
      %mul3A_23 = arith.constant 16 : i32
      %mul3A_24 = arith.muli %scan3A_14, %mul3A_23 : i32
      %add3A_25 = arith.constant 0 : i32
      %add3A_26 = arith.addi %mul3A_24, %add3A_25 : i32
      %dma_start3A = arith.constant 0 : i32
      %dma_start3A_27 = arith.constant 0 : i32
      %dma_start3A_28 = arith.constant 0 : i32
      %dma_start3A_29 = tpu.memref_slice %arg6[%dma_start3A, %add3A_26, %dma_start3A_27, %dma_start3A_28] : memref<2x32x8x64xf32, #tpu.memory_space<vmem>> -> memref<1x1x8x64xf32, #tpu.memory_space<vmem>>
      %dma_start3A_30 = tpu.memref_squeeze %dma_start3A_29 : memref<1x1x8x64xf32, #tpu.memory_space<vmem>> -> memref<8x64xf32, #tpu.memory_space<vmem>>
      %dma_start3A_31 = arith.constant 0 : i32
      %dma_start3A_32 = arith.constant 0 : i32
      %dma_start3A_33 = tpu.memref_slice %arg3[%squeeze3A, %dma_start3A_31, %dma_start3A_32] : memref<125000x8x64xf32, #tpu.memory_space<hbm>> -> memref<1x8x64xf32, #tpu.memory_space<hbm>>
      %dma_start3A_34 = tpu.memref_squeeze %dma_start3A_33 : memref<1x8x64xf32, #tpu.memory_space<hbm>> -> memref<8x64xf32, #tpu.memory_space<hbm>>
      %dma_start3A_35 = arith.constant 0 : i32
      %dma_start3A_36 = arith.constant 0 : i32
      %dma_start3A_37 = tpu.memref_slice %arg6[%dma_start3A, %add3A_26, %dma_start3A_35, %dma_start3A_36] : memref<2x32x8x64xf32, #tpu.memory_space<vmem>> -> memref<1x1x8x64xf32, #tpu.memory_space<vmem>>
      %dma_start3A_38 = tpu.memref_squeeze %dma_start3A_37 : memref<1x1x8x64xf32, #tpu.memory_space<vmem>> -> memref<8x64xf32, #tpu.memory_space<vmem>>
      %dma_start3A_39 = arith.constant 0 : i32
      %dma_start3A_40 = arith.constant 0 : i32
      %dma_start3A_41 = tpu.memref_slice %arg3[%squeeze3A, %dma_start3A_39, %dma_start3A_40] : memref<125000x8x64xf32, #tpu.memory_space<hbm>> -> memref<1x8x64xf32, #tpu.memory_space<hbm>>
      %dma_start3A_42 = tpu.memref_squeeze %dma_start3A_41 : memref<1x8x64xf32, #tpu.memory_space<hbm>> -> memref<8x64xf32, #tpu.memory_space<hbm>>
      tpu.enqueue_dma source(%dma_start3A_42 : memref<8x64xf32, #tpu.memory_space<hbm>>) target(%dma_start3A_38 : memref<8x64xf32, #tpu.memory_space<vmem>>) target_semaphore(%arg8 : memref<!tpu.dma_semaphore, #tpu.memory_space<semaphore_mem>>)
      %slice3A_43 = vector.extract_strided_slice %shift_right_logical3A_22 {offsets = [1], sizes = [1], strides = [1]} : vector<16xi32> to vector<1xi32>
      %squeeze3A_44 = vector.extract %slice3A_43[0] : i32 from vector<1xi32>
      %mul3A_45 = arith.constant 16 : i32
      %mul3A_46 = arith.muli %scan3A_14, %mul3A_45 : i32
      %add3A_47 = arith.constant 1 : i32
      %add3A_48 = arith.addi %mul3A_46, %add3A_47 : i32
      %dma_start3A_49 = arith.constant 0 : i32
      %dma_start3A_50 = arith.constant 0 : i32
      %dma_start3A_51 = arith.constant 0 : i32
      %dma_start3A_52 = tpu.memref_slice %arg6[%dma_start3A_49, %add3A_48, %dma_start3A_50, %dma_start3A_51] : memref<2x32x8x64xf32, #tpu.memory_space<vmem>> -> memref<1x1x8x64xf32, #tpu.memory_space<vmem>>
      %dma_start3A_53 = tpu.memref_squeeze %dma_start3A_52 : memref<1x1x8x64xf32, #tpu.memory_space<vmem>> -> memref<8x64xf32, #tpu.memory_space<vmem>>
      %dma_start3A_54 = arith.constant 0 : i32
      %dma_start3A_55 = arith.constant 0 : i32
      %dma_start3A_56 = tpu.memref_slice %arg3[%squeeze3A_44, %dma_start3A_54, %dma_start3A_55] : memref<125000x8x64xf32, #tpu.memory_space<hbm>> -> memref<1x8x64xf32, #tpu.memory_space<hbm>>
      %dma_start3A_57 = tpu.memref_squeeze %dma_start3A_56 : memref<1x8x64xf32, #tpu.memory_space<hbm>> -> memref<8x64xf32, #tpu.memory_space<hbm>>
      %dma_start3A_58 = arith.constant 0 : i32
      %dma_start3A_59 = arith.constant 0 : i32
      %dma_start3A_60 = tpu.memref_slice %arg6[%dma_start3A_49, %add3A_48, %dma_start3A_58, %dma_start3A_59] : memref<2x32x8x64xf32, #tpu.memory_space<vmem>> -> memref<1x1x8x64xf32, #tpu.memory_space<vmem>>
      %dma_start3A_61 = tpu.memref_squeeze %dma_start3A_60 : memref<1x1x8x64xf32, #tpu.memory_space<vmem>> -> memref<8x64xf32, #tpu.memory_space<vmem>>
      %dma_start3A_62 = arith.constant 0 : i32
      %dma_start3A_63 = arith.constant 0 : i32
      %dma_start3A_64 = tpu.memref_slice %arg3[%squeeze3A_44, %dma_start3A_62, %dma_start3A_63] : memref<125000x8x64xf32, #tpu.memory_space<hbm>> -> memref<1x8x64xf32, #tpu.memory_space<hbm>>
      %dma_start3A_65 = tpu.memref_squeeze %dma_start3A_64 : memref<1x8x64xf32, #tpu.memory_space<hbm>> -> memref<8x64xf32, #tpu.memory_space<hbm>>
      tpu.enqueue_dma source(%dma_start3A_65 : memref<8x64xf32, #tpu.memory_space<hbm>>) target(%dma_start3A_61 : memref<8x64xf32, #tpu.memory_space<vmem>>) target_semaphore(%arg8 : memref<!tpu.dma_semaphore, #tpu.memory_space<semaphore_mem>>)
      %slice3A_66 = vector.extract_strided_slice %shift_right_logical3A_22 {offsets = [2], sizes = [1], strides = [1]} : vector<16xi32> to vector<1xi32>
      %squeeze3A_67 = vector.extract %slice3A_66[0] : i32 from vector<1xi32>
      %mul3A_68 = arith.constant 16 : i32
      %mul3A_69 = arith.muli %scan3A_14, %mul3A_68 : i32
      %add3A_70 = arith.constant 2 : i32
      %add3A_71 = arith.addi %mul3A_69, %add3A_70 : i32
      %dma_start3A_72 = arith.constant 0 : i32
      %dma_start3A_73 = arith.constant 0 : i32
      %dma_start3A_74 = arith.constant 0 : i32
      %dma_start3A_75 = tpu.memref_slice %arg6[%dma_start3A_72, %add3A_71, %dma_start3A_73, %dma_start3A_74] : memref<2x32x8x64xf32, #tpu.memory_space<vmem>> -> memref<1x1x8x64xf32, #tpu.memory_space<vmem>>
      %dma_start3A_76 = tpu.memref_squeeze %dma_start3A_75 : memref<1x1x8x64xf32, #tpu.memory_space<vmem>> -> memref<8x64xf32, #tpu.memory_space<vmem>>
      %dma_start3A_77 = arith.constant 0 : i32
      %dma_start3A_78 = arith.constant 0 : i32
      %dma_start3A_79 = tpu.memref_slice %arg3[%squeeze3A_67, %dma_start3A_77, %dma_start3A_78] : memref<125000x8x64xf32, #tpu.memory_space<hbm>> -> memref<1x8x64xf32, #tpu.memory_space<hbm>>
      %dma_start3A_80 = tpu.memref_squeeze %dma_start3A_79 : memref<1x8x64xf32, #tpu.memory_space<hbm>> -> memref<8x64xf32, #tpu.memory_space<hbm>>
      %dma_start3A_81 = arith.constant 0 : i32
      %dma_start3A_82 = arith.constant 0 : i32
      %dma_start3A_83 = tpu.memref_slice %arg6[%dma_start3A_72, %add3A_71, %dma_start3A_81, %dma_start3A_82] : memref<2x32x8x64xf32, #tpu.memory_space<vmem>> -> memref<1x1x8x64xf32, #tpu.memory_space<vmem>>
      %dma_start3A_84 = tpu.memref_squeeze %dma_start3A_83 : memref<1x1x8x64xf32, #tpu.memory_space<vmem>> -> memref<8x64xf32, #tpu.memory_space<vmem>>
      %dma_start3A_85 = arith.constant 0 : i32
      %dma_start3A_86 = arith.constant 0 : i32
      %dma_start3A_87 = tpu.memref_slice %arg3[%squeeze3A_67, %dma_start3A_85, %dma_start3A_86] : memref<125000x8x64xf32, #tpu.memory_space<hbm>> -> memref<1x8x64xf32, #tpu.memory_space<hbm>>
      %dma_start3A_88 = tpu.memref_squeeze %dma_start3A_87 : memref<1x8x64xf32, #tpu.memory_space<hbm>> -> memref<8x64xf32, #tpu.memory_space<hbm>>
      tpu.enqueue_dma source(%dma_start3A_88 : memref<8x64xf32, #tpu.memory_space<hbm>>) target(%dma_start3A_84 : memref<8x64xf32, #tpu.memory_space<vmem>>) target_semaphore(%arg8 : memref<!tpu.dma_semaphore, #tpu.memory_space<semaphore_mem>>)
      %slice3A_89 = vector.extract_strided_slice %shift_right_logical3A_22 {offsets = [3], sizes = [1], strides = [1]} : vector<16xi32> to vector<1xi32>
      %squeeze3A_90 = vector.extract %slice3A_89[0] : i32 from vector<1xi32>
      %mul3A_91 = arith.constant 16 : i32
      %mul3A_92 = arith.muli %scan3A_14, %mul3A_91 : i32
      %add3A_93 = arith.constant 3 : i32
      %add3A_94 = arith.addi %mul3A_92, %add3A_93 : i32
      %dma_start3A_95 = arith.constant 0 : i32
      %dma_start3A_96 = arith.constant 0 : i32
      %dma_start3A_97 = arith.constant 0 : i32
      %dma_start3A_98 = tpu.memref_slice %arg6[%dma_start3A_95, %add3A_94, %dma_start3A_96, %dma_start3A_97] : memref<2x32x8x64xf32, #tpu.memory_space<vmem>> -> memref<1x1x8x64xf32, #tpu.memory_space<vmem>>
      %dma_start3A_99 = tpu.memref_squeeze %dma_start3A_98 : memref<1x1x8x64xf32, #tpu.memory_space<vmem>> -> memref<8x64xf32, #tpu.memory_space<vmem>>
      %dma_start3A_100 = arith.constant 0 : i32
      %dma_start3A_101 = arith.constant 0 : i32
      %dma_start3A_102 = tpu.memref_slice %arg3[%squeeze3A_90, %dma_start3A_100, %dma_start3A_101] : memref<125000x8x64xf32, #tpu.memory_space<hbm>> -> memref<1x8x64xf32, #tpu.memory_space<hbm>>
      %dma_start3A_103 = tpu.memref_squeeze %dma_start3A_102 : memref<1x8x64xf32, #tpu.memory_space<hbm>> -> memref<8x64xf32, #tpu.memory_space<hbm>>
      %dma_start3A_104 = arith.constant 0 : i32
      %dma_start3A_105 = arith.constant 0 : i32
      %dma_start3A_106 = tpu.memref_slice %arg6[%dma_start3A_95, %add3A_94, %dma_start3A_104, %dma_start3A_105] : memref<2x32x8x64xf32, #tpu.memory_space<vmem>> -> memref<1x1x8x64xf32, #tpu.memory_space<vmem>>
      %dma_start3A_107 = tpu.memref_squeeze %dma_start3A_106 : memref<1x1x8x64xf32, #tpu.memory_space<vmem>> -> memref<8x64xf32, #tpu.memory_space<vmem>>
      %dma_start3A_108 = arith.constant 0 : i32
      %dma_start3A_109 = arith.constant 0 : i32
      %dma_start3A_110 = tpu.memref_slice %arg3[%squeeze3A_90, %dma_start3A_108, %dma_start3A_109] : memref<125000x8x64xf32, #tpu.memory_space<hbm>> -> memref<1x8x64xf32, #tpu.memory_space<hbm>>
      %dma_start3A_111 = tpu.memref_squeeze %dma_start3A_110 : memref<1x8x64xf32, #tpu.memory_space<hbm>> -> memref<8x64xf32, #tpu.memory_space<hbm>>
      tpu.enqueue_dma source(%dma_start3A_111 : memref<8x64xf32, #tpu.memory_space<hbm>>) target(%dma_start3A_107 : memref<8x64xf32, #tpu.memory_space<vmem>>) target_semaphore(%arg8 : memref<!tpu.dma_semaphore, #tpu.memory_space<semaphore_mem>>)
      %slice3A_112 = vector.extract_strided_slice %shift_right_logical3A_22 {offsets = [4], sizes = [1], strides = [1]} : vector<16xi32> to vector<1xi32>
      %squeeze3A_113 = vector.extract %slice3A_112[0] : i32 from vector<1xi32>
      %mul3A_114 = arith.constant 16 : i32
      %mul3A_115 = arith.muli %scan3A_14, %mul3A_114 : i32
      %add3A_116 = arith.constant 4 : i32
      %add3A_117 = arith.addi %mul3A_115, %add3A_116 : i32
      %dma_start3A_118 = arith.constant 0 : i32
      %dma_start3A_119 = arith.constant 0 : i32
      %dma_start3A_120 = arith.constant 0 : i32
      %dma_start3A_121 = tpu.memref_slice %arg6[%dma_start3A_118, %add3A_117, %dma_start3A_119, %dma_start3A_120] : memref<2x32x8x64xf32, #tpu.memory_space<vmem>> -> memref<1x1x8x64xf32, #tpu.memory_space<vmem>>
      %dma_start3A_122 = tpu.memref_squeeze %dma_start3A_121 : memref<1x1x8x64xf32, #tpu.memory_space<vmem>> -> memref<8x64xf32, #tpu.memory_space<vmem>>
      %dma_start3A_123 = arith.constant 0 : i32
      %dma_start3A_124 = arith.constant 0 : i32
      %dma_start3A_125 = tpu.memref_slice %arg3[%squeeze3A_113, %dma_start3A_123, %dma_start3A_124] : memref<125000x8x64xf32, #tpu.memory_space<hbm>> -> memref<1x8x64xf32, #tpu.memory_space<hbm>>
      %dma_start3A_126 = tpu.memref_squeeze %dma_start3A_125 : memref<1x8x64xf32, #tpu.memory_space<hbm>> -> memref<8x64xf32, #tpu.memory_space<hbm>>
      %dma_start3A_127 = arith.constant 0 : i32
      %dma_start3A_128 = arith.constant 0 : i32
      %dma_start3A_129 = tpu.memref_slice %arg6[%dma_start3A_118, %add3A_117, %dma_start3A_127, %dma_start3A_128] : memref<2x32x8x64xf32, #tpu.memory_space<vmem>> -> memref<1x1x8x64xf32, #tpu.memory_space<vmem>>
      %dma_start3A_130 = tpu.memref_squeeze %dma_start3A_129 : memref<1x1x8x64xf32, #tpu.memory_space<vmem>> -> memref<8x64xf32, #tpu.memory_space<vmem>>
      %dma_start3A_131 = arith.constant 0 : i32
      %dma_start3A_132 = arith.constant 0 : i32
      %dma_start3A_133 = tpu.memref_slice %arg3[%squeeze3A_113, %dma_start3A_131, %dma_start3A_132] : memref<125000x8x64xf32, #tpu.memory_space<hbm>> -> memref<1x8x64xf32, #tpu.memory_space<hbm>>
      %dma_start3A_134 = tpu.memref_squeeze %dma_start3A_133 : memref<1x8x64xf32, #tpu.memory_space<hbm>> -> memref<8x64xf32, #tpu.memory_space<hbm>>
      tpu.enqueue_dma source(%dma_start3A_134 : memref<8x64xf32, #tpu.memory_space<hbm>>) target(%dma_start3A_130 : memref<8x64xf32, #tpu.memory_space<vmem>>) target_semaphore(%arg8 : memref<!tpu.dma_semaphore, #tpu.memory_space<semaphore_mem>>)
      %slice3A_135 = vector.extract_strided_slice %shift_right_logical3A_22 {offsets = [5], sizes = [1], strides = [1]} : vector<16xi32> to vector<1xi32>
      %squeeze3A_136 = vector.extract %slice3A_135[0] : i32 from vector<1xi32>
      %mul3A_137 = arith.constant 16 : i32
      %mul3A_138 = arith.muli %scan3A_14, %mul3A_137 : i32
      %add3A_139 = arith.constant 5 : i32
      %add3A_140 = arith.addi %mul3A_138, %add3A_139 : i32
      %dma_start3A_141 = arith.constant 0 : i32
      %dma_start3A_142 = arith.constant 0 : i32
      %dma_start3A_143 = arith.constant 0 : i32
      %dma_start3A_144 = tpu.memref_slice %arg6[%dma_start3A_141, %add3A_140, %dma_start3A_142, %dma_start3A_143] : memref<2x32x8x64xf32, #tpu.memory_space<vmem>> -> memref<1x1x8x64xf32, #tpu.memory_space<vmem>>
      %dma_start3A_145 = tpu.memref_squeeze %dma_start3A_144 : memref<1x1x8x64xf32, #tpu.memory_space<vmem>> -> memref<8x64xf32, #tpu.memory_space<vmem>>
      %dma_start3A_146 = arith.constant 0 : i32
      %dma_start3A_147 = arith.constant 0 : i32
      %dma_start3A_148 = tpu.memref_slice %arg3[%squeeze3A_136, %dma_start3A_146, %dma_start3A_147] : memref<125000x8x64xf32, #tpu.memory_space<hbm>> -> memref<1x8x64xf32, #tpu.memory_space<hbm>>
      %dma_start3A_149 = tpu.memref_squeeze %dma_start3A_148 : memref<1x8x64xf32, #tpu.memory_space<hbm>> -> memref<8x64xf32, #tpu.memory_space<hbm>>
      %dma_start3A_150 = arith.constant 0 : i32
      %dma_start3A_151 = arith.constant 0 : i32
      %dma_start3A_152 = tpu.memref_slice %arg6[%dma_start3A_141, %add3A_140, %dma_start3A_150, %dma_start3A_151] : memref<2x32x8x64xf32, #tpu.memory_space<vmem>> -> memref<1x1x8x64xf32, #tpu.memory_space<vmem>>
      %dma_start3A_153 = tpu.memref_squeeze %dma_start3A_152 : memref<1x1x8x64xf32, #tpu.memory_space<vmem>> -> memref<8x64xf32, #tpu.memory_space<vmem>>
      %dma_start3A_154 = arith.constant 0 : i32
      %dma_start3A_155 = arith.constant 0 : i32
      %dma_start3A_156 = tpu.memref_slice %arg3[%squeeze3A_136, %dma_start3A_154, %dma_start3A_155] : memref<125000x8x64xf32, #tpu.memory_space<hbm>> -> memref<1x8x64xf32, #tpu.memory_space<hbm>>
      %dma_start3A_157 = tpu.memref_squeeze %dma_start3A_156 : memref<1x8x64xf32, #tpu.memory_space<hbm>> -> memref<8x64xf32, #tpu.memory_space<hbm>>
      tpu.enqueue_dma source(%dma_start3A_157 : memref<8x64xf32, #tpu.memory_space<hbm>>) target(%dma_start3A_153 : memref<8x64xf32, #tpu.memory_space<vmem>>) target_semaphore(%arg8 : memref<!tpu.dma_semaphore, #tpu.memory_space<semaphore_mem>>)
      %slice3A_158 = vector.extract_strided_slice %shift_right_logical3A_22 {offsets = [6], sizes = [1], strides = [1]} : vector<16xi32> to vector<1xi32>
      %squeeze3A_159 = vector.extract %slice3A_158[0] : i32 from vector<1xi32>
      %mul3A_160 = arith.constant 16 : i32
      %mul3A_161 = arith.muli %scan3A_14, %mul3A_160 : i32
      %add3A_162 = arith.constant 6 : i32
      %add3A_163 = arith.addi %mul3A_161, %add3A_162 : i32
      %dma_start3A_164 = arith.constant 0 : i32
      %dma_start3A_165 = arith.constant 0 : i32
      %dma_start3A_166 = arith.constant 0 : i32
      %dma_start3A_167 = tpu.memref_slice %arg6[%dma_start3A_164, %add3A_163, %dma_start3A_165, %dma_start3A_166] : memref<2x32x8x64xf32, #tpu.memory_space<vmem>> -> memref<1x1x8x64xf32, #tpu.memory_space<vmem>>
      %dma_start3A_168 = tpu.memref_squeeze %dma_start3A_167 : memref<1x1x8x64xf32, #tpu.memory_space<vmem>> -> memref<8x64xf32, #tpu.memory_space<vmem>>
      %dma_start3A_169 = arith.constant 0 : i32
      %dma_start3A_170 = arith.constant 0 : i32
      %dma_start3A_171 = tpu.memref_slice %arg3[%squeeze3A_159, %dma_start3A_169, %dma_start3A_170] : memref<125000x8x64xf32, #tpu.memory_space<hbm>> -> memref<1x8x64xf32, #tpu.memory_space<hbm>>
      %dma_start3A_172 = tpu.memref_squeeze %dma_start3A_171 : memref<1x8x64xf32, #tpu.memory_space<hbm>> -> memref<8x64xf32, #tpu.memory_space<hbm>>
      %dma_start3A_173 = arith.constant 0 : i32
      %dma_start3A_174 = arith.constant 0 : i32
      %dma_start3A_175 = tpu.memref_slice %arg6[%dma_start3A_164, %add3A_163, %dma_start3A_173, %dma_start3A_174] : memref<2x32x8x64xf32, #tpu.memory_space<vmem>> -> memref<1x1x8x64xf32, #tpu.memory_space<vmem>>
      %dma_start3A_176 = tpu.memref_squeeze %dma_start3A_175 : memref<1x1x8x64xf32, #tpu.memory_space<vmem>> -> memref<8x64xf32, #tpu.memory_space<vmem>>
      %dma_start3A_177 = arith.constant 0 : i32
      %dma_start3A_178 = arith.constant 0 : i32
      %dma_start3A_179 = tpu.memref_slice %arg3[%squeeze3A_159, %dma_start3A_177, %dma_start3A_178] : memref<125000x8x64xf32, #tpu.memory_space<hbm>> -> memref<1x8x64xf32, #tpu.memory_space<hbm>>
      %dma_start3A_180 = tpu.memref_squeeze %dma_start3A_179 : memref<1x8x64xf32, #tpu.memory_space<hbm>> -> memref<8x64xf32, #tpu.memory_space<hbm>>
      tpu.enqueue_dma source(%dma_start3A_180 : memref<8x64xf32, #tpu.memory_space<hbm>>) target(%dma_start3A_176 : memref<8x64xf32, #tpu.memory_space<vmem>>) target_semaphore(%arg8 : memref<!tpu.dma_semaphore, #tpu.memory_space<semaphore_mem>>)
      %slice3A_181 = vector.extract_strided_slice %shift_right_logical3A_22 {offsets = [7], sizes = [1], strides = [1]} : vector<16xi32> to vector<1xi32>
      %squeeze3A_182 = vector.extract %slice3A_181[0] : i32 from vector<1xi32>
      %mul3A_183 = arith.constant 16 : i32
      %mul3A_184 = arith.muli %scan3A_14, %mul3A_183 : i32
      %add3A_185 = arith.constant 7 : i32
      %add3A_186 = arith.addi %mul3A_184, %add3A_185 : i32
      %dma_start3A_187 = arith.constant 0 : i32
      %dma_start3A_188 = arith.constant 0 : i32
      %dma_start3A_189 = arith.constant 0 : i32
      %dma_start3A_190 = tpu.memref_slice %arg6[%dma_start3A_187, %add3A_186, %dma_start3A_188, %dma_start3A_189] : memref<2x32x8x64xf32, #tpu.memory_space<vmem>> -> memref<1x1x8x64xf32, #tpu.memory_space<vmem>>
      %dma_start3A_191 = tpu.memref_squeeze %dma_start3A_190 : memref<1x1x8x64xf32, #tpu.memory_space<vmem>> -> memref<8x64xf32, #tpu.memory_space<vmem>>
      %dma_start3A_192 = arith.constant 0 : i32
      %dma_start3A_193 = arith.constant 0 : i32
      %dma_start3A_194 = tpu.memref_slice %arg3[%squeeze3A_182, %dma_start3A_192, %dma_start3A_193] : memref<125000x8x64xf32, #tpu.memory_space<hbm>> -> memref<1x8x64xf32, #tpu.memory_space<hbm>>
      %dma_start3A_195 = tpu.memref_squeeze %dma_start3A_194 : memref<1x8x64xf32, #tpu.memory_space<hbm>> -> memref<8x64xf32, #tpu.memory_space<hbm>>
      %dma_start3A_196 = arith.constant 0 : i32
      %dma_start3A_197 = arith.constant 0 : i32
      %dma_start3A_198 = tpu.memref_slice %arg6[%dma_start3A_187, %add3A_186, %dma_start3A_196, %dma_start3A_197] : memref<2x32x8x64xf32, #tpu.memory_space<vmem>> -> memref<1x1x8x64xf32, #tpu.memory_space<vmem>>
      %dma_start3A_199 = tpu.memref_squeeze %dma_start3A_198 : memref<1x1x8x64xf32, #tpu.memory_space<vmem>> -> memref<8x64xf32, #tpu.memory_space<vmem>>
      %dma_start3A_200 = arith.constant 0 : i32
      %dma_start3A_201 = arith.constant 0 : i32
      %dma_start3A_202 = tpu.memref_slice %arg3[%squeeze3A_182, %dma_start3A_200, %dma_start3A_201] : memref<125000x8x64xf32, #tpu.memory_space<hbm>> -> memref<1x8x64xf32, #tpu.memory_space<hbm>>
      %dma_start3A_203 = tpu.memref_squeeze %dma_start3A_202 : memref<1x8x64xf32, #tpu.memory_space<hbm>> -> memref<8x64xf32, #tpu.memory_space<hbm>>
      tpu.enqueue_dma source(%dma_start3A_203 : memref<8x64xf32, #tpu.memory_space<hbm>>) target(%dma_start3A_199 : memref<8x64xf32, #tpu.memory_space<vmem>>) target_semaphore(%arg8 : memref<!tpu.dma_semaphore, #tpu.memory_space<semaphore_mem>>)
      %slice3A_204 = vector.extract_strided_slice %shift_right_logical3A_22 {offsets = [8], sizes = [1], strides = [1]} : vector<16xi32> to vector<1xi32>
      %squeeze3A_205 = vector.extract %slice3A_204[0] : i32 from vector<1xi32>
      %mul3A_206 = arith.constant 16 : i32
      %mul3A_207 = arith.muli %scan3A_14, %mul3A_206 : i32
      %add3A_208 = arith.constant 8 : i32
      %add3A_209 = arith.addi %mul3A_207, %add3A_208 : i32
      %dma_start3A_210 = arith.constant 0 : i32
      %dma_start3A_211 = arith.constant 0 : i32
      %dma_start3A_212 = arith.constant 0 : i32
      %dma_start3A_213 = tpu.memref_slice %arg6[%dma_start3A_210, %add3A_209, %dma_start3A_211, %dma_start3A_212] : memref<2x32x8x64xf32, #tpu.memory_space<vmem>> -> memref<1x1x8x64xf32, #tpu.memory_space<vmem>>
      %dma_start3A_214 = tpu.memref_squeeze %dma_start3A_213 : memref<1x1x8x64xf32, #tpu.memory_space<vmem>> -> memref<8x64xf32, #tpu.memory_space<vmem>>
      %dma_start3A_215 = arith.constant 0 : i32
      %dma_start3A_216 = arith.constant 0 : i32
      %dma_start3A_217 = tpu.memref_slice %arg3[%squeeze3A_205, %dma_start3A_215, %dma_start3A_216] : memref<125000x8x64xf32, #tpu.memory_space<hbm>> -> memref<1x8x64xf32, #tpu.memory_space<hbm>>
      %dma_start3A_218 = tpu.memref_squeeze %dma_start3A_217 : memref<1x8x64xf32, #tpu.memory_space<hbm>> -> memref<8x64xf32, #tpu.memory_space<hbm>>
      %dma_start3A_219 = arith.constant 0 : i32
      %dma_start3A_220 = arith.constant 0 : i32
      %dma_start3A_221 = tpu.memref_slice %arg6[%dma_start3A_210, %add3A_209, %dma_start3A_219, %dma_start3A_220] : memref<2x32x8x64xf32, #tpu.memory_space<vmem>> -> memref<1x1x8x64xf32, #tpu.memory_space<vmem>>
      %dma_start3A_222 = tpu.memref_squeeze %dma_start3A_221 : memref<1x1x8x64xf32, #tpu.memory_space<vmem>> -> memref<8x64xf32, #tpu.memory_space<vmem>>
      %dma_start3A_223 = arith.constant 0 : i32
      %dma_start3A_224 = arith.constant 0 : i32
      %dma_start3A_225 = tpu.memref_slice %arg3[%squeeze3A_205, %dma_start3A_223, %dma_start3A_224] : memref<125000x8x64xf32, #tpu.memory_space<hbm>> -> memref<1x8x64xf32, #tpu.memory_space<hbm>>
      %dma_start3A_226 = tpu.memref_squeeze %dma_start3A_225 : memref<1x8x64xf32, #tpu.memory_space<hbm>> -> memref<8x64xf32, #tpu.memory_space<hbm>>
      tpu.enqueue_dma source(%dma_start3A_226 : memref<8x64xf32, #tpu.memory_space<hbm>>) target(%dma_start3A_222 : memref<8x64xf32, #tpu.memory_space<vmem>>) target_semaphore(%arg8 : memref<!tpu.dma_semaphore, #tpu.memory_space<semaphore_mem>>)
      %slice3A_227 = vector.extract_strided_slice %shift_right_logical3A_22 {offsets = [9], sizes = [1], strides = [1]} : vector<16xi32> to vector<1xi32>
      %squeeze3A_228 = vector.extract %slice3A_227[0] : i32 from vector<1xi32>
      %mul3A_229 = arith.constant 16 : i32
      %mul3A_230 = arith.muli %scan3A_14, %mul3A_229 : i32
      %add3A_231 = arith.constant 9 : i32
      %add3A_232 = arith.addi %mul3A_230, %add3A_231 : i32
      %dma_start3A_233 = arith.constant 0 : i32
      %dma_start3A_234 = arith.constant 0 : i32
      %dma_start3A_235 = arith.constant 0 : i32
      %dma_start3A_236 = tpu.memref_slice %arg6[%dma_start3A_233, %add3A_232, %dma_start3A_234, %dma_start3A_235] : memref<2x32x8x64xf32, #tpu.memory_space<vmem>> -> memref<1x1x8x64xf32, #tpu.memory_space<vmem>>
      %dma_start3A_237 = tpu.memref_squeeze %dma_start3A_236 : memref<1x1x8x64xf32, #tpu.memory_space<vmem>> -> memref<8x64xf32, #tpu.memory_space<vmem>>
      %dma_start3A_238 = arith.constant 0 : i32
      %dma_start3A_239 = arith.constant 0 : i32
      %dma_start3A_240 = tpu.memref_slice %arg3[%squeeze3A_228, %dma_start3A_238, %dma_start3A_239] : memref<125000x8x64xf32, #tpu.memory_space<hbm>> -> memref<1x8x64xf32, #tpu.memory_space<hbm>>
      %dma_start3A_241 = tpu.memref_squeeze %dma_start3A_240 : memref<1x8x64xf32, #tpu.memory_space<hbm>> -> memref<8x64xf32, #tpu.memory_space<hbm>>
      %dma_start3A_242 = arith.constant 0 : i32
      %dma_start3A_243 = arith.constant 0 : i32
      %dma_start3A_244 = tpu.memref_slice %arg6[%dma_start3A_233, %add3A_232, %dma_start3A_242, %dma_start3A_243] : memref<2x32x8x64xf32, #tpu.memory_space<vmem>> -> memref<1x1x8x64xf32, #tpu.memory_space<vmem>>
      %dma_start3A_245 = tpu.memref_squeeze %dma_start3A_244 : memref<1x1x8x64xf32, #tpu.memory_space<vmem>> -> memref<8x64xf32, #tpu.memory_space<vmem>>
      %dma_start3A_246 = arith.constant 0 : i32
      %dma_start3A_247 = arith.constant 0 : i32
      %dma_start3A_248 = tpu.memref_slice %arg3[%squeeze3A_228, %dma_start3A_246, %dma_start3A_247] : memref<125000x8x64xf32, #tpu.memory_space<hbm>> -> memref<1x8x64xf32, #tpu.memory_space<hbm>>
      %dma_start3A_249 = tpu.memref_squeeze %dma_start3A_248 : memref<1x8x64xf32, #tpu.memory_space<hbm>> -> memref<8x64xf32, #tpu.memory_space<hbm>>
      tpu.enqueue_dma source(%dma_start3A_249 : memref<8x64xf32, #tpu.memory_space<hbm>>) target(%dma_start3A_245 : memref<8x64xf32, #tpu.memory_space<vmem>>) target_semaphore(%arg8 : memref<!tpu.dma_semaphore, #tpu.memory_space<semaphore_mem>>)
      %slice3A_250 = vector.extract_strided_slice %shift_right_logical3A_22 {offsets = [10], sizes = [1], strides = [1]} : vector<16xi32> to vector<1xi32>
      %squeeze3A_251 = vector.extract %slice3A_250[0] : i32 from vector<1xi32>
      %mul3A_252 = arith.constant 16 : i32
      %mul3A_253 = arith.muli %scan3A_14, %mul3A_252 : i32
      %add3A_254 = arith.constant 10 : i32
      %add3A_255 = arith.addi %mul3A_253, %add3A_254 : i32
      %dma_start3A_256 = arith.constant 0 : i32
      %dma_start3A_257 = arith.constant 0 : i32
      %dma_start3A_258 = arith.constant 0 : i32
      %dma_start3A_259 = tpu.memref_slice %arg6[%dma_start3A_256, %add3A_255, %dma_start3A_257, %dma_start3A_258] : memref<2x32x8x64xf32, #tpu.memory_space<vmem>> -> memref<1x1x8x64xf32, #tpu.memory_space<vmem>>
      %dma_start3A_260 = tpu.memref_squeeze %dma_start3A_259 : memref<1x1x8x64xf32, #tpu.memory_space<vmem>> -> memref<8x64xf32, #tpu.memory_space<vmem>>
      %dma_start3A_261 = arith.constant 0 : i32
      %dma_start3A_262 = arith.constant 0 : i32
      %dma_start3A_263 = tpu.memref_slice %arg3[%squeeze3A_251, %dma_start3A_261, %dma_start3A_262] : memref<125000x8x64xf32, #tpu.memory_space<hbm>> -> memref<1x8x64xf32, #tpu.memory_space<hbm>>
      %dma_start3A_264 = tpu.memref_squeeze %dma_start3A_263 : memref<1x8x64xf32, #tpu.memory_space<hbm>> -> memref<8x64xf32, #tpu.memory_space<hbm>>
      %dma_start3A_265 = arith.constant 0 : i32
      %dma_start3A_266 = arith.constant 0 : i32
      %dma_start3A_267 = tpu.memref_slice %arg6[%dma_start3A_256, %add3A_255, %dma_start3A_265, %dma_start3A_266] : memref<2x32x8x64xf32, #tpu.memory_space<vmem>> -> memref<1x1x8x64xf32, #tpu.memory_space<vmem>>
      %dma_start3A_268 = tpu.memref_squeeze %dma_start3A_267 : memref<1x1x8x64xf32, #tpu.memory_space<vmem>> -> memref<8x64xf32, #tpu.memory_space<vmem>>
      %dma_start3A_269 = arith.constant 0 : i32
      %dma_start3A_270 = arith.constant 0 : i32
      %dma_start3A_271 = tpu.memref_slice %arg3[%squeeze3A_251, %dma_start3A_269, %dma_start3A_270] : memref<125000x8x64xf32, #tpu.memory_space<hbm>> -> memref<1x8x64xf32, #tpu.memory_space<hbm>>
      %dma_start3A_272 = tpu.memref_squeeze %dma_start3A_271 : memref<1x8x64xf32, #tpu.memory_space<hbm>> -> memref<8x64xf32, #tpu.memory_space<hbm>>
      tpu.enqueue_dma source(%dma_start3A_272 : memref<8x64xf32, #tpu.memory_space<hbm>>) target(%dma_start3A_268 : memref<8x64xf32, #tpu.memory_space<vmem>>) target_semaphore(%arg8 : memref<!tpu.dma_semaphore, #tpu.memory_space<semaphore_mem>>)
      %slice3A_273 = vector.extract_strided_slice %shift_right_logical3A_22 {offsets = [11], sizes = [1], strides = [1]} : vector<16xi32> to vector<1xi32>
      %squeeze3A_274 = vector.extract %slice3A_273[0] : i32 from vector<1xi32>
      %mul3A_275 = arith.constant 16 : i32
      %mul3A_276 = arith.muli %scan3A_14, %mul3A_275 : i32
      %add3A_277 = arith.constant 11 : i32
      %add3A_278 = arith.addi %mul3A_276, %add3A_277 : i32
      %dma_start3A_279 = arith.constant 0 : i32
      %dma_start3A_280 = arith.constant 0 : i32
      %dma_start3A_281 = arith.constant 0 : i32
      %dma_start3A_282 = tpu.memref_slice %arg6[%dma_start3A_279, %add3A_278, %dma_start3A_280, %dma_start3A_281] : memref<2x32x8x64xf32, #tpu.memory_space<vmem>> -> memref<1x1x8x64xf32, #tpu.memory_space<vmem>>
      %dma_start3A_283 = tpu.memref_squeeze %dma_start3A_282 : memref<1x1x8x64xf32, #tpu.memory_space<vmem>> -> memref<8x64xf32, #tpu.memory_space<vmem>>
      %dma_start3A_284 = arith.constant 0 : i32
      %dma_start3A_285 = arith.constant 0 : i32
      %dma_start3A_286 = tpu.memref_slice %arg3[%squeeze3A_274, %dma_start3A_284, %dma_start3A_285] : memref<125000x8x64xf32, #tpu.memory_space<hbm>> -> memref<1x8x64xf32, #tpu.memory_space<hbm>>
      %dma_start3A_287 = tpu.memref_squeeze %dma_start3A_286 : memref<1x8x64xf32, #tpu.memory_space<hbm>> -> memref<8x64xf32, #tpu.memory_space<hbm>>
      %dma_start3A_288 = arith.constant 0 : i32
      %dma_start3A_289 = arith.constant 0 : i32
      %dma_start3A_290 = tpu.memref_slice %arg6[%dma_start3A_279, %add3A_278, %dma_start3A_288, %dma_start3A_289] : memref<2x32x8x64xf32, #tpu.memory_space<vmem>> -> memref<1x1x8x64xf32, #tpu.memory_space<vmem>>
      %dma_start3A_291 = tpu.memref_squeeze %dma_start3A_290 : memref<1x1x8x64xf32, #tpu.memory_space<vmem>> -> memref<8x64xf32, #tpu.memory_space<vmem>>
      %dma_start3A_292 = arith.constant 0 : i32
      %dma_start3A_293 = arith.constant 0 : i32
      %dma_start3A_294 = tpu.memref_slice %arg3[%squeeze3A_274, %dma_start3A_292, %dma_start3A_293] : memref<125000x8x64xf32, #tpu.memory_space<hbm>> -> memref<1x8x64xf32, #tpu.memory_space<hbm>>
      %dma_start3A_295 = tpu.memref_squeeze %dma_start3A_294 : memref<1x8x64xf32, #tpu.memory_space<hbm>> -> memref<8x64xf32, #tpu.memory_space<hbm>>
      tpu.enqueue_dma source(%dma_start3A_295 : memref<8x64xf32, #tpu.memory_space<hbm>>) target(%dma_start3A_291 : memref<8x64xf32, #tpu.memory_space<vmem>>) target_semaphore(%arg8 : memref<!tpu.dma_semaphore, #tpu.memory_space<semaphore_mem>>)
      %slice3A_296 = vector.extract_strided_slice %shift_right_logical3A_22 {offsets = [12], sizes = [1], strides = [1]} : vector<16xi32> to vector<1xi32>
      %squeeze3A_297 = vector.extract %slice3A_296[0] : i32 from vector<1xi32>
      %mul3A_298 = arith.constant 16 : i32
      %mul3A_299 = arith.muli %scan3A_14, %mul3A_298 : i32
      %add3A_300 = arith.constant 12 : i32
      %add3A_301 = arith.addi %mul3A_299, %add3A_300 : i32
      %dma_start3A_302 = arith.constant 0 : i32
      %dma_start3A_303 = arith.constant 0 : i32
      %dma_start3A_304 = arith.constant 0 : i32
      %dma_start3A_305 = tpu.memref_slice %arg6[%dma_start3A_302, %add3A_301, %dma_start3A_303, %dma_start3A_304] : memref<2x32x8x64xf32, #tpu.memory_space<vmem>> -> memref<1x1x8x64xf32, #tpu.memory_space<vmem>>
      %dma_start3A_306 = tpu.memref_squeeze %dma_start3A_305 : memref<1x1x8x64xf32, #tpu.memory_space<vmem>> -> memref<8x64xf32, #tpu.memory_space<vmem>>
      %dma_start3A_307 = arith.constant 0 : i32
      %dma_start3A_308 = arith.constant 0 : i32
      %dma_start3A_309 = tpu.memref_slice %arg3[%squeeze3A_297, %dma_start3A_307, %dma_start3A_308] : memref<125000x8x64xf32, #tpu.memory_space<hbm>> -> memref<1x8x64xf32, #tpu.memory_space<hbm>>
      %dma_start3A_310 = tpu.memref_squeeze %dma_start3A_309 : memref<1x8x64xf32, #tpu.memory_space<hbm>> -> memref<8x64xf32, #tpu.memory_space<hbm>>
      %dma_start3A_311 = arith.constant 0 : i32
      %dma_start3A_312 = arith.constant 0 : i32
      %dma_start3A_313 = tpu.memref_slice %arg6[%dma_start3A_302, %add3A_301, %dma_start3A_311, %dma_start3A_312] : memref<2x32x8x64xf32, #tpu.memory_space<vmem>> -> memref<1x1x8x64xf32, #tpu.memory_space<vmem>>
      %dma_start3A_314 = tpu.memref_squeeze %dma_start3A_313 : memref<1x1x8x64xf32, #tpu.memory_space<vmem>> -> memref<8x64xf32, #tpu.memory_space<vmem>>
      %dma_start3A_315 = arith.constant 0 : i32
      %dma_start3A_316 = arith.constant 0 : i32
      %dma_start3A_317 = tpu.memref_slice %arg3[%squeeze3A_297, %dma_start3A_315, %dma_start3A_316] : memref<125000x8x64xf32, #tpu.memory_space<hbm>> -> memref<1x8x64xf32, #tpu.memory_space<hbm>>
      %dma_start3A_318 = tpu.memref_squeeze %dma_start3A_317 : memref<1x8x64xf32, #tpu.memory_space<hbm>> -> memref<8x64xf32, #tpu.memory_space<hbm>>
      tpu.enqueue_dma source(%dma_start3A_318 : memref<8x64xf32, #tpu.memory_space<hbm>>) target(%dma_start3A_314 : memref<8x64xf32, #tpu.memory_space<vmem>>) target_semaphore(%arg8 : memref<!tpu.dma_semaphore, #tpu.memory_space<semaphore_mem>>)
      %slice3A_319 = vector.extract_strided_slice %shift_right_logical3A_22 {offsets = [13], sizes = [1], strides = [1]} : vector<16xi32> to vector<1xi32>
      %squeeze3A_320 = vector.extract %slice3A_319[0] : i32 from vector<1xi32>
      %mul3A_321 = arith.constant 16 : i32
      %mul3A_322 = arith.muli %scan3A_14, %mul3A_321 : i32
      %add3A_323 = arith.constant 13 : i32
      %add3A_324 = arith.addi %mul3A_322, %add3A_323 : i32
      %dma_start3A_325 = arith.constant 0 : i32
      %dma_start3A_326 = arith.constant 0 : i32
      %dma_start3A_327 = arith.constant 0 : i32
      %dma_start3A_328 = tpu.memref_slice %arg6[%dma_start3A_325, %add3A_324, %dma_start3A_326, %dma_start3A_327] : memref<2x32x8x64xf32, #tpu.memory_space<vmem>> -> memref<1x1x8x64xf32, #tpu.memory_space<vmem>>
      %dma_start3A_329 = tpu.memref_squeeze %dma_start3A_328 : memref<1x1x8x64xf32, #tpu.memory_space<vmem>> -> memref<8x64xf32, #tpu.memory_space<vmem>>
      %dma_start3A_330 = arith.constant 0 : i32
      %dma_start3A_331 = arith.constant 0 : i32
      %dma_start3A_332 = tpu.memref_slice %arg3[%squeeze3A_320, %dma_start3A_330, %dma_start3A_331] : memref<125000x8x64xf32, #tpu.memory_space<hbm>> -> memref<1x8x64xf32, #tpu.memory_space<hbm>>
      %dma_start3A_333 = tpu.memref_squeeze %dma_start3A_332 : memref<1x8x64xf32, #tpu.memory_space<hbm>> -> memref<8x64xf32, #tpu.memory_space<hbm>>
      %dma_start3A_334 = arith.constant 0 : i32
      %dma_start3A_335 = arith.constant 0 : i32
      %dma_start3A_336 = tpu.memref_slice %arg6[%dma_start3A_325, %add3A_324, %dma_start3A_334, %dma_start3A_335] : memref<2x32x8x64xf32, #tpu.memory_space<vmem>> -> memref<1x1x8x64xf32, #tpu.memory_space<vmem>>
      %dma_start3A_337 = tpu.memref_squeeze %dma_start3A_336 : memref<1x1x8x64xf32, #tpu.memory_space<vmem>> -> memref<8x64xf32, #tpu.memory_space<vmem>>
      %dma_start3A_338 = arith.constant 0 : i32
      %dma_start3A_339 = arith.constant 0 : i32
      %dma_start3A_340 = tpu.memref_slice %arg3[%squeeze3A_320, %dma_start3A_338, %dma_start3A_339] : memref<125000x8x64xf32, #tpu.memory_space<hbm>> -> memref<1x8x64xf32, #tpu.memory_space<hbm>>
      %dma_start3A_341 = tpu.memref_squeeze %dma_start3A_340 : memref<1x8x64xf32, #tpu.memory_space<hbm>> -> memref<8x64xf32, #tpu.memory_space<hbm>>
      tpu.enqueue_dma source(%dma_start3A_341 : memref<8x64xf32, #tpu.memory_space<hbm>>) target(%dma_start3A_337 : memref<8x64xf32, #tpu.memory_space<vmem>>) target_semaphore(%arg8 : memref<!tpu.dma_semaphore, #tpu.memory_space<semaphore_mem>>)
      %slice3A_342 = vector.extract_strided_slice %shift_right_logical3A_22 {offsets = [14], sizes = [1], strides = [1]} : vector<16xi32> to vector<1xi32>
      %squeeze3A_343 = vector.extract %slice3A_342[0] : i32 from vector<1xi32>
      %mul3A_344 = arith.constant 16 : i32
      %mul3A_345 = arith.muli %scan3A_14, %mul3A_344 : i32
      %add3A_346 = arith.constant 14 : i32
      %add3A_347 = arith.addi %mul3A_345, %add3A_346 : i32
      %dma_start3A_348 = arith.constant 0 : i32
      %dma_start3A_349 = arith.constant 0 : i32
      %dma_start3A_350 = arith.constant 0 : i32
      %dma_start3A_351 = tpu.memref_slice %arg6[%dma_start3A_348, %add3A_347, %dma_start3A_349, %dma_start3A_350] : memref<2x32x8x64xf32, #tpu.memory_space<vmem>> -> memref<1x1x8x64xf32, #tpu.memory_space<vmem>>
      %dma_start3A_352 = tpu.memref_squeeze %dma_start3A_351 : memref<1x1x8x64xf32, #tpu.memory_space<vmem>> -> memref<8x64xf32, #tpu.memory_space<vmem>>
      %dma_start3A_353 = arith.constant 0 : i32
      %dma_start3A_354 = arith.constant 0 : i32
      %dma_start3A_355 = tpu.memref_slice %arg3[%squeeze3A_343, %dma_start3A_353, %dma_start3A_354] : memref<125000x8x64xf32, #tpu.memory_space<hbm>> -> memref<1x8x64xf32, #tpu.memory_space<hbm>>
      %dma_start3A_356 = tpu.memref_squeeze %dma_start3A_355 : memref<1x8x64xf32, #tpu.memory_space<hbm>> -> memref<8x64xf32, #tpu.memory_space<hbm>>
      %dma_start3A_357 = arith.constant 0 : i32
      %dma_start3A_358 = arith.constant 0 : i32
      %dma_start3A_359 = tpu.memref_slice %arg6[%dma_start3A_348, %add3A_347, %dma_start3A_357, %dma_start3A_358] : memref<2x32x8x64xf32, #tpu.memory_space<vmem>> -> memref<1x1x8x64xf32, #tpu.memory_space<vmem>>
      %dma_start3A_360 = tpu.memref_squeeze %dma_start3A_359 : memref<1x1x8x64xf32, #tpu.memory_space<vmem>> -> memref<8x64xf32, #tpu.memory_space<vmem>>
      %dma_start3A_361 = arith.constant 0 : i32
      %dma_start3A_362 = arith.constant 0 : i32
      %dma_start3A_363 = tpu.memref_slice %arg3[%squeeze3A_343, %dma_start3A_361, %dma_start3A_362] : memref<125000x8x64xf32, #tpu.memory_space<hbm>> -> memref<1x8x64xf32, #tpu.memory_space<hbm>>
      %dma_start3A_364 = tpu.memref_squeeze %dma_start3A_363 : memref<1x8x64xf32, #tpu.memory_space<hbm>> -> memref<8x64xf32, #tpu.memory_space<hbm>>
      tpu.enqueue_dma source(%dma_start3A_364 : memref<8x64xf32, #tpu.memory_space<hbm>>) target(%dma_start3A_360 : memref<8x64xf32, #tpu.memory_space<vmem>>) target_semaphore(%arg8 : memref<!tpu.dma_semaphore, #tpu.memory_space<semaphore_mem>>)
      %slice3A_365 = vector.extract_strided_slice %shift_right_logical3A_22 {offsets = [15], sizes = [1], strides = [1]} : vector<16xi32> to vector<1xi32>
      %squeeze3A_366 = vector.extract %slice3A_365[0] : i32 from vector<1xi32>
      %mul3A_367 = arith.constant 16 : i32
      %mul3A_368 = arith.muli %scan3A_14, %mul3A_367 : i32
      %add3A_369 = arith.constant 15 : i32
      %add3A_370 = arith.addi %mul3A_368, %add3A_369 : i32
      %dma_start3A_371 = arith.constant 0 : i32
      %dma_start3A_372 = arith.constant 0 : i32
      %dma_start3A_373 = arith.constant 0 : i32
      %dma_start3A_374 = tpu.memref_slice %arg6[%dma_start3A_371, %add3A_370, %dma_start3A_372, %dma_start3A_373] : memref<2x32x8x64xf32, #tpu.memory_space<vmem>> -> memref<1x1x8x64xf32, #tpu.memory_space<vmem>>
      %dma_start3A_375 = tpu.memref_squeeze %dma_start3A_374 : memref<1x1x8x64xf32, #tpu.memory_space<vmem>> -> memref<8x64xf32, #tpu.memory_space<vmem>>
      %dma_start3A_376 = arith.constant 0 : i32
      %dma_start3A_377 = arith.constant 0 : i32
      %dma_start3A_378 = tpu.memref_slice %arg3[%squeeze3A_366, %dma_start3A_376, %dma_start3A_377] : memref<125000x8x64xf32, #tpu.memory_space<hbm>> -> memref<1x8x64xf32, #tpu.memory_space<hbm>>
      %dma_start3A_379 = tpu.memref_squeeze %dma_start3A_378 : memref<1x8x64xf32, #tpu.memory_space<hbm>> -> memref<8x64xf32, #tpu.memory_space<hbm>>
      %dma_start3A_380 = arith.constant 0 : i32
      %dma_start3A_381 = arith.constant 0 : i32
      %dma_start3A_382 = tpu.memref_slice %arg6[%dma_start3A_371, %add3A_370, %dma_start3A_380, %dma_start3A_381] : memref<2x32x8x64xf32, #tpu.memory_space<vmem>> -> memref<1x1x8x64xf32, #tpu.memory_space<vmem>>
      %dma_start3A_383 = tpu.memref_squeeze %dma_start3A_382 : memref<1x1x8x64xf32, #tpu.memory_space<vmem>> -> memref<8x64xf32, #tpu.memory_space<vmem>>
      %dma_start3A_384 = arith.constant 0 : i32
      %dma_start3A_385 = arith.constant 0 : i32
      %dma_start3A_386 = tpu.memref_slice %arg3[%squeeze3A_366, %dma_start3A_384, %dma_start3A_385] : memref<125000x8x64xf32, #tpu.memory_space<hbm>> -> memref<1x8x64xf32, #tpu.memory_space<hbm>>
      %dma_start3A_387 = tpu.memref_squeeze %dma_start3A_386 : memref<1x8x64xf32, #tpu.memory_space<hbm>> -> memref<8x64xf32, #tpu.memory_space<hbm>>
      tpu.enqueue_dma source(%dma_start3A_387 : memref<8x64xf32, #tpu.memory_space<hbm>>) target(%dma_start3A_383 : memref<8x64xf32, #tpu.memory_space<vmem>>) target_semaphore(%arg8 : memref<!tpu.dma_semaphore, #tpu.memory_space<semaphore_mem>>)
    }
    %scan3A_7 = arith.constant 2 : i32
    %scan3A_8 = arith.constant 0 : i32
    %scan3A_9 = arith.constant 0 : i32
    %scan3A_10 = arith.constant 10 : i32
    %scan3A_11 = arith.addi %scan3A_9, %scan3A_10 : i32
    %scan3A_12 = arith.constant 1 : i32
    scf.for %scan3A_14 = %scan3A_9 to %scan3A_11 step %scan3A_12  : i32 {
      %mul3A_15 = arith.constant 2 : i32
      %mul3A_16 = arith.muli %scan3A_14, %mul3A_15 : i32
      %dma_wait3A = arith.constant 0 : i32
      %dma_wait3A_17 = arith.constant 0 : i32
      %dma_wait3A_18 = arith.constant 0 : i32
      %dma_wait3A_19 = arith.constant 0 : i32
      %dma_wait3A_20 = tpu.memref_slice %arg6[%dma_wait3A, %dma_wait3A_17, %dma_wait3A_18, %dma_wait3A_19] : memref<2x32x8x64xf32, #tpu.memory_space<vmem>> -> memref<1x32x8x64xf32, #tpu.memory_space<vmem>>
      %dma_wait3A_21 = tpu.memref_squeeze %dma_wait3A_20 : memref<1x32x8x64xf32, #tpu.memory_space<vmem>> -> memref<32x8x64xf32, #tpu.memory_space<vmem>>
      %dma_wait3A_22 = arith.constant 0 : i32
      %dma_wait3A_23 = arith.constant 0 : i32
      %dma_wait3A_24 = arith.constant 0 : i32
      %dma_wait3A_25 = tpu.memref_slice %arg3[%dma_wait3A_22, %dma_wait3A_23, %dma_wait3A_24] : memref<125000x8x64xf32, #tpu.memory_space<hbm>> -> memref<32x8x64xf32, #tpu.memory_space<hbm>>
      %dma_wait3A_26 = arith.constant 0 : i32
      %dma_wait3A_27 = arith.constant 0 : i32
      %dma_wait3A_28 = arith.constant 0 : i32
      %dma_wait3A_29 = tpu.memref_slice %arg6[%dma_wait3A, %dma_wait3A_26, %dma_wait3A_27, %dma_wait3A_28] : memref<2x32x8x64xf32, #tpu.memory_space<vmem>> -> memref<1x32x8x64xf32, #tpu.memory_space<vmem>>
      %dma_wait3A_30 = tpu.memref_squeeze %dma_wait3A_29 : memref<1x32x8x64xf32, #tpu.memory_space<vmem>> -> memref<32x8x64xf32, #tpu.memory_space<vmem>>
      %dma_wait3A_31 = arith.constant 0 : i32
      %dma_wait3A_32 = arith.constant 0 : i32
      %dma_wait3A_33 = arith.constant 0 : i32
      %dma_wait3A_34 = tpu.memref_slice %arg3[%dma_wait3A_31, %dma_wait3A_32, %dma_wait3A_33] : memref<125000x8x64xf32, #tpu.memory_space<hbm>> -> memref<32x8x64xf32, #tpu.memory_space<hbm>>
      tpu.wait_dma2 semaphore(%arg8 : memref<!tpu.dma_semaphore, #tpu.memory_space<semaphore_mem>>) src(%dma_wait3A_34 : memref<32x8x64xf32, #tpu.memory_space<hbm>>) dst(%dma_wait3A_30 : memref<32x8x64xf32, #tpu.memory_space<vmem>>)
      %add3A_35 = arith.constant 1 : i32
      %add3A_36 = arith.addi %mul3A_16, %add3A_35 : i32
      %scan3A_37 = arith.constant 0 : i32
      %scan3A_38 = arith.constant 0 : i32
      %scan3A_39 = arith.constant 2 : i32
      %scan3A_40 = arith.addi %scan3A_38, %scan3A_39 : i32
      %scan3A_41 = arith.constant 1 : i32
      scf.for %scan3A_90 = %scan3A_38 to %scan3A_40 step %scan3A_41  : i32 {
        %mul3A_91 = arith.constant 32 : i32
        %mul3A_92 = arith.muli %add3A_36, %mul3A_91 : i32
        %mul3A_93 = arith.constant 16 : i32
        %mul3A_94 = arith.muli %scan3A_90, %mul3A_93 : i32
        %add3A_95 = arith.addi %mul3A_92, %mul3A_94 : i32
        %get3A = arith.index_cast %add3A_95 : i32 to index
        %get3A_96 = tpu.vector_load %arg5[%get3A] {strides = array<i32>} : memref<640xi32, #tpu.memory_space<vmem>>, vector<16xi32>,
        %get3A_97 = vector.shape_cast %get3A_96 : vector<16xi32> to vector<16xi32>
        %shift_right_logical3A = arith.constant 3 : i32
        %shift_right_logical3A_98 = vector.broadcast %shift_right_logical3A : i32 to vector<16xi32>
        %shift_right_logical3A_99 = arith.shrui %get3A_97, %shift_right_logical3A_98 : vector<16xi32>
        %slice3A = vector.extract_strided_slice %shift_right_logical3A_99 {offsets = [0], sizes = [1], strides = [1]} : vector<16xi32> to vector<1xi32>
        %squeeze3A = vector.extract %slice3A[0] : i32 from vector<1xi32>
        %mul3A_100 = arith.constant 16 : i32
        %mul3A_101 = arith.muli %scan3A_90, %mul3A_100 : i32
        %add3A_102 = arith.constant 0 : i32
        %add3A_103 = arith.addi %mul3A_101, %add3A_102 : i32
        %dma_start3A = arith.constant 1 : i32
        %dma_start3A_104 = arith.constant 0 : i32
        %dma_start3A_105 = arith.constant 0 : i32
        %dma_start3A_106 = tpu.memref_slice %arg6[%dma_start3A, %add3A_103, %dma_start3A_104, %dma_start3A_105] : memref<2x32x8x64xf32, #tpu.memory_space<vmem>> -> memref<1x1x8x64xf32, #tpu.memory_space<vmem>>
        %dma_start3A_107 = tpu.memref_squeeze %dma_start3A_106 : memref<1x1x8x64xf32, #tpu.memory_space<vmem>> -> memref<8x64xf32, #tpu.memory_space<vmem>>
        %dma_start3A_108 = arith.constant 0 : i32
        %dma_start3A_109 = arith.constant 0 : i32
        %dma_start3A_110 = tpu.memref_slice %arg3[%squeeze3A, %dma_start3A_108, %dma_start3A_109] : memref<125000x8x64xf32, #tpu.memory_space<hbm>> -> memref<1x8x64xf32, #tpu.memory_space<hbm>>
        %dma_start3A_111 = tpu.memref_squeeze %dma_start3A_110 : memref<1x8x64xf32, #tpu.memory_space<hbm>> -> memref<8x64xf32, #tpu.memory_space<hbm>>
        %dma_start3A_112 = arith.constant 0 : i32
        %dma_start3A_113 = arith.constant 0 : i32
        %dma_start3A_114 = tpu.memref_slice %arg6[%dma_start3A, %add3A_103, %dma_start3A_112, %dma_start3A_113] : memref<2x32x8x64xf32, #tpu.memory_space<vmem>> -> memref<1x1x8x64xf32, #tpu.memory_space<vmem>>
        %dma_start3A_115 = tpu.memref_squeeze %dma_start3A_114 : memref<1x1x8x64xf32, #tpu.memory_space<vmem>> -> memref<8x64xf32, #tpu.memory_space<vmem>>
        %dma_start3A_116 = arith.constant 0 : i32
        %dma_start3A_117 = arith.constant 0 : i32
        %dma_start3A_118 = tpu.memref_slice %arg3[%squeeze3A, %dma_start3A_116, %dma_start3A_117] : memref<125000x8x64xf32, #tpu.memory_space<hbm>> -> memref<1x8x64xf32, #tpu.memory_space<hbm>>
        %dma_start3A_119 = tpu.memref_squeeze %dma_start3A_118 : memref<1x8x64xf32, #tpu.memory_space<hbm>> -> memref<8x64xf32, #tpu.memory_space<hbm>>
        tpu.enqueue_dma source(%dma_start3A_119 : memref<8x64xf32, #tpu.memory_space<hbm>>) target(%dma_start3A_115 : memref<8x64xf32, #tpu.memory_space<vmem>>) target_semaphore(%arg9 : memref<!tpu.dma_semaphore, #tpu.memory_space<semaphore_mem>>)
        %slice3A_120 = vector.extract_strided_slice %shift_right_logical3A_99 {offsets = [1], sizes = [1], strides = [1]} : vector<16xi32> to vector<1xi32>
        %squeeze3A_121 = vector.extract %slice3A_120[0] : i32 from vector<1xi32>
        %mul3A_122 = arith.constant 16 : i32
        %mul3A_123 = arith.muli %scan3A_90, %mul3A_122 : i32
        %add3A_124 = arith.constant 1 : i32
        %add3A_125 = arith.addi %mul3A_123, %add3A_124 : i32
        %dma_start3A_126 = arith.constant 1 : i32
        %dma_start3A_127 = arith.constant 0 : i32
        %dma_start3A_128 = arith.constant 0 : i32
        %dma_start3A_129 = tpu.memref_slice %arg6[%dma_start3A_126, %add3A_125, %dma_start3A_127, %dma_start3A_128] : memref<2x32x8x64xf32, #tpu.memory_space<vmem>> -> memref<1x1x8x64xf32, #tpu.memory_space<vmem>>
        %dma_start3A_130 = tpu.memref_squeeze %dma_start3A_129 : memref<1x1x8x64xf32, #tpu.memory_space<vmem>> -> memref<8x64xf32, #tpu.memory_space<vmem>>
        %dma_start3A_131 = arith.constant 0 : i32
        %dma_start3A_132 = arith.constant 0 : i32
        %dma_start3A_133 = tpu.memref_slice %arg3[%squeeze3A_121, %dma_start3A_131, %dma_start3A_132] : memref<125000x8x64xf32, #tpu.memory_space<hbm>> -> memref<1x8x64xf32, #tpu.memory_space<hbm>>
        %dma_start3A_134 = tpu.memref_squeeze %dma_start3A_133 : memref<1x8x64xf32, #tpu.memory_space<hbm>> -> memref<8x64xf32, #tpu.memory_space<hbm>>
        %dma_start3A_135 = arith.constant 0 : i32
        %dma_start3A_136 = arith.constant 0 : i32
        %dma_start3A_137 = tpu.memref_slice %arg6[%dma_start3A_126, %add3A_125, %dma_start3A_135, %dma_start3A_136] : memref<2x32x8x64xf32, #tpu.memory_space<vmem>> -> memref<1x1x8x64xf32, #tpu.memory_space<vmem>>
        %dma_start3A_138 = tpu.memref_squeeze %dma_start3A_137 : memref<1x1x8x64xf32, #tpu.memory_space<vmem>> -> memref<8x64xf32, #tpu.memory_space<vmem>>
        %dma_start3A_139 = arith.constant 0 : i32
        %dma_start3A_140 = arith.constant 0 : i32
        %dma_start3A_141 = tpu.memref_slice %arg3[%squeeze3A_121, %dma_start3A_139, %dma_start3A_140] : memref<125000x8x64xf32, #tpu.memory_space<hbm>> -> memref<1x8x64xf32, #tpu.memory_space<hbm>>
        %dma_start3A_142 = tpu.memref_squeeze %dma_start3A_141 : memref<1x8x64xf32, #tpu.memory_space<hbm>> -> memref<8x64xf32, #tpu.memory_space<hbm>>
        tpu.enqueue_dma source(%dma_start3A_142 : memref<8x64xf32, #tpu.memory_space<hbm>>) target(%dma_start3A_138 : memref<8x64xf32, #tpu.memory_space<vmem>>) target_semaphore(%arg9 : memref<!tpu.dma_semaphore, #tpu.memory_space<semaphore_mem>>)
        %slice3A_143 = vector.extract_strided_slice %shift_right_logical3A_99 {offsets = [2], sizes = [1], strides = [1]} : vector<16xi32> to vector<1xi32>
        %squeeze3A_144 = vector.extract %slice3A_143[0] : i32 from vector<1xi32>
        %mul3A_145 = arith.constant 16 : i32
        %mul3A_146 = arith.muli %scan3A_90, %mul3A_145 : i32
        %add3A_147 = arith.constant 2 : i32
        %add3A_148 = arith.addi %mul3A_146, %add3A_147 : i32
        %dma_start3A_149 = arith.constant 1 : i32
        %dma_start3A_150 = arith.constant 0 : i32
        %dma_start3A_151 = arith.constant 0 : i32
        %dma_start3A_152 = tpu.memref_slice %arg6[%dma_start3A_149, %add3A_148, %dma_start3A_150, %dma_start3A_151] : memref<2x32x8x64xf32, #tpu.memory_space<vmem>> -> memref<1x1x8x64xf32, #tpu.memory_space<vmem>>
        %dma_start3A_153 = tpu.memref_squeeze %dma_start3A_152 : memref<1x1x8x64xf32, #tpu.memory_space<vmem>> -> memref<8x64xf32, #tpu.memory_space<vmem>>
        %dma_start3A_154 = arith.constant 0 : i32
        %dma_start3A_155 = arith.constant 0 : i32
        %dma_start3A_156 = tpu.memref_slice %arg3[%squeeze3A_144, %dma_start3A_154, %dma_start3A_155] : memref<125000x8x64xf32, #tpu.memory_space<hbm>> -> memref<1x8x64xf32, #tpu.memory_space<hbm>>
        %dma_start3A_157 = tpu.memref_squeeze %dma_start3A_156 : memref<1x8x64xf32, #tpu.memory_space<hbm>> -> memref<8x64xf32, #tpu.memory_space<hbm>>
        %dma_start3A_158 = arith.constant 0 : i32
        %dma_start3A_159 = arith.constant 0 : i32
        %dma_start3A_160 = tpu.memref_slice %arg6[%dma_start3A_149, %add3A_148, %dma_start3A_158, %dma_start3A_159] : memref<2x32x8x64xf32, #tpu.memory_space<vmem>> -> memref<1x1x8x64xf32, #tpu.memory_space<vmem>>
        %dma_start3A_161 = tpu.memref_squeeze %dma_start3A_160 : memref<1x1x8x64xf32, #tpu.memory_space<vmem>> -> memref<8x64xf32, #tpu.memory_space<vmem>>
        %dma_start3A_162 = arith.constant 0 : i32
        %dma_start3A_163 = arith.constant 0 : i32
        %dma_start3A_164 = tpu.memref_slice %arg3[%squeeze3A_144, %dma_start3A_162, %dma_start3A_163] : memref<125000x8x64xf32, #tpu.memory_space<hbm>> -> memref<1x8x64xf32, #tpu.memory_space<hbm>>
        %dma_start3A_165 = tpu.memref_squeeze %dma_start3A_164 : memref<1x8x64xf32, #tpu.memory_space<hbm>> -> memref<8x64xf32, #tpu.memory_space<hbm>>
        tpu.enqueue_dma source(%dma_start3A_165 : memref<8x64xf32, #tpu.memory_space<hbm>>) target(%dma_start3A_161 : memref<8x64xf32, #tpu.memory_space<vmem>>) target_semaphore(%arg9 : memref<!tpu.dma_semaphore, #tpu.memory_space<semaphore_mem>>)
        %slice3A_166 = vector.extract_strided_slice %shift_right_logical3A_99 {offsets = [3], sizes = [1], strides = [1]} : vector<16xi32> to vector<1xi32>
        %squeeze3A_167 = vector.extract %slice3A_166[0] : i32 from vector<1xi32>
        %mul3A_168 = arith.constant 16 : i32
        %mul3A_169 = arith.muli %scan3A_90, %mul3A_168 : i32
        %add3A_170 = arith.constant 3 : i32
        %add3A_171 = arith.addi %mul3A_169, %add3A_170 : i32
        %dma_start3A_172 = arith.constant 1 : i32
        %dma_start3A_173 = arith.constant 0 : i32
        %dma_start3A_174 = arith.constant 0 : i32
        %dma_start3A_175 = tpu.memref_slice %arg6[%dma_start3A_172, %add3A_171, %dma_start3A_173, %dma_start3A_174] : memref<2x32x8x64xf32, #tpu.memory_space<vmem>> -> memref<1x1x8x64xf32, #tpu.memory_space<vmem>>
        %dma_start3A_176 = tpu.memref_squeeze %dma_start3A_175 : memref<1x1x8x64xf32, #tpu.memory_space<vmem>> -> memref<8x64xf32, #tpu.memory_space<vmem>>
        %dma_start3A_177 = arith.constant 0 : i32
        %dma_start3A_178 = arith.constant 0 : i32
        %dma_start3A_179 = tpu.memref_slice %arg3[%squeeze3A_167, %dma_start3A_177, %dma_start3A_178] : memref<125000x8x64xf32, #tpu.memory_space<hbm>> -> memref<1x8x64xf32, #tpu.memory_space<hbm>>
        %dma_start3A_180 = tpu.memref_squeeze %dma_start3A_179 : memref<1x8x64xf32, #tpu.memory_space<hbm>> -> memref<8x64xf32, #tpu.memory_space<hbm>>
        %dma_start3A_181 = arith.constant 0 : i32
        %dma_start3A_182 = arith.constant 0 : i32
        %dma_start3A_183 = tpu.memref_slice %arg6[%dma_start3A_172, %add3A_171, %dma_start3A_181, %dma_start3A_182] : memref<2x32x8x64xf32, #tpu.memory_space<vmem>> -> memref<1x1x8x64xf32, #tpu.memory_space<vmem>>
        %dma_start3A_184 = tpu.memref_squeeze %dma_start3A_183 : memref<1x1x8x64xf32, #tpu.memory_space<vmem>> -> memref<8x64xf32, #tpu.memory_space<vmem>>
        %dma_start3A_185 = arith.constant 0 : i32
        %dma_start3A_186 = arith.constant 0 : i32
        %dma_start3A_187 = tpu.memref_slice %arg3[%squeeze3A_167, %dma_start3A_185, %dma_start3A_186] : memref<125000x8x64xf32, #tpu.memory_space<hbm>> -> memref<1x8x64xf32, #tpu.memory_space<hbm>>
        %dma_start3A_188 = tpu.memref_squeeze %dma_start3A_187 : memref<1x8x64xf32, #tpu.memory_space<hbm>> -> memref<8x64xf32, #tpu.memory_space<hbm>>
        tpu.enqueue_dma source(%dma_start3A_188 : memref<8x64xf32, #tpu.memory_space<hbm>>) target(%dma_start3A_184 : memref<8x64xf32, #tpu.memory_space<vmem>>) target_semaphore(%arg9 : memref<!tpu.dma_semaphore, #tpu.memory_space<semaphore_mem>>)
        %slice3A_189 = vector.extract_strided_slice %shift_right_logical3A_99 {offsets = [4], sizes = [1], strides = [1]} : vector<16xi32> to vector<1xi32>
        %squeeze3A_190 = vector.extract %slice3A_189[0] : i32 from vector<1xi32>
        %mul3A_191 = arith.constant 16 : i32
        %mul3A_192 = arith.muli %scan3A_90, %mul3A_191 : i32
        %add3A_193 = arith.constant 4 : i32
        %add3A_194 = arith.addi %mul3A_192, %add3A_193 : i32
        %dma_start3A_195 = arith.constant 1 : i32
        %dma_start3A_196 = arith.constant 0 : i32
        %dma_start3A_197 = arith.constant 0 : i32
        %dma_start3A_198 = tpu.memref_slice %arg6[%dma_start3A_195, %add3A_194, %dma_start3A_196, %dma_start3A_197] : memref<2x32x8x64xf32, #tpu.memory_space<vmem>> -> memref<1x1x8x64xf32, #tpu.memory_space<vmem>>
        %dma_start3A_199 = tpu.memref_squeeze %dma_start3A_198 : memref<1x1x8x64xf32, #tpu.memory_space<vmem>> -> memref<8x64xf32, #tpu.memory_space<vmem>>
        %dma_start3A_200 = arith.constant 0 : i32
        %dma_start3A_201 = arith.constant 0 : i32
        %dma_start3A_202 = tpu.memref_slice %arg3[%squeeze3A_190, %dma_start3A_200, %dma_start3A_201] : memref<125000x8x64xf32, #tpu.memory_space<hbm>> -> memref<1x8x64xf32, #tpu.memory_space<hbm>>
        %dma_start3A_203 = tpu.memref_squeeze %dma_start3A_202 : memref<1x8x64xf32, #tpu.memory_space<hbm>> -> memref<8x64xf32, #tpu.memory_space<hbm>>
        %dma_start3A_204 = arith.constant 0 : i32
        %dma_start3A_205 = arith.constant 0 : i32
        %dma_start3A_206 = tpu.memref_slice %arg6[%dma_start3A_195, %add3A_194, %dma_start3A_204, %dma_start3A_205] : memref<2x32x8x64xf32, #tpu.memory_space<vmem>> -> memref<1x1x8x64xf32, #tpu.memory_space<vmem>>
        %dma_start3A_207 = tpu.memref_squeeze %dma_start3A_206 : memref<1x1x8x64xf32, #tpu.memory_space<vmem>> -> memref<8x64xf32, #tpu.memory_space<vmem>>
        %dma_start3A_208 = arith.constant 0 : i32
        %dma_start3A_209 = arith.constant 0 : i32
        %dma_start3A_210 = tpu.memref_slice %arg3[%squeeze3A_190, %dma_start3A_208, %dma_start3A_209] : memref<125000x8x64xf32, #tpu.memory_space<hbm>> -> memref<1x8x64xf32, #tpu.memory_space<hbm>>
        %dma_start3A_211 = tpu.memref_squeeze %dma_start3A_210 : memref<1x8x64xf32, #tpu.memory_space<hbm>> -> memref<8x64xf32, #tpu.memory_space<hbm>>
        tpu.enqueue_dma source(%dma_start3A_211 : memref<8x64xf32, #tpu.memory_space<hbm>>) target(%dma_start3A_207 : memref<8x64xf32, #tpu.memory_space<vmem>>) target_semaphore(%arg9 : memref<!tpu.dma_semaphore, #tpu.memory_space<semaphore_mem>>)
        %slice3A_212 = vector.extract_strided_slice %shift_right_logical3A_99 {offsets = [5], sizes = [1], strides = [1]} : vector<16xi32> to vector<1xi32>
        %squeeze3A_213 = vector.extract %slice3A_212[0] : i32 from vector<1xi32>
        %mul3A_214 = arith.constant 16 : i32
        %mul3A_215 = arith.muli %scan3A_90, %mul3A_214 : i32
        %add3A_216 = arith.constant 5 : i32
        %add3A_217 = arith.addi %mul3A_215, %add3A_216 : i32
        %dma_start3A_218 = arith.constant 1 : i32
        %dma_start3A_219 = arith.constant 0 : i32
        %dma_start3A_220 = arith.constant 0 : i32
        %dma_start3A_221 = tpu.memref_slice %arg6[%dma_start3A_218, %add3A_217, %dma_start3A_219, %dma_start3A_220] : memref<2x32x8x64xf32, #tpu.memory_space<vmem>> -> memref<1x1x8x64xf32, #tpu.memory_space<vmem>>
        %dma_start3A_222 = tpu.memref_squeeze %dma_start3A_221 : memref<1x1x8x64xf32, #tpu.memory_space<vmem>> -> memref<8x64xf32, #tpu.memory_space<vmem>>
        %dma_start3A_223 = arith.constant 0 : i32
        %dma_start3A_224 = arith.constant 0 : i32
        %dma_start3A_225 = tpu.memref_slice %arg3[%squeeze3A_213, %dma_start3A_223, %dma_start3A_224] : memref<125000x8x64xf32, #tpu.memory_space<hbm>> -> memref<1x8x64xf32, #tpu.memory_space<hbm>>
        %dma_start3A_226 = tpu.memref_squeeze %dma_start3A_225 : memref<1x8x64xf32, #tpu.memory_space<hbm>> -> memref<8x64xf32, #tpu.memory_space<hbm>>
        %dma_start3A_227 = arith.constant 0 : i32
        %dma_start3A_228 = arith.constant 0 : i32
        %dma_start3A_229 = tpu.memref_slice %arg6[%dma_start3A_218, %add3A_217, %dma_start3A_227, %dma_start3A_228] : memref<2x32x8x64xf32, #tpu.memory_space<vmem>> -> memref<1x1x8x64xf32, #tpu.memory_space<vmem>>
        %dma_start3A_230 = tpu.memref_squeeze %dma_start3A_229 : memref<1x1x8x64xf32, #tpu.memory_space<vmem>> -> memref<8x64xf32, #tpu.memory_space<vmem>>
        %dma_start3A_231 = arith.constant 0 : i32
        %dma_start3A_232 = arith.constant 0 : i32
        %dma_start3A_233 = tpu.memref_slice %arg3[%squeeze3A_213, %dma_start3A_231, %dma_start3A_232] : memref<125000x8x64xf32, #tpu.memory_space<hbm>> -> memref<1x8x64xf32, #tpu.memory_space<hbm>>
        %dma_start3A_234 = tpu.memref_squeeze %dma_start3A_233 : memref<1x8x64xf32, #tpu.memory_space<hbm>> -> memref<8x64xf32, #tpu.memory_space<hbm>>
        tpu.enqueue_dma source(%dma_start3A_234 : memref<8x64xf32, #tpu.memory_space<hbm>>) target(%dma_start3A_230 : memref<8x64xf32, #tpu.memory_space<vmem>>) target_semaphore(%arg9 : memref<!tpu.dma_semaphore, #tpu.memory_space<semaphore_mem>>)
        %slice3A_235 = vector.extract_strided_slice %shift_right_logical3A_99 {offsets = [6], sizes = [1], strides = [1]} : vector<16xi32> to vector<1xi32>
        %squeeze3A_236 = vector.extract %slice3A_235[0] : i32 from vector<1xi32>
        %mul3A_237 = arith.constant 16 : i32
        %mul3A_238 = arith.muli %scan3A_90, %mul3A_237 : i32
        %add3A_239 = arith.constant 6 : i32
        %add3A_240 = arith.addi %mul3A_238, %add3A_239 : i32
        %dma_start3A_241 = arith.constant 1 : i32
        %dma_start3A_242 = arith.constant 0 : i32
        %dma_start3A_243 = arith.constant 0 : i32
        %dma_start3A_244 = tpu.memref_slice %arg6[%dma_start3A_241, %add3A_240, %dma_start3A_242, %dma_start3A_243] : memref<2x32x8x64xf32, #tpu.memory_space<vmem>> -> memref<1x1x8x64xf32, #tpu.memory_space<vmem>>
        %dma_start3A_245 = tpu.memref_squeeze %dma_start3A_244 : memref<1x1x8x64xf32, #tpu.memory_space<vmem>> -> memref<8x64xf32, #tpu.memory_space<vmem>>
        %dma_start3A_246 = arith.constant 0 : i32
        %dma_start3A_247 = arith.constant 0 : i32
        %dma_start3A_248 = tpu.memref_slice %arg3[%squeeze3A_236, %dma_start3A_246, %dma_start3A_247] : memref<125000x8x64xf32, #tpu.memory_space<hbm>> -> memref<1x8x64xf32, #tpu.memory_space<hbm>>
        %dma_start3A_249 = tpu.memref_squeeze %dma_start3A_248 : memref<1x8x64xf32, #tpu.memory_space<hbm>> -> memref<8x64xf32, #tpu.memory_space<hbm>>
        %dma_start3A_250 = arith.constant 0 : i32
        %dma_start3A_251 = arith.constant 0 : i32
        %dma_start3A_252 = tpu.memref_slice %arg6[%dma_start3A_241, %add3A_240, %dma_start3A_250, %dma_start3A_251] : memref<2x32x8x64xf32, #tpu.memory_space<vmem>> -> memref<1x1x8x64xf32, #tpu.memory_space<vmem>>
        %dma_start3A_253 = tpu.memref_squeeze %dma_start3A_252 : memref<1x1x8x64xf32, #tpu.memory_space<vmem>> -> memref<8x64xf32, #tpu.memory_space<vmem>>
        %dma_start3A_254 = arith.constant 0 : i32
        %dma_start3A_255 = arith.constant 0 : i32
        %dma_start3A_256 = tpu.memref_slice %arg3[%squeeze3A_236, %dma_start3A_254, %dma_start3A_255] : memref<125000x8x64xf32, #tpu.memory_space<hbm>> -> memref<1x8x64xf32, #tpu.memory_space<hbm>>
        %dma_start3A_257 = tpu.memref_squeeze %dma_start3A_256 : memref<1x8x64xf32, #tpu.memory_space<hbm>> -> memref<8x64xf32, #tpu.memory_space<hbm>>
        tpu.enqueue_dma source(%dma_start3A_257 : memref<8x64xf32, #tpu.memory_space<hbm>>) target(%dma_start3A_253 : memref<8x64xf32, #tpu.memory_space<vmem>>) target_semaphore(%arg9 : memref<!tpu.dma_semaphore, #tpu.memory_space<semaphore_mem>>)
        %slice3A_258 = vector.extract_strided_slice %shift_right_logical3A_99 {offsets = [7], sizes = [1], strides = [1]} : vector<16xi32> to vector<1xi32>
        %squeeze3A_259 = vector.extract %slice3A_258[0] : i32 from vector<1xi32>
        %mul3A_260 = arith.constant 16 : i32
        %mul3A_261 = arith.muli %scan3A_90, %mul3A_260 : i32
        %add3A_262 = arith.constant 7 : i32
        %add3A_263 = arith.addi %mul3A_261, %add3A_262 : i32
        %dma_start3A_264 = arith.constant 1 : i32
        %dma_start3A_265 = arith.constant 0 : i32
        %dma_start3A_266 = arith.constant 0 : i32
        %dma_start3A_267 = tpu.memref_slice %arg6[%dma_start3A_264, %add3A_263, %dma_start3A_265, %dma_start3A_266] : memref<2x32x8x64xf32, #tpu.memory_space<vmem>> -> memref<1x1x8x64xf32, #tpu.memory_space<vmem>>
        %dma_start3A_268 = tpu.memref_squeeze %dma_start3A_267 : memref<1x1x8x64xf32, #tpu.memory_space<vmem>> -> memref<8x64xf32, #tpu.memory_space<vmem>>
        %dma_start3A_269 = arith.constant 0 : i32
        %dma_start3A_270 = arith.constant 0 : i32
        %dma_start3A_271 = tpu.memref_slice %arg3[%squeeze3A_259, %dma_start3A_269, %dma_start3A_270] : memref<125000x8x64xf32, #tpu.memory_space<hbm>> -> memref<1x8x64xf32, #tpu.memory_space<hbm>>
        %dma_start3A_272 = tpu.memref_squeeze %dma_start3A_271 : memref<1x8x64xf32, #tpu.memory_space<hbm>> -> memref<8x64xf32, #tpu.memory_space<hbm>>
        %dma_start3A_273 = arith.constant 0 : i32
        %dma_start3A_274 = arith.constant 0 : i32
        %dma_start3A_275 = tpu.memref_slice %arg6[%dma_start3A_264, %add3A_263, %dma_start3A_273, %dma_start3A_274] : memref<2x32x8x64xf32, #tpu.memory_space<vmem>> -> memref<1x1x8x64xf32, #tpu.memory_space<vmem>>
        %dma_start3A_276 = tpu.memref_squeeze %dma_start3A_275 : memref<1x1x8x64xf32, #tpu.memory_space<vmem>> -> memref<8x64xf32, #tpu.memory_space<vmem>>
        %dma_start3A_277 = arith.constant 0 : i32
        %dma_start3A_278 = arith.constant 0 : i32
        %dma_start3A_279 = tpu.memref_slice %arg3[%squeeze3A_259, %dma_start3A_277, %dma_start3A_278] : memref<125000x8x64xf32, #tpu.memory_space<hbm>> -> memref<1x8x64xf32, #tpu.memory_space<hbm>>
        %dma_start3A_280 = tpu.memref_squeeze %dma_start3A_279 : memref<1x8x64xf32, #tpu.memory_space<hbm>> -> memref<8x64xf32, #tpu.memory_space<hbm>>
        tpu.enqueue_dma source(%dma_start3A_280 : memref<8x64xf32, #tpu.memory_space<hbm>>) target(%dma_start3A_276 : memref<8x64xf32, #tpu.memory_space<vmem>>) target_semaphore(%arg9 : memref<!tpu.dma_semaphore, #tpu.memory_space<semaphore_mem>>)
        %slice3A_281 = vector.extract_strided_slice %shift_right_logical3A_99 {offsets = [8], sizes = [1], strides = [1]} : vector<16xi32> to vector<1xi32>
        %squeeze3A_282 = vector.extract %slice3A_281[0] : i32 from vector<1xi32>
        %mul3A_283 = arith.constant 16 : i32
        %mul3A_284 = arith.muli %scan3A_90, %mul3A_283 : i32
        %add3A_285 = arith.constant 8 : i32
        %add3A_286 = arith.addi %mul3A_284, %add3A_285 : i32
        %dma_start3A_287 = arith.constant 1 : i32
        %dma_start3A_288 = arith.constant 0 : i32
        %dma_start3A_289 = arith.constant 0 : i32
        %dma_start3A_290 = tpu.memref_slice %arg6[%dma_start3A_287, %add3A_286, %dma_start3A_288, %dma_start3A_289] : memref<2x32x8x64xf32, #tpu.memory_space<vmem>> -> memref<1x1x8x64xf32, #tpu.memory_space<vmem>>
        %dma_start3A_291 = tpu.memref_squeeze %dma_start3A_290 : memref<1x1x8x64xf32, #tpu.memory_space<vmem>> -> memref<8x64xf32, #tpu.memory_space<vmem>>
        %dma_start3A_292 = arith.constant 0 : i32
        %dma_start3A_293 = arith.constant 0 : i32
        %dma_start3A_294 = tpu.memref_slice %arg3[%squeeze3A_282, %dma_start3A_292, %dma_start3A_293] : memref<125000x8x64xf32, #tpu.memory_space<hbm>> -> memref<1x8x64xf32, #tpu.memory_space<hbm>>
        %dma_start3A_295 = tpu.memref_squeeze %dma_start3A_294 : memref<1x8x64xf32, #tpu.memory_space<hbm>> -> memref<8x64xf32, #tpu.memory_space<hbm>>
        %dma_start3A_296 = arith.constant 0 : i32
        %dma_start3A_297 = arith.constant 0 : i32
        %dma_start3A_298 = tpu.memref_slice %arg6[%dma_start3A_287, %add3A_286, %dma_start3A_296, %dma_start3A_297] : memref<2x32x8x64xf32, #tpu.memory_space<vmem>> -> memref<1x1x8x64xf32, #tpu.memory_space<vmem>>
        %dma_start3A_299 = tpu.memref_squeeze %dma_start3A_298 : memref<1x1x8x64xf32, #tpu.memory_space<vmem>> -> memref<8x64xf32, #tpu.memory_space<vmem>>
        %dma_start3A_300 = arith.constant 0 : i32
        %dma_start3A_301 = arith.constant 0 : i32
        %dma_start3A_302 = tpu.memref_slice %arg3[%squeeze3A_282, %dma_start3A_300, %dma_start3A_301] : memref<125000x8x64xf32, #tpu.memory_space<hbm>> -> memref<1x8x64xf32, #tpu.memory_space<hbm>>
        %dma_start3A_303 = tpu.memref_squeeze %dma_start3A_302 : memref<1x8x64xf32, #tpu.memory_space<hbm>> -> memref<8x64xf32, #tpu.memory_space<hbm>>
        tpu.enqueue_dma source(%dma_start3A_303 : memref<8x64xf32, #tpu.memory_space<hbm>>) target(%dma_start3A_299 : memref<8x64xf32, #tpu.memory_space<vmem>>) target_semaphore(%arg9 : memref<!tpu.dma_semaphore, #tpu.memory_space<semaphore_mem>>)
        %slice3A_304 = vector.extract_strided_slice %shift_right_logical3A_99 {offsets = [9], sizes = [1], strides = [1]} : vector<16xi32> to vector<1xi32>
        %squeeze3A_305 = vector.extract %slice3A_304[0] : i32 from vector<1xi32>
        %mul3A_306 = arith.constant 16 : i32
        %mul3A_307 = arith.muli %scan3A_90, %mul3A_306 : i32
        %add3A_308 = arith.constant 9 : i32
        %add3A_309 = arith.addi %mul3A_307, %add3A_308 : i32
        %dma_start3A_310 = arith.constant 1 : i32
        %dma_start3A_311 = arith.constant 0 : i32
        %dma_start3A_312 = arith.constant 0 : i32
        %dma_start3A_313 = tpu.memref_slice %arg6[%dma_start3A_310, %add3A_309, %dma_start3A_311, %dma_start3A_312] : memref<2x32x8x64xf32, #tpu.memory_space<vmem>> -> memref<1x1x8x64xf32, #tpu.memory_space<vmem>>
        %dma_start3A_314 = tpu.memref_squeeze %dma_start3A_313 : memref<1x1x8x64xf32, #tpu.memory_space<vmem>> -> memref<8x64xf32, #tpu.memory_space<vmem>>
        %dma_start3A_315 = arith.constant 0 : i32
        %dma_start3A_316 = arith.constant 0 : i32
        %dma_start3A_317 = tpu.memref_slice %arg3[%squeeze3A_305, %dma_start3A_315, %dma_start3A_316] : memref<125000x8x64xf32, #tpu.memory_space<hbm>> -> memref<1x8x64xf32, #tpu.memory_space<hbm>>
        %dma_start3A_318 = tpu.memref_squeeze %dma_start3A_317 : memref<1x8x64xf32, #tpu.memory_space<hbm>> -> memref<8x64xf32, #tpu.memory_space<hbm>>
        %dma_start3A_319 = arith.constant 0 : i32
        %dma_start3A_320 = arith.constant 0 : i32
        %dma_start3A_321 = tpu.memref_slice %arg6[%dma_start3A_310, %add3A_309, %dma_start3A_319, %dma_start3A_320] : memref<2x32x8x64xf32, #tpu.memory_space<vmem>> -> memref<1x1x8x64xf32, #tpu.memory_space<vmem>>
        %dma_start3A_322 = tpu.memref_squeeze %dma_start3A_321 : memref<1x1x8x64xf32, #tpu.memory_space<vmem>> -> memref<8x64xf32, #tpu.memory_space<vmem>>
        %dma_start3A_323 = arith.constant 0 : i32
        %dma_start3A_324 = arith.constant 0 : i32
        %dma_start3A_325 = tpu.memref_slice %arg3[%squeeze3A_305, %dma_start3A_323, %dma_start3A_324] : memref<125000x8x64xf32, #tpu.memory_space<hbm>> -> memref<1x8x64xf32, #tpu.memory_space<hbm>>
        %dma_start3A_326 = tpu.memref_squeeze %dma_start3A_325 : memref<1x8x64xf32, #tpu.memory_space<hbm>> -> memref<8x64xf32, #tpu.memory_space<hbm>>
        tpu.enqueue_dma source(%dma_start3A_326 : memref<8x64xf32, #tpu.memory_space<hbm>>) target(%dma_start3A_322 : memref<8x64xf32, #tpu.memory_space<vmem>>) target_semaphore(%arg9 : memref<!tpu.dma_semaphore, #tpu.memory_space<semaphore_mem>>)
        %slice3A_327 = vector.extract_strided_slice %shift_right_logical3A_99 {offsets = [10], sizes = [1], strides = [1]} : vector<16xi32> to vector<1xi32>
        %squeeze3A_328 = vector.extract %slice3A_327[0] : i32 from vector<1xi32>
        %mul3A_329 = arith.constant 16 : i32
        %mul3A_330 = arith.muli %scan3A_90, %mul3A_329 : i32
        %add3A_331 = arith.constant 10 : i32
        %add3A_332 = arith.addi %mul3A_330, %add3A_331 : i32
        %dma_start3A_333 = arith.constant 1 : i32
        %dma_start3A_334 = arith.constant 0 : i32
        %dma_start3A_335 = arith.constant 0 : i32
        %dma_start3A_336 = tpu.memref_slice %arg6[%dma_start3A_333, %add3A_332, %dma_start3A_334, %dma_start3A_335] : memref<2x32x8x64xf32, #tpu.memory_space<vmem>> -> memref<1x1x8x64xf32, #tpu.memory_space<vmem>>
        %dma_start3A_337 = tpu.memref_squeeze %dma_start3A_336 : memref<1x1x8x64xf32, #tpu.memory_space<vmem>> -> memref<8x64xf32, #tpu.memory_space<vmem>>
        %dma_start3A_338 = arith.constant 0 : i32
        %dma_start3A_339 = arith.constant 0 : i32
        %dma_start3A_340 = tpu.memref_slice %arg3[%squeeze3A_328, %dma_start3A_338, %dma_start3A_339] : memref<125000x8x64xf32, #tpu.memory_space<hbm>> -> memref<1x8x64xf32, #tpu.memory_space<hbm>>
        %dma_start3A_341 = tpu.memref_squeeze %dma_start3A_340 : memref<1x8x64xf32, #tpu.memory_space<hbm>> -> memref<8x64xf32, #tpu.memory_space<hbm>>
        %dma_start3A_342 = arith.constant 0 : i32
        %dma_start3A_343 = arith.constant 0 : i32
        %dma_start3A_344 = tpu.memref_slice %arg6[%dma_start3A_333, %add3A_332, %dma_start3A_342, %dma_start3A_343] : memref<2x32x8x64xf32, #tpu.memory_space<vmem>> -> memref<1x1x8x64xf32, #tpu.memory_space<vmem>>
        %dma_start3A_345 = tpu.memref_squeeze %dma_start3A_344 : memref<1x1x8x64xf32, #tpu.memory_space<vmem>> -> memref<8x64xf32, #tpu.memory_space<vmem>>
        %dma_start3A_346 = arith.constant 0 : i32
        %dma_start3A_347 = arith.constant 0 : i32
        %dma_start3A_348 = tpu.memref_slice %arg3[%squeeze3A_328, %dma_start3A_346, %dma_start3A_347] : memref<125000x8x64xf32, #tpu.memory_space<hbm>> -> memref<1x8x64xf32, #tpu.memory_space<hbm>>
        %dma_start3A_349 = tpu.memref_squeeze %dma_start3A_348 : memref<1x8x64xf32, #tpu.memory_space<hbm>> -> memref<8x64xf32, #tpu.memory_space<hbm>>
        tpu.enqueue_dma source(%dma_start3A_349 : memref<8x64xf32, #tpu.memory_space<hbm>>) target(%dma_start3A_345 : memref<8x64xf32, #tpu.memory_space<vmem>>) target_semaphore(%arg9 : memref<!tpu.dma_semaphore, #tpu.memory_space<semaphore_mem>>)
        %slice3A_350 = vector.extract_strided_slice %shift_right_logical3A_99 {offsets = [11], sizes = [1], strides = [1]} : vector<16xi32> to vector<1xi32>
        %squeeze3A_351 = vector.extract %slice3A_350[0] : i32 from vector<1xi32>
        %mul3A_352 = arith.constant 16 : i32
        %mul3A_353 = arith.muli %scan3A_90, %mul3A_352 : i32
        %add3A_354 = arith.constant 11 : i32
        %add3A_355 = arith.addi %mul3A_353, %add3A_354 : i32
        %dma_start3A_356 = arith.constant 1 : i32
        %dma_start3A_357 = arith.constant 0 : i32
        %dma_start3A_358 = arith.constant 0 : i32
        %dma_start3A_359 = tpu.memref_slice %arg6[%dma_start3A_356, %add3A_355, %dma_start3A_357, %dma_start3A_358] : memref<2x32x8x64xf32, #tpu.memory_space<vmem>> -> memref<1x1x8x64xf32, #tpu.memory_space<vmem>>
        %dma_start3A_360 = tpu.memref_squeeze %dma_start3A_359 : memref<1x1x8x64xf32, #tpu.memory_space<vmem>> -> memref<8x64xf32, #tpu.memory_space<vmem>>
        %dma_start3A_361 = arith.constant 0 : i32
        %dma_start3A_362 = arith.constant 0 : i32
        %dma_start3A_363 = tpu.memref_slice %arg3[%squeeze3A_351, %dma_start3A_361, %dma_start3A_362] : memref<125000x8x64xf32, #tpu.memory_space<hbm>> -> memref<1x8x64xf32, #tpu.memory_space<hbm>>
        %dma_start3A_364 = tpu.memref_squeeze %dma_start3A_363 : memref<1x8x64xf32, #tpu.memory_space<hbm>> -> memref<8x64xf32, #tpu.memory_space<hbm>>
        %dma_start3A_365 = arith.constant 0 : i32
        %dma_start3A_366 = arith.constant 0 : i32
        %dma_start3A_367 = tpu.memref_slice %arg6[%dma_start3A_356, %add3A_355, %dma_start3A_365, %dma_start3A_366] : memref<2x32x8x64xf32, #tpu.memory_space<vmem>> -> memref<1x1x8x64xf32, #tpu.memory_space<vmem>>
        %dma_start3A_368 = tpu.memref_squeeze %dma_start3A_367 : memref<1x1x8x64xf32, #tpu.memory_space<vmem>> -> memref<8x64xf32, #tpu.memory_space<vmem>>
        %dma_start3A_369 = arith.constant 0 : i32
        %dma_start3A_370 = arith.constant 0 : i32
        %dma_start3A_371 = tpu.memref_slice %arg3[%squeeze3A_351, %dma_start3A_369, %dma_start3A_370] : memref<125000x8x64xf32, #tpu.memory_space<hbm>> -> memref<1x8x64xf32, #tpu.memory_space<hbm>>
        %dma_start3A_372 = tpu.memref_squeeze %dma_start3A_371 : memref<1x8x64xf32, #tpu.memory_space<hbm>> -> memref<8x64xf32, #tpu.memory_space<hbm>>
        tpu.enqueue_dma source(%dma_start3A_372 : memref<8x64xf32, #tpu.memory_space<hbm>>) target(%dma_start3A_368 : memref<8x64xf32, #tpu.memory_space<vmem>>) target_semaphore(%arg9 : memref<!tpu.dma_semaphore, #tpu.memory_space<semaphore_mem>>)
        %slice3A_373 = vector.extract_strided_slice %shift_right_logical3A_99 {offsets = [12], sizes = [1], strides = [1]} : vector<16xi32> to vector<1xi32>
        %squeeze3A_374 = vector.extract %slice3A_373[0] : i32 from vector<1xi32>
        %mul3A_375 = arith.constant 16 : i32
        %mul3A_376 = arith.muli %scan3A_90, %mul3A_375 : i32
        %add3A_377 = arith.constant 12 : i32
        %add3A_378 = arith.addi %mul3A_376, %add3A_377 : i32
        %dma_start3A_379 = arith.constant 1 : i32
        %dma_start3A_380 = arith.constant 0 : i32
        %dma_start3A_381 = arith.constant 0 : i32
        %dma_start3A_382 = tpu.memref_slice %arg6[%dma_start3A_379, %add3A_378, %dma_start3A_380, %dma_start3A_381] : memref<2x32x8x64xf32, #tpu.memory_space<vmem>> -> memref<1x1x8x64xf32, #tpu.memory_space<vmem>>
        %dma_start3A_383 = tpu.memref_squeeze %dma_start3A_382 : memref<1x1x8x64xf32, #tpu.memory_space<vmem>> -> memref<8x64xf32, #tpu.memory_space<vmem>>
        %dma_start3A_384 = arith.constant 0 : i32
        %dma_start3A_385 = arith.constant 0 : i32
        %dma_start3A_386 = tpu.memref_slice %arg3[%squeeze3A_374, %dma_start3A_384, %dma_start3A_385] : memref<125000x8x64xf32, #tpu.memory_space<hbm>> -> memref<1x8x64xf32, #tpu.memory_space<hbm>>
        %dma_start3A_387 = tpu.memref_squeeze %dma_start3A_386 : memref<1x8x64xf32, #tpu.memory_space<hbm>> -> memref<8x64xf32, #tpu.memory_space<hbm>>
        %dma_start3A_388 = arith.constant 0 : i32
        %dma_start3A_389 = arith.constant 0 : i32
        %dma_start3A_390 = tpu.memref_slice %arg6[%dma_start3A_379, %add3A_378, %dma_start3A_388, %dma_start3A_389] : memref<2x32x8x64xf32, #tpu.memory_space<vmem>> -> memref<1x1x8x64xf32, #tpu.memory_space<vmem>>
        %dma_start3A_391 = tpu.memref_squeeze %dma_start3A_390 : memref<1x1x8x64xf32, #tpu.memory_space<vmem>> -> memref<8x64xf32, #tpu.memory_space<vmem>>
        %dma_start3A_392 = arith.constant 0 : i32
        %dma_start3A_393 = arith.constant 0 : i32
        %dma_start3A_394 = tpu.memref_slice %arg3[%squeeze3A_374, %dma_start3A_392, %dma_start3A_393] : memref<125000x8x64xf32, #tpu.memory_space<hbm>> -> memref<1x8x64xf32, #tpu.memory_space<hbm>>
        %dma_start3A_395 = tpu.memref_squeeze %dma_start3A_394 : memref<1x8x64xf32, #tpu.memory_space<hbm>> -> memref<8x64xf32, #tpu.memory_space<hbm>>
        tpu.enqueue_dma source(%dma_start3A_395 : memref<8x64xf32, #tpu.memory_space<hbm>>) target(%dma_start3A_391 : memref<8x64xf32, #tpu.memory_space<vmem>>) target_semaphore(%arg9 : memref<!tpu.dma_semaphore, #tpu.memory_space<semaphore_mem>>)
        %slice3A_396 = vector.extract_strided_slice %shift_right_logical3A_99 {offsets = [13], sizes = [1], strides = [1]} : vector<16xi32> to vector<1xi32>
        %squeeze3A_397 = vector.extract %slice3A_396[0] : i32 from vector<1xi32>
        %mul3A_398 = arith.constant 16 : i32
        %mul3A_399 = arith.muli %scan3A_90, %mul3A_398 : i32
        %add3A_400 = arith.constant 13 : i32
        %add3A_401 = arith.addi %mul3A_399, %add3A_400 : i32
        %dma_start3A_402 = arith.constant 1 : i32
        %dma_start3A_403 = arith.constant 0 : i32
        %dma_start3A_404 = arith.constant 0 : i32
        %dma_start3A_405 = tpu.memref_slice %arg6[%dma_start3A_402, %add3A_401, %dma_start3A_403, %dma_start3A_404] : memref<2x32x8x64xf32, #tpu.memory_space<vmem>> -> memref<1x1x8x64xf32, #tpu.memory_space<vmem>>
        %dma_start3A_406 = tpu.memref_squeeze %dma_start3A_405 : memref<1x1x8x64xf32, #tpu.memory_space<vmem>> -> memref<8x64xf32, #tpu.memory_space<vmem>>
        %dma_start3A_407 = arith.constant 0 : i32
        %dma_start3A_408 = arith.constant 0 : i32
        %dma_start3A_409 = tpu.memref_slice %arg3[%squeeze3A_397, %dma_start3A_407, %dma_start3A_408] : memref<125000x8x64xf32, #tpu.memory_space<hbm>> -> memref<1x8x64xf32, #tpu.memory_space<hbm>>
        %dma_start3A_410 = tpu.memref_squeeze %dma_start3A_409 : memref<1x8x64xf32, #tpu.memory_space<hbm>> -> memref<8x64xf32, #tpu.memory_space<hbm>>
        %dma_start3A_411 = arith.constant 0 : i32
        %dma_start3A_412 = arith.constant 0 : i32
        %dma_start3A_413 = tpu.memref_slice %arg6[%dma_start3A_402, %add3A_401, %dma_start3A_411, %dma_start3A_412] : memref<2x32x8x64xf32, #tpu.memory_space<vmem>> -> memref<1x1x8x64xf32, #tpu.memory_space<vmem>>
        %dma_start3A_414 = tpu.memref_squeeze %dma_start3A_413 : memref<1x1x8x64xf32, #tpu.memory_space<vmem>> -> memref<8x64xf32, #tpu.memory_space<vmem>>
        %dma_start3A_415 = arith.constant 0 : i32
        %dma_start3A_416 = arith.constant 0 : i32
        %dma_start3A_417 = tpu.memref_slice %arg3[%squeeze3A_397, %dma_start3A_415, %dma_start3A_416] : memref<125000x8x64xf32, #tpu.memory_space<hbm>> -> memref<1x8x64xf32, #tpu.memory_space<hbm>>
        %dma_start3A_418 = tpu.memref_squeeze %dma_start3A_417 : memref<1x8x64xf32, #tpu.memory_space<hbm>> -> memref<8x64xf32, #tpu.memory_space<hbm>>
        tpu.enqueue_dma source(%dma_start3A_418 : memref<8x64xf32, #tpu.memory_space<hbm>>) target(%dma_start3A_414 : memref<8x64xf32, #tpu.memory_space<vmem>>) target_semaphore(%arg9 : memref<!tpu.dma_semaphore, #tpu.memory_space<semaphore_mem>>)
        %slice3A_419 = vector.extract_strided_slice %shift_right_logical3A_99 {offsets = [14], sizes = [1], strides = [1]} : vector<16xi32> to vector<1xi32>
        %squeeze3A_420 = vector.extract %slice3A_419[0] : i32 from vector<1xi32>
        %mul3A_421 = arith.constant 16 : i32
        %mul3A_422 = arith.muli %scan3A_90, %mul3A_421 : i32
        %add3A_423 = arith.constant 14 : i32
        %add3A_424 = arith.addi %mul3A_422, %add3A_423 : i32
        %dma_start3A_425 = arith.constant 1 : i32
        %dma_start3A_426 = arith.constant 0 : i32
        %dma_start3A_427 = arith.constant 0 : i32
        %dma_start3A_428 = tpu.memref_slice %arg6[%dma_start3A_425, %add3A_424, %dma_start3A_426, %dma_start3A_427] : memref<2x32x8x64xf32, #tpu.memory_space<vmem>> -> memref<1x1x8x64xf32, #tpu.memory_space<vmem>>
        %dma_start3A_429 = tpu.memref_squeeze %dma_start3A_428 : memref<1x1x8x64xf32, #tpu.memory_space<vmem>> -> memref<8x64xf32, #tpu.memory_space<vmem>>
        %dma_start3A_430 = arith.constant 0 : i32
        %dma_start3A_431 = arith.constant 0 : i32
        %dma_start3A_432 = tpu.memref_slice %arg3[%squeeze3A_420, %dma_start3A_430, %dma_start3A_431] : memref<125000x8x64xf32, #tpu.memory_space<hbm>> -> memref<1x8x64xf32, #tpu.memory_space<hbm>>
        %dma_start3A_433 = tpu.memref_squeeze %dma_start3A_432 : memref<1x8x64xf32, #tpu.memory_space<hbm>> -> memref<8x64xf32, #tpu.memory_space<hbm>>
        %dma_start3A_434 = arith.constant 0 : i32
        %dma_start3A_435 = arith.constant 0 : i32
        %dma_start3A_436 = tpu.memref_slice %arg6[%dma_start3A_425, %add3A_424, %dma_start3A_434, %dma_start3A_435] : memref<2x32x8x64xf32, #tpu.memory_space<vmem>> -> memref<1x1x8x64xf32, #tpu.memory_space<vmem>>
        %dma_start3A_437 = tpu.memref_squeeze %dma_start3A_436 : memref<1x1x8x64xf32, #tpu.memory_space<vmem>> -> memref<8x64xf32, #tpu.memory_space<vmem>>
        %dma_start3A_438 = arith.constant 0 : i32
        %dma_start3A_439 = arith.constant 0 : i32
        %dma_start3A_440 = tpu.memref_slice %arg3[%squeeze3A_420, %dma_start3A_438, %dma_start3A_439] : memref<125000x8x64xf32, #tpu.memory_space<hbm>> -> memref<1x8x64xf32, #tpu.memory_space<hbm>>
        %dma_start3A_441 = tpu.memref_squeeze %dma_start3A_440 : memref<1x8x64xf32, #tpu.memory_space<hbm>> -> memref<8x64xf32, #tpu.memory_space<hbm>>
        tpu.enqueue_dma source(%dma_start3A_441 : memref<8x64xf32, #tpu.memory_space<hbm>>) target(%dma_start3A_437 : memref<8x64xf32, #tpu.memory_space<vmem>>) target_semaphore(%arg9 : memref<!tpu.dma_semaphore, #tpu.memory_space<semaphore_mem>>)
        %slice3A_442 = vector.extract_strided_slice %shift_right_logical3A_99 {offsets = [15], sizes = [1], strides = [1]} : vector<16xi32> to vector<1xi32>
        %squeeze3A_443 = vector.extract %slice3A_442[0] : i32 from vector<1xi32>
        %mul3A_444 = arith.constant 16 : i32
        %mul3A_445 = arith.muli %scan3A_90, %mul3A_444 : i32
        %add3A_446 = arith.constant 15 : i32
        %add3A_447 = arith.addi %mul3A_445, %add3A_446 : i32
        %dma_start3A_448 = arith.constant 1 : i32
        %dma_start3A_449 = arith.constant 0 : i32
        %dma_start3A_450 = arith.constant 0 : i32
        %dma_start3A_451 = tpu.memref_slice %arg6[%dma_start3A_448, %add3A_447, %dma_start3A_449, %dma_start3A_450] : memref<2x32x8x64xf32, #tpu.memory_space<vmem>> -> memref<1x1x8x64xf32, #tpu.memory_space<vmem>>
        %dma_start3A_452 = tpu.memref_squeeze %dma_start3A_451 : memref<1x1x8x64xf32, #tpu.memory_space<vmem>> -> memref<8x64xf32, #tpu.memory_space<vmem>>
        %dma_start3A_453 = arith.constant 0 : i32
        %dma_start3A_454 = arith.constant 0 : i32
        %dma_start3A_455 = tpu.memref_slice %arg3[%squeeze3A_443, %dma_start3A_453, %dma_start3A_454] : memref<125000x8x64xf32, #tpu.memory_space<hbm>> -> memref<1x8x64xf32, #tpu.memory_space<hbm>>
        %dma_start3A_456 = tpu.memref_squeeze %dma_start3A_455 : memref<1x8x64xf32, #tpu.memory_space<hbm>> -> memref<8x64xf32, #tpu.memory_space<hbm>>
        %dma_start3A_457 = arith.constant 0 : i32
        %dma_start3A_458 = arith.constant 0 : i32
        %dma_start3A_459 = tpu.memref_slice %arg6[%dma_start3A_448, %add3A_447, %dma_start3A_457, %dma_start3A_458] : memref<2x32x8x64xf32, #tpu.memory_space<vmem>> -> memref<1x1x8x64xf32, #tpu.memory_space<vmem>>
        %dma_start3A_460 = tpu.memref_squeeze %dma_start3A_459 : memref<1x1x8x64xf32, #tpu.memory_space<vmem>> -> memref<8x64xf32, #tpu.memory_space<vmem>>
        %dma_start3A_461 = arith.constant 0 : i32
        %dma_start3A_462 = arith.constant 0 : i32
        %dma_start3A_463 = tpu.memref_slice %arg3[%squeeze3A_443, %dma_start3A_461, %dma_start3A_462] : memref<125000x8x64xf32, #tpu.memory_space<hbm>> -> memref<1x8x64xf32, #tpu.memory_space<hbm>>
        %dma_start3A_464 = tpu.memref_squeeze %dma_start3A_463 : memref<1x8x64xf32, #tpu.memory_space<hbm>> -> memref<8x64xf32, #tpu.memory_space<hbm>>
        tpu.enqueue_dma source(%dma_start3A_464 : memref<8x64xf32, #tpu.memory_space<hbm>>) target(%dma_start3A_460 : memref<8x64xf32, #tpu.memory_space<vmem>>) target_semaphore(%arg9 : memref<!tpu.dma_semaphore, #tpu.memory_space<semaphore_mem>>)
      }
      %scan3A_42 = arith.constant 2 : i32
      %scan3A_43 = arith.constant 0 : i32
      %scan3A_44 = arith.constant 0 : i32
      %scan3A_45 = arith.constant 2 : i32
      %scan3A_46 = arith.addi %scan3A_44, %scan3A_45 : i32
      %scan3A_47 = arith.constant 1 : i32
      scf.for %scan3A_90 = %scan3A_44 to %scan3A_46 step %scan3A_47  : i32 {
        %mul3A_91 = arith.constant 32 : i32
        %mul3A_92 = arith.muli %mul3A_16, %mul3A_91 : i32
        %mul3A_93 = arith.constant 16 : i32
        %mul3A_94 = arith.muli %scan3A_90, %mul3A_93 : i32
        %add3A_95 = arith.addi %mul3A_92, %mul3A_94 : i32
        %get3A = arith.index_cast %add3A_95 : i32 to index
        %get3A_96 = tpu.vector_load %arg5[%get3A] {strides = array<i32>} : memref<640xi32, #tpu.memory_space<vmem>>, vector<16xi32>,
        %get3A_97 = vector.shape_cast %get3A_96 : vector<16xi32> to vector<16xi32>
        %rem3A = arith.constant 8 : i32
        %rem3A_98 = vector.broadcast %rem3A : i32 to vector<16xi32>
        %rem3A_99 = arith.remsi %get3A_97, %rem3A_98 : vector<16xi32>
        %slice3A = vector.extract_strided_slice %rem3A_99 {offsets = [0], sizes = [1], strides = [1]} : vector<16xi32> to vector<1xi32>
        %squeeze3A = vector.extract %slice3A[0] : i32 from vector<1xi32>
        %mul3A_100 = arith.constant 16 : i32
        %mul3A_101 = arith.muli %scan3A_90, %mul3A_100 : i32
        %add3A_102 = arith.constant 0 : i32
        %add3A_103 = arith.addi %mul3A_101, %add3A_102 : i32
        %get3A_104 = arith.constant 0 : i32
        %get3A_105 = arith.index_cast %get3A_104 : i32 to index
        %get3A_106 = arith.index_cast %add3A_103 : i32 to index
        %get3A_107 = arith.index_cast %squeeze3A : i32 to index
        %get3A_108 = arith.constant 0 : index
        %get3A_109 = tpu.vector_load %arg6[%get3A_105, %get3A_106, %get3A_107, %get3A_108] {strides = array<i32>} : memref<2x32x8x64xf32, #tpu.memory_space<vmem>>, vector<1x1x1x16xf32>,
        %get3A_110 = vector.shape_cast %get3A_109 : vector<1x1x1x16xf32> to vector<16xf32>
        %swap3A = arith.index_cast %add3A_103 : i32 to index
        %swap3A_111 = arith.constant 0 : index
        %swap3A_112 = tpu.vector_load %arg7[%swap3A, %swap3A_111] {strides = array<i32>} : memref<32x64xf32, #tpu.memory_space<vmem>>, vector<1x16xf32>,
        %swap3A_113 = vector.shape_cast %swap3A_112 : vector<1x16xf32> to vector<16xf32>
        %swap3A_114 = vector.shape_cast %get3A_110 : vector<16xf32> to vector<1x16xf32>
        tpu.vector_store %arg7[%swap3A, %swap3A_111], %swap3A_114 {strides = array<i32>} : memref<32x64xf32, #tpu.memory_space<vmem>>, vector<1x16xf32>,
        %get3A_115 = arith.constant 0 : i32
        %get3A_116 = arith.index_cast %get3A_115 : i32 to index
        %get3A_117 = arith.index_cast %add3A_103 : i32 to index
        %get3A_118 = arith.index_cast %squeeze3A : i32 to index
        %get3A_119 = arith.constant 16 : index
        %get3A_120 = tpu.vector_load %arg6[%get3A_116, %get3A_117, %get3A_118, %get3A_119] {strides = array<i32>} : memref<2x32x8x64xf32, #tpu.memory_space<vmem>>, vector<1x1x1x16xf32>,
        %get3A_121 = vector.shape_cast %get3A_120 : vector<1x1x1x16xf32> to vector<16xf32>
        %swap3A_122 = arith.index_cast %add3A_103 : i32 to index
        %swap3A_123 = arith.constant 16 : index
        %swap3A_124 = tpu.vector_load %arg7[%swap3A_122, %swap3A_123] {strides = array<i32>} : memref<32x64xf32, #tpu.memory_space<vmem>>, vector<1x16xf32>,
        %swap3A_125 = vector.shape_cast %swap3A_124 : vector<1x16xf32> to vector<16xf32>
        %swap3A_126 = vector.shape_cast %get3A_121 : vector<16xf32> to vector<1x16xf32>
        tpu.vector_store %arg7[%swap3A_122, %swap3A_123], %swap3A_126 {strides = array<i32>} : memref<32x64xf32, #tpu.memory_space<vmem>>, vector<1x16xf32>,
        %get3A_127 = arith.constant 0 : i32
        %get3A_128 = arith.index_cast %get3A_127 : i32 to index
        %get3A_129 = arith.index_cast %add3A_103 : i32 to index
        %get3A_130 = arith.index_cast %squeeze3A : i32 to index
        %get3A_131 = arith.constant 32 : index
        %get3A_132 = tpu.vector_load %arg6[%get3A_128, %get3A_129, %get3A_130, %get3A_131] {strides = array<i32>} : memref<2x32x8x64xf32, #tpu.memory_space<vmem>>, vector<1x1x1x16xf32>,
        %get3A_133 = vector.shape_cast %get3A_132 : vector<1x1x1x16xf32> to vector<16xf32>
        %swap3A_134 = arith.index_cast %add3A_103 : i32 to index
        %swap3A_135 = arith.constant 32 : index
        %swap3A_136 = tpu.vector_load %arg7[%swap3A_134, %swap3A_135] {strides = array<i32>} : memref<32x64xf32, #tpu.memory_space<vmem>>, vector<1x16xf32>,
        %swap3A_137 = vector.shape_cast %swap3A_136 : vector<1x16xf32> to vector<16xf32>
        %swap3A_138 = vector.shape_cast %get3A_133 : vector<16xf32> to vector<1x16xf32>
        tpu.vector_store %arg7[%swap3A_134, %swap3A_135], %swap3A_138 {strides = array<i32>} : memref<32x64xf32, #tpu.memory_space<vmem>>, vector<1x16xf32>,
        %get3A_139 = arith.constant 0 : i32
        %get3A_140 = arith.index_cast %get3A_139 : i32 to index
        %get3A_141 = arith.index_cast %add3A_103 : i32 to index
        %get3A_142 = arith.index_cast %squeeze3A : i32 to index
        %get3A_143 = arith.constant 48 : index
        %get3A_144 = tpu.vector_load %arg6[%get3A_140, %get3A_141, %get3A_142, %get3A_143] {strides = array<i32>} : memref<2x32x8x64xf32, #tpu.memory_space<vmem>>, vector<1x1x1x16xf32>,
        %get3A_145 = vector.shape_cast %get3A_144 : vector<1x1x1x16xf32> to vector<16xf32>
        %swap3A_146 = arith.index_cast %add3A_103 : i32 to index
        %swap3A_147 = arith.constant 48 : index
        %swap3A_148 = tpu.vector_load %arg7[%swap3A_146, %swap3A_147] {strides = array<i32>} : memref<32x64xf32, #tpu.memory_space<vmem>>, vector<1x16xf32>,
        %swap3A_149 = vector.shape_cast %swap3A_148 : vector<1x16xf32> to vector<16xf32>
        %swap3A_150 = vector.shape_cast %get3A_145 : vector<16xf32> to vector<1x16xf32>
        tpu.vector_store %arg7[%swap3A_146, %swap3A_147], %swap3A_150 {strides = array<i32>} : memref<32x64xf32, #tpu.memory_space<vmem>>, vector<1x16xf32>,
        %slice3A_151 = vector.extract_strided_slice %rem3A_99 {offsets = [1], sizes = [1], strides = [1]} : vector<16xi32> to vector<1xi32>
        %squeeze3A_152 = vector.extract %slice3A_151[0] : i32 from vector<1xi32>
        %mul3A_153 = arith.constant 16 : i32
        %mul3A_154 = arith.muli %scan3A_90, %mul3A_153 : i32
        %add3A_155 = arith.constant 1 : i32
        %add3A_156 = arith.addi %mul3A_154, %add3A_155 : i32
        %get3A_157 = arith.constant 0 : i32
        %get3A_158 = arith.index_cast %get3A_157 : i32 to index
        %get3A_159 = arith.index_cast %add3A_156 : i32 to index
        %get3A_160 = arith.index_cast %squeeze3A_152 : i32 to index
        %get3A_161 = arith.constant 0 : index
        %get3A_162 = tpu.vector_load %arg6[%get3A_158, %get3A_159, %get3A_160, %get3A_161] {strides = array<i32>} : memref<2x32x8x64xf32, #tpu.memory_space<vmem>>, vector<1x1x1x16xf32>,
        %get3A_163 = vector.shape_cast %get3A_162 : vector<1x1x1x16xf32> to vector<16xf32>
        %swap3A_164 = arith.index_cast %add3A_156 : i32 to index
        %swap3A_165 = arith.constant 0 : index
        %swap3A_166 = tpu.vector_load %arg7[%swap3A_164, %swap3A_165] {strides = array<i32>} : memref<32x64xf32, #tpu.memory_space<vmem>>, vector<1x16xf32>,
        %swap3A_167 = vector.shape_cast %swap3A_166 : vector<1x16xf32> to vector<16xf32>
        %swap3A_168 = vector.shape_cast %get3A_163 : vector<16xf32> to vector<1x16xf32>
        tpu.vector_store %arg7[%swap3A_164, %swap3A_165], %swap3A_168 {strides = array<i32>} : memref<32x64xf32, #tpu.memory_space<vmem>>, vector<1x16xf32>,
        %get3A_169 = arith.constant 0 : i32
        %get3A_170 = arith.index_cast %get3A_169 : i32 to index
        %get3A_171 = arith.index_cast %add3A_156 : i32 to index
        %get3A_172 = arith.index_cast %squeeze3A_152 : i32 to index
        %get3A_173 = arith.constant 16 : index
        %get3A_174 = tpu.vector_load %arg6[%get3A_170, %get3A_171, %get3A_172, %get3A_173] {strides = array<i32>} : memref<2x32x8x64xf32, #tpu.memory_space<vmem>>, vector<1x1x1x16xf32>,
        %get3A_175 = vector.shape_cast %get3A_174 : vector<1x1x1x16xf32> to vector<16xf32>
        %swap3A_176 = arith.index_cast %add3A_156 : i32 to index
        %swap3A_177 = arith.constant 16 : index
        %swap3A_178 = tpu.vector_load %arg7[%swap3A_176, %swap3A_177] {strides = array<i32>} : memref<32x64xf32, #tpu.memory_space<vmem>>, vector<1x16xf32>,
        %swap3A_179 = vector.shape_cast %swap3A_178 : vector<1x16xf32> to vector<16xf32>
        %swap3A_180 = vector.shape_cast %get3A_175 : vector<16xf32> to vector<1x16xf32>
        tpu.vector_store %arg7[%swap3A_176, %swap3A_177], %swap3A_180 {strides = array<i32>} : memref<32x64xf32, #tpu.memory_space<vmem>>, vector<1x16xf32>,
        %get3A_181 = arith.constant 0 : i32
        %get3A_182 = arith.index_cast %get3A_181 : i32 to index
        %get3A_183 = arith.index_cast %add3A_156 : i32 to index
        %get3A_184 = arith.index_cast %squeeze3A_152 : i32 to index
        %get3A_185 = arith.constant 32 : index
        %get3A_186 = tpu.vector_load %arg6[%get3A_182, %get3A_183, %get3A_184, %get3A_185] {strides = array<i32>} : memref<2x32x8x64xf32, #tpu.memory_space<vmem>>, vector<1x1x1x16xf32>,
        %get3A_187 = vector.shape_cast %get3A_186 : vector<1x1x1x16xf32> to vector<16xf32>
        %swap3A_188 = arith.index_cast %add3A_156 : i32 to index
        %swap3A_189 = arith.constant 32 : index
        %swap3A_190 = tpu.vector_load %arg7[%swap3A_188, %swap3A_189] {strides = array<i32>} : memref<32x64xf32, #tpu.memory_space<vmem>>, vector<1x16xf32>,
        %swap3A_191 = vector.shape_cast %swap3A_190 : vector<1x16xf32> to vector<16xf32>
        %swap3A_192 = vector.shape_cast %get3A_187 : vector<16xf32> to vector<1x16xf32>
        tpu.vector_store %arg7[%swap3A_188, %swap3A_189], %swap3A_192 {strides = array<i32>} : memref<32x64xf32, #tpu.memory_space<vmem>>, vector<1x16xf32>,
        %get3A_193 = arith.constant 0 : i32
        %get3A_194 = arith.index_cast %get3A_193 : i32 to index
        %get3A_195 = arith.index_cast %add3A_156 : i32 to index
        %get3A_196 = arith.index_cast %squeeze3A_152 : i32 to index
        %get3A_197 = arith.constant 48 : index
        %get3A_198 = tpu.vector_load %arg6[%get3A_194, %get3A_195, %get3A_196, %get3A_197] {strides = array<i32>} : memref<2x32x8x64xf32, #tpu.memory_space<vmem>>, vector<1x1x1x16xf32>,
        %get3A_199 = vector.shape_cast %get3A_198 : vector<1x1x1x16xf32> to vector<16xf32>
        %swap3A_200 = arith.index_cast %add3A_156 : i32 to index
        %swap3A_201 = arith.constant 48 : index
        %swap3A_202 = tpu.vector_load %arg7[%swap3A_200, %swap3A_201] {strides = array<i32>} : memref<32x64xf32, #tpu.memory_space<vmem>>, vector<1x16xf32>,
        %swap3A_203 = vector.shape_cast %swap3A_202 : vector<1x16xf32> to vector<16xf32>
        %swap3A_204 = vector.shape_cast %get3A_199 : vector<16xf32> to vector<1x16xf32>
        tpu.vector_store %arg7[%swap3A_200, %swap3A_201], %swap3A_204 {strides = array<i32>} : memref<32x64xf32, #tpu.memory_space<vmem>>, vector<1x16xf32>,
        %slice3A_205 = vector.extract_strided_slice %rem3A_99 {offsets = [2], sizes = [1], strides = [1]} : vector<16xi32> to vector<1xi32>
        %squeeze3A_206 = vector.extract %slice3A_205[0] : i32 from vector<1xi32>
        %mul3A_207 = arith.constant 16 : i32
        %mul3A_208 = arith.muli %scan3A_90, %mul3A_207 : i32
        %add3A_209 = arith.constant 2 : i32
        %add3A_210 = arith.addi %mul3A_208, %add3A_209 : i32
        %get3A_211 = arith.constant 0 : i32
        %get3A_212 = arith.index_cast %get3A_211 : i32 to index
        %get3A_213 = arith.index_cast %add3A_210 : i32 to index
        %get3A_214 = arith.index_cast %squeeze3A_206 : i32 to index
        %get3A_215 = arith.constant 0 : index
        %get3A_216 = tpu.vector_load %arg6[%get3A_212, %get3A_213, %get3A_214, %get3A_215] {strides = array<i32>} : memref<2x32x8x64xf32, #tpu.memory_space<vmem>>, vector<1x1x1x16xf32>,
        %get3A_217 = vector.shape_cast %get3A_216 : vector<1x1x1x16xf32> to vector<16xf32>
        %swap3A_218 = arith.index_cast %add3A_210 : i32 to index
        %swap3A_219 = arith.constant 0 : index
        %swap3A_220 = tpu.vector_load %arg7[%swap3A_218, %swap3A_219] {strides = array<i32>} : memref<32x64xf32, #tpu.memory_space<vmem>>, vector<1x16xf32>,
        %swap3A_221 = vector.shape_cast %swap3A_220 : vector<1x16xf32> to vector<16xf32>
        %swap3A_222 = vector.shape_cast %get3A_217 : vector<16xf32> to vector<1x16xf32>
        tpu.vector_store %arg7[%swap3A_218, %swap3A_219], %swap3A_222 {strides = array<i32>} : memref<32x64xf32, #tpu.memory_space<vmem>>, vector<1x16xf32>,
        %get3A_223 = arith.constant 0 : i32
        %get3A_224 = arith.index_cast %get3A_223 : i32 to index
        %get3A_225 = arith.index_cast %add3A_210 : i32 to index
        %get3A_226 = arith.index_cast %squeeze3A_206 : i32 to index
        %get3A_227 = arith.constant 16 : index
        %get3A_228 = tpu.vector_load %arg6[%get3A_224, %get3A_225, %get3A_226, %get3A_227] {strides = array<i32>} : memref<2x32x8x64xf32, #tpu.memory_space<vmem>>, vector<1x1x1x16xf32>,
        %get3A_229 = vector.shape_cast %get3A_228 : vector<1x1x1x16xf32> to vector<16xf32>
        %swap3A_230 = arith.index_cast %add3A_210 : i32 to index
        %swap3A_231 = arith.constant 16 : index
        %swap3A_232 = tpu.vector_load %arg7[%swap3A_230, %swap3A_231] {strides = array<i32>} : memref<32x64xf32, #tpu.memory_space<vmem>>, vector<1x16xf32>,
        %swap3A_233 = vector.shape_cast %swap3A_232 : vector<1x16xf32> to vector<16xf32>
        %swap3A_234 = vector.shape_cast %get3A_229 : vector<16xf32> to vector<1x16xf32>
        tpu.vector_store %arg7[%swap3A_230, %swap3A_231], %swap3A_234 {strides = array<i32>} : memref<32x64xf32, #tpu.memory_space<vmem>>, vector<1x16xf32>,
        %get3A_235 = arith.constant 0 : i32
        %get3A_236 = arith.index_cast %get3A_235 : i32 to index
        %get3A_237 = arith.index_cast %add3A_210 : i32 to index
        %get3A_238 = arith.index_cast %squeeze3A_206 : i32 to index
        %get3A_239 = arith.constant 32 : index
        %get3A_240 = tpu.vector_load %arg6[%get3A_236, %get3A_237, %get3A_238, %get3A_239] {strides = array<i32>} : memref<2x32x8x64xf32, #tpu.memory_space<vmem>>, vector<1x1x1x16xf32>,
        %get3A_241 = vector.shape_cast %get3A_240 : vector<1x1x1x16xf32> to vector<16xf32>
        %swap3A_242 = arith.index_cast %add3A_210 : i32 to index
        %swap3A_243 = arith.constant 32 : index
        %swap3A_244 = tpu.vector_load %arg7[%swap3A_242, %swap3A_243] {strides = array<i32>} : memref<32x64xf32, #tpu.memory_space<vmem>>, vector<1x16xf32>,
        %swap3A_245 = vector.shape_cast %swap3A_244 : vector<1x16xf32> to vector<16xf32>
        %swap3A_246 = vector.shape_cast %get3A_241 : vector<16xf32> to vector<1x16xf32>
        tpu.vector_store %arg7[%swap3A_242, %swap3A_243], %swap3A_246 {strides = array<i32>} : memref<32x64xf32, #tpu.memory_space<vmem>>, vector<1x16xf32>,
        %get3A_247 = arith.constant 0 : i32
        %get3A_248 = arith.index_cast %get3A_247 : i32 to index
        %get3A_249 = arith.index_cast %add3A_210 : i32 to index
        %get3A_250 = arith.index_cast %squeeze3A_206 : i32 to index
        %get3A_251 = arith.constant 48 : index
        %get3A_252 = tpu.vector_load %arg6[%get3A_248, %get3A_249, %get3A_250, %get3A_251] {strides = array<i32>} : memref<2x32x8x64xf32, #tpu.memory_space<vmem>>, vector<1x1x1x16xf32>,
        %get3A_253 = vector.shape_cast %get3A_252 : vector<1x1x1x16xf32> to vector<16xf32>
        %swap3A_254 = arith.index_cast %add3A_210 : i32 to index
        %swap3A_255 = arith.constant 48 : index
        %swap3A_256 = tpu.vector_load %arg7[%swap3A_254, %swap3A_255] {strides = array<i32>} : memref<32x64xf32, #tpu.memory_space<vmem>>, vector<1x16xf32>,
        %swap3A_257 = vector.shape_cast %swap3A_256 : vector<1x16xf32> to vector<16xf32>
        %swap3A_258 = vector.shape_cast %get3A_253 : vector<16xf32> to vector<1x16xf32>
        tpu.vector_store %arg7[%swap3A_254, %swap3A_255], %swap3A_258 {strides = array<i32>} : memref<32x64xf32, #tpu.memory_space<vmem>>, vector<1x16xf32>,
        %slice3A_259 = vector.extract_strided_slice %rem3A_99 {offsets = [3], sizes = [1], strides = [1]} : vector<16xi32> to vector<1xi32>
        %squeeze3A_260 = vector.extract %slice3A_259[0] : i32 from vector<1xi32>
        %mul3A_261 = arith.constant 16 : i32
        %mul3A_262 = arith.muli %scan3A_90, %mul3A_261 : i32
        %add3A_263 = arith.constant 3 : i32
        %add3A_264 = arith.addi %mul3A_262, %add3A_263 : i32
        %get3A_265 = arith.constant 0 : i32
        %get3A_266 = arith.index_cast %get3A_265 : i32 to index
        %get3A_267 = arith.index_cast %add3A_264 : i32 to index
        %get3A_268 = arith.index_cast %squeeze3A_260 : i32 to index
        %get3A_269 = arith.constant 0 : index
        %get3A_270 = tpu.vector_load %arg6[%get3A_266, %get3A_267, %get3A_268, %get3A_269] {strides = array<i32>} : memref<2x32x8x64xf32, #tpu.memory_space<vmem>>, vector<1x1x1x16xf32>,
        %get3A_271 = vector.shape_cast %get3A_270 : vector<1x1x1x16xf32> to vector<16xf32>
        %swap3A_272 = arith.index_cast %add3A_264 : i32 to index
        %swap3A_273 = arith.constant 0 : index
        %swap3A_274 = tpu.vector_load %arg7[%swap3A_272, %swap3A_273] {strides = array<i32>} : memref<32x64xf32, #tpu.memory_space<vmem>>, vector<1x16xf32>,
        %swap3A_275 = vector.shape_cast %swap3A_274 : vector<1x16xf32> to vector<16xf32>
        %swap3A_276 = vector.shape_cast %get3A_271 : vector<16xf32> to vector<1x16xf32>
        tpu.vector_store %arg7[%swap3A_272, %swap3A_273], %swap3A_276 {strides = array<i32>} : memref<32x64xf32, #tpu.memory_space<vmem>>, vector<1x16xf32>,
        %get3A_277 = arith.constant 0 : i32
        %get3A_278 = arith.index_cast %get3A_277 : i32 to index
        %get3A_279 = arith.index_cast %add3A_264 : i32 to index
        %get3A_280 = arith.index_cast %squeeze3A_260 : i32 to index
        %get3A_281 = arith.constant 16 : index
        %get3A_282 = tpu.vector_load %arg6[%get3A_278, %get3A_279, %get3A_280, %get3A_281] {strides = array<i32>} : memref<2x32x8x64xf32, #tpu.memory_space<vmem>>, vector<1x1x1x16xf32>,
        %get3A_283 = vector.shape_cast %get3A_282 : vector<1x1x1x16xf32> to vector<16xf32>
        %swap3A_284 = arith.index_cast %add3A_264 : i32 to index
        %swap3A_285 = arith.constant 16 : index
        %swap3A_286 = tpu.vector_load %arg7[%swap3A_284, %swap3A_285] {strides = array<i32>} : memref<32x64xf32, #tpu.memory_space<vmem>>, vector<1x16xf32>,
        %swap3A_287 = vector.shape_cast %swap3A_286 : vector<1x16xf32> to vector<16xf32>
        %swap3A_288 = vector.shape_cast %get3A_283 : vector<16xf32> to vector<1x16xf32>
        tpu.vector_store %arg7[%swap3A_284, %swap3A_285], %swap3A_288 {strides = array<i32>} : memref<32x64xf32, #tpu.memory_space<vmem>>, vector<1x16xf32>,
        %get3A_289 = arith.constant 0 : i32
        %get3A_290 = arith.index_cast %get3A_289 : i32 to index
        %get3A_291 = arith.index_cast %add3A_264 : i32 to index
        %get3A_292 = arith.index_cast %squeeze3A_260 : i32 to index
        %get3A_293 = arith.constant 32 : index
        %get3A_294 = tpu.vector_load %arg6[%get3A_290, %get3A_291, %get3A_292, %get3A_293] {strides = array<i32>} : memref<2x32x8x64xf32, #tpu.memory_space<vmem>>, vector<1x1x1x16xf32>,
        %get3A_295 = vector.shape_cast %get3A_294 : vector<1x1x1x16xf32> to vector<16xf32>
        %swap3A_296 = arith.index_cast %add3A_264 : i32 to index
        %swap3A_297 = arith.constant 32 : index
        %swap3A_298 = tpu.vector_load %arg7[%swap3A_296, %swap3A_297] {strides = array<i32>} : memref<32x64xf32, #tpu.memory_space<vmem>>, vector<1x16xf32>,
        %swap3A_299 = vector.shape_cast %swap3A_298 : vector<1x16xf32> to vector<16xf32>
        %swap3A_300 = vector.shape_cast %get3A_295 : vector<16xf32> to vector<1x16xf32>
        tpu.vector_store %arg7[%swap3A_296, %swap3A_297], %swap3A_300 {strides = array<i32>} : memref<32x64xf32, #tpu.memory_space<vmem>>, vector<1x16xf32>,
        %get3A_301 = arith.constant 0 : i32
        %get3A_302 = arith.index_cast %get3A_301 : i32 to index
        %get3A_303 = arith.index_cast %add3A_264 : i32 to index
        %get3A_304 = arith.index_cast %squeeze3A_260 : i32 to index
        %get3A_305 = arith.constant 48 : index
        %get3A_306 = tpu.vector_load %arg6[%get3A_302, %get3A_303, %get3A_304, %get3A_305] {strides = array<i32>} : memref<2x32x8x64xf32, #tpu.memory_space<vmem>>, vector<1x1x1x16xf32>,
        %get3A_307 = vector.shape_cast %get3A_306 : vector<1x1x1x16xf32> to vector<16xf32>
        %swap3A_308 = arith.index_cast %add3A_264 : i32 to index
        %swap3A_309 = arith.constant 48 : index
        %swap3A_310 = tpu.vector_load %arg7[%swap3A_308, %swap3A_309] {strides = array<i32>} : memref<32x64xf32, #tpu.memory_space<vmem>>, vector<1x16xf32>,
        %swap3A_311 = vector.shape_cast %swap3A_310 : vector<1x16xf32> to vector<16xf32>
        %swap3A_312 = vector.shape_cast %get3A_307 : vector<16xf32> to vector<1x16xf32>
        tpu.vector_store %arg7[%swap3A_308, %swap3A_309], %swap3A_312 {strides = array<i32>} : memref<32x64xf32, #tpu.memory_space<vmem>>, vector<1x16xf32>,
        %slice3A_313 = vector.extract_strided_slice %rem3A_99 {offsets = [4], sizes = [1], strides = [1]} : vector<16xi32> to vector<1xi32>
        %squeeze3A_314 = vector.extract %slice3A_313[0] : i32 from vector<1xi32>
        %mul3A_315 = arith.constant 16 : i32
        %mul3A_316 = arith.muli %scan3A_90, %mul3A_315 : i32
        %add3A_317 = arith.constant 4 : i32
        %add3A_318 = arith.addi %mul3A_316, %add3A_317 : i32
        %get3A_319 = arith.constant 0 : i32
        %get3A_320 = arith.index_cast %get3A_319 : i32 to index
        %get3A_321 = arith.index_cast %add3A_318 : i32 to index
        %get3A_322 = arith.index_cast %squeeze3A_314 : i32 to index
        %get3A_323 = arith.constant 0 : index
        %get3A_324 = tpu.vector_load %arg6[%get3A_320, %get3A_321, %get3A_322, %get3A_323] {strides = array<i32>} : memref<2x32x8x64xf32, #tpu.memory_space<vmem>>, vector<1x1x1x16xf32>,
        %get3A_325 = vector.shape_cast %get3A_324 : vector<1x1x1x16xf32> to vector<16xf32>
        %swap3A_326 = arith.index_cast %add3A_318 : i32 to index
        %swap3A_327 = arith.constant 0 : index
        %swap3A_328 = tpu.vector_load %arg7[%swap3A_326, %swap3A_327] {strides = array<i32>} : memref<32x64xf32, #tpu.memory_space<vmem>>, vector<1x16xf32>,
        %swap3A_329 = vector.shape_cast %swap3A_328 : vector<1x16xf32> to vector<16xf32>
        %swap3A_330 = vector.shape_cast %get3A_325 : vector<16xf32> to vector<1x16xf32>
        tpu.vector_store %arg7[%swap3A_326, %swap3A_327], %swap3A_330 {strides = array<i32>} : memref<32x64xf32, #tpu.memory_space<vmem>>, vector<1x16xf32>,
        %get3A_331 = arith.constant 0 : i32
        %get3A_332 = arith.index_cast %get3A_331 : i32 to index
        %get3A_333 = arith.index_cast %add3A_318 : i32 to index
        %get3A_334 = arith.index_cast %squeeze3A_314 : i32 to index
        %get3A_335 = arith.constant 16 : index
        %get3A_336 = tpu.vector_load %arg6[%get3A_332, %get3A_333, %get3A_334, %get3A_335] {strides = array<i32>} : memref<2x32x8x64xf32, #tpu.memory_space<vmem>>, vector<1x1x1x16xf32>,
        %get3A_337 = vector.shape_cast %get3A_336 : vector<1x1x1x16xf32> to vector<16xf32>
        %swap3A_338 = arith.index_cast %add3A_318 : i32 to index
        %swap3A_339 = arith.constant 16 : index
        %swap3A_340 = tpu.vector_load %arg7[%swap3A_338, %swap3A_339] {strides = array<i32>} : memref<32x64xf32, #tpu.memory_space<vmem>>, vector<1x16xf32>,
        %swap3A_341 = vector.shape_cast %swap3A_340 : vector<1x16xf32> to vector<16xf32>
        %swap3A_342 = vector.shape_cast %get3A_337 : vector<16xf32> to vector<1x16xf32>
        tpu.vector_store %arg7[%swap3A_338, %swap3A_339], %swap3A_342 {strides = array<i32>} : memref<32x64xf32, #tpu.memory_space<vmem>>, vector<1x16xf32>,
        %get3A_343 = arith.constant 0 : i32
        %get3A_344 = arith.index_cast %get3A_343 : i32 to index
        %get3A_345 = arith.index_cast %add3A_318 : i32 to index
        %get3A_346 = arith.index_cast %squeeze3A_314 : i32 to index
        %get3A_347 = arith.constant 32 : index
        %get3A_348 = tpu.vector_load %arg6[%get3A_344, %get3A_345, %get3A_346, %get3A_347] {strides = array<i32>} : memref<2x32x8x64xf32, #tpu.memory_space<vmem>>, vector<1x1x1x16xf32>,
        %get3A_349 = vector.shape_cast %get3A_348 : vector<1x1x1x16xf32> to vector<16xf32>
        %swap3A_350 = arith.index_cast %add3A_318 : i32 to index
        %swap3A_351 = arith.constant 32 : index
        %swap3A_352 = tpu.vector_load %arg7[%swap3A_350, %swap3A_351] {strides = array<i32>} : memref<32x64xf32, #tpu.memory_space<vmem>>, vector<1x16xf32>,
        %swap3A_353 = vector.shape_cast %swap3A_352 : vector<1x16xf32> to vector<16xf32>
        %swap3A_354 = vector.shape_cast %get3A_349 : vector<16xf32> to vector<1x16xf32>
        tpu.vector_store %arg7[%swap3A_350, %swap3A_351], %swap3A_354 {strides = array<i32>} : memref<32x64xf32, #tpu.memory_space<vmem>>, vector<1x16xf32>,
        %get3A_355 = arith.constant 0 : i32
        %get3A_356 = arith.index_cast %get3A_355 : i32 to index
        %get3A_357 = arith.index_cast %add3A_318 : i32 to index
        %get3A_358 = arith.index_cast %squeeze3A_314 : i32 to index
        %get3A_359 = arith.constant 48 : index
        %get3A_360 = tpu.vector_load %arg6[%get3A_356, %get3A_357, %get3A_358, %get3A_359] {strides = array<i32>} : memref<2x32x8x64xf32, #tpu.memory_space<vmem>>, vector<1x1x1x16xf32>,
        %get3A_361 = vector.shape_cast %get3A_360 : vector<1x1x1x16xf32> to vector<16xf32>
        %swap3A_362 = arith.index_cast %add3A_318 : i32 to index
        %swap3A_363 = arith.constant 48 : index
        %swap3A_364 = tpu.vector_load %arg7[%swap3A_362, %swap3A_363] {strides = array<i32>} : memref<32x64xf32, #tpu.memory_space<vmem>>, vector<1x16xf32>,
        %swap3A_365 = vector.shape_cast %swap3A_364 : vector<1x16xf32> to vector<16xf32>
        %swap3A_366 = vector.shape_cast %get3A_361 : vector<16xf32> to vector<1x16xf32>
        tpu.vector_store %arg7[%swap3A_362, %swap3A_363], %swap3A_366 {strides = array<i32>} : memref<32x64xf32, #tpu.memory_space<vmem>>, vector<1x16xf32>,
        %slice3A_367 = vector.extract_strided_slice %rem3A_99 {offsets = [5], sizes = [1], strides = [1]} : vector<16xi32> to vector<1xi32>
        %squeeze3A_368 = vector.extract %slice3A_367[0] : i32 from vector<1xi32>
        %mul3A_369 = arith.constant 16 : i32
        %mul3A_370 = arith.muli %scan3A_90, %mul3A_369 : i32
        %add3A_371 = arith.constant 5 : i32
        %add3A_372 = arith.addi %mul3A_370, %add3A_371 : i32
        %get3A_373 = arith.constant 0 : i32
        %get3A_374 = arith.index_cast %get3A_373 : i32 to index
        %get3A_375 = arith.index_cast %add3A_372 : i32 to index
        %get3A_376 = arith.index_cast %squeeze3A_368 : i32 to index
        %get3A_377 = arith.constant 0 : index
        %get3A_378 = tpu.vector_load %arg6[%get3A_374, %get3A_375, %get3A_376, %get3A_377] {strides = array<i32>} : memref<2x32x8x64xf32, #tpu.memory_space<vmem>>, vector<1x1x1x16xf32>,
        %get3A_379 = vector.shape_cast %get3A_378 : vector<1x1x1x16xf32> to vector<16xf32>
        %swap3A_380 = arith.index_cast %add3A_372 : i32 to index
        %swap3A_381 = arith.constant 0 : index
        %swap3A_382 = tpu.vector_load %arg7[%swap3A_380, %swap3A_381] {strides = array<i32>} : memref<32x64xf32, #tpu.memory_space<vmem>>, vector<1x16xf32>,
        %swap3A_383 = vector.shape_cast %swap3A_382 : vector<1x16xf32> to vector<16xf32>
        %swap3A_384 = vector.shape_cast %get3A_379 : vector<16xf32> to vector<1x16xf32>
        tpu.vector_store %arg7[%swap3A_380, %swap3A_381], %swap3A_384 {strides = array<i32>} : memref<32x64xf32, #tpu.memory_space<vmem>>, vector<1x16xf32>,
        %get3A_385 = arith.constant 0 : i32
        %get3A_386 = arith.index_cast %get3A_385 : i32 to index
        %get3A_387 = arith.index_cast %add3A_372 : i32 to index
        %get3A_388 = arith.index_cast %squeeze3A_368 : i32 to index
        %get3A_389 = arith.constant 16 : index
        %get3A_390 = tpu.vector_load %arg6[%get3A_386, %get3A_387, %get3A_388, %get3A_389] {strides = array<i32>} : memref<2x32x8x64xf32, #tpu.memory_space<vmem>>, vector<1x1x1x16xf32>,
        %get3A_391 = vector.shape_cast %get3A_390 : vector<1x1x1x16xf32> to vector<16xf32>
        %swap3A_392 = arith.index_cast %add3A_372 : i32 to index
        %swap3A_393 = arith.constant 16 : index
        %swap3A_394 = tpu.vector_load %arg7[%swap3A_392, %swap3A_393] {strides = array<i32>} : memref<32x64xf32, #tpu.memory_space<vmem>>, vector<1x16xf32>,
        %swap3A_395 = vector.shape_cast %swap3A_394 : vector<1x16xf32> to vector<16xf32>
        %swap3A_396 = vector.shape_cast %get3A_391 : vector<16xf32> to vector<1x16xf32>
        tpu.vector_store %arg7[%swap3A_392, %swap3A_393], %swap3A_396 {strides = array<i32>} : memref<32x64xf32, #tpu.memory_space<vmem>>, vector<1x16xf32>,
        %get3A_397 = arith.constant 0 : i32
        %get3A_398 = arith.index_cast %get3A_397 : i32 to index
        %get3A_399 = arith.index_cast %add3A_372 : i32 to index
        %get3A_400 = arith.index_cast %squeeze3A_368 : i32 to index
        %get3A_401 = arith.constant 32 : index
        %get3A_402 = tpu.vector_load %arg6[%get3A_398, %get3A_399, %get3A_400, %get3A_401] {strides = array<i32>} : memref<2x32x8x64xf32, #tpu.memory_space<vmem>>, vector<1x1x1x16xf32>,
        %get3A_403 = vector.shape_cast %get3A_402 : vector<1x1x1x16xf32> to vector<16xf32>
        %swap3A_404 = arith.index_cast %add3A_372 : i32 to index
        %swap3A_405 = arith.constant 32 : index
        %swap3A_406 = tpu.vector_load %arg7[%swap3A_404, %swap3A_405] {strides = array<i32>} : memref<32x64xf32, #tpu.memory_space<vmem>>, vector<1x16xf32>,
        %swap3A_407 = vector.shape_cast %swap3A_406 : vector<1x16xf32> to vector<16xf32>
        %swap3A_408 = vector.shape_cast %get3A_403 : vector<16xf32> to vector<1x16xf32>
        tpu.vector_store %arg7[%swap3A_404, %swap3A_405], %swap3A_408 {strides = array<i32>} : memref<32x64xf32, #tpu.memory_space<vmem>>, vector<1x16xf32>,
        %get3A_409 = arith.constant 0 : i32
        %get3A_410 = arith.index_cast %get3A_409 : i32 to index
        %get3A_411 = arith.index_cast %add3A_372 : i32 to index
        %get3A_412 = arith.index_cast %squeeze3A_368 : i32 to index
        %get3A_413 = arith.constant 48 : index
        %get3A_414 = tpu.vector_load %arg6[%get3A_410, %get3A_411, %get3A_412, %get3A_413] {strides = array<i32>} : memref<2x32x8x64xf32, #tpu.memory_space<vmem>>, vector<1x1x1x16xf32>,
        %get3A_415 = vector.shape_cast %get3A_414 : vector<1x1x1x16xf32> to vector<16xf32>
        %swap3A_416 = arith.index_cast %add3A_372 : i32 to index
        %swap3A_417 = arith.constant 48 : index
        %swap3A_418 = tpu.vector_load %arg7[%swap3A_416, %swap3A_417] {strides = array<i32>} : memref<32x64xf32, #tpu.memory_space<vmem>>, vector<1x16xf32>,
        %swap3A_419 = vector.shape_cast %swap3A_418 : vector<1x16xf32> to vector<16xf32>
        %swap3A_420 = vector.shape_cast %get3A_415 : vector<16xf32> to vector<1x16xf32>
        tpu.vector_store %arg7[%swap3A_416, %swap3A_417], %swap3A_420 {strides = array<i32>} : memref<32x64xf32, #tpu.memory_space<vmem>>, vector<1x16xf32>,
        %slice3A_421 = vector.extract_strided_slice %rem3A_99 {offsets = [6], sizes = [1], strides = [1]} : vector<16xi32> to vector<1xi32>
        %squeeze3A_422 = vector.extract %slice3A_421[0] : i32 from vector<1xi32>
        %mul3A_423 = arith.constant 16 : i32
        %mul3A_424 = arith.muli %scan3A_90, %mul3A_423 : i32
        %add3A_425 = arith.constant 6 : i32
        %add3A_426 = arith.addi %mul3A_424, %add3A_425 : i32
        %get3A_427 = arith.constant 0 : i32
        %get3A_428 = arith.index_cast %get3A_427 : i32 to index
        %get3A_429 = arith.index_cast %add3A_426 : i32 to index
        %get3A_430 = arith.index_cast %squeeze3A_422 : i32 to index
        %get3A_431 = arith.constant 0 : index
        %get3A_432 = tpu.vector_load %arg6[%get3A_428, %get3A_429, %get3A_430, %get3A_431] {strides = array<i32>} : memref<2x32x8x64xf32, #tpu.memory_space<vmem>>, vector<1x1x1x16xf32>,
        %get3A_433 = vector.shape_cast %get3A_432 : vector<1x1x1x16xf32> to vector<16xf32>
        %swap3A_434 = arith.index_cast %add3A_426 : i32 to index
        %swap3A_435 = arith.constant 0 : index
        %swap3A_436 = tpu.vector_load %arg7[%swap3A_434, %swap3A_435] {strides = array<i32>} : memref<32x64xf32, #tpu.memory_space<vmem>>, vector<1x16xf32>,
        %swap3A_437 = vector.shape_cast %swap3A_436 : vector<1x16xf32> to vector<16xf32>
        %swap3A_438 = vector.shape_cast %get3A_433 : vector<16xf32> to vector<1x16xf32>
        tpu.vector_store %arg7[%swap3A_434, %swap3A_435], %swap3A_438 {strides = array<i32>} : memref<32x64xf32, #tpu.memory_space<vmem>>, vector<1x16xf32>,
        %get3A_439 = arith.constant 0 : i32
        %get3A_440 = arith.index_cast %get3A_439 : i32 to index
        %get3A_441 = arith.index_cast %add3A_426 : i32 to index
        %get3A_442 = arith.index_cast %squeeze3A_422 : i32 to index
        %get3A_443 = arith.constant 16 : index
        %get3A_444 = tpu.vector_load %arg6[%get3A_440, %get3A_441, %get3A_442, %get3A_443] {strides = array<i32>} : memref<2x32x8x64xf32, #tpu.memory_space<vmem>>, vector<1x1x1x16xf32>,
        %get3A_445 = vector.shape_cast %get3A_444 : vector<1x1x1x16xf32> to vector<16xf32>
        %swap3A_446 = arith.index_cast %add3A_426 : i32 to index
        %swap3A_447 = arith.constant 16 : index
        %swap3A_448 = tpu.vector_load %arg7[%swap3A_446, %swap3A_447] {strides = array<i32>} : memref<32x64xf32, #tpu.memory_space<vmem>>, vector<1x16xf32>,
        %swap3A_449 = vector.shape_cast %swap3A_448 : vector<1x16xf32> to vector<16xf32>
        %swap3A_450 = vector.shape_cast %get3A_445 : vector<16xf32> to vector<1x16xf32>
        tpu.vector_store %arg7[%swap3A_446, %swap3A_447], %swap3A_450 {strides = array<i32>} : memref<32x64xf32, #tpu.memory_space<vmem>>, vector<1x16xf32>,
        %get3A_451 = arith.constant 0 : i32
        %get3A_452 = arith.index_cast %get3A_451 : i32 to index
        %get3A_453 = arith.index_cast %add3A_426 : i32 to index
        %get3A_454 = arith.index_cast %squeeze3A_422 : i32 to index
        %get3A_455 = arith.constant 32 : index
        %get3A_456 = tpu.vector_load %arg6[%get3A_452, %get3A_453, %get3A_454, %get3A_455] {strides = array<i32>} : memref<2x32x8x64xf32, #tpu.memory_space<vmem>>, vector<1x1x1x16xf32>,
        %get3A_457 = vector.shape_cast %get3A_456 : vector<1x1x1x16xf32> to vector<16xf32>
        %swap3A_458 = arith.index_cast %add3A_426 : i32 to index
        %swap3A_459 = arith.constant 32 : index
        %swap3A_460 = tpu.vector_load %arg7[%swap3A_458, %swap3A_459] {strides = array<i32>} : memref<32x64xf32, #tpu.memory_space<vmem>>, vector<1x16xf32>,
        %swap3A_461 = vector.shape_cast %swap3A_460 : vector<1x16xf32> to vector<16xf32>
        %swap3A_462 = vector.shape_cast %get3A_457 : vector<16xf32> to vector<1x16xf32>
        tpu.vector_store %arg7[%swap3A_458, %swap3A_459], %swap3A_462 {strides = array<i32>} : memref<32x64xf32, #tpu.memory_space<vmem>>, vector<1x16xf32>,
        %get3A_463 = arith.constant 0 : i32
        %get3A_464 = arith.index_cast %get3A_463 : i32 to index
        %get3A_465 = arith.index_cast %add3A_426 : i32 to index
        %get3A_466 = arith.index_cast %squeeze3A_422 : i32 to index
        %get3A_467 = arith.constant 48 : index
        %get3A_468 = tpu.vector_load %arg6[%get3A_464, %get3A_465, %get3A_466, %get3A_467] {strides = array<i32>} : memref<2x32x8x64xf32, #tpu.memory_space<vmem>>, vector<1x1x1x16xf32>,
        %get3A_469 = vector.shape_cast %get3A_468 : vector<1x1x1x16xf32> to vector<16xf32>
        %swap3A_470 = arith.index_cast %add3A_426 : i32 to index
        %swap3A_471 = arith.constant 48 : index
        %swap3A_472 = tpu.vector_load %arg7[%swap3A_470, %swap3A_471] {strides = array<i32>} : memref<32x64xf32, #tpu.memory_space<vmem>>, vector<1x16xf32>,
        %swap3A_473 = vector.shape_cast %swap3A_472 : vector<1x16xf32> to vector<16xf32>
        %swap3A_474 = vector.shape_cast %get3A_469 : vector<16xf32> to vector<1x16xf32>
        tpu.vector_store %arg7[%swap3A_470, %swap3A_471], %swap3A_474 {strides = array<i32>} : memref<32x64xf32, #tpu.memory_space<vmem>>, vector<1x16xf32>,
        %slice3A_475 = vector.extract_strided_slice %rem3A_99 {offsets = [7], sizes = [1], strides = [1]} : vector<16xi32> to vector<1xi32>
        %squeeze3A_476 = vector.extract %slice3A_475[0] : i32 from vector<1xi32>
        %mul3A_477 = arith.constant 16 : i32
        %mul3A_478 = arith.muli %scan3A_90, %mul3A_477 : i32
        %add3A_479 = arith.constant 7 : i32
        %add3A_480 = arith.addi %mul3A_478, %add3A_479 : i32
        %get3A_481 = arith.constant 0 : i32
        %get3A_482 = arith.index_cast %get3A_481 : i32 to index
        %get3A_483 = arith.index_cast %add3A_480 : i32 to index
        %get3A_484 = arith.index_cast %squeeze3A_476 : i32 to index
        %get3A_485 = arith.constant 0 : index
        %get3A_486 = tpu.vector_load %arg6[%get3A_482, %get3A_483, %get3A_484, %get3A_485] {strides = array<i32>} : memref<2x32x8x64xf32, #tpu.memory_space<vmem>>, vector<1x1x1x16xf32>,
        %get3A_487 = vector.shape_cast %get3A_486 : vector<1x1x1x16xf32> to vector<16xf32>
        %swap3A_488 = arith.index_cast %add3A_480 : i32 to index
        %swap3A_489 = arith.constant 0 : index
        %swap3A_490 = tpu.vector_load %arg7[%swap3A_488, %swap3A_489] {strides = array<i32>} : memref<32x64xf32, #tpu.memory_space<vmem>>, vector<1x16xf32>,
        %swap3A_491 = vector.shape_cast %swap3A_490 : vector<1x16xf32> to vector<16xf32>
        %swap3A_492 = vector.shape_cast %get3A_487 : vector<16xf32> to vector<1x16xf32>
        tpu.vector_store %arg7[%swap3A_488, %swap3A_489], %swap3A_492 {strides = array<i32>} : memref<32x64xf32, #tpu.memory_space<vmem>>, vector<1x16xf32>,
        %get3A_493 = arith.constant 0 : i32
        %get3A_494 = arith.index_cast %get3A_493 : i32 to index
        %get3A_495 = arith.index_cast %add3A_480 : i32 to index
        %get3A_496 = arith.index_cast %squeeze3A_476 : i32 to index
        %get3A_497 = arith.constant 16 : index
        %get3A_498 = tpu.vector_load %arg6[%get3A_494, %get3A_495, %get3A_496, %get3A_497] {strides = array<i32>} : memref<2x32x8x64xf32, #tpu.memory_space<vmem>>, vector<1x1x1x16xf32>,
        %get3A_499 = vector.shape_cast %get3A_498 : vector<1x1x1x16xf32> to vector<16xf32>
        %swap3A_500 = arith.index_cast %add3A_480 : i32 to index
        %swap3A_501 = arith.constant 16 : index
        %swap3A_502 = tpu.vector_load %arg7[%swap3A_500, %swap3A_501] {strides = array<i32>} : memref<32x64xf32, #tpu.memory_space<vmem>>, vector<1x16xf32>,
        %swap3A_503 = vector.shape_cast %swap3A_502 : vector<1x16xf32> to vector<16xf32>
        %swap3A_504 = vector.shape_cast %get3A_499 : vector<16xf32> to vector<1x16xf32>
        tpu.vector_store %arg7[%swap3A_500, %swap3A_501], %swap3A_504 {strides = array<i32>} : memref<32x64xf32, #tpu.memory_space<vmem>>, vector<1x16xf32>,
        %get3A_505 = arith.constant 0 : i32
        %get3A_506 = arith.index_cast %get3A_505 : i32 to index
        %get3A_507 = arith.index_cast %add3A_480 : i32 to index
        %get3A_508 = arith.index_cast %squeeze3A_476 : i32 to index
        %get3A_509 = arith.constant 32 : index
        %get3A_510 = tpu.vector_load %arg6[%get3A_506, %get3A_507, %get3A_508, %get3A_509] {strides = array<i32>} : memref<2x32x8x64xf32, #tpu.memory_space<vmem>>, vector<1x1x1x16xf32>,
        %get3A_511 = vector.shape_cast %get3A_510 : vector<1x1x1x16xf32> to vector<16xf32>
        %swap3A_512 = arith.index_cast %add3A_480 : i32 to index
        %swap3A_513 = arith.constant 32 : index
        %swap3A_514 = tpu.vector_load %arg7[%swap3A_512, %swap3A_513] {strides = array<i32>} : memref<32x64xf32, #tpu.memory_space<vmem>>, vector<1x16xf32>,
        %swap3A_515 = vector.shape_cast %swap3A_514 : vector<1x16xf32> to vector<16xf32>
        %swap3A_516 = vector.shape_cast %get3A_511 : vector<16xf32> to vector<1x16xf32>
        tpu.vector_store %arg7[%swap3A_512, %swap3A_513], %swap3A_516 {strides = array<i32>} : memref<32x64xf32, #tpu.memory_space<vmem>>, vector<1x16xf32>,
        %get3A_517 = arith.constant 0 : i32
        %get3A_518 = arith.index_cast %get3A_517 : i32 to index
        %get3A_519 = arith.index_cast %add3A_480 : i32 to index
        %get3A_520 = arith.index_cast %squeeze3A_476 : i32 to index
        %get3A_521 = arith.constant 48 : index
        %get3A_522 = tpu.vector_load %arg6[%get3A_518, %get3A_519, %get3A_520, %get3A_521] {strides = array<i32>} : memref<2x32x8x64xf32, #tpu.memory_space<vmem>>, vector<1x1x1x16xf32>,
        %get3A_523 = vector.shape_cast %get3A_522 : vector<1x1x1x16xf32> to vector<16xf32>
        %swap3A_524 = arith.index_cast %add3A_480 : i32 to index
        %swap3A_525 = arith.constant 48 : index
        %swap3A_526 = tpu.vector_load %arg7[%swap3A_524, %swap3A_525] {strides = array<i32>} : memref<32x64xf32, #tpu.memory_space<vmem>>, vector<1x16xf32>,
        %swap3A_527 = vector.shape_cast %swap3A_526 : vector<1x16xf32> to vector<16xf32>
        %swap3A_528 = vector.shape_cast %get3A_523 : vector<16xf32> to vector<1x16xf32>
        tpu.vector_store %arg7[%swap3A_524, %swap3A_525], %swap3A_528 {strides = array<i32>} : memref<32x64xf32, #tpu.memory_space<vmem>>, vector<1x16xf32>,
        %slice3A_529 = vector.extract_strided_slice %rem3A_99 {offsets = [8], sizes = [1], strides = [1]} : vector<16xi32> to vector<1xi32>
        %squeeze3A_530 = vector.extract %slice3A_529[0] : i32 from vector<1xi32>
        %mul3A_531 = arith.constant 16 : i32
        %mul3A_532 = arith.muli %scan3A_90, %mul3A_531 : i32
        %add3A_533 = arith.constant 8 : i32
        %add3A_534 = arith.addi %mul3A_532, %add3A_533 : i32
        %get3A_535 = arith.constant 0 : i32
        %get3A_536 = arith.index_cast %get3A_535 : i32 to index
        %get3A_537 = arith.index_cast %add3A_534 : i32 to index
        %get3A_538 = arith.index_cast %squeeze3A_530 : i32 to index
        %get3A_539 = arith.constant 0 : index
        %get3A_540 = tpu.vector_load %arg6[%get3A_536, %get3A_537, %get3A_538, %get3A_539] {strides = array<i32>} : memref<2x32x8x64xf32, #tpu.memory_space<vmem>>, vector<1x1x1x16xf32>,
        %get3A_541 = vector.shape_cast %get3A_540 : vector<1x1x1x16xf32> to vector<16xf32>
        %swap3A_542 = arith.index_cast %add3A_534 : i32 to index
        %swap3A_543 = arith.constant 0 : index
        %swap3A_544 = tpu.vector_load %arg7[%swap3A_542, %swap3A_543] {strides = array<i32>} : memref<32x64xf32, #tpu.memory_space<vmem>>, vector<1x16xf32>,
        %swap3A_545 = vector.shape_cast %swap3A_544 : vector<1x16xf32> to vector<16xf32>
        %swap3A_546 = vector.shape_cast %get3A_541 : vector<16xf32> to vector<1x16xf32>
        tpu.vector_store %arg7[%swap3A_542, %swap3A_543], %swap3A_546 {strides = array<i32>} : memref<32x64xf32, #tpu.memory_space<vmem>>, vector<1x16xf32>,
        %get3A_547 = arith.constant 0 : i32
        %get3A_548 = arith.index_cast %get3A_547 : i32 to index
        %get3A_549 = arith.index_cast %add3A_534 : i32 to index
        %get3A_550 = arith.index_cast %squeeze3A_530 : i32 to index
        %get3A_551 = arith.constant 16 : index
        %get3A_552 = tpu.vector_load %arg6[%get3A_548, %get3A_549, %get3A_550, %get3A_551] {strides = array<i32>} : memref<2x32x8x64xf32, #tpu.memory_space<vmem>>, vector<1x1x1x16xf32>,
        %get3A_553 = vector.shape_cast %get3A_552 : vector<1x1x1x16xf32> to vector<16xf32>
        %swap3A_554 = arith.index_cast %add3A_534 : i32 to index
        %swap3A_555 = arith.constant 16 : index
        %swap3A_556 = tpu.vector_load %arg7[%swap3A_554, %swap3A_555] {strides = array<i32>} : memref<32x64xf32, #tpu.memory_space<vmem>>, vector<1x16xf32>,
        %swap3A_557 = vector.shape_cast %swap3A_556 : vector<1x16xf32> to vector<16xf32>
        %swap3A_558 = vector.shape_cast %get3A_553 : vector<16xf32> to vector<1x16xf32>
        tpu.vector_store %arg7[%swap3A_554, %swap3A_555], %swap3A_558 {strides = array<i32>} : memref<32x64xf32, #tpu.memory_space<vmem>>, vector<1x16xf32>,
        %get3A_559 = arith.constant 0 : i32
        %get3A_560 = arith.index_cast %get3A_559 : i32 to index
        %get3A_561 = arith.index_cast %add3A_534 : i32 to index
        %get3A_562 = arith.index_cast %squeeze3A_530 : i32 to index
        %get3A_563 = arith.constant 32 : index
        %get3A_564 = tpu.vector_load %arg6[%get3A_560, %get3A_561, %get3A_562, %get3A_563] {strides = array<i32>} : memref<2x32x8x64xf32, #tpu.memory_space<vmem>>, vector<1x1x1x16xf32>,
        %get3A_565 = vector.shape_cast %get3A_564 : vector<1x1x1x16xf32> to vector<16xf32>
        %swap3A_566 = arith.index_cast %add3A_534 : i32 to index
        %swap3A_567 = arith.constant 32 : index
        %swap3A_568 = tpu.vector_load %arg7[%swap3A_566, %swap3A_567] {strides = array<i32>} : memref<32x64xf32, #tpu.memory_space<vmem>>, vector<1x16xf32>,
        %swap3A_569 = vector.shape_cast %swap3A_568 : vector<1x16xf32> to vector<16xf32>
        %swap3A_570 = vector.shape_cast %get3A_565 : vector<16xf32> to vector<1x16xf32>
        tpu.vector_store %arg7[%swap3A_566, %swap3A_567], %swap3A_570 {strides = array<i32>} : memref<32x64xf32, #tpu.memory_space<vmem>>, vector<1x16xf32>,
        %get3A_571 = arith.constant 0 : i32
        %get3A_572 = arith.index_cast %get3A_571 : i32 to index
        %get3A_573 = arith.index_cast %add3A_534 : i32 to index
        %get3A_574 = arith.index_cast %squeeze3A_530 : i32 to index
        %get3A_575 = arith.constant 48 : index
        %get3A_576 = tpu.vector_load %arg6[%get3A_572, %get3A_573, %get3A_574, %get3A_575] {strides = array<i32>} : memref<2x32x8x64xf32, #tpu.memory_space<vmem>>, vector<1x1x1x16xf32>,
        %get3A_577 = vector.shape_cast %get3A_576 : vector<1x1x1x16xf32> to vector<16xf32>
        %swap3A_578 = arith.index_cast %add3A_534 : i32 to index
        %swap3A_579 = arith.constant 48 : index
        %swap3A_580 = tpu.vector_load %arg7[%swap3A_578, %swap3A_579] {strides = array<i32>} : memref<32x64xf32, #tpu.memory_space<vmem>>, vector<1x16xf32>,
        %swap3A_581 = vector.shape_cast %swap3A_580 : vector<1x16xf32> to vector<16xf32>
        %swap3A_582 = vector.shape_cast %get3A_577 : vector<16xf32> to vector<1x16xf32>
        tpu.vector_store %arg7[%swap3A_578, %swap3A_579], %swap3A_582 {strides = array<i32>} : memref<32x64xf32, #tpu.memory_space<vmem>>, vector<1x16xf32>,
        %slice3A_583 = vector.extract_strided_slice %rem3A_99 {offsets = [9], sizes = [1], strides = [1]} : vector<16xi32> to vector<1xi32>
        %squeeze3A_584 = vector.extract %slice3A_583[0] : i32 from vector<1xi32>
        %mul3A_585 = arith.constant 16 : i32
        %mul3A_586 = arith.muli %scan3A_90, %mul3A_585 : i32
        %add3A_587 = arith.constant 9 : i32
        %add3A_588 = arith.addi %mul3A_586, %add3A_587 : i32
        %get3A_589 = arith.constant 0 : i32
        %get3A_590 = arith.index_cast %get3A_589 : i32 to index
        %get3A_591 = arith.index_cast %add3A_588 : i32 to index
        %get3A_592 = arith.index_cast %squeeze3A_584 : i32 to index
        %get3A_593 = arith.constant 0 : index
        %get3A_594 = tpu.vector_load %arg6[%get3A_590, %get3A_591, %get3A_592, %get3A_593] {strides = array<i32>} : memref<2x32x8x64xf32, #tpu.memory_space<vmem>>, vector<1x1x1x16xf32>,
        %get3A_595 = vector.shape_cast %get3A_594 : vector<1x1x1x16xf32> to vector<16xf32>
        %swap3A_596 = arith.index_cast %add3A_588 : i32 to index
        %swap3A_597 = arith.constant 0 : index
        %swap3A_598 = tpu.vector_load %arg7[%swap3A_596, %swap3A_597] {strides = array<i32>} : memref<32x64xf32, #tpu.memory_space<vmem>>, vector<1x16xf32>,
        %swap3A_599 = vector.shape_cast %swap3A_598 : vector<1x16xf32> to vector<16xf32>
        %swap3A_600 = vector.shape_cast %get3A_595 : vector<16xf32> to vector<1x16xf32>
        tpu.vector_store %arg7[%swap3A_596, %swap3A_597], %swap3A_600 {strides = array<i32>} : memref<32x64xf32, #tpu.memory_space<vmem>>, vector<1x16xf32>,
        %get3A_601 = arith.constant 0 : i32
        %get3A_602 = arith.index_cast %get3A_601 : i32 to index
        %get3A_603 = arith.index_cast %add3A_588 : i32 to index
        %get3A_604 = arith.index_cast %squeeze3A_584 : i32 to index
        %get3A_605 = arith.constant 16 : index
        %get3A_606 = tpu.vector_load %arg6[%get3A_602, %get3A_603, %get3A_604, %get3A_605] {strides = array<i32>} : memref<2x32x8x64xf32, #tpu.memory_space<vmem>>, vector<1x1x1x16xf32>,
        %get3A_607 = vector.shape_cast %get3A_606 : vector<1x1x1x16xf32> to vector<16xf32>
        %swap3A_608 = arith.index_cast %add3A_588 : i32 to index
        %swap3A_609 = arith.constant 16 : index
        %swap3A_610 = tpu.vector_load %arg7[%swap3A_608, %swap3A_609] {strides = array<i32>} : memref<32x64xf32, #tpu.memory_space<vmem>>, vector<1x16xf32>,
        %swap3A_611 = vector.shape_cast %swap3A_610 : vector<1x16xf32> to vector<16xf32>
        %swap3A_612 = vector.shape_cast %get3A_607 : vector<16xf32> to vector<1x16xf32>
        tpu.vector_store %arg7[%swap3A_608, %swap3A_609], %swap3A_612 {strides = array<i32>} : memref<32x64xf32, #tpu.memory_space<vmem>>, vector<1x16xf32>,
        %get3A_613 = arith.constant 0 : i32
        %get3A_614 = arith.index_cast %get3A_613 : i32 to index
        %get3A_615 = arith.index_cast %add3A_588 : i32 to index
        %get3A_616 = arith.index_cast %squeeze3A_584 : i32 to index
        %get3A_617 = arith.constant 32 : index
        %get3A_618 = tpu.vector_load %arg6[%get3A_614, %get3A_615, %get3A_616, %get3A_617] {strides = array<i32>} : memref<2x32x8x64xf32, #tpu.memory_space<vmem>>, vector<1x1x1x16xf32>,
        %get3A_619 = vector.shape_cast %get3A_618 : vector<1x1x1x16xf32> to vector<16xf32>
        %swap3A_620 = arith.index_cast %add3A_588 : i32 to index
        %swap3A_621 = arith.constant 32 : index
        %swap3A_622 = tpu.vector_load %arg7[%swap3A_620, %swap3A_621] {strides = array<i32>} : memref<32x64xf32, #tpu.memory_space<vmem>>, vector<1x16xf32>,
        %swap3A_623 = vector.shape_cast %swap3A_622 : vector<1x16xf32> to vector<16xf32>
        %swap3A_624 = vector.shape_cast %get3A_619 : vector<16xf32> to vector<1x16xf32>
        tpu.vector_store %arg7[%swap3A_620, %swap3A_621], %swap3A_624 {strides = array<i32>} : memref<32x64xf32, #tpu.memory_space<vmem>>, vector<1x16xf32>,
        %get3A_625 = arith.constant 0 : i32
        %get3A_626 = arith.index_cast %get3A_625 : i32 to index
        %get3A_627 = arith.index_cast %add3A_588 : i32 to index
        %get3A_628 = arith.index_cast %squeeze3A_584 : i32 to index
        %get3A_629 = arith.constant 48 : index
        %get3A_630 = tpu.vector_load %arg6[%get3A_626, %get3A_627, %get3A_628, %get3A_629] {strides = array<i32>} : memref<2x32x8x64xf32, #tpu.memory_space<vmem>>, vector<1x1x1x16xf32>,
        %get3A_631 = vector.shape_cast %get3A_630 : vector<1x1x1x16xf32> to vector<16xf32>
        %swap3A_632 = arith.index_cast %add3A_588 : i32 to index
        %swap3A_633 = arith.constant 48 : index
        %swap3A_634 = tpu.vector_load %arg7[%swap3A_632, %swap3A_633] {strides = array<i32>} : memref<32x64xf32, #tpu.memory_space<vmem>>, vector<1x16xf32>,
        %swap3A_635 = vector.shape_cast %swap3A_634 : vector<1x16xf32> to vector<16xf32>
        %swap3A_636 = vector.shape_cast %get3A_631 : vector<16xf32> to vector<1x16xf32>
        tpu.vector_store %arg7[%swap3A_632, %swap3A_633], %swap3A_636 {strides = array<i32>} : memref<32x64xf32, #tpu.memory_space<vmem>>, vector<1x16xf32>,
        %slice3A_637 = vector.extract_strided_slice %rem3A_99 {offsets = [10], sizes = [1], strides = [1]} : vector<16xi32> to vector<1xi32>
        %squeeze3A_638 = vector.extract %slice3A_637[0] : i32 from vector<1xi32>
        %mul3A_639 = arith.constant 16 : i32
        %mul3A_640 = arith.muli %scan3A_90, %mul3A_639 : i32
        %add3A_641 = arith.constant 10 : i32
        %add3A_642 = arith.addi %mul3A_640, %add3A_641 : i32
        %get3A_643 = arith.constant 0 : i32
        %get3A_644 = arith.index_cast %get3A_643 : i32 to index
        %get3A_645 = arith.index_cast %add3A_642 : i32 to index
        %get3A_646 = arith.index_cast %squeeze3A_638 : i32 to index
        %get3A_647 = arith.constant 0 : index
        %get3A_648 = tpu.vector_load %arg6[%get3A_644, %get3A_645, %get3A_646, %get3A_647] {strides = array<i32>} : memref<2x32x8x64xf32, #tpu.memory_space<vmem>>, vector<1x1x1x16xf32>,
        %get3A_649 = vector.shape_cast %get3A_648 : vector<1x1x1x16xf32> to vector<16xf32>
        %swap3A_650 = arith.index_cast %add3A_642 : i32 to index
        %swap3A_651 = arith.constant 0 : index
        %swap3A_652 = tpu.vector_load %arg7[%swap3A_650, %swap3A_651] {strides = array<i32>} : memref<32x64xf32, #tpu.memory_space<vmem>>, vector<1x16xf32>,
        %swap3A_653 = vector.shape_cast %swap3A_652 : vector<1x16xf32> to vector<16xf32>
        %swap3A_654 = vector.shape_cast %get3A_649 : vector<16xf32> to vector<1x16xf32>
        tpu.vector_store %arg7[%swap3A_650, %swap3A_651], %swap3A_654 {strides = array<i32>} : memref<32x64xf32, #tpu.memory_space<vmem>>, vector<1x16xf32>,
        %get3A_655 = arith.constant 0 : i32
        %get3A_656 = arith.index_cast %get3A_655 : i32 to index
        %get3A_657 = arith.index_cast %add3A_642 : i32 to index
        %get3A_658 = arith.index_cast %squeeze3A_638 : i32 to index
        %get3A_659 = arith.constant 16 : index
        %get3A_660 = tpu.vector_load %arg6[%get3A_656, %get3A_657, %get3A_658, %get3A_659] {strides = array<i32>} : memref<2x32x8x64xf32, #tpu.memory_space<vmem>>, vector<1x1x1x16xf32>,
        %get3A_661 = vector.shape_cast %get3A_660 : vector<1x1x1x16xf32> to vector<16xf32>
        %swap3A_662 = arith.index_cast %add3A_642 : i32 to index
        %swap3A_663 = arith.constant 16 : index
        %swap3A_664 = tpu.vector_load %arg7[%swap3A_662, %swap3A_663] {strides = array<i32>} : memref<32x64xf32, #tpu.memory_space<vmem>>, vector<1x16xf32>,
        %swap3A_665 = vector.shape_cast %swap3A_664 : vector<1x16xf32> to vector<16xf32>
        %swap3A_666 = vector.shape_cast %get3A_661 : vector<16xf32> to vector<1x16xf32>
        tpu.vector_store %arg7[%swap3A_662, %swap3A_663], %swap3A_666 {strides = array<i32>} : memref<32x64xf32, #tpu.memory_space<vmem>>, vector<1x16xf32>,
        %get3A_667 = arith.constant 0 : i32
        %get3A_668 = arith.index_cast %get3A_667 : i32 to index
        %get3A_669 = arith.index_cast %add3A_642 : i32 to index
        %get3A_670 = arith.index_cast %squeeze3A_638 : i32 to index
        %get3A_671 = arith.constant 32 : index
        %get3A_672 = tpu.vector_load %arg6[%get3A_668, %get3A_669, %get3A_670, %get3A_671] {strides = array<i32>} : memref<2x32x8x64xf32, #tpu.memory_space<vmem>>, vector<1x1x1x16xf32>,
        %get3A_673 = vector.shape_cast %get3A_672 : vector<1x1x1x16xf32> to vector<16xf32>
        %swap3A_674 = arith.index_cast %add3A_642 : i32 to index
        %swap3A_675 = arith.constant 32 : index
        %swap3A_676 = tpu.vector_load %arg7[%swap3A_674, %swap3A_675] {strides = array<i32>} : memref<32x64xf32, #tpu.memory_space<vmem>>, vector<1x16xf32>,
        %swap3A_677 = vector.shape_cast %swap3A_676 : vector<1x16xf32> to vector<16xf32>
        %swap3A_678 = vector.shape_cast %get3A_673 : vector<16xf32> to vector<1x16xf32>
        tpu.vector_store %arg7[%swap3A_674, %swap3A_675], %swap3A_678 {strides = array<i32>} : memref<32x64xf32, #tpu.memory_space<vmem>>, vector<1x16xf32>,
        %get3A_679 = arith.constant 0 : i32
        %get3A_680 = arith.index_cast %get3A_679 : i32 to index
        %get3A_681 = arith.index_cast %add3A_642 : i32 to index
        %get3A_682 = arith.index_cast %squeeze3A_638 : i32 to index
        %get3A_683 = arith.constant 48 : index
        %get3A_684 = tpu.vector_load %arg6[%get3A_680, %get3A_681, %get3A_682, %get3A_683] {strides = array<i32>} : memref<2x32x8x64xf32, #tpu.memory_space<vmem>>, vector<1x1x1x16xf32>,
        %get3A_685 = vector.shape_cast %get3A_684 : vector<1x1x1x16xf32> to vector<16xf32>
        %swap3A_686 = arith.index_cast %add3A_642 : i32 to index
        %swap3A_687 = arith.constant 48 : index
        %swap3A_688 = tpu.vector_load %arg7[%swap3A_686, %swap3A_687] {strides = array<i32>} : memref<32x64xf32, #tpu.memory_space<vmem>>, vector<1x16xf32>,
        %swap3A_689 = vector.shape_cast %swap3A_688 : vector<1x16xf32> to vector<16xf32>
        %swap3A_690 = vector.shape_cast %get3A_685 : vector<16xf32> to vector<1x16xf32>
        tpu.vector_store %arg7[%swap3A_686, %swap3A_687], %swap3A_690 {strides = array<i32>} : memref<32x64xf32, #tpu.memory_space<vmem>>, vector<1x16xf32>,
        %slice3A_691 = vector.extract_strided_slice %rem3A_99 {offsets = [11], sizes = [1], strides = [1]} : vector<16xi32> to vector<1xi32>
        %squeeze3A_692 = vector.extract %slice3A_691[0] : i32 from vector<1xi32>
        %mul3A_693 = arith.constant 16 : i32
        %mul3A_694 = arith.muli %scan3A_90, %mul3A_693 : i32
        %add3A_695 = arith.constant 11 : i32
        %add3A_696 = arith.addi %mul3A_694, %add3A_695 : i32
        %get3A_697 = arith.constant 0 : i32
        %get3A_698 = arith.index_cast %get3A_697 : i32 to index
        %get3A_699 = arith.index_cast %add3A_696 : i32 to index
        %get3A_700 = arith.index_cast %squeeze3A_692 : i32 to index
        %get3A_701 = arith.constant 0 : index
        %get3A_702 = tpu.vector_load %arg6[%get3A_698, %get3A_699, %get3A_700, %get3A_701] {strides = array<i32>} : memref<2x32x8x64xf32, #tpu.memory_space<vmem>>, vector<1x1x1x16xf32>,
        %get3A_703 = vector.shape_cast %get3A_702 : vector<1x1x1x16xf32> to vector<16xf32>
        %swap3A_704 = arith.index_cast %add3A_696 : i32 to index
        %swap3A_705 = arith.constant 0 : index
        %swap3A_706 = tpu.vector_load %arg7[%swap3A_704, %swap3A_705] {strides = array<i32>} : memref<32x64xf32, #tpu.memory_space<vmem>>, vector<1x16xf32>,
        %swap3A_707 = vector.shape_cast %swap3A_706 : vector<1x16xf32> to vector<16xf32>
        %swap3A_708 = vector.shape_cast %get3A_703 : vector<16xf32> to vector<1x16xf32>
        tpu.vector_store %arg7[%swap3A_704, %swap3A_705], %swap3A_708 {strides = array<i32>} : memref<32x64xf32, #tpu.memory_space<vmem>>, vector<1x16xf32>,
        %get3A_709 = arith.constant 0 : i32
        %get3A_710 = arith.index_cast %get3A_709 : i32 to index
        %get3A_711 = arith.index_cast %add3A_696 : i32 to index
        %get3A_712 = arith.index_cast %squeeze3A_692 : i32 to index
        %get3A_713 = arith.constant 16 : index
        %get3A_714 = tpu.vector_load %arg6[%get3A_710, %get3A_711, %get3A_712, %get3A_713] {strides = array<i32>} : memref<2x32x8x64xf32, #tpu.memory_space<vmem>>, vector<1x1x1x16xf32>,
        %get3A_715 = vector.shape_cast %get3A_714 : vector<1x1x1x16xf32> to vector<16xf32>
        %swap3A_716 = arith.index_cast %add3A_696 : i32 to index
        %swap3A_717 = arith.constant 16 : index
        %swap3A_718 = tpu.vector_load %arg7[%swap3A_716, %swap3A_717] {strides = array<i32>} : memref<32x64xf32, #tpu.memory_space<vmem>>, vector<1x16xf32>,
        %swap3A_719 = vector.shape_cast %swap3A_718 : vector<1x16xf32> to vector<16xf32>
        %swap3A_720 = vector.shape_cast %get3A_715 : vector<16xf32> to vector<1x16xf32>
        tpu.vector_store %arg7[%swap3A_716, %swap3A_717], %swap3A_720 {strides = array<i32>} : memref<32x64xf32, #tpu.memory_space<vmem>>, vector<1x16xf32>,
        %get3A_721 = arith.constant 0 : i32
        %get3A_722 = arith.index_cast %get3A_721 : i32 to index
        %get3A_723 = arith.index_cast %add3A_696 : i32 to index
        %get3A_724 = arith.index_cast %squeeze3A_692 : i32 to index
        %get3A_725 = arith.constant 32 : index
        %get3A_726 = tpu.vector_load %arg6[%get3A_722, %get3A_723, %get3A_724, %get3A_725] {strides = array<i32>} : memref<2x32x8x64xf32, #tpu.memory_space<vmem>>, vector<1x1x1x16xf32>,
        %get3A_727 = vector.shape_cast %get3A_726 : vector<1x1x1x16xf32> to vector<16xf32>
        %swap3A_728 = arith.index_cast %add3A_696 : i32 to index
        %swap3A_729 = arith.constant 32 : index
        %swap3A_730 = tpu.vector_load %arg7[%swap3A_728, %swap3A_729] {strides = array<i32>} : memref<32x64xf32, #tpu.memory_space<vmem>>, vector<1x16xf32>,
        %swap3A_731 = vector.shape_cast %swap3A_730 : vector<1x16xf32> to vector<16xf32>
        %swap3A_732 = vector.shape_cast %get3A_727 : vector<16xf32> to vector<1x16xf32>
        tpu.vector_store %arg7[%swap3A_728, %swap3A_729], %swap3A_732 {strides = array<i32>} : memref<32x64xf32, #tpu.memory_space<vmem>>, vector<1x16xf32>,
        %get3A_733 = arith.constant 0 : i32
        %get3A_734 = arith.index_cast %get3A_733 : i32 to index
        %get3A_735 = arith.index_cast %add3A_696 : i32 to index
        %get3A_736 = arith.index_cast %squeeze3A_692 : i32 to index
        %get3A_737 = arith.constant 48 : index
        %get3A_738 = tpu.vector_load %arg6[%get3A_734, %get3A_735, %get3A_736, %get3A_737] {strides = array<i32>} : memref<2x32x8x64xf32, #tpu.memory_space<vmem>>, vector<1x1x1x16xf32>,
        %get3A_739 = vector.shape_cast %get3A_738 : vector<1x1x1x16xf32> to vector<16xf32>
        %swap3A_740 = arith.index_cast %add3A_696 : i32 to index
        %swap3A_741 = arith.constant 48 : index
        %swap3A_742 = tpu.vector_load %arg7[%swap3A_740, %swap3A_741] {strides = array<i32>} : memref<32x64xf32, #tpu.memory_space<vmem>>, vector<1x16xf32>,
        %swap3A_743 = vector.shape_cast %swap3A_742 : vector<1x16xf32> to vector<16xf32>
        %swap3A_744 = vector.shape_cast %get3A_739 : vector<16xf32> to vector<1x16xf32>
        tpu.vector_store %arg7[%swap3A_740, %swap3A_741], %swap3A_744 {strides = array<i32>} : memref<32x64xf32, #tpu.memory_space<vmem>>, vector<1x16xf32>,
        %slice3A_745 = vector.extract_strided_slice %rem3A_99 {offsets = [12], sizes = [1], strides = [1]} : vector<16xi32> to vector<1xi32>
        %squeeze3A_746 = vector.extract %slice3A_745[0] : i32 from vector<1xi32>
        %mul3A_747 = arith.constant 16 : i32
        %mul3A_748 = arith.muli %scan3A_90, %mul3A_747 : i32
        %add3A_749 = arith.constant 12 : i32
        %add3A_750 = arith.addi %mul3A_748, %add3A_749 : i32
        %get3A_751 = arith.constant 0 : i32
        %get3A_752 = arith.index_cast %get3A_751 : i32 to index
        %get3A_753 = arith.index_cast %add3A_750 : i32 to index
        %get3A_754 = arith.index_cast %squeeze3A_746 : i32 to index
        %get3A_755 = arith.constant 0 : index
        %get3A_756 = tpu.vector_load %arg6[%get3A_752, %get3A_753, %get3A_754, %get3A_755] {strides = array<i32>} : memref<2x32x8x64xf32, #tpu.memory_space<vmem>>, vector<1x1x1x16xf32>,
        %get3A_757 = vector.shape_cast %get3A_756 : vector<1x1x1x16xf32> to vector<16xf32>
        %swap3A_758 = arith.index_cast %add3A_750 : i32 to index
        %swap3A_759 = arith.constant 0 : index
        %swap3A_760 = tpu.vector_load %arg7[%swap3A_758, %swap3A_759] {strides = array<i32>} : memref<32x64xf32, #tpu.memory_space<vmem>>, vector<1x16xf32>,
        %swap3A_761 = vector.shape_cast %swap3A_760 : vector<1x16xf32> to vector<16xf32>
        %swap3A_762 = vector.shape_cast %get3A_757 : vector<16xf32> to vector<1x16xf32>
        tpu.vector_store %arg7[%swap3A_758, %swap3A_759], %swap3A_762 {strides = array<i32>} : memref<32x64xf32, #tpu.memory_space<vmem>>, vector<1x16xf32>,
        %get3A_763 = arith.constant 0 : i32
        %get3A_764 = arith.index_cast %get3A_763 : i32 to index
        %get3A_765 = arith.index_cast %add3A_750 : i32 to index
        %get3A_766 = arith.index_cast %squeeze3A_746 : i32 to index
        %get3A_767 = arith.constant 16 : index
        %get3A_768 = tpu.vector_load %arg6[%get3A_764, %get3A_765, %get3A_766, %get3A_767] {strides = array<i32>} : memref<2x32x8x64xf32, #tpu.memory_space<vmem>>, vector<1x1x1x16xf32>,
        %get3A_769 = vector.shape_cast %get3A_768 : vector<1x1x1x16xf32> to vector<16xf32>
        %swap3A_770 = arith.index_cast %add3A_750 : i32 to index
        %swap3A_771 = arith.constant 16 : index
        %swap3A_772 = tpu.vector_load %arg7[%swap3A_770, %swap3A_771] {strides = array<i32>} : memref<32x64xf32, #tpu.memory_space<vmem>>, vector<1x16xf32>,
        %swap3A_773 = vector.shape_cast %swap3A_772 : vector<1x16xf32> to vector<16xf32>
        %swap3A_774 = vector.shape_cast %get3A_769 : vector<16xf32> to vector<1x16xf32>
        tpu.vector_store %arg7[%swap3A_770, %swap3A_771], %swap3A_774 {strides = array<i32>} : memref<32x64xf32, #tpu.memory_space<vmem>>, vector<1x16xf32>,
        %get3A_775 = arith.constant 0 : i32
        %get3A_776 = arith.index_cast %get3A_775 : i32 to index
        %get3A_777 = arith.index_cast %add3A_750 : i32 to index
        %get3A_778 = arith.index_cast %squeeze3A_746 : i32 to index
        %get3A_779 = arith.constant 32 : index
        %get3A_780 = tpu.vector_load %arg6[%get3A_776, %get3A_777, %get3A_778, %get3A_779] {strides = array<i32>} : memref<2x32x8x64xf32, #tpu.memory_space<vmem>>, vector<1x1x1x16xf32>,
        %get3A_781 = vector.shape_cast %get3A_780 : vector<1x1x1x16xf32> to vector<16xf32>
        %swap3A_782 = arith.index_cast %add3A_750 : i32 to index
        %swap3A_783 = arith.constant 32 : index
        %swap3A_784 = tpu.vector_load %arg7[%swap3A_782, %swap3A_783] {strides = array<i32>} : memref<32x64xf32, #tpu.memory_space<vmem>>, vector<1x16xf32>,
        %swap3A_785 = vector.shape_cast %swap3A_784 : vector<1x16xf32> to vector<16xf32>
        %swap3A_786 = vector.shape_cast %get3A_781 : vector<16xf32> to vector<1x16xf32>
        tpu.vector_store %arg7[%swap3A_782, %swap3A_783], %swap3A_786 {strides = array<i32>} : memref<32x64xf32, #tpu.memory_space<vmem>>, vector<1x16xf32>,
        %get3A_787 = arith.constant 0 : i32
        %get3A_788 = arith.index_cast %get3A_787 : i32 to index
        %get3A_789 = arith.index_cast %add3A_750 : i32 to index
        %get3A_790 = arith.index_cast %squeeze3A_746 : i32 to index
        %get3A_791 = arith.constant 48 : index
        %get3A_792 = tpu.vector_load %arg6[%get3A_788, %get3A_789, %get3A_790, %get3A_791] {strides = array<i32>} : memref<2x32x8x64xf32, #tpu.memory_space<vmem>>, vector<1x1x1x16xf32>,
        %get3A_793 = vector.shape_cast %get3A_792 : vector<1x1x1x16xf32> to vector<16xf32>
        %swap3A_794 = arith.index_cast %add3A_750 : i32 to index
        %swap3A_795 = arith.constant 48 : index
        %swap3A_796 = tpu.vector_load %arg7[%swap3A_794, %swap3A_795] {strides = array<i32>} : memref<32x64xf32, #tpu.memory_space<vmem>>, vector<1x16xf32>,
        %swap3A_797 = vector.shape_cast %swap3A_796 : vector<1x16xf32> to vector<16xf32>
        %swap3A_798 = vector.shape_cast %get3A_793 : vector<16xf32> to vector<1x16xf32>
        tpu.vector_store %arg7[%swap3A_794, %swap3A_795], %swap3A_798 {strides = array<i32>} : memref<32x64xf32, #tpu.memory_space<vmem>>, vector<1x16xf32>,
        %slice3A_799 = vector.extract_strided_slice %rem3A_99 {offsets = [13], sizes = [1], strides = [1]} : vector<16xi32> to vector<1xi32>
        %squeeze3A_800 = vector.extract %slice3A_799[0] : i32 from vector<1xi32>
        %mul3A_801 = arith.constant 16 : i32
        %mul3A_802 = arith.muli %scan3A_90, %mul3A_801 : i32
        %add3A_803 = arith.constant 13 : i32
        %add3A_804 = arith.addi %mul3A_802, %add3A_803 : i32
        %get3A_805 = arith.constant 0 : i32
        %get3A_806 = arith.index_cast %get3A_805 : i32 to index
        %get3A_807 = arith.index_cast %add3A_804 : i32 to index
        %get3A_808 = arith.index_cast %squeeze3A_800 : i32 to index
        %get3A_809 = arith.constant 0 : index
        %get3A_810 = tpu.vector_load %arg6[%get3A_806, %get3A_807, %get3A_808, %get3A_809] {strides = array<i32>} : memref<2x32x8x64xf32, #tpu.memory_space<vmem>>, vector<1x1x1x16xf32>,
        %get3A_811 = vector.shape_cast %get3A_810 : vector<1x1x1x16xf32> to vector<16xf32>
        %swap3A_812 = arith.index_cast %add3A_804 : i32 to index
        %swap3A_813 = arith.constant 0 : index
        %swap3A_814 = tpu.vector_load %arg7[%swap3A_812, %swap3A_813] {strides = array<i32>} : memref<32x64xf32, #tpu.memory_space<vmem>>, vector<1x16xf32>,
        %swap3A_815 = vector.shape_cast %swap3A_814 : vector<1x16xf32> to vector<16xf32>
        %swap3A_816 = vector.shape_cast %get3A_811 : vector<16xf32> to vector<1x16xf32>
        tpu.vector_store %arg7[%swap3A_812, %swap3A_813], %swap3A_816 {strides = array<i32>} : memref<32x64xf32, #tpu.memory_space<vmem>>, vector<1x16xf32>,
        %get3A_817 = arith.constant 0 : i32
        %get3A_818 = arith.index_cast %get3A_817 : i32 to index
        %get3A_819 = arith.index_cast %add3A_804 : i32 to index
        %get3A_820 = arith.index_cast %squeeze3A_800 : i32 to index
        %get3A_821 = arith.constant 16 : index
        %get3A_822 = tpu.vector_load %arg6[%get3A_818, %get3A_819, %get3A_820, %get3A_821] {strides = array<i32>} : memref<2x32x8x64xf32, #tpu.memory_space<vmem>>, vector<1x1x1x16xf32>,
        %get3A_823 = vector.shape_cast %get3A_822 : vector<1x1x1x16xf32> to vector<16xf32>
        %swap3A_824 = arith.index_cast %add3A_804 : i32 to index
        %swap3A_825 = arith.constant 16 : index
        %swap3A_826 = tpu.vector_load %arg7[%swap3A_824, %swap3A_825] {strides = array<i32>} : memref<32x64xf32, #tpu.memory_space<vmem>>, vector<1x16xf32>,
        %swap3A_827 = vector.shape_cast %swap3A_826 : vector<1x16xf32> to vector<16xf32>
        %swap3A_828 = vector.shape_cast %get3A_823 : vector<16xf32> to vector<1x16xf32>
        tpu.vector_store %arg7[%swap3A_824, %swap3A_825], %swap3A_828 {strides = array<i32>} : memref<32x64xf32, #tpu.memory_space<vmem>>, vector<1x16xf32>,
        %get3A_829 = arith.constant 0 : i32
        %get3A_830 = arith.index_cast %get3A_829 : i32 to index
        %get3A_831 = arith.index_cast %add3A_804 : i32 to index
        %get3A_832 = arith.index_cast %squeeze3A_800 : i32 to index
        %get3A_833 = arith.constant 32 : index
        %get3A_834 = tpu.vector_load %arg6[%get3A_830, %get3A_831, %get3A_832, %get3A_833] {strides = array<i32>} : memref<2x32x8x64xf32, #tpu.memory_space<vmem>>, vector<1x1x1x16xf32>,
        %get3A_835 = vector.shape_cast %get3A_834 : vector<1x1x1x16xf32> to vector<16xf32>
        %swap3A_836 = arith.index_cast %add3A_804 : i32 to index
        %swap3A_837 = arith.constant 32 : index
        %swap3A_838 = tpu.vector_load %arg7[%swap3A_836, %swap3A_837] {strides = array<i32>} : memref<32x64xf32, #tpu.memory_space<vmem>>, vector<1x16xf32>,
        %swap3A_839 = vector.shape_cast %swap3A_838 : vector<1x16xf32> to vector<16xf32>
        %swap3A_840 = vector.shape_cast %get3A_835 : vector<16xf32> to vector<1x16xf32>
        tpu.vector_store %arg7[%swap3A_836, %swap3A_837], %swap3A_840 {strides = array<i32>} : memref<32x64xf32, #tpu.memory_space<vmem>>, vector<1x16xf32>,
        %get3A_841 = arith.constant 0 : i32
        %get3A_842 = arith.index_cast %get3A_841 : i32 to index
        %get3A_843 = arith.index_cast %add3A_804 : i32 to index
        %get3A_844 = arith.index_cast %squeeze3A_800 : i32 to index
        %get3A_845 = arith.constant 48 : index
        %get3A_846 = tpu.vector_load %arg6[%get3A_842, %get3A_843, %get3A_844, %get3A_845] {strides = array<i32>} : memref<2x32x8x64xf32, #tpu.memory_space<vmem>>, vector<1x1x1x16xf32>,
        %get3A_847 = vector.shape_cast %get3A_846 : vector<1x1x1x16xf32> to vector<16xf32>
        %swap3A_848 = arith.index_cast %add3A_804 : i32 to index
        %swap3A_849 = arith.constant 48 : index
        %swap3A_850 = tpu.vector_load %arg7[%swap3A_848, %swap3A_849] {strides = array<i32>} : memref<32x64xf32, #tpu.memory_space<vmem>>, vector<1x16xf32>,
        %swap3A_851 = vector.shape_cast %swap3A_850 : vector<1x16xf32> to vector<16xf32>
        %swap3A_852 = vector.shape_cast %get3A_847 : vector<16xf32> to vector<1x16xf32>
        tpu.vector_store %arg7[%swap3A_848, %swap3A_849], %swap3A_852 {strides = array<i32>} : memref<32x64xf32, #tpu.memory_space<vmem>>, vector<1x16xf32>,
        %slice3A_853 = vector.extract_strided_slice %rem3A_99 {offsets = [14], sizes = [1], strides = [1]} : vector<16xi32> to vector<1xi32>
        %squeeze3A_854 = vector.extract %slice3A_853[0] : i32 from vector<1xi32>
        %mul3A_855 = arith.constant 16 : i32
        %mul3A_856 = arith.muli %scan3A_90, %mul3A_855 : i32
        %add3A_857 = arith.constant 14 : i32
        %add3A_858 = arith.addi %mul3A_856, %add3A_857 : i32
        %get3A_859 = arith.constant 0 : i32
        %get3A_860 = arith.index_cast %get3A_859 : i32 to index
        %get3A_861 = arith.index_cast %add3A_858 : i32 to index
        %get3A_862 = arith.index_cast %squeeze3A_854 : i32 to index
        %get3A_863 = arith.constant 0 : index
        %get3A_864 = tpu.vector_load %arg6[%get3A_860, %get3A_861, %get3A_862, %get3A_863] {strides = array<i32>} : memref<2x32x8x64xf32, #tpu.memory_space<vmem>>, vector<1x1x1x16xf32>,
        %get3A_865 = vector.shape_cast %get3A_864 : vector<1x1x1x16xf32> to vector<16xf32>
        %swap3A_866 = arith.index_cast %add3A_858 : i32 to index
        %swap3A_867 = arith.constant 0 : index
        %swap3A_868 = tpu.vector_load %arg7[%swap3A_866, %swap3A_867] {strides = array<i32>} : memref<32x64xf32, #tpu.memory_space<vmem>>, vector<1x16xf32>,
        %swap3A_869 = vector.shape_cast %swap3A_868 : vector<1x16xf32> to vector<16xf32>
        %swap3A_870 = vector.shape_cast %get3A_865 : vector<16xf32> to vector<1x16xf32>
        tpu.vector_store %arg7[%swap3A_866, %swap3A_867], %swap3A_870 {strides = array<i32>} : memref<32x64xf32, #tpu.memory_space<vmem>>, vector<1x16xf32>,
        %get3A_871 = arith.constant 0 : i32
        %get3A_872 = arith.index_cast %get3A_871 : i32 to index
        %get3A_873 = arith.index_cast %add3A_858 : i32 to index
        %get3A_874 = arith.index_cast %squeeze3A_854 : i32 to index
        %get3A_875 = arith.constant 16 : index
        %get3A_876 = tpu.vector_load %arg6[%get3A_872, %get3A_873, %get3A_874, %get3A_875] {strides = array<i32>} : memref<2x32x8x64xf32, #tpu.memory_space<vmem>>, vector<1x1x1x16xf32>,
        %get3A_877 = vector.shape_cast %get3A_876 : vector<1x1x1x16xf32> to vector<16xf32>
        %swap3A_878 = arith.index_cast %add3A_858 : i32 to index
        %swap3A_879 = arith.constant 16 : index
        %swap3A_880 = tpu.vector_load %arg7[%swap3A_878, %swap3A_879] {strides = array<i32>} : memref<32x64xf32, #tpu.memory_space<vmem>>, vector<1x16xf32>,
        %swap3A_881 = vector.shape_cast %swap3A_880 : vector<1x16xf32> to vector<16xf32>
        %swap3A_882 = vector.shape_cast %get3A_877 : vector<16xf32> to vector<1x16xf32>
        tpu.vector_store %arg7[%swap3A_878, %swap3A_879], %swap3A_882 {strides = array<i32>} : memref<32x64xf32, #tpu.memory_space<vmem>>, vector<1x16xf32>,
        %get3A_883 = arith.constant 0 : i32
        %get3A_884 = arith.index_cast %get3A_883 : i32 to index
        %get3A_885 = arith.index_cast %add3A_858 : i32 to index
        %get3A_886 = arith.index_cast %squeeze3A_854 : i32 to index
        %get3A_887 = arith.constant 32 : index
        %get3A_888 = tpu.vector_load %arg6[%get3A_884, %get3A_885, %get3A_886, %get3A_887] {strides = array<i32>} : memref<2x32x8x64xf32, #tpu.memory_space<vmem>>, vector<1x1x1x16xf32>,
        %get3A_889 = vector.shape_cast %get3A_888 : vector<1x1x1x16xf32> to vector<16xf32>
        %swap3A_890 = arith.index_cast %add3A_858 : i32 to index
        %swap3A_891 = arith.constant 32 : index
        %swap3A_892 = tpu.vector_load %arg7[%swap3A_890, %swap3A_891] {strides = array<i32>} : memref<32x64xf32, #tpu.memory_space<vmem>>, vector<1x16xf32>,
        %swap3A_893 = vector.shape_cast %swap3A_892 : vector<1x16xf32> to vector<16xf32>
        %swap3A_894 = vector.shape_cast %get3A_889 : vector<16xf32> to vector<1x16xf32>
        tpu.vector_store %arg7[%swap3A_890, %swap3A_891], %swap3A_894 {strides = array<i32>} : memref<32x64xf32, #tpu.memory_space<vmem>>, vector<1x16xf32>,
        %get3A_895 = arith.constant 0 : i32
        %get3A_896 = arith.index_cast %get3A_895 : i32 to index
        %get3A_897 = arith.index_cast %add3A_858 : i32 to index
        %get3A_898 = arith.index_cast %squeeze3A_854 : i32 to index
        %get3A_899 = arith.constant 48 : index
        %get3A_900 = tpu.vector_load %arg6[%get3A_896, %get3A_897, %get3A_898, %get3A_899] {strides = array<i32>} : memref<2x32x8x64xf32, #tpu.memory_space<vmem>>, vector<1x1x1x16xf32>,
        %get3A_901 = vector.shape_cast %get3A_900 : vector<1x1x1x16xf32> to vector<16xf32>
        %swap3A_902 = arith.index_cast %add3A_858 : i32 to index
        %swap3A_903 = arith.constant 48 : index
        %swap3A_904 = tpu.vector_load %arg7[%swap3A_902, %swap3A_903] {strides = array<i32>} : memref<32x64xf32, #tpu.memory_space<vmem>>, vector<1x16xf32>,
        %swap3A_905 = vector.shape_cast %swap3A_904 : vector<1x16xf32> to vector<16xf32>
        %swap3A_906 = vector.shape_cast %get3A_901 : vector<16xf32> to vector<1x16xf32>
        tpu.vector_store %arg7[%swap3A_902, %swap3A_903], %swap3A_906 {strides = array<i32>} : memref<32x64xf32, #tpu.memory_space<vmem>>, vector<1x16xf32>,
        %slice3A_907 = vector.extract_strided_slice %rem3A_99 {offsets = [15], sizes = [1], strides = [1]} : vector<16xi32> to vector<1xi32>
        %squeeze3A_908 = vector.extract %slice3A_907[0] : i32 from vector<1xi32>
        %mul3A_909 = arith.constant 16 : i32
        %mul3A_910 = arith.muli %scan3A_90, %mul3A_909 : i32
        %add3A_911 = arith.constant 15 : i32
        %add3A_912 = arith.addi %mul3A_910, %add3A_911 : i32
        %get3A_913 = arith.constant 0 : i32
        %get3A_914 = arith.index_cast %get3A_913 : i32 to index
        %get3A_915 = arith.index_cast %add3A_912 : i32 to index
        %get3A_916 = arith.index_cast %squeeze3A_908 : i32 to index
        %get3A_917 = arith.constant 0 : index
        %get3A_918 = tpu.vector_load %arg6[%get3A_914, %get3A_915, %get3A_916, %get3A_917] {strides = array<i32>} : memref<2x32x8x64xf32, #tpu.memory_space<vmem>>, vector<1x1x1x16xf32>,
        %get3A_919 = vector.shape_cast %get3A_918 : vector<1x1x1x16xf32> to vector<16xf32>
        %swap3A_920 = arith.index_cast %add3A_912 : i32 to index
        %swap3A_921 = arith.constant 0 : index
        %swap3A_922 = tpu.vector_load %arg7[%swap3A_920, %swap3A_921] {strides = array<i32>} : memref<32x64xf32, #tpu.memory_space<vmem>>, vector<1x16xf32>,
        %swap3A_923 = vector.shape_cast %swap3A_922 : vector<1x16xf32> to vector<16xf32>
        %swap3A_924 = vector.shape_cast %get3A_919 : vector<16xf32> to vector<1x16xf32>
        tpu.vector_store %arg7[%swap3A_920, %swap3A_921], %swap3A_924 {strides = array<i32>} : memref<32x64xf32, #tpu.memory_space<vmem>>, vector<1x16xf32>,
        %get3A_925 = arith.constant 0 : i32
        %get3A_926 = arith.index_cast %get3A_925 : i32 to index
        %get3A_927 = arith.index_cast %add3A_912 : i32 to index
        %get3A_928 = arith.index_cast %squeeze3A_908 : i32 to index
        %get3A_929 = arith.constant 16 : index
        %get3A_930 = tpu.vector_load %arg6[%get3A_926, %get3A_927, %get3A_928, %get3A_929] {strides = array<i32>} : memref<2x32x8x64xf32, #tpu.memory_space<vmem>>, vector<1x1x1x16xf32>,
        %get3A_931 = vector.shape_cast %get3A_930 : vector<1x1x1x16xf32> to vector<16xf32>
        %swap3A_932 = arith.index_cast %add3A_912 : i32 to index
        %swap3A_933 = arith.constant 16 : index
        %swap3A_934 = tpu.vector_load %arg7[%swap3A_932, %swap3A_933] {strides = array<i32>} : memref<32x64xf32, #tpu.memory_space<vmem>>, vector<1x16xf32>,
        %swap3A_935 = vector.shape_cast %swap3A_934 : vector<1x16xf32> to vector<16xf32>
        %swap3A_936 = vector.shape_cast %get3A_931 : vector<16xf32> to vector<1x16xf32>
        tpu.vector_store %arg7[%swap3A_932, %swap3A_933], %swap3A_936 {strides = array<i32>} : memref<32x64xf32, #tpu.memory_space<vmem>>, vector<1x16xf32>,
        %get3A_937 = arith.constant 0 : i32
        %get3A_938 = arith.index_cast %get3A_937 : i32 to index
        %get3A_939 = arith.index_cast %add3A_912 : i32 to index
        %get3A_940 = arith.index_cast %squeeze3A_908 : i32 to index
        %get3A_941 = arith.constant 32 : index
        %get3A_942 = tpu.vector_load %arg6[%get3A_938, %get3A_939, %get3A_940, %get3A_941] {strides = array<i32>} : memref<2x32x8x64xf32, #tpu.memory_space<vmem>>, vector<1x1x1x16xf32>,
        %get3A_943 = vector.shape_cast %get3A_942 : vector<1x1x1x16xf32> to vector<16xf32>
        %swap3A_944 = arith.index_cast %add3A_912 : i32 to index
        %swap3A_945 = arith.constant 32 : index
        %swap3A_946 = tpu.vector_load %arg7[%swap3A_944, %swap3A_945] {strides = array<i32>} : memref<32x64xf32, #tpu.memory_space<vmem>>, vector<1x16xf32>,
        %swap3A_947 = vector.shape_cast %swap3A_946 : vector<1x16xf32> to vector<16xf32>
        %swap3A_948 = vector.shape_cast %get3A_943 : vector<16xf32> to vector<1x16xf32>
        tpu.vector_store %arg7[%swap3A_944, %swap3A_945], %swap3A_948 {strides = array<i32>} : memref<32x64xf32, #tpu.memory_space<vmem>>, vector<1x16xf32>,
        %get3A_949 = arith.constant 0 : i32
        %get3A_950 = arith.index_cast %get3A_949 : i32 to index
        %get3A_951 = arith.index_cast %add3A_912 : i32 to index
        %get3A_952 = arith.index_cast %squeeze3A_908 : i32 to index
        %get3A_953 = arith.constant 48 : index
        %get3A_954 = tpu.vector_load %arg6[%get3A_950, %get3A_951, %get3A_952, %get3A_953] {strides = array<i32>} : memref<2x32x8x64xf32, #tpu.memory_space<vmem>>, vector<1x1x1x16xf32>,
        %get3A_955 = vector.shape_cast %get3A_954 : vector<1x1x1x16xf32> to vector<16xf32>
        %swap3A_956 = arith.index_cast %add3A_912 : i32 to index
        %swap3A_957 = arith.constant 48 : index
        %swap3A_958 = tpu.vector_load %arg7[%swap3A_956, %swap3A_957] {strides = array<i32>} : memref<32x64xf32, #tpu.memory_space<vmem>>, vector<1x16xf32>,
        %swap3A_959 = vector.shape_cast %swap3A_958 : vector<1x16xf32> to vector<16xf32>
        %swap3A_960 = vector.shape_cast %get3A_955 : vector<16xf32> to vector<1x16xf32>
        tpu.vector_store %arg7[%swap3A_956, %swap3A_957], %swap3A_960 {strides = array<i32>} : memref<32x64xf32, #tpu.memory_space<vmem>>, vector<1x16xf32>,
      }
      %scan3A_48 = arith.constant 2 : i32
      %mul3A_49 = arith.constant 640 : i32
      %mul3A_50 = arith.muli %add3A, %mul3A_49 : i32
      %mul3A_51 = arith.constant 32 : i32
      %mul3A_52 = arith.muli %mul3A_16, %mul3A_51 : i32
      %add3A_53 = arith.addi %mul3A_50, %mul3A_52 : i32
      "tpu.region"() ({
        %run_scoped3A = tpu.sem_alloc : memref<!tpu.dma_semaphore, #tpu.memory_space<semaphore_mem>>
        %dma_start3A = arith.constant 0 : i32
        %dma_start3A_90 = tpu.memref_slice %arg4[%add3A_53, %dma_start3A] : memref<20480x64xf32, #tpu.memory_space<hbm>> -> memref<32x64xf32, #tpu.memory_space<hbm>>
        %dma_start3A_91 = arith.constant 0 : i32
        %dma_start3A_92 = tpu.memref_slice %arg4[%add3A_53, %dma_start3A_91] : memref<20480x64xf32, #tpu.memory_space<hbm>> -> memref<32x64xf32, #tpu.memory_space<hbm>>
        tpu.enqueue_dma source(%arg7 : memref<32x64xf32, #tpu.memory_space<vmem>>) target(%dma_start3A_92 : memref<32x64xf32, #tpu.memory_space<hbm>>) target_semaphore(%run_scoped3A : memref<!tpu.dma_semaphore, #tpu.memory_space<semaphore_mem>>)
        %dma_wait3A_93 = arith.constant 0 : i32
        %dma_wait3A_94 = tpu.memref_slice %arg4[%add3A_53, %dma_wait3A_93] : memref<20480x64xf32, #tpu.memory_space<hbm>> -> memref<32x64xf32, #tpu.memory_space<hbm>>
        %dma_wait3A_95 = arith.constant 0 : i32
        %dma_wait3A_96 = tpu.memref_slice %arg4[%add3A_53, %dma_wait3A_95] : memref<20480x64xf32, #tpu.memory_space<hbm>> -> memref<32x64xf32, #tpu.memory_space<hbm>>
        tpu.wait_dma2 semaphore(%run_scoped3A : memref<!tpu.dma_semaphore, #tpu.memory_space<semaphore_mem>>) src(%arg7 : memref<32x64xf32, #tpu.memory_space<vmem>>) dst(%dma_wait3A_96 : memref<32x64xf32, #tpu.memory_space<hbm>>)
        tpu.yield
      }) : () -> ()
      %dma_wait3A_54 = arith.constant 1 : i32
      %dma_wait3A_55 = arith.constant 0 : i32
      %dma_wait3A_56 = arith.constant 0 : i32
      %dma_wait3A_57 = arith.constant 0 : i32
      %dma_wait3A_58 = tpu.memref_slice %arg6[%dma_wait3A_54, %dma_wait3A_55, %dma_wait3A_56, %dma_wait3A_57] : memref<2x32x8x64xf32, #tpu.memory_space<vmem>> -> memref<1x32x8x64xf32, #tpu.memory_space<vmem>>
      %dma_wait3A_59 = tpu.memref_squeeze %dma_wait3A_58 : memref<1x32x8x64xf32, #tpu.memory_space<vmem>> -> memref<32x8x64xf32, #tpu.memory_space<vmem>>
      %dma_wait3A_60 = arith.constant 0 : i32
      %dma_wait3A_61 = arith.constant 0 : i32
      %dma_wait3A_62 = arith.constant 0 : i32
      %dma_wait3A_63 = tpu.memref_slice %arg3[%dma_wait3A_60, %dma_wait3A_61, %dma_wait3A_62] : memref<125000x8x64xf32, #tpu.memory_space<hbm>> -> memref<32x8x64xf32, #tpu.memory_space<hbm>>
      %dma_wait3A_64 = arith.constant 0 : i32
      %dma_wait3A_65 = arith.constant 0 : i32
      %dma_wait3A_66 = arith.constant 0 : i32
      %dma_wait3A_67 = tpu.memref_slice %arg6[%dma_wait3A_54, %dma_wait3A_64, %dma_wait3A_65, %dma_wait3A_66] : memref<2x32x8x64xf32, #tpu.memory_space<vmem>> -> memref<1x32x8x64xf32, #tpu.memory_space<vmem>>
      %dma_wait3A_68 = tpu.memref_squeeze %dma_wait3A_67 : memref<1x32x8x64xf32, #tpu.memory_space<vmem>> -> memref<32x8x64xf32, #tpu.memory_space<vmem>>
      %dma_wait3A_69 = arith.constant 0 : i32
      %dma_wait3A_70 = arith.constant 0 : i32
      %dma_wait3A_71 = arith.constant 0 : i32
      %dma_wait3A_72 = tpu.memref_slice %arg3[%dma_wait3A_69, %dma_wait3A_70, %dma_wait3A_71] : memref<125000x8x64xf32, #tpu.memory_space<hbm>> -> memref<32x8x64xf32, #tpu.memory_space<hbm>>
      tpu.wait_dma2 semaphore(%arg9 : memref<!tpu.dma_semaphore, #tpu.memory_space<semaphore_mem>>) src(%dma_wait3A_72 : memref<32x8x64xf32, #tpu.memory_space<hbm>>) dst(%dma_wait3A_68 : memref<32x8x64xf32, #tpu.memory_space<vmem>>)
      %add3A_73 = arith.constant 1 : i32
      %add3A_74 = arith.addi %scan3A_14, %add3A_73 : i32
      %lt3A = arith.constant 10 : i32
      %lt3A_75 = arith.cmpi slt, %add3A_74, %lt3A : i32
      %convert_element_type3A = arith.extui %lt3A_75 : i1 to i32
      %cond3A = arith.constant 0 : i32
      %cond3A_76 = arith.cmpi ne, %convert_element_type3A, %cond3A : i32
      scf.if %cond3A_76 {
        %add3A_90 = arith.constant 2 : i32
        %add3A_91 = arith.addi %mul3A_16, %add3A_90 : i32
        %scan3A_92 = arith.constant 0 : i32
        %scan3A_93 = arith.constant 0 : i32
        %scan3A_94 = arith.constant 2 : i32
        %scan3A_95 = arith.addi %scan3A_93, %scan3A_94 : i32
        %scan3A_96 = arith.constant 1 : i32
        scf.for %scan3A_98 = %scan3A_93 to %scan3A_95 step %scan3A_96  : i32 {
          %mul3A_99 = arith.constant 32 : i32
          %mul3A_100 = arith.muli %add3A_91, %mul3A_99 : i32
          %mul3A_101 = arith.constant 16 : i32
          %mul3A_102 = arith.muli %scan3A_98, %mul3A_101 : i32
          %add3A_103 = arith.addi %mul3A_100, %mul3A_102 : i32
          %get3A = arith.index_cast %add3A_103 : i32 to index
          %get3A_104 = tpu.vector_load %arg5[%get3A] {strides = array<i32>} : memref<640xi32, #tpu.memory_space<vmem>>, vector<16xi32>,
          %get3A_105 = vector.shape_cast %get3A_104 : vector<16xi32> to vector<16xi32>
          %shift_right_logical3A = arith.constant 3 : i32
          %shift_right_logical3A_106 = vector.broadcast %shift_right_logical3A : i32 to vector<16xi32>
          %shift_right_logical3A_107 = arith.shrui %get3A_105, %shift_right_logical3A_106 : vector<16xi32>
          %slice3A = vector.extract_strided_slice %shift_right_logical3A_107 {offsets = [0], sizes = [1], strides = [1]} : vector<16xi32> to vector<1xi32>
          %squeeze3A = vector.extract %slice3A[0] : i32 from vector<1xi32>
          %mul3A_108 = arith.constant 16 : i32
          %mul3A_109 = arith.muli %scan3A_98, %mul3A_108 : i32
          %add3A_110 = arith.constant 0 : i32
          %add3A_111 = arith.addi %mul3A_109, %add3A_110 : i32
          %dma_start3A = arith.constant 0 : i32
          %dma_start3A_112 = arith.constant 0 : i32
          %dma_start3A_113 = arith.constant 0 : i32
          %dma_start3A_114 = tpu.memref_slice %arg6[%dma_start3A, %add3A_111, %dma_start3A_112, %dma_start3A_113] : memref<2x32x8x64xf32, #tpu.memory_space<vmem>> -> memref<1x1x8x64xf32, #tpu.memory_space<vmem>>
          %dma_start3A_115 = tpu.memref_squeeze %dma_start3A_114 : memref<1x1x8x64xf32, #tpu.memory_space<vmem>> -> memref<8x64xf32, #tpu.memory_space<vmem>>
          %dma_start3A_116 = arith.constant 0 : i32
          %dma_start3A_117 = arith.constant 0 : i32
          %dma_start3A_118 = tpu.memref_slice %arg3[%squeeze3A, %dma_start3A_116, %dma_start3A_117] : memref<125000x8x64xf32, #tpu.memory_space<hbm>> -> memref<1x8x64xf32, #tpu.memory_space<hbm>>
          %dma_start3A_119 = tpu.memref_squeeze %dma_start3A_118 : memref<1x8x64xf32, #tpu.memory_space<hbm>> -> memref<8x64xf32, #tpu.memory_space<hbm>>
          %dma_start3A_120 = arith.constant 0 : i32
          %dma_start3A_121 = arith.constant 0 : i32
          %dma_start3A_122 = tpu.memref_slice %arg6[%dma_start3A, %add3A_111, %dma_start3A_120, %dma_start3A_121] : memref<2x32x8x64xf32, #tpu.memory_space<vmem>> -> memref<1x1x8x64xf32, #tpu.memory_space<vmem>>
          %dma_start3A_123 = tpu.memref_squeeze %dma_start3A_122 : memref<1x1x8x64xf32, #tpu.memory_space<vmem>> -> memref<8x64xf32, #tpu.memory_space<vmem>>
          %dma_start3A_124 = arith.constant 0 : i32
          %dma_start3A_125 = arith.constant 0 : i32
          %dma_start3A_126 = tpu.memref_slice %arg3[%squeeze3A, %dma_start3A_124, %dma_start3A_125] : memref<125000x8x64xf32, #tpu.memory_space<hbm>> -> memref<1x8x64xf32, #tpu.memory_space<hbm>>
          %dma_start3A_127 = tpu.memref_squeeze %dma_start3A_126 : memref<1x8x64xf32, #tpu.memory_space<hbm>> -> memref<8x64xf32, #tpu.memory_space<hbm>>
          tpu.enqueue_dma source(%dma_start3A_127 : memref<8x64xf32, #tpu.memory_space<hbm>>) target(%dma_start3A_123 : memref<8x64xf32, #tpu.memory_space<vmem>>) target_semaphore(%arg8 : memref<!tpu.dma_semaphore, #tpu.memory_space<semaphore_mem>>)
          %slice3A_128 = vector.extract_strided_slice %shift_right_logical3A_107 {offsets = [1], sizes = [1], strides = [1]} : vector<16xi32> to vector<1xi32>
          %squeeze3A_129 = vector.extract %slice3A_128[0] : i32 from vector<1xi32>
          %mul3A_130 = arith.constant 16 : i32
          %mul3A_131 = arith.muli %scan3A_98, %mul3A_130 : i32
          %add3A_132 = arith.constant 1 : i32
          %add3A_133 = arith.addi %mul3A_131, %add3A_132 : i32
          %dma_start3A_134 = arith.constant 0 : i32
          %dma_start3A_135 = arith.constant 0 : i32
          %dma_start3A_136 = arith.constant 0 : i32
          %dma_start3A_137 = tpu.memref_slice %arg6[%dma_start3A_134, %add3A_133, %dma_start3A_135, %dma_start3A_136] : memref<2x32x8x64xf32, #tpu.memory_space<vmem>> -> memref<1x1x8x64xf32, #tpu.memory_space<vmem>>
          %dma_start3A_138 = tpu.memref_squeeze %dma_start3A_137 : memref<1x1x8x64xf32, #tpu.memory_space<vmem>> -> memref<8x64xf32, #tpu.memory_space<vmem>>
          %dma_start3A_139 = arith.constant 0 : i32
          %dma_start3A_140 = arith.constant 0 : i32
          %dma_start3A_141 = tpu.memref_slice %arg3[%squeeze3A_129, %dma_start3A_139, %dma_start3A_140] : memref<125000x8x64xf32, #tpu.memory_space<hbm>> -> memref<1x8x64xf32, #tpu.memory_space<hbm>>
          %dma_start3A_142 = tpu.memref_squeeze %dma_start3A_141 : memref<1x8x64xf32, #tpu.memory_space<hbm>> -> memref<8x64xf32, #tpu.memory_space<hbm>>
          %dma_start3A_143 = arith.constant 0 : i32
          %dma_start3A_144 = arith.constant 0 : i32
          %dma_start3A_145 = tpu.memref_slice %arg6[%dma_start3A_134, %add3A_133, %dma_start3A_143, %dma_start3A_144] : memref<2x32x8x64xf32, #tpu.memory_space<vmem>> -> memref<1x1x8x64xf32, #tpu.memory_space<vmem>>
          %dma_start3A_146 = tpu.memref_squeeze %dma_start3A_145 : memref<1x1x8x64xf32, #tpu.memory_space<vmem>> -> memref<8x64xf32, #tpu.memory_space<vmem>>
          %dma_start3A_147 = arith.constant 0 : i32
          %dma_start3A_148 = arith.constant 0 : i32
          %dma_start3A_149 = tpu.memref_slice %arg3[%squeeze3A_129, %dma_start3A_147, %dma_start3A_148] : memref<125000x8x64xf32, #tpu.memory_space<hbm>> -> memref<1x8x64xf32, #tpu.memory_space<hbm>>
          %dma_start3A_150 = tpu.memref_squeeze %dma_start3A_149 : memref<1x8x64xf32, #tpu.memory_space<hbm>> -> memref<8x64xf32, #tpu.memory_space<hbm>>
          tpu.enqueue_dma source(%dma_start3A_150 : memref<8x64xf32, #tpu.memory_space<hbm>>) target(%dma_start3A_146 : memref<8x64xf32, #tpu.memory_space<vmem>>) target_semaphore(%arg8 : memref<!tpu.dma_semaphore, #tpu.memory_space<semaphore_mem>>)
          %slice3A_151 = vector.extract_strided_slice %shift_right_logical3A_107 {offsets = [2], sizes = [1], strides = [1]} : vector<16xi32> to vector<1xi32>
          %squeeze3A_152 = vector.extract %slice3A_151[0] : i32 from vector<1xi32>
          %mul3A_153 = arith.constant 16 : i32
          %mul3A_154 = arith.muli %scan3A_98, %mul3A_153 : i32
          %add3A_155 = arith.constant 2 : i32
          %add3A_156 = arith.addi %mul3A_154, %add3A_155 : i32
          %dma_start3A_157 = arith.constant 0 : i32
          %dma_start3A_158 = arith.constant 0 : i32
          %dma_start3A_159 = arith.constant 0 : i32
          %dma_start3A_160 = tpu.memref_slice %arg6[%dma_start3A_157, %add3A_156, %dma_start3A_158, %dma_start3A_159] : memref<2x32x8x64xf32, #tpu.memory_space<vmem>> -> memref<1x1x8x64xf32, #tpu.memory_space<vmem>>
          %dma_start3A_161 = tpu.memref_squeeze %dma_start3A_160 : memref<1x1x8x64xf32, #tpu.memory_space<vmem>> -> memref<8x64xf32, #tpu.memory_space<vmem>>
          %dma_start3A_162 = arith.constant 0 : i32
          %dma_start3A_163 = arith.constant 0 : i32
          %dma_start3A_164 = tpu.memref_slice %arg3[%squeeze3A_152, %dma_start3A_162, %dma_start3A_163] : memref<125000x8x64xf32, #tpu.memory_space<hbm>> -> memref<1x8x64xf32, #tpu.memory_space<hbm>>
          %dma_start3A_165 = tpu.memref_squeeze %dma_start3A_164 : memref<1x8x64xf32, #tpu.memory_space<hbm>> -> memref<8x64xf32, #tpu.memory_space<hbm>>
          %dma_start3A_166 = arith.constant 0 : i32
          %dma_start3A_167 = arith.constant 0 : i32
          %dma_start3A_168 = tpu.memref_slice %arg6[%dma_start3A_157, %add3A_156, %dma_start3A_166, %dma_start3A_167] : memref<2x32x8x64xf32, #tpu.memory_space<vmem>> -> memref<1x1x8x64xf32, #tpu.memory_space<vmem>>
          %dma_start3A_169 = tpu.memref_squeeze %dma_start3A_168 : memref<1x1x8x64xf32, #tpu.memory_space<vmem>> -> memref<8x64xf32, #tpu.memory_space<vmem>>
          %dma_start3A_170 = arith.constant 0 : i32
          %dma_start3A_171 = arith.constant 0 : i32
          %dma_start3A_172 = tpu.memref_slice %arg3[%squeeze3A_152, %dma_start3A_170, %dma_start3A_171] : memref<125000x8x64xf32, #tpu.memory_space<hbm>> -> memref<1x8x64xf32, #tpu.memory_space<hbm>>
          %dma_start3A_173 = tpu.memref_squeeze %dma_start3A_172 : memref<1x8x64xf32, #tpu.memory_space<hbm>> -> memref<8x64xf32, #tpu.memory_space<hbm>>
          tpu.enqueue_dma source(%dma_start3A_173 : memref<8x64xf32, #tpu.memory_space<hbm>>) target(%dma_start3A_169 : memref<8x64xf32, #tpu.memory_space<vmem>>) target_semaphore(%arg8 : memref<!tpu.dma_semaphore, #tpu.memory_space<semaphore_mem>>)
          %slice3A_174 = vector.extract_strided_slice %shift_right_logical3A_107 {offsets = [3], sizes = [1], strides = [1]} : vector<16xi32> to vector<1xi32>
          %squeeze3A_175 = vector.extract %slice3A_174[0] : i32 from vector<1xi32>
          %mul3A_176 = arith.constant 16 : i32
          %mul3A_177 = arith.muli %scan3A_98, %mul3A_176 : i32
          %add3A_178 = arith.constant 3 : i32
          %add3A_179 = arith.addi %mul3A_177, %add3A_178 : i32
          %dma_start3A_180 = arith.constant 0 : i32
          %dma_start3A_181 = arith.constant 0 : i32
          %dma_start3A_182 = arith.constant 0 : i32
          %dma_start3A_183 = tpu.memref_slice %arg6[%dma_start3A_180, %add3A_179, %dma_start3A_181, %dma_start3A_182] : memref<2x32x8x64xf32, #tpu.memory_space<vmem>> -> memref<1x1x8x64xf32, #tpu.memory_space<vmem>>
          %dma_start3A_184 = tpu.memref_squeeze %dma_start3A_183 : memref<1x1x8x64xf32, #tpu.memory_space<vmem>> -> memref<8x64xf32, #tpu.memory_space<vmem>>
          %dma_start3A_185 = arith.constant 0 : i32
          %dma_start3A_186 = arith.constant 0 : i32
          %dma_start3A_187 = tpu.memref_slice %arg3[%squeeze3A_175, %dma_start3A_185, %dma_start3A_186] : memref<125000x8x64xf32, #tpu.memory_space<hbm>> -> memref<1x8x64xf32, #tpu.memory_space<hbm>>
          %dma_start3A_188 = tpu.memref_squeeze %dma_start3A_187 : memref<1x8x64xf32, #tpu.memory_space<hbm>> -> memref<8x64xf32, #tpu.memory_space<hbm>>
          %dma_start3A_189 = arith.constant 0 : i32
          %dma_start3A_190 = arith.constant 0 : i32
          %dma_start3A_191 = tpu.memref_slice %arg6[%dma_start3A_180, %add3A_179, %dma_start3A_189, %dma_start3A_190] : memref<2x32x8x64xf32, #tpu.memory_space<vmem>> -> memref<1x1x8x64xf32, #tpu.memory_space<vmem>>
          %dma_start3A_192 = tpu.memref_squeeze %dma_start3A_191 : memref<1x1x8x64xf32, #tpu.memory_space<vmem>> -> memref<8x64xf32, #tpu.memory_space<vmem>>
          %dma_start3A_193 = arith.constant 0 : i32
          %dma_start3A_194 = arith.constant 0 : i32
          %dma_start3A_195 = tpu.memref_slice %arg3[%squeeze3A_175, %dma_start3A_193, %dma_start3A_194] : memref<125000x8x64xf32, #tpu.memory_space<hbm>> -> memref<1x8x64xf32, #tpu.memory_space<hbm>>
          %dma_start3A_196 = tpu.memref_squeeze %dma_start3A_195 : memref<1x8x64xf32, #tpu.memory_space<hbm>> -> memref<8x64xf32, #tpu.memory_space<hbm>>
          tpu.enqueue_dma source(%dma_start3A_196 : memref<8x64xf32, #tpu.memory_space<hbm>>) target(%dma_start3A_192 : memref<8x64xf32, #tpu.memory_space<vmem>>) target_semaphore(%arg8 : memref<!tpu.dma_semaphore, #tpu.memory_space<semaphore_mem>>)
          %slice3A_197 = vector.extract_strided_slice %shift_right_logical3A_107 {offsets = [4], sizes = [1], strides = [1]} : vector<16xi32> to vector<1xi32>
          %squeeze3A_198 = vector.extract %slice3A_197[0] : i32 from vector<1xi32>
          %mul3A_199 = arith.constant 16 : i32
          %mul3A_200 = arith.muli %scan3A_98, %mul3A_199 : i32
          %add3A_201 = arith.constant 4 : i32
          %add3A_202 = arith.addi %mul3A_200, %add3A_201 : i32
          %dma_start3A_203 = arith.constant 0 : i32
          %dma_start3A_204 = arith.constant 0 : i32
          %dma_start3A_205 = arith.constant 0 : i32
          %dma_start3A_206 = tpu.memref_slice %arg6[%dma_start3A_203, %add3A_202, %dma_start3A_204, %dma_start3A_205] : memref<2x32x8x64xf32, #tpu.memory_space<vmem>> -> memref<1x1x8x64xf32, #tpu.memory_space<vmem>>
          %dma_start3A_207 = tpu.memref_squeeze %dma_start3A_206 : memref<1x1x8x64xf32, #tpu.memory_space<vmem>> -> memref<8x64xf32, #tpu.memory_space<vmem>>
          %dma_start3A_208 = arith.constant 0 : i32
          %dma_start3A_209 = arith.constant 0 : i32
          %dma_start3A_210 = tpu.memref_slice %arg3[%squeeze3A_198, %dma_start3A_208, %dma_start3A_209] : memref<125000x8x64xf32, #tpu.memory_space<hbm>> -> memref<1x8x64xf32, #tpu.memory_space<hbm>>
          %dma_start3A_211 = tpu.memref_squeeze %dma_start3A_210 : memref<1x8x64xf32, #tpu.memory_space<hbm>> -> memref<8x64xf32, #tpu.memory_space<hbm>>
          %dma_start3A_212 = arith.constant 0 : i32
          %dma_start3A_213 = arith.constant 0 : i32
          %dma_start3A_214 = tpu.memref_slice %arg6[%dma_start3A_203, %add3A_202, %dma_start3A_212, %dma_start3A_213] : memref<2x32x8x64xf32, #tpu.memory_space<vmem>> -> memref<1x1x8x64xf32, #tpu.memory_space<vmem>>
          %dma_start3A_215 = tpu.memref_squeeze %dma_start3A_214 : memref<1x1x8x64xf32, #tpu.memory_space<vmem>> -> memref<8x64xf32, #tpu.memory_space<vmem>>
          %dma_start3A_216 = arith.constant 0 : i32
          %dma_start3A_217 = arith.constant 0 : i32
          %dma_start3A_218 = tpu.memref_slice %arg3[%squeeze3A_198, %dma_start3A_216, %dma_start3A_217] : memref<125000x8x64xf32, #tpu.memory_space<hbm>> -> memref<1x8x64xf32, #tpu.memory_space<hbm>>
          %dma_start3A_219 = tpu.memref_squeeze %dma_start3A_218 : memref<1x8x64xf32, #tpu.memory_space<hbm>> -> memref<8x64xf32, #tpu.memory_space<hbm>>
          tpu.enqueue_dma source(%dma_start3A_219 : memref<8x64xf32, #tpu.memory_space<hbm>>) target(%dma_start3A_215 : memref<8x64xf32, #tpu.memory_space<vmem>>) target_semaphore(%arg8 : memref<!tpu.dma_semaphore, #tpu.memory_space<semaphore_mem>>)
          %slice3A_220 = vector.extract_strided_slice %shift_right_logical3A_107 {offsets = [5], sizes = [1], strides = [1]} : vector<16xi32> to vector<1xi32>
          %squeeze3A_221 = vector.extract %slice3A_220[0] : i32 from vector<1xi32>
          %mul3A_222 = arith.constant 16 : i32
          %mul3A_223 = arith.muli %scan3A_98, %mul3A_222 : i32
          %add3A_224 = arith.constant 5 : i32
          %add3A_225 = arith.addi %mul3A_223, %add3A_224 : i32
          %dma_start3A_226 = arith.constant 0 : i32
          %dma_start3A_227 = arith.constant 0 : i32
          %dma_start3A_228 = arith.constant 0 : i32
          %dma_start3A_229 = tpu.memref_slice %arg6[%dma_start3A_226, %add3A_225, %dma_start3A_227, %dma_start3A_228] : memref<2x32x8x64xf32, #tpu.memory_space<vmem>> -> memref<1x1x8x64xf32, #tpu.memory_space<vmem>>
          %dma_start3A_230 = tpu.memref_squeeze %dma_start3A_229 : memref<1x1x8x64xf32, #tpu.memory_space<vmem>> -> memref<8x64xf32, #tpu.memory_space<vmem>>
          %dma_start3A_231 = arith.constant 0 : i32
          %dma_start3A_232 = arith.constant 0 : i32
          %dma_start3A_233 = tpu.memref_slice %arg3[%squeeze3A_221, %dma_start3A_231, %dma_start3A_232] : memref<125000x8x64xf32, #tpu.memory_space<hbm>> -> memref<1x8x64xf32, #tpu.memory_space<hbm>>
          %dma_start3A_234 = tpu.memref_squeeze %dma_start3A_233 : memref<1x8x64xf32, #tpu.memory_space<hbm>> -> memref<8x64xf32, #tpu.memory_space<hbm>>
          %dma_start3A_235 = arith.constant 0 : i32
          %dma_start3A_236 = arith.constant 0 : i32
          %dma_start3A_237 = tpu.memref_slice %arg6[%dma_start3A_226, %add3A_225, %dma_start3A_235, %dma_start3A_236] : memref<2x32x8x64xf32, #tpu.memory_space<vmem>> -> memref<1x1x8x64xf32, #tpu.memory_space<vmem>>
          %dma_start3A_238 = tpu.memref_squeeze %dma_start3A_237 : memref<1x1x8x64xf32, #tpu.memory_space<vmem>> -> memref<8x64xf32, #tpu.memory_space<vmem>>
          %dma_start3A_239 = arith.constant 0 : i32
          %dma_start3A_240 = arith.constant 0 : i32
          %dma_start3A_241 = tpu.memref_slice %arg3[%squeeze3A_221, %dma_start3A_239, %dma_start3A_240] : memref<125000x8x64xf32, #tpu.memory_space<hbm>> -> memref<1x8x64xf32, #tpu.memory_space<hbm>>
          %dma_start3A_242 = tpu.memref_squeeze %dma_start3A_241 : memref<1x8x64xf32, #tpu.memory_space<hbm>> -> memref<8x64xf32, #tpu.memory_space<hbm>>
          tpu.enqueue_dma source(%dma_start3A_242 : memref<8x64xf32, #tpu.memory_space<hbm>>) target(%dma_start3A_238 : memref<8x64xf32, #tpu.memory_space<vmem>>) target_semaphore(%arg8 : memref<!tpu.dma_semaphore, #tpu.memory_space<semaphore_mem>>)
          %slice3A_243 = vector.extract_strided_slice %shift_right_logical3A_107 {offsets = [6], sizes = [1], strides = [1]} : vector<16xi32> to vector<1xi32>
          %squeeze3A_244 = vector.extract %slice3A_243[0] : i32 from vector<1xi32>
          %mul3A_245 = arith.constant 16 : i32
          %mul3A_246 = arith.muli %scan3A_98, %mul3A_245 : i32
          %add3A_247 = arith.constant 6 : i32
          %add3A_248 = arith.addi %mul3A_246, %add3A_247 : i32
          %dma_start3A_249 = arith.constant 0 : i32
          %dma_start3A_250 = arith.constant 0 : i32
          %dma_start3A_251 = arith.constant 0 : i32
          %dma_start3A_252 = tpu.memref_slice %arg6[%dma_start3A_249, %add3A_248, %dma_start3A_250, %dma_start3A_251] : memref<2x32x8x64xf32, #tpu.memory_space<vmem>> -> memref<1x1x8x64xf32, #tpu.memory_space<vmem>>
          %dma_start3A_253 = tpu.memref_squeeze %dma_start3A_252 : memref<1x1x8x64xf32, #tpu.memory_space<vmem>> -> memref<8x64xf32, #tpu.memory_space<vmem>>
          %dma_start3A_254 = arith.constant 0 : i32
          %dma_start3A_255 = arith.constant 0 : i32
          %dma_start3A_256 = tpu.memref_slice %arg3[%squeeze3A_244, %dma_start3A_254, %dma_start3A_255] : memref<125000x8x64xf32, #tpu.memory_space<hbm>> -> memref<1x8x64xf32, #tpu.memory_space<hbm>>
          %dma_start3A_257 = tpu.memref_squeeze %dma_start3A_256 : memref<1x8x64xf32, #tpu.memory_space<hbm>> -> memref<8x64xf32, #tpu.memory_space<hbm>>
          %dma_start3A_258 = arith.constant 0 : i32
          %dma_start3A_259 = arith.constant 0 : i32
          %dma_start3A_260 = tpu.memref_slice %arg6[%dma_start3A_249, %add3A_248, %dma_start3A_258, %dma_start3A_259] : memref<2x32x8x64xf32, #tpu.memory_space<vmem>> -> memref<1x1x8x64xf32, #tpu.memory_space<vmem>>
          %dma_start3A_261 = tpu.memref_squeeze %dma_start3A_260 : memref<1x1x8x64xf32, #tpu.memory_space<vmem>> -> memref<8x64xf32, #tpu.memory_space<vmem>>
          %dma_start3A_262 = arith.constant 0 : i32
          %dma_start3A_263 = arith.constant 0 : i32
          %dma_start3A_264 = tpu.memref_slice %arg3[%squeeze3A_244, %dma_start3A_262, %dma_start3A_263] : memref<125000x8x64xf32, #tpu.memory_space<hbm>> -> memref<1x8x64xf32, #tpu.memory_space<hbm>>
          %dma_start3A_265 = tpu.memref_squeeze %dma_start3A_264 : memref<1x8x64xf32, #tpu.memory_space<hbm>> -> memref<8x64xf32, #tpu.memory_space<hbm>>
          tpu.enqueue_dma source(%dma_start3A_265 : memref<8x64xf32, #tpu.memory_space<hbm>>) target(%dma_start3A_261 : memref<8x64xf32, #tpu.memory_space<vmem>>) target_semaphore(%arg8 : memref<!tpu.dma_semaphore, #tpu.memory_space<semaphore_mem>>)
          %slice3A_266 = vector.extract_strided_slice %shift_right_logical3A_107 {offsets = [7], sizes = [1], strides = [1]} : vector<16xi32> to vector<1xi32>
          %squeeze3A_267 = vector.extract %slice3A_266[0] : i32 from vector<1xi32>
          %mul3A_268 = arith.constant 16 : i32
          %mul3A_269 = arith.muli %scan3A_98, %mul3A_268 : i32
          %add3A_270 = arith.constant 7 : i32
          %add3A_271 = arith.addi %mul3A_269, %add3A_270 : i32
          %dma_start3A_272 = arith.constant 0 : i32
          %dma_start3A_273 = arith.constant 0 : i32
          %dma_start3A_274 = arith.constant 0 : i32
          %dma_start3A_275 = tpu.memref_slice %arg6[%dma_start3A_272, %add3A_271, %dma_start3A_273, %dma_start3A_274] : memref<2x32x8x64xf32, #tpu.memory_space<vmem>> -> memref<1x1x8x64xf32, #tpu.memory_space<vmem>>
          %dma_start3A_276 = tpu.memref_squeeze %dma_start3A_275 : memref<1x1x8x64xf32, #tpu.memory_space<vmem>> -> memref<8x64xf32, #tpu.memory_space<vmem>>
          %dma_start3A_277 = arith.constant 0 : i32
          %dma_start3A_278 = arith.constant 0 : i32
          %dma_start3A_279 = tpu.memref_slice %arg3[%squeeze3A_267, %dma_start3A_277, %dma_start3A_278] : memref<125000x8x64xf32, #tpu.memory_space<hbm>> -> memref<1x8x64xf32, #tpu.memory_space<hbm>>
          %dma_start3A_280 = tpu.memref_squeeze %dma_start3A_279 : memref<1x8x64xf32, #tpu.memory_space<hbm>> -> memref<8x64xf32, #tpu.memory_space<hbm>>
          %dma_start3A_281 = arith.constant 0 : i32
          %dma_start3A_282 = arith.constant 0 : i32
          %dma_start3A_283 = tpu.memref_slice %arg6[%dma_start3A_272, %add3A_271, %dma_start3A_281, %dma_start3A_282] : memref<2x32x8x64xf32, #tpu.memory_space<vmem>> -> memref<1x1x8x64xf32, #tpu.memory_space<vmem>>
          %dma_start3A_284 = tpu.memref_squeeze %dma_start3A_283 : memref<1x1x8x64xf32, #tpu.memory_space<vmem>> -> memref<8x64xf32, #tpu.memory_space<vmem>>
          %dma_start3A_285 = arith.constant 0 : i32
          %dma_start3A_286 = arith.constant 0 : i32
          %dma_start3A_287 = tpu.memref_slice %arg3[%squeeze3A_267, %dma_start3A_285, %dma_start3A_286] : memref<125000x8x64xf32, #tpu.memory_space<hbm>> -> memref<1x8x64xf32, #tpu.memory_space<hbm>>
          %dma_start3A_288 = tpu.memref_squeeze %dma_start3A_287 : memref<1x8x64xf32, #tpu.memory_space<hbm>> -> memref<8x64xf32, #tpu.memory_space<hbm>>
          tpu.enqueue_dma source(%dma_start3A_288 : memref<8x64xf32, #tpu.memory_space<hbm>>) target(%dma_start3A_284 : memref<8x64xf32, #tpu.memory_space<vmem>>) target_semaphore(%arg8 : memref<!tpu.dma_semaphore, #tpu.memory_space<semaphore_mem>>)
          %slice3A_289 = vector.extract_strided_slice %shift_right_logical3A_107 {offsets = [8], sizes = [1], strides = [1]} : vector<16xi32> to vector<1xi32>
          %squeeze3A_290 = vector.extract %slice3A_289[0] : i32 from vector<1xi32>
          %mul3A_291 = arith.constant 16 : i32
          %mul3A_292 = arith.muli %scan3A_98, %mul3A_291 : i32
          %add3A_293 = arith.constant 8 : i32
          %add3A_294 = arith.addi %mul3A_292, %add3A_293 : i32
          %dma_start3A_295 = arith.constant 0 : i32
          %dma_start3A_296 = arith.constant 0 : i32
          %dma_start3A_297 = arith.constant 0 : i32
          %dma_start3A_298 = tpu.memref_slice %arg6[%dma_start3A_295, %add3A_294, %dma_start3A_296, %dma_start3A_297] : memref<2x32x8x64xf32, #tpu.memory_space<vmem>> -> memref<1x1x8x64xf32, #tpu.memory_space<vmem>>
          %dma_start3A_299 = tpu.memref_squeeze %dma_start3A_298 : memref<1x1x8x64xf32, #tpu.memory_space<vmem>> -> memref<8x64xf32, #tpu.memory_space<vmem>>
          %dma_start3A_300 = arith.constant 0 : i32
          %dma_start3A_301 = arith.constant 0 : i32
          %dma_start3A_302 = tpu.memref_slice %arg3[%squeeze3A_290, %dma_start3A_300, %dma_start3A_301] : memref<125000x8x64xf32, #tpu.memory_space<hbm>> -> memref<1x8x64xf32, #tpu.memory_space<hbm>>
          %dma_start3A_303 = tpu.memref_squeeze %dma_start3A_302 : memref<1x8x64xf32, #tpu.memory_space<hbm>> -> memref<8x64xf32, #tpu.memory_space<hbm>>
          %dma_start3A_304 = arith.constant 0 : i32
          %dma_start3A_305 = arith.constant 0 : i32
          %dma_start3A_306 = tpu.memref_slice %arg6[%dma_start3A_295, %add3A_294, %dma_start3A_304, %dma_start3A_305] : memref<2x32x8x64xf32, #tpu.memory_space<vmem>> -> memref<1x1x8x64xf32, #tpu.memory_space<vmem>>
          %dma_start3A_307 = tpu.memref_squeeze %dma_start3A_306 : memref<1x1x8x64xf32, #tpu.memory_space<vmem>> -> memref<8x64xf32, #tpu.memory_space<vmem>>
          %dma_start3A_308 = arith.constant 0 : i32
          %dma_start3A_309 = arith.constant 0 : i32
          %dma_start3A_310 = tpu.memref_slice %arg3[%squeeze3A_290, %dma_start3A_308, %dma_start3A_309] : memref<125000x8x64xf32, #tpu.memory_space<hbm>> -> memref<1x8x64xf32, #tpu.memory_space<hbm>>
          %dma_start3A_311 = tpu.memref_squeeze %dma_start3A_310 : memref<1x8x64xf32, #tpu.memory_space<hbm>> -> memref<8x64xf32, #tpu.memory_space<hbm>>
          tpu.enqueue_dma source(%dma_start3A_311 : memref<8x64xf32, #tpu.memory_space<hbm>>) target(%dma_start3A_307 : memref<8x64xf32, #tpu.memory_space<vmem>>) target_semaphore(%arg8 : memref<!tpu.dma_semaphore, #tpu.memory_space<semaphore_mem>>)
          %slice3A_312 = vector.extract_strided_slice %shift_right_logical3A_107 {offsets = [9], sizes = [1], strides = [1]} : vector<16xi32> to vector<1xi32>
          %squeeze3A_313 = vector.extract %slice3A_312[0] : i32 from vector<1xi32>
          %mul3A_314 = arith.constant 16 : i32
          %mul3A_315 = arith.muli %scan3A_98, %mul3A_314 : i32
          %add3A_316 = arith.constant 9 : i32
          %add3A_317 = arith.addi %mul3A_315, %add3A_316 : i32
          %dma_start3A_318 = arith.constant 0 : i32
          %dma_start3A_319 = arith.constant 0 : i32
          %dma_start3A_320 = arith.constant 0 : i32
          %dma_start3A_321 = tpu.memref_slice %arg6[%dma_start3A_318, %add3A_317, %dma_start3A_319, %dma_start3A_320] : memref<2x32x8x64xf32, #tpu.memory_space<vmem>> -> memref<1x1x8x64xf32, #tpu.memory_space<vmem>>
          %dma_start3A_322 = tpu.memref_squeeze %dma_start3A_321 : memref<1x1x8x64xf32, #tpu.memory_space<vmem>> -> memref<8x64xf32, #tpu.memory_space<vmem>>
          %dma_start3A_323 = arith.constant 0 : i32
          %dma_start3A_324 = arith.constant 0 : i32
          %dma_start3A_325 = tpu.memref_slice %arg3[%squeeze3A_313, %dma_start3A_323, %dma_start3A_324] : memref<125000x8x64xf32, #tpu.memory_space<hbm>> -> memref<1x8x64xf32, #tpu.memory_space<hbm>>
          %dma_start3A_326 = tpu.memref_squeeze %dma_start3A_325 : memref<1x8x64xf32, #tpu.memory_space<hbm>> -> memref<8x64xf32, #tpu.memory_space<hbm>>
          %dma_start3A_327 = arith.constant 0 : i32
          %dma_start3A_328 = arith.constant 0 : i32
          %dma_start3A_329 = tpu.memref_slice %arg6[%dma_start3A_318, %add3A_317, %dma_start3A_327, %dma_start3A_328] : memref<2x32x8x64xf32, #tpu.memory_space<vmem>> -> memref<1x1x8x64xf32, #tpu.memory_space<vmem>>
          %dma_start3A_330 = tpu.memref_squeeze %dma_start3A_329 : memref<1x1x8x64xf32, #tpu.memory_space<vmem>> -> memref<8x64xf32, #tpu.memory_space<vmem>>
          %dma_start3A_331 = arith.constant 0 : i32
          %dma_start3A_332 = arith.constant 0 : i32
          %dma_start3A_333 = tpu.memref_slice %arg3[%squeeze3A_313, %dma_start3A_331, %dma_start3A_332] : memref<125000x8x64xf32, #tpu.memory_space<hbm>> -> memref<1x8x64xf32, #tpu.memory_space<hbm>>
          %dma_start3A_334 = tpu.memref_squeeze %dma_start3A_333 : memref<1x8x64xf32, #tpu.memory_space<hbm>> -> memref<8x64xf32, #tpu.memory_space<hbm>>
          tpu.enqueue_dma source(%dma_start3A_334 : memref<8x64xf32, #tpu.memory_space<hbm>>) target(%dma_start3A_330 : memref<8x64xf32, #tpu.memory_space<vmem>>) target_semaphore(%arg8 : memref<!tpu.dma_semaphore, #tpu.memory_space<semaphore_mem>>)
          %slice3A_335 = vector.extract_strided_slice %shift_right_logical3A_107 {offsets = [10], sizes = [1], strides = [1]} : vector<16xi32> to vector<1xi32>
          %squeeze3A_336 = vector.extract %slice3A_335[0] : i32 from vector<1xi32>
          %mul3A_337 = arith.constant 16 : i32
          %mul3A_338 = arith.muli %scan3A_98, %mul3A_337 : i32
          %add3A_339 = arith.constant 10 : i32
          %add3A_340 = arith.addi %mul3A_338, %add3A_339 : i32
          %dma_start3A_341 = arith.constant 0 : i32
          %dma_start3A_342 = arith.constant 0 : i32
          %dma_start3A_343 = arith.constant 0 : i32
          %dma_start3A_344 = tpu.memref_slice %arg6[%dma_start3A_341, %add3A_340, %dma_start3A_342, %dma_start3A_343] : memref<2x32x8x64xf32, #tpu.memory_space<vmem>> -> memref<1x1x8x64xf32, #tpu.memory_space<vmem>>
          %dma_start3A_345 = tpu.memref_squeeze %dma_start3A_344 : memref<1x1x8x64xf32, #tpu.memory_space<vmem>> -> memref<8x64xf32, #tpu.memory_space<vmem>>
          %dma_start3A_346 = arith.constant 0 : i32
          %dma_start3A_347 = arith.constant 0 : i32
          %dma_start3A_348 = tpu.memref_slice %arg3[%squeeze3A_336, %dma_start3A_346, %dma_start3A_347] : memref<125000x8x64xf32, #tpu.memory_space<hbm>> -> memref<1x8x64xf32, #tpu.memory_space<hbm>>
          %dma_start3A_349 = tpu.memref_squeeze %dma_start3A_348 : memref<1x8x64xf32, #tpu.memory_space<hbm>> -> memref<8x64xf32, #tpu.memory_space<hbm>>
          %dma_start3A_350 = arith.constant 0 : i32
          %dma_start3A_351 = arith.constant 0 : i32
          %dma_start3A_352 = tpu.memref_slice %arg6[%dma_start3A_341, %add3A_340, %dma_start3A_350, %dma_start3A_351] : memref<2x32x8x64xf32, #tpu.memory_space<vmem>> -> memref<1x1x8x64xf32, #tpu.memory_space<vmem>>
          %dma_start3A_353 = tpu.memref_squeeze %dma_start3A_352 : memref<1x1x8x64xf32, #tpu.memory_space<vmem>> -> memref<8x64xf32, #tpu.memory_space<vmem>>
          %dma_start3A_354 = arith.constant 0 : i32
          %dma_start3A_355 = arith.constant 0 : i32
          %dma_start3A_356 = tpu.memref_slice %arg3[%squeeze3A_336, %dma_start3A_354, %dma_start3A_355] : memref<125000x8x64xf32, #tpu.memory_space<hbm>> -> memref<1x8x64xf32, #tpu.memory_space<hbm>>
          %dma_start3A_357 = tpu.memref_squeeze %dma_start3A_356 : memref<1x8x64xf32, #tpu.memory_space<hbm>> -> memref<8x64xf32, #tpu.memory_space<hbm>>
          tpu.enqueue_dma source(%dma_start3A_357 : memref<8x64xf32, #tpu.memory_space<hbm>>) target(%dma_start3A_353 : memref<8x64xf32, #tpu.memory_space<vmem>>) target_semaphore(%arg8 : memref<!tpu.dma_semaphore, #tpu.memory_space<semaphore_mem>>)
          %slice3A_358 = vector.extract_strided_slice %shift_right_logical3A_107 {offsets = [11], sizes = [1], strides = [1]} : vector<16xi32> to vector<1xi32>
          %squeeze3A_359 = vector.extract %slice3A_358[0] : i32 from vector<1xi32>
          %mul3A_360 = arith.constant 16 : i32
          %mul3A_361 = arith.muli %scan3A_98, %mul3A_360 : i32
          %add3A_362 = arith.constant 11 : i32
          %add3A_363 = arith.addi %mul3A_361, %add3A_362 : i32
          %dma_start3A_364 = arith.constant 0 : i32
          %dma_start3A_365 = arith.constant 0 : i32
          %dma_start3A_366 = arith.constant 0 : i32
          %dma_start3A_367 = tpu.memref_slice %arg6[%dma_start3A_364, %add3A_363, %dma_start3A_365, %dma_start3A_366] : memref<2x32x8x64xf32, #tpu.memory_space<vmem>> -> memref<1x1x8x64xf32, #tpu.memory_space<vmem>>
          %dma_start3A_368 = tpu.memref_squeeze %dma_start3A_367 : memref<1x1x8x64xf32, #tpu.memory_space<vmem>> -> memref<8x64xf32, #tpu.memory_space<vmem>>
          %dma_start3A_369 = arith.constant 0 : i32
          %dma_start3A_370 = arith.constant 0 : i32
          %dma_start3A_371 = tpu.memref_slice %arg3[%squeeze3A_359, %dma_start3A_369, %dma_start3A_370] : memref<125000x8x64xf32, #tpu.memory_space<hbm>> -> memref<1x8x64xf32, #tpu.memory_space<hbm>>
          %dma_start3A_372 = tpu.memref_squeeze %dma_start3A_371 : memref<1x8x64xf32, #tpu.memory_space<hbm>> -> memref<8x64xf32, #tpu.memory_space<hbm>>
          %dma_start3A_373 = arith.constant 0 : i32
          %dma_start3A_374 = arith.constant 0 : i32
          %dma_start3A_375 = tpu.memref_slice %arg6[%dma_start3A_364, %add3A_363, %dma_start3A_373, %dma_start3A_374] : memref<2x32x8x64xf32, #tpu.memory_space<vmem>> -> memref<1x1x8x64xf32, #tpu.memory_space<vmem>>
          %dma_start3A_376 = tpu.memref_squeeze %dma_start3A_375 : memref<1x1x8x64xf32, #tpu.memory_space<vmem>> -> memref<8x64xf32, #tpu.memory_space<vmem>>
          %dma_start3A_377 = arith.constant 0 : i32
          %dma_start3A_378 = arith.constant 0 : i32
          %dma_start3A_379 = tpu.memref_slice %arg3[%squeeze3A_359, %dma_start3A_377, %dma_start3A_378] : memref<125000x8x64xf32, #tpu.memory_space<hbm>> -> memref<1x8x64xf32, #tpu.memory_space<hbm>>
          %dma_start3A_380 = tpu.memref_squeeze %dma_start3A_379 : memref<1x8x64xf32, #tpu.memory_space<hbm>> -> memref<8x64xf32, #tpu.memory_space<hbm>>
          tpu.enqueue_dma source(%dma_start3A_380 : memref<8x64xf32, #tpu.memory_space<hbm>>) target(%dma_start3A_376 : memref<8x64xf32, #tpu.memory_space<vmem>>) target_semaphore(%arg8 : memref<!tpu.dma_semaphore, #tpu.memory_space<semaphore_mem>>)
          %slice3A_381 = vector.extract_strided_slice %shift_right_logical3A_107 {offsets = [12], sizes = [1], strides = [1]} : vector<16xi32> to vector<1xi32>
          %squeeze3A_382 = vector.extract %slice3A_381[0] : i32 from vector<1xi32>
          %mul3A_383 = arith.constant 16 : i32
          %mul3A_384 = arith.muli %scan3A_98, %mul3A_383 : i32
          %add3A_385 = arith.constant 12 : i32
          %add3A_386 = arith.addi %mul3A_384, %add3A_385 : i32
          %dma_start3A_387 = arith.constant 0 : i32
          %dma_start3A_388 = arith.constant 0 : i32
          %dma_start3A_389 = arith.constant 0 : i32
          %dma_start3A_390 = tpu.memref_slice %arg6[%dma_start3A_387, %add3A_386, %dma_start3A_388, %dma_start3A_389] : memref<2x32x8x64xf32, #tpu.memory_space<vmem>> -> memref<1x1x8x64xf32, #tpu.memory_space<vmem>>
          %dma_start3A_391 = tpu.memref_squeeze %dma_start3A_390 : memref<1x1x8x64xf32, #tpu.memory_space<vmem>> -> memref<8x64xf32, #tpu.memory_space<vmem>>
          %dma_start3A_392 = arith.constant 0 : i32
          %dma_start3A_393 = arith.constant 0 : i32
          %dma_start3A_394 = tpu.memref_slice %arg3[%squeeze3A_382, %dma_start3A_392, %dma_start3A_393] : memref<125000x8x64xf32, #tpu.memory_space<hbm>> -> memref<1x8x64xf32, #tpu.memory_space<hbm>>
          %dma_start3A_395 = tpu.memref_squeeze %dma_start3A_394 : memref<1x8x64xf32, #tpu.memory_space<hbm>> -> memref<8x64xf32, #tpu.memory_space<hbm>>
          %dma_start3A_396 = arith.constant 0 : i32
          %dma_start3A_397 = arith.constant 0 : i32
          %dma_start3A_398 = tpu.memref_slice %arg6[%dma_start3A_387, %add3A_386, %dma_start3A_396, %dma_start3A_397] : memref<2x32x8x64xf32, #tpu.memory_space<vmem>> -> memref<1x1x8x64xf32, #tpu.memory_space<vmem>>
          %dma_start3A_399 = tpu.memref_squeeze %dma_start3A_398 : memref<1x1x8x64xf32, #tpu.memory_space<vmem>> -> memref<8x64xf32, #tpu.memory_space<vmem>>
          %dma_start3A_400 = arith.constant 0 : i32
          %dma_start3A_401 = arith.constant 0 : i32
          %dma_start3A_402 = tpu.memref_slice %arg3[%squeeze3A_382, %dma_start3A_400, %dma_start3A_401] : memref<125000x8x64xf32, #tpu.memory_space<hbm>> -> memref<1x8x64xf32, #tpu.memory_space<hbm>>
          %dma_start3A_403 = tpu.memref_squeeze %dma_start3A_402 : memref<1x8x64xf32, #tpu.memory_space<hbm>> -> memref<8x64xf32, #tpu.memory_space<hbm>>
          tpu.enqueue_dma source(%dma_start3A_403 : memref<8x64xf32, #tpu.memory_space<hbm>>) target(%dma_start3A_399 : memref<8x64xf32, #tpu.memory_space<vmem>>) target_semaphore(%arg8 : memref<!tpu.dma_semaphore, #tpu.memory_space<semaphore_mem>>)
          %slice3A_404 = vector.extract_strided_slice %shift_right_logical3A_107 {offsets = [13], sizes = [1], strides = [1]} : vector<16xi32> to vector<1xi32>
          %squeeze3A_405 = vector.extract %slice3A_404[0] : i32 from vector<1xi32>
          %mul3A_406 = arith.constant 16 : i32
          %mul3A_407 = arith.muli %scan3A_98, %mul3A_406 : i32
          %add3A_408 = arith.constant 13 : i32
          %add3A_409 = arith.addi %mul3A_407, %add3A_408 : i32
          %dma_start3A_410 = arith.constant 0 : i32
          %dma_start3A_411 = arith.constant 0 : i32
          %dma_start3A_412 = arith.constant 0 : i32
          %dma_start3A_413 = tpu.memref_slice %arg6[%dma_start3A_410, %add3A_409, %dma_start3A_411, %dma_start3A_412] : memref<2x32x8x64xf32, #tpu.memory_space<vmem>> -> memref<1x1x8x64xf32, #tpu.memory_space<vmem>>
          %dma_start3A_414 = tpu.memref_squeeze %dma_start3A_413 : memref<1x1x8x64xf32, #tpu.memory_space<vmem>> -> memref<8x64xf32, #tpu.memory_space<vmem>>
          %dma_start3A_415 = arith.constant 0 : i32
          %dma_start3A_416 = arith.constant 0 : i32
          %dma_start3A_417 = tpu.memref_slice %arg3[%squeeze3A_405, %dma_start3A_415, %dma_start3A_416] : memref<125000x8x64xf32, #tpu.memory_space<hbm>> -> memref<1x8x64xf32, #tpu.memory_space<hbm>>
          %dma_start3A_418 = tpu.memref_squeeze %dma_start3A_417 : memref<1x8x64xf32, #tpu.memory_space<hbm>> -> memref<8x64xf32, #tpu.memory_space<hbm>>
          %dma_start3A_419 = arith.constant 0 : i32
          %dma_start3A_420 = arith.constant 0 : i32
          %dma_start3A_421 = tpu.memref_slice %arg6[%dma_start3A_410, %add3A_409, %dma_start3A_419, %dma_start3A_420] : memref<2x32x8x64xf32, #tpu.memory_space<vmem>> -> memref<1x1x8x64xf32, #tpu.memory_space<vmem>>
          %dma_start3A_422 = tpu.memref_squeeze %dma_start3A_421 : memref<1x1x8x64xf32, #tpu.memory_space<vmem>> -> memref<8x64xf32, #tpu.memory_space<vmem>>
          %dma_start3A_423 = arith.constant 0 : i32
          %dma_start3A_424 = arith.constant 0 : i32
          %dma_start3A_425 = tpu.memref_slice %arg3[%squeeze3A_405, %dma_start3A_423, %dma_start3A_424] : memref<125000x8x64xf32, #tpu.memory_space<hbm>> -> memref<1x8x64xf32, #tpu.memory_space<hbm>>
          %dma_start3A_426 = tpu.memref_squeeze %dma_start3A_425 : memref<1x8x64xf32, #tpu.memory_space<hbm>> -> memref<8x64xf32, #tpu.memory_space<hbm>>
          tpu.enqueue_dma source(%dma_start3A_426 : memref<8x64xf32, #tpu.memory_space<hbm>>) target(%dma_start3A_422 : memref<8x64xf32, #tpu.memory_space<vmem>>) target_semaphore(%arg8 : memref<!tpu.dma_semaphore, #tpu.memory_space<semaphore_mem>>)
          %slice3A_427 = vector.extract_strided_slice %shift_right_logical3A_107 {offsets = [14], sizes = [1], strides = [1]} : vector<16xi32> to vector<1xi32>
          %squeeze3A_428 = vector.extract %slice3A_427[0] : i32 from vector<1xi32>
          %mul3A_429 = arith.constant 16 : i32
          %mul3A_430 = arith.muli %scan3A_98, %mul3A_429 : i32
          %add3A_431 = arith.constant 14 : i32
          %add3A_432 = arith.addi %mul3A_430, %add3A_431 : i32
          %dma_start3A_433 = arith.constant 0 : i32
          %dma_start3A_434 = arith.constant 0 : i32
          %dma_start3A_435 = arith.constant 0 : i32
          %dma_start3A_436 = tpu.memref_slice %arg6[%dma_start3A_433, %add3A_432, %dma_start3A_434, %dma_start3A_435] : memref<2x32x8x64xf32, #tpu.memory_space<vmem>> -> memref<1x1x8x64xf32, #tpu.memory_space<vmem>>
          %dma_start3A_437 = tpu.memref_squeeze %dma_start3A_436 : memref<1x1x8x64xf32, #tpu.memory_space<vmem>> -> memref<8x64xf32, #tpu.memory_space<vmem>>
          %dma_start3A_438 = arith.constant 0 : i32
          %dma_start3A_439 = arith.constant 0 : i32
          %dma_start3A_440 = tpu.memref_slice %arg3[%squeeze3A_428, %dma_start3A_438, %dma_start3A_439] : memref<125000x8x64xf32, #tpu.memory_space<hbm>> -> memref<1x8x64xf32, #tpu.memory_space<hbm>>
          %dma_start3A_441 = tpu.memref_squeeze %dma_start3A_440 : memref<1x8x64xf32, #tpu.memory_space<hbm>> -> memref<8x64xf32, #tpu.memory_space<hbm>>
          %dma_start3A_442 = arith.constant 0 : i32
          %dma_start3A_443 = arith.constant 0 : i32
          %dma_start3A_444 = tpu.memref_slice %arg6[%dma_start3A_433, %add3A_432, %dma_start3A_442, %dma_start3A_443] : memref<2x32x8x64xf32, #tpu.memory_space<vmem>> -> memref<1x1x8x64xf32, #tpu.memory_space<vmem>>
          %dma_start3A_445 = tpu.memref_squeeze %dma_start3A_444 : memref<1x1x8x64xf32, #tpu.memory_space<vmem>> -> memref<8x64xf32, #tpu.memory_space<vmem>>
          %dma_start3A_446 = arith.constant 0 : i32
          %dma_start3A_447 = arith.constant 0 : i32
          %dma_start3A_448 = tpu.memref_slice %arg3[%squeeze3A_428, %dma_start3A_446, %dma_start3A_447] : memref<125000x8x64xf32, #tpu.memory_space<hbm>> -> memref<1x8x64xf32, #tpu.memory_space<hbm>>
          %dma_start3A_449 = tpu.memref_squeeze %dma_start3A_448 : memref<1x8x64xf32, #tpu.memory_space<hbm>> -> memref<8x64xf32, #tpu.memory_space<hbm>>
          tpu.enqueue_dma source(%dma_start3A_449 : memref<8x64xf32, #tpu.memory_space<hbm>>) target(%dma_start3A_445 : memref<8x64xf32, #tpu.memory_space<vmem>>) target_semaphore(%arg8 : memref<!tpu.dma_semaphore, #tpu.memory_space<semaphore_mem>>)
          %slice3A_450 = vector.extract_strided_slice %shift_right_logical3A_107 {offsets = [15], sizes = [1], strides = [1]} : vector<16xi32> to vector<1xi32>
          %squeeze3A_451 = vector.extract %slice3A_450[0] : i32 from vector<1xi32>
          %mul3A_452 = arith.constant 16 : i32
          %mul3A_453 = arith.muli %scan3A_98, %mul3A_452 : i32
          %add3A_454 = arith.constant 15 : i32
          %add3A_455 = arith.addi %mul3A_453, %add3A_454 : i32
          %dma_start3A_456 = arith.constant 0 : i32
          %dma_start3A_457 = arith.constant 0 : i32
          %dma_start3A_458 = arith.constant 0 : i32
          %dma_start3A_459 = tpu.memref_slice %arg6[%dma_start3A_456, %add3A_455, %dma_start3A_457, %dma_start3A_458] : memref<2x32x8x64xf32, #tpu.memory_space<vmem>> -> memref<1x1x8x64xf32, #tpu.memory_space<vmem>>
          %dma_start3A_460 = tpu.memref_squeeze %dma_start3A_459 : memref<1x1x8x64xf32, #tpu.memory_space<vmem>> -> memref<8x64xf32, #tpu.memory_space<vmem>>
          %dma_start3A_461 = arith.constant 0 : i32
          %dma_start3A_462 = arith.constant 0 : i32
          %dma_start3A_463 = tpu.memref_slice %arg3[%squeeze3A_451, %dma_start3A_461, %dma_start3A_462] : memref<125000x8x64xf32, #tpu.memory_space<hbm>> -> memref<1x8x64xf32, #tpu.memory_space<hbm>>
          %dma_start3A_464 = tpu.memref_squeeze %dma_start3A_463 : memref<1x8x64xf32, #tpu.memory_space<hbm>> -> memref<8x64xf32, #tpu.memory_space<hbm>>
          %dma_start3A_465 = arith.constant 0 : i32
          %dma_start3A_466 = arith.constant 0 : i32
          %dma_start3A_467 = tpu.memref_slice %arg6[%dma_start3A_456, %add3A_455, %dma_start3A_465, %dma_start3A_466] : memref<2x32x8x64xf32, #tpu.memory_space<vmem>> -> memref<1x1x8x64xf32, #tpu.memory_space<vmem>>
          %dma_start3A_468 = tpu.memref_squeeze %dma_start3A_467 : memref<1x1x8x64xf32, #tpu.memory_space<vmem>> -> memref<8x64xf32, #tpu.memory_space<vmem>>
          %dma_start3A_469 = arith.constant 0 : i32
          %dma_start3A_470 = arith.constant 0 : i32
          %dma_start3A_471 = tpu.memref_slice %arg3[%squeeze3A_451, %dma_start3A_469, %dma_start3A_470] : memref<125000x8x64xf32, #tpu.memory_space<hbm>> -> memref<1x8x64xf32, #tpu.memory_space<hbm>>
          %dma_start3A_472 = tpu.memref_squeeze %dma_start3A_471 : memref<1x8x64xf32, #tpu.memory_space<hbm>> -> memref<8x64xf32, #tpu.memory_space<hbm>>
          tpu.enqueue_dma source(%dma_start3A_472 : memref<8x64xf32, #tpu.memory_space<hbm>>) target(%dma_start3A_468 : memref<8x64xf32, #tpu.memory_space<vmem>>) target_semaphore(%arg8 : memref<!tpu.dma_semaphore, #tpu.memory_space<semaphore_mem>>)
        }
        %scan3A_97 = arith.constant 2 : i32
      } else {
      }
      %add3A_77 = arith.constant 1 : i32
      %add3A_78 = arith.addi %mul3A_16, %add3A_77 : i32
      %scan3A_79 = arith.constant 0 : i32
      %scan3A_80 = arith.constant 0 : i32
      %scan3A_81 = arith.constant 2 : i32
      %scan3A_82 = arith.addi %scan3A_80, %scan3A_81 : i32
      %scan3A_83 = arith.constant 1 : i32
      scf.for %scan3A_90 = %scan3A_80 to %scan3A_82 step %scan3A_83  : i32 {
        %mul3A_91 = arith.constant 32 : i32
        %mul3A_92 = arith.muli %add3A_78, %mul3A_91 : i32
        %mul3A_93 = arith.constant 16 : i32
        %mul3A_94 = arith.muli %scan3A_90, %mul3A_93 : i32
        %add3A_95 = arith.addi %mul3A_92, %mul3A_94 : i32
        %get3A = arith.index_cast %add3A_95 : i32 to index
        %get3A_96 = tpu.vector_load %arg5[%get3A] {strides = array<i32>} : memref<640xi32, #tpu.memory_space<vmem>>, vector<16xi32>,
        %get3A_97 = vector.shape_cast %get3A_96 : vector<16xi32> to vector<16xi32>
        %rem3A = arith.constant 8 : i32
        %rem3A_98 = vector.broadcast %rem3A : i32 to vector<16xi32>
        %rem3A_99 = arith.remsi %get3A_97, %rem3A_98 : vector<16xi32>
        %slice3A = vector.extract_strided_slice %rem3A_99 {offsets = [0], sizes = [1], strides = [1]} : vector<16xi32> to vector<1xi32>
        %squeeze3A = vector.extract %slice3A[0] : i32 from vector<1xi32>
        %mul3A_100 = arith.constant 16 : i32
        %mul3A_101 = arith.muli %scan3A_90, %mul3A_100 : i32
        %add3A_102 = arith.constant 0 : i32
        %add3A_103 = arith.addi %mul3A_101, %add3A_102 : i32
        %get3A_104 = arith.constant 1 : i32
        %get3A_105 = arith.index_cast %get3A_104 : i32 to index
        %get3A_106 = arith.index_cast %add3A_103 : i32 to index
        %get3A_107 = arith.index_cast %squeeze3A : i32 to index
        %get3A_108 = arith.constant 0 : index
        %get3A_109 = tpu.vector_load %arg6[%get3A_105, %get3A_106, %get3A_107, %get3A_108] {strides = array<i32>} : memref<2x32x8x64xf32, #tpu.memory_space<vmem>>, vector<1x1x1x16xf32>,
        %get3A_110 = vector.shape_cast %get3A_109 : vector<1x1x1x16xf32> to vector<16xf32>
        %swap3A = arith.index_cast %add3A_103 : i32 to index
        %swap3A_111 = arith.constant 0 : index
        %swap3A_112 = tpu.vector_load %arg7[%swap3A, %swap3A_111] {strides = array<i32>} : memref<32x64xf32, #tpu.memory_space<vmem>>, vector<1x16xf32>,
        %swap3A_113 = vector.shape_cast %swap3A_112 : vector<1x16xf32> to vector<16xf32>
        %swap3A_114 = vector.shape_cast %get3A_110 : vector<16xf32> to vector<1x16xf32>
        tpu.vector_store %arg7[%swap3A, %swap3A_111], %swap3A_114 {strides = array<i32>} : memref<32x64xf32, #tpu.memory_space<vmem>>, vector<1x16xf32>,
        %get3A_115 = arith.constant 1 : i32
        %get3A_116 = arith.index_cast %get3A_115 : i32 to index
        %get3A_117 = arith.index_cast %add3A_103 : i32 to index
        %get3A_118 = arith.index_cast %squeeze3A : i32 to index
        %get3A_119 = arith.constant 16 : index
        %get3A_120 = tpu.vector_load %arg6[%get3A_116, %get3A_117, %get3A_118, %get3A_119] {strides = array<i32>} : memref<2x32x8x64xf32, #tpu.memory_space<vmem>>, vector<1x1x1x16xf32>,
        %get3A_121 = vector.shape_cast %get3A_120 : vector<1x1x1x16xf32> to vector<16xf32>
        %swap3A_122 = arith.index_cast %add3A_103 : i32 to index
        %swap3A_123 = arith.constant 16 : index
        %swap3A_124 = tpu.vector_load %arg7[%swap3A_122, %swap3A_123] {strides = array<i32>} : memref<32x64xf32, #tpu.memory_space<vmem>>, vector<1x16xf32>,
        %swap3A_125 = vector.shape_cast %swap3A_124 : vector<1x16xf32> to vector<16xf32>
        %swap3A_126 = vector.shape_cast %get3A_121 : vector<16xf32> to vector<1x16xf32>
        tpu.vector_store %arg7[%swap3A_122, %swap3A_123], %swap3A_126 {strides = array<i32>} : memref<32x64xf32, #tpu.memory_space<vmem>>, vector<1x16xf32>,
        %get3A_127 = arith.constant 1 : i32
        %get3A_128 = arith.index_cast %get3A_127 : i32 to index
        %get3A_129 = arith.index_cast %add3A_103 : i32 to index
        %get3A_130 = arith.index_cast %squeeze3A : i32 to index
        %get3A_131 = arith.constant 32 : index
        %get3A_132 = tpu.vector_load %arg6[%get3A_128, %get3A_129, %get3A_130, %get3A_131] {strides = array<i32>} : memref<2x32x8x64xf32, #tpu.memory_space<vmem>>, vector<1x1x1x16xf32>,
        %get3A_133 = vector.shape_cast %get3A_132 : vector<1x1x1x16xf32> to vector<16xf32>
        %swap3A_134 = arith.index_cast %add3A_103 : i32 to index
        %swap3A_135 = arith.constant 32 : index
        %swap3A_136 = tpu.vector_load %arg7[%swap3A_134, %swap3A_135] {strides = array<i32>} : memref<32x64xf32, #tpu.memory_space<vmem>>, vector<1x16xf32>,
        %swap3A_137 = vector.shape_cast %swap3A_136 : vector<1x16xf32> to vector<16xf32>
        %swap3A_138 = vector.shape_cast %get3A_133 : vector<16xf32> to vector<1x16xf32>
        tpu.vector_store %arg7[%swap3A_134, %swap3A_135], %swap3A_138 {strides = array<i32>} : memref<32x64xf32, #tpu.memory_space<vmem>>, vector<1x16xf32>,
        %get3A_139 = arith.constant 1 : i32
        %get3A_140 = arith.index_cast %get3A_139 : i32 to index
        %get3A_141 = arith.index_cast %add3A_103 : i32 to index
        %get3A_142 = arith.index_cast %squeeze3A : i32 to index
        %get3A_143 = arith.constant 48 : index
        %get3A_144 = tpu.vector_load %arg6[%get3A_140, %get3A_141, %get3A_142, %get3A_143] {strides = array<i32>} : memref<2x32x8x64xf32, #tpu.memory_space<vmem>>, vector<1x1x1x16xf32>,
        %get3A_145 = vector.shape_cast %get3A_144 : vector<1x1x1x16xf32> to vector<16xf32>
        %swap3A_146 = arith.index_cast %add3A_103 : i32 to index
        %swap3A_147 = arith.constant 48 : index
        %swap3A_148 = tpu.vector_load %arg7[%swap3A_146, %swap3A_147] {strides = array<i32>} : memref<32x64xf32, #tpu.memory_space<vmem>>, vector<1x16xf32>,
        %swap3A_149 = vector.shape_cast %swap3A_148 : vector<1x16xf32> to vector<16xf32>
        %swap3A_150 = vector.shape_cast %get3A_145 : vector<16xf32> to vector<1x16xf32>
        tpu.vector_store %arg7[%swap3A_146, %swap3A_147], %swap3A_150 {strides = array<i32>} : memref<32x64xf32, #tpu.memory_space<vmem>>, vector<1x16xf32>,
        %slice3A_151 = vector.extract_strided_slice %rem3A_99 {offsets = [1], sizes = [1], strides = [1]} : vector<16xi32> to vector<1xi32>
        %squeeze3A_152 = vector.extract %slice3A_151[0] : i32 from vector<1xi32>
        %mul3A_153 = arith.constant 16 : i32
        %mul3A_154 = arith.muli %scan3A_90, %mul3A_153 : i32
        %add3A_155 = arith.constant 1 : i32
        %add3A_156 = arith.addi %mul3A_154, %add3A_155 : i32
        %get3A_157 = arith.constant 1 : i32
        %get3A_158 = arith.index_cast %get3A_157 : i32 to index
        %get3A_159 = arith.index_cast %add3A_156 : i32 to index
        %get3A_160 = arith.index_cast %squeeze3A_152 : i32 to index
        %get3A_161 = arith.constant 0 : index
        %get3A_162 = tpu.vector_load %arg6[%get3A_158, %get3A_159, %get3A_160, %get3A_161] {strides = array<i32>} : memref<2x32x8x64xf32, #tpu.memory_space<vmem>>, vector<1x1x1x16xf32>,
        %get3A_163 = vector.shape_cast %get3A_162 : vector<1x1x1x16xf32> to vector<16xf32>
        %swap3A_164 = arith.index_cast %add3A_156 : i32 to index
        %swap3A_165 = arith.constant 0 : index
        %swap3A_166 = tpu.vector_load %arg7[%swap3A_164, %swap3A_165] {strides = array<i32>} : memref<32x64xf32, #tpu.memory_space<vmem>>, vector<1x16xf32>,
        %swap3A_167 = vector.shape_cast %swap3A_166 : vector<1x16xf32> to vector<16xf32>
        %swap3A_168 = vector.shape_cast %get3A_163 : vector<16xf32> to vector<1x16xf32>
        tpu.vector_store %arg7[%swap3A_164, %swap3A_165], %swap3A_168 {strides = array<i32>} : memref<32x64xf32, #tpu.memory_space<vmem>>, vector<1x16xf32>,
        %get3A_169 = arith.constant 1 : i32
        %get3A_170 = arith.index_cast %get3A_169 : i32 to index
        %get3A_171 = arith.index_cast %add3A_156 : i32 to index
        %get3A_172 = arith.index_cast %squeeze3A_152 : i32 to index
        %get3A_173 = arith.constant 16 : index
        %get3A_174 = tpu.vector_load %arg6[%get3A_170, %get3A_171, %get3A_172, %get3A_173] {strides = array<i32>} : memref<2x32x8x64xf32, #tpu.memory_space<vmem>>, vector<1x1x1x16xf32>,
        %get3A_175 = vector.shape_cast %get3A_174 : vector<1x1x1x16xf32> to vector<16xf32>
        %swap3A_176 = arith.index_cast %add3A_156 : i32 to index
        %swap3A_177 = arith.constant 16 : index
        %swap3A_178 = tpu.vector_load %arg7[%swap3A_176, %swap3A_177] {strides = array<i32>} : memref<32x64xf32, #tpu.memory_space<vmem>>, vector<1x16xf32>,
        %swap3A_179 = vector.shape_cast %swap3A_178 : vector<1x16xf32> to vector<16xf32>
        %swap3A_180 = vector.shape_cast %get3A_175 : vector<16xf32> to vector<1x16xf32>
        tpu.vector_store %arg7[%swap3A_176, %swap3A_177], %swap3A_180 {strides = array<i32>} : memref<32x64xf32, #tpu.memory_space<vmem>>, vector<1x16xf32>,
        %get3A_181 = arith.constant 1 : i32
        %get3A_182 = arith.index_cast %get3A_181 : i32 to index
        %get3A_183 = arith.index_cast %add3A_156 : i32 to index
        %get3A_184 = arith.index_cast %squeeze3A_152 : i32 to index
        %get3A_185 = arith.constant 32 : index
        %get3A_186 = tpu.vector_load %arg6[%get3A_182, %get3A_183, %get3A_184, %get3A_185] {strides = array<i32>} : memref<2x32x8x64xf32, #tpu.memory_space<vmem>>, vector<1x1x1x16xf32>,
        %get3A_187 = vector.shape_cast %get3A_186 : vector<1x1x1x16xf32> to vector<16xf32>
        %swap3A_188 = arith.index_cast %add3A_156 : i32 to index
        %swap3A_189 = arith.constant 32 : index
        %swap3A_190 = tpu.vector_load %arg7[%swap3A_188, %swap3A_189] {strides = array<i32>} : memref<32x64xf32, #tpu.memory_space<vmem>>, vector<1x16xf32>,
        %swap3A_191 = vector.shape_cast %swap3A_190 : vector<1x16xf32> to vector<16xf32>
        %swap3A_192 = vector.shape_cast %get3A_187 : vector<16xf32> to vector<1x16xf32>
        tpu.vector_store %arg7[%swap3A_188, %swap3A_189], %swap3A_192 {strides = array<i32>} : memref<32x64xf32, #tpu.memory_space<vmem>>, vector<1x16xf32>,
        %get3A_193 = arith.constant 1 : i32
        %get3A_194 = arith.index_cast %get3A_193 : i32 to index
        %get3A_195 = arith.index_cast %add3A_156 : i32 to index
        %get3A_196 = arith.index_cast %squeeze3A_152 : i32 to index
        %get3A_197 = arith.constant 48 : index
        %get3A_198 = tpu.vector_load %arg6[%get3A_194, %get3A_195, %get3A_196, %get3A_197] {strides = array<i32>} : memref<2x32x8x64xf32, #tpu.memory_space<vmem>>, vector<1x1x1x16xf32>,
        %get3A_199 = vector.shape_cast %get3A_198 : vector<1x1x1x16xf32> to vector<16xf32>
        %swap3A_200 = arith.index_cast %add3A_156 : i32 to index
        %swap3A_201 = arith.constant 48 : index
        %swap3A_202 = tpu.vector_load %arg7[%swap3A_200, %swap3A_201] {strides = array<i32>} : memref<32x64xf32, #tpu.memory_space<vmem>>, vector<1x16xf32>,
        %swap3A_203 = vector.shape_cast %swap3A_202 : vector<1x16xf32> to vector<16xf32>
        %swap3A_204 = vector.shape_cast %get3A_199 : vector<16xf32> to vector<1x16xf32>
        tpu.vector_store %arg7[%swap3A_200, %swap3A_201], %swap3A_204 {strides = array<i32>} : memref<32x64xf32, #tpu.memory_space<vmem>>, vector<1x16xf32>,
        %slice3A_205 = vector.extract_strided_slice %rem3A_99 {offsets = [2], sizes = [1], strides = [1]} : vector<16xi32> to vector<1xi32>
        %squeeze3A_206 = vector.extract %slice3A_205[0] : i32 from vector<1xi32>
        %mul3A_207 = arith.constant 16 : i32
        %mul3A_208 = arith.muli %scan3A_90, %mul3A_207 : i32
        %add3A_209 = arith.constant 2 : i32
        %add3A_210 = arith.addi %mul3A_208, %add3A_209 : i32
        %get3A_211 = arith.constant 1 : i32
        %get3A_212 = arith.index_cast %get3A_211 : i32 to index
        %get3A_213 = arith.index_cast %add3A_210 : i32 to index
        %get3A_214 = arith.index_cast %squeeze3A_206 : i32 to index
        %get3A_215 = arith.constant 0 : index
        %get3A_216 = tpu.vector_load %arg6[%get3A_212, %get3A_213, %get3A_214, %get3A_215] {strides = array<i32>} : memref<2x32x8x64xf32, #tpu.memory_space<vmem>>, vector<1x1x1x16xf32>,
        %get3A_217 = vector.shape_cast %get3A_216 : vector<1x1x1x16xf32> to vector<16xf32>
        %swap3A_218 = arith.index_cast %add3A_210 : i32 to index
        %swap3A_219 = arith.constant 0 : index
        %swap3A_220 = tpu.vector_load %arg7[%swap3A_218, %swap3A_219] {strides = array<i32>} : memref<32x64xf32, #tpu.memory_space<vmem>>, vector<1x16xf32>,
        %swap3A_221 = vector.shape_cast %swap3A_220 : vector<1x16xf32> to vector<16xf32>
        %swap3A_222 = vector.shape_cast %get3A_217 : vector<16xf32> to vector<1x16xf32>
        tpu.vector_store %arg7[%swap3A_218, %swap3A_219], %swap3A_222 {strides = array<i32>} : memref<32x64xf32, #tpu.memory_space<vmem>>, vector<1x16xf32>,
        %get3A_223 = arith.constant 1 : i32
        %get3A_224 = arith.index_cast %get3A_223 : i32 to index
        %get3A_225 = arith.index_cast %add3A_210 : i32 to index
        %get3A_226 = arith.index_cast %squeeze3A_206 : i32 to index
        %get3A_227 = arith.constant 16 : index
        %get3A_228 = tpu.vector_load %arg6[%get3A_224, %get3A_225, %get3A_226, %get3A_227] {strides = array<i32>} : memref<2x32x8x64xf32, #tpu.memory_space<vmem>>, vector<1x1x1x16xf32>,
        %get3A_229 = vector.shape_cast %get3A_228 : vector<1x1x1x16xf32> to vector<16xf32>
        %swap3A_230 = arith.index_cast %add3A_210 : i32 to index
        %swap3A_231 = arith.constant 16 : index
        %swap3A_232 = tpu.vector_load %arg7[%swap3A_230, %swap3A_231] {strides = array<i32>} : memref<32x64xf32, #tpu.memory_space<vmem>>, vector<1x16xf32>,
        %swap3A_233 = vector.shape_cast %swap3A_232 : vector<1x16xf32> to vector<16xf32>
        %swap3A_234 = vector.shape_cast %get3A_229 : vector<16xf32> to vector<1x16xf32>
        tpu.vector_store %arg7[%swap3A_230, %swap3A_231], %swap3A_234 {strides = array<i32>} : memref<32x64xf32, #tpu.memory_space<vmem>>, vector<1x16xf32>,
        %get3A_235 = arith.constant 1 : i32
        %get3A_236 = arith.index_cast %get3A_235 : i32 to index
        %get3A_237 = arith.index_cast %add3A_210 : i32 to index
        %get3A_238 = arith.index_cast %squeeze3A_206 : i32 to index
        %get3A_239 = arith.constant 32 : index
        %get3A_240 = tpu.vector_load %arg6[%get3A_236, %get3A_237, %get3A_238, %get3A_239] {strides = array<i32>} : memref<2x32x8x64xf32, #tpu.memory_space<vmem>>, vector<1x1x1x16xf32>,
        %get3A_241 = vector.shape_cast %get3A_240 : vector<1x1x1x16xf32> to vector<16xf32>
        %swap3A_242 = arith.index_cast %add3A_210 : i32 to index
        %swap3A_243 = arith.constant 32 : index
        %swap3A_244 = tpu.vector_load %arg7[%swap3A_242, %swap3A_243] {strides = array<i32>} : memref<32x64xf32, #tpu.memory_space<vmem>>, vector<1x16xf32>,
        %swap3A_245 = vector.shape_cast %swap3A_244 : vector<1x16xf32> to vector<16xf32>
        %swap3A_246 = vector.shape_cast %get3A_241 : vector<16xf32> to vector<1x16xf32>
        tpu.vector_store %arg7[%swap3A_242, %swap3A_243], %swap3A_246 {strides = array<i32>} : memref<32x64xf32, #tpu.memory_space<vmem>>, vector<1x16xf32>,
        %get3A_247 = arith.constant 1 : i32
        %get3A_248 = arith.index_cast %get3A_247 : i32 to index
        %get3A_249 = arith.index_cast %add3A_210 : i32 to index
        %get3A_250 = arith.index_cast %squeeze3A_206 : i32 to index
        %get3A_251 = arith.constant 48 : index
        %get3A_252 = tpu.vector_load %arg6[%get3A_248, %get3A_249, %get3A_250, %get3A_251] {strides = array<i32>} : memref<2x32x8x64xf32, #tpu.memory_space<vmem>>, vector<1x1x1x16xf32>,
        %get3A_253 = vector.shape_cast %get3A_252 : vector<1x1x1x16xf32> to vector<16xf32>
        %swap3A_254 = arith.index_cast %add3A_210 : i32 to index
        %swap3A_255 = arith.constant 48 : index
        %swap3A_256 = tpu.vector_load %arg7[%swap3A_254, %swap3A_255] {strides = array<i32>} : memref<32x64xf32, #tpu.memory_space<vmem>>, vector<1x16xf32>,
        %swap3A_257 = vector.shape_cast %swap3A_256 : vector<1x16xf32> to vector<16xf32>
        %swap3A_258 = vector.shape_cast %get3A_253 : vector<16xf32> to vector<1x16xf32>
        tpu.vector_store %arg7[%swap3A_254, %swap3A_255], %swap3A_258 {strides = array<i32>} : memref<32x64xf32, #tpu.memory_space<vmem>>, vector<1x16xf32>,
        %slice3A_259 = vector.extract_strided_slice %rem3A_99 {offsets = [3], sizes = [1], strides = [1]} : vector<16xi32> to vector<1xi32>
        %squeeze3A_260 = vector.extract %slice3A_259[0] : i32 from vector<1xi32>
        %mul3A_261 = arith.constant 16 : i32
        %mul3A_262 = arith.muli %scan3A_90, %mul3A_261 : i32
        %add3A_263 = arith.constant 3 : i32
        %add3A_264 = arith.addi %mul3A_262, %add3A_263 : i32
        %get3A_265 = arith.constant 1 : i32
        %get3A_266 = arith.index_cast %get3A_265 : i32 to index
        %get3A_267 = arith.index_cast %add3A_264 : i32 to index
        %get3A_268 = arith.index_cast %squeeze3A_260 : i32 to index
        %get3A_269 = arith.constant 0 : index
        %get3A_270 = tpu.vector_load %arg6[%get3A_266, %get3A_267, %get3A_268, %get3A_269] {strides = array<i32>} : memref<2x32x8x64xf32, #tpu.memory_space<vmem>>, vector<1x1x1x16xf32>,
        %get3A_271 = vector.shape_cast %get3A_270 : vector<1x1x1x16xf32> to vector<16xf32>
        %swap3A_272 = arith.index_cast %add3A_264 : i32 to index
        %swap3A_273 = arith.constant 0 : index
        %swap3A_274 = tpu.vector_load %arg7[%swap3A_272, %swap3A_273] {strides = array<i32>} : memref<32x64xf32, #tpu.memory_space<vmem>>, vector<1x16xf32>,
        %swap3A_275 = vector.shape_cast %swap3A_274 : vector<1x16xf32> to vector<16xf32>
        %swap3A_276 = vector.shape_cast %get3A_271 : vector<16xf32> to vector<1x16xf32>
        tpu.vector_store %arg7[%swap3A_272, %swap3A_273], %swap3A_276 {strides = array<i32>} : memref<32x64xf32, #tpu.memory_space<vmem>>, vector<1x16xf32>,
        %get3A_277 = arith.constant 1 : i32
        %get3A_278 = arith.index_cast %get3A_277 : i32 to index
        %get3A_279 = arith.index_cast %add3A_264 : i32 to index
        %get3A_280 = arith.index_cast %squeeze3A_260 : i32 to index
        %get3A_281 = arith.constant 16 : index
        %get3A_282 = tpu.vector_load %arg6[%get3A_278, %get3A_279, %get3A_280, %get3A_281] {strides = array<i32>} : memref<2x32x8x64xf32, #tpu.memory_space<vmem>>, vector<1x1x1x16xf32>,
        %get3A_283 = vector.shape_cast %get3A_282 : vector<1x1x1x16xf32> to vector<16xf32>
        %swap3A_284 = arith.index_cast %add3A_264 : i32 to index
        %swap3A_285 = arith.constant 16 : index
        %swap3A_286 = tpu.vector_load %arg7[%swap3A_284, %swap3A_285] {strides = array<i32>} : memref<32x64xf32, #tpu.memory_space<vmem>>, vector<1x16xf32>,
        %swap3A_287 = vector.shape_cast %swap3A_286 : vector<1x16xf32> to vector<16xf32>
        %swap3A_288 = vector.shape_cast %get3A_283 : vector<16xf32> to vector<1x16xf32>
        tpu.vector_store %arg7[%swap3A_284, %swap3A_285], %swap3A_288 {strides = array<i32>} : memref<32x64xf32, #tpu.memory_space<vmem>>, vector<1x16xf32>,
        %get3A_289 = arith.constant 1 : i32
        %get3A_290 = arith.index_cast %get3A_289 : i32 to index
        %get3A_291 = arith.index_cast %add3A_264 : i32 to index
        %get3A_292 = arith.index_cast %squeeze3A_260 : i32 to index
        %get3A_293 = arith.constant 32 : index
        %get3A_294 = tpu.vector_load %arg6[%get3A_290, %get3A_291, %get3A_292, %get3A_293] {strides = array<i32>} : memref<2x32x8x64xf32, #tpu.memory_space<vmem>>, vector<1x1x1x16xf32>,
        %get3A_295 = vector.shape_cast %get3A_294 : vector<1x1x1x16xf32> to vector<16xf32>
        %swap3A_296 = arith.index_cast %add3A_264 : i32 to index
        %swap3A_297 = arith.constant 32 : index
        %swap3A_298 = tpu.vector_load %arg7[%swap3A_296, %swap3A_297] {strides = array<i32>} : memref<32x64xf32, #tpu.memory_space<vmem>>, vector<1x16xf32>,
        %swap3A_299 = vector.shape_cast %swap3A_298 : vector<1x16xf32> to vector<16xf32>
        %swap3A_300 = vector.shape_cast %get3A_295 : vector<16xf32> to vector<1x16xf32>
        tpu.vector_store %arg7[%swap3A_296, %swap3A_297], %swap3A_300 {strides = array<i32>} : memref<32x64xf32, #tpu.memory_space<vmem>>, vector<1x16xf32>,
        %get3A_301 = arith.constant 1 : i32
        %get3A_302 = arith.index_cast %get3A_301 : i32 to index
        %get3A_303 = arith.index_cast %add3A_264 : i32 to index
        %get3A_304 = arith.index_cast %squeeze3A_260 : i32 to index
        %get3A_305 = arith.constant 48 : index
        %get3A_306 = tpu.vector_load %arg6[%get3A_302, %get3A_303, %get3A_304, %get3A_305] {strides = array<i32>} : memref<2x32x8x64xf32, #tpu.memory_space<vmem>>, vector<1x1x1x16xf32>,
        %get3A_307 = vector.shape_cast %get3A_306 : vector<1x1x1x16xf32> to vector<16xf32>
        %swap3A_308 = arith.index_cast %add3A_264 : i32 to index
        %swap3A_309 = arith.constant 48 : index
        %swap3A_310 = tpu.vector_load %arg7[%swap3A_308, %swap3A_309] {strides = array<i32>} : memref<32x64xf32, #tpu.memory_space<vmem>>, vector<1x16xf32>,
        %swap3A_311 = vector.shape_cast %swap3A_310 : vector<1x16xf32> to vector<16xf32>
        %swap3A_312 = vector.shape_cast %get3A_307 : vector<16xf32> to vector<1x16xf32>
        tpu.vector_store %arg7[%swap3A_308, %swap3A_309], %swap3A_312 {strides = array<i32>} : memref<32x64xf32, #tpu.memory_space<vmem>>, vector<1x16xf32>,
        %slice3A_313 = vector.extract_strided_slice %rem3A_99 {offsets = [4], sizes = [1], strides = [1]} : vector<16xi32> to vector<1xi32>
        %squeeze3A_314 = vector.extract %slice3A_313[0] : i32 from vector<1xi32>
        %mul3A_315 = arith.constant 16 : i32
        %mul3A_316 = arith.muli %scan3A_90, %mul3A_315 : i32
        %add3A_317 = arith.constant 4 : i32
        %add3A_318 = arith.addi %mul3A_316, %add3A_317 : i32
        %get3A_319 = arith.constant 1 : i32
        %get3A_320 = arith.index_cast %get3A_319 : i32 to index
        %get3A_321 = arith.index_cast %add3A_318 : i32 to index
        %get3A_322 = arith.index_cast %squeeze3A_314 : i32 to index
        %get3A_323 = arith.constant 0 : index
        %get3A_324 = tpu.vector_load %arg6[%get3A_320, %get3A_321, %get3A_322, %get3A_323] {strides = array<i32>} : memref<2x32x8x64xf32, #tpu.memory_space<vmem>>, vector<1x1x1x16xf32>,
        %get3A_325 = vector.shape_cast %get3A_324 : vector<1x1x1x16xf32> to vector<16xf32>
        %swap3A_326 = arith.index_cast %add3A_318 : i32 to index
        %swap3A_327 = arith.constant 0 : index
        %swap3A_328 = tpu.vector_load %arg7[%swap3A_326, %swap3A_327] {strides = array<i32>} : memref<32x64xf32, #tpu.memory_space<vmem>>, vector<1x16xf32>,
        %swap3A_329 = vector.shape_cast %swap3A_328 : vector<1x16xf32> to vector<16xf32>
        %swap3A_330 = vector.shape_cast %get3A_325 : vector<16xf32> to vector<1x16xf32>
        tpu.vector_store %arg7[%swap3A_326, %swap3A_327], %swap3A_330 {strides = array<i32>} : memref<32x64xf32, #tpu.memory_space<vmem>>, vector<1x16xf32>,
        %get3A_331 = arith.constant 1 : i32
        %get3A_332 = arith.index_cast %get3A_331 : i32 to index
        %get3A_333 = arith.index_cast %add3A_318 : i32 to index
        %get3A_334 = arith.index_cast %squeeze3A_314 : i32 to index
        %get3A_335 = arith.constant 16 : index
        %get3A_336 = tpu.vector_load %arg6[%get3A_332, %get3A_333, %get3A_334, %get3A_335] {strides = array<i32>} : memref<2x32x8x64xf32, #tpu.memory_space<vmem>>, vector<1x1x1x16xf32>,
        %get3A_337 = vector.shape_cast %get3A_336 : vector<1x1x1x16xf32> to vector<16xf32>
        %swap3A_338 = arith.index_cast %add3A_318 : i32 to index
        %swap3A_339 = arith.constant 16 : index
        %swap3A_340 = tpu.vector_load %arg7[%swap3A_338, %swap3A_339] {strides = array<i32>} : memref<32x64xf32, #tpu.memory_space<vmem>>, vector<1x16xf32>,
        %swap3A_341 = vector.shape_cast %swap3A_340 : vector<1x16xf32> to vector<16xf32>
        %swap3A_342 = vector.shape_cast %get3A_337 : vector<16xf32> to vector<1x16xf32>
        tpu.vector_store %arg7[%swap3A_338, %swap3A_339], %swap3A_342 {strides = array<i32>} : memref<32x64xf32, #tpu.memory_space<vmem>>, vector<1x16xf32>,
        %get3A_343 = arith.constant 1 : i32
        %get3A_344 = arith.index_cast %get3A_343 : i32 to index
        %get3A_345 = arith.index_cast %add3A_318 : i32 to index
        %get3A_346 = arith.index_cast %squeeze3A_314 : i32 to index
        %get3A_347 = arith.constant 32 : index
        %get3A_348 = tpu.vector_load %arg6[%get3A_344, %get3A_345, %get3A_346, %get3A_347] {strides = array<i32>} : memref<2x32x8x64xf32, #tpu.memory_space<vmem>>, vector<1x1x1x16xf32>,
        %get3A_349 = vector.shape_cast %get3A_348 : vector<1x1x1x16xf32> to vector<16xf32>
        %swap3A_350 = arith.index_cast %add3A_318 : i32 to index
        %swap3A_351 = arith.constant 32 : index
        %swap3A_352 = tpu.vector_load %arg7[%swap3A_350, %swap3A_351] {strides = array<i32>} : memref<32x64xf32, #tpu.memory_space<vmem>>, vector<1x16xf32>,
        %swap3A_353 = vector.shape_cast %swap3A_352 : vector<1x16xf32> to vector<16xf32>
        %swap3A_354 = vector.shape_cast %get3A_349 : vector<16xf32> to vector<1x16xf32>
        tpu.vector_store %arg7[%swap3A_350, %swap3A_351], %swap3A_354 {strides = array<i32>} : memref<32x64xf32, #tpu.memory_space<vmem>>, vector<1x16xf32>,
        %get3A_355 = arith.constant 1 : i32
        %get3A_356 = arith.index_cast %get3A_355 : i32 to index
        %get3A_357 = arith.index_cast %add3A_318 : i32 to index
        %get3A_358 = arith.index_cast %squeeze3A_314 : i32 to index
        %get3A_359 = arith.constant 48 : index
        %get3A_360 = tpu.vector_load %arg6[%get3A_356, %get3A_357, %get3A_358, %get3A_359] {strides = array<i32>} : memref<2x32x8x64xf32, #tpu.memory_space<vmem>>, vector<1x1x1x16xf32>,
        %get3A_361 = vector.shape_cast %get3A_360 : vector<1x1x1x16xf32> to vector<16xf32>
        %swap3A_362 = arith.index_cast %add3A_318 : i32 to index
        %swap3A_363 = arith.constant 48 : index
        %swap3A_364 = tpu.vector_load %arg7[%swap3A_362, %swap3A_363] {strides = array<i32>} : memref<32x64xf32, #tpu.memory_space<vmem>>, vector<1x16xf32>,
        %swap3A_365 = vector.shape_cast %swap3A_364 : vector<1x16xf32> to vector<16xf32>
        %swap3A_366 = vector.shape_cast %get3A_361 : vector<16xf32> to vector<1x16xf32>
        tpu.vector_store %arg7[%swap3A_362, %swap3A_363], %swap3A_366 {strides = array<i32>} : memref<32x64xf32, #tpu.memory_space<vmem>>, vector<1x16xf32>,
        %slice3A_367 = vector.extract_strided_slice %rem3A_99 {offsets = [5], sizes = [1], strides = [1]} : vector<16xi32> to vector<1xi32>
        %squeeze3A_368 = vector.extract %slice3A_367[0] : i32 from vector<1xi32>
        %mul3A_369 = arith.constant 16 : i32
        %mul3A_370 = arith.muli %scan3A_90, %mul3A_369 : i32
        %add3A_371 = arith.constant 5 : i32
        %add3A_372 = arith.addi %mul3A_370, %add3A_371 : i32
        %get3A_373 = arith.constant 1 : i32
        %get3A_374 = arith.index_cast %get3A_373 : i32 to index
        %get3A_375 = arith.index_cast %add3A_372 : i32 to index
        %get3A_376 = arith.index_cast %squeeze3A_368 : i32 to index
        %get3A_377 = arith.constant 0 : index
        %get3A_378 = tpu.vector_load %arg6[%get3A_374, %get3A_375, %get3A_376, %get3A_377] {strides = array<i32>} : memref<2x32x8x64xf32, #tpu.memory_space<vmem>>, vector<1x1x1x16xf32>,
        %get3A_379 = vector.shape_cast %get3A_378 : vector<1x1x1x16xf32> to vector<16xf32>
        %swap3A_380 = arith.index_cast %add3A_372 : i32 to index
        %swap3A_381 = arith.constant 0 : index
        %swap3A_382 = tpu.vector_load %arg7[%swap3A_380, %swap3A_381] {strides = array<i32>} : memref<32x64xf32, #tpu.memory_space<vmem>>, vector<1x16xf32>,
        %swap3A_383 = vector.shape_cast %swap3A_382 : vector<1x16xf32> to vector<16xf32>
        %swap3A_384 = vector.shape_cast %get3A_379 : vector<16xf32> to vector<1x16xf32>
        tpu.vector_store %arg7[%swap3A_380, %swap3A_381], %swap3A_384 {strides = array<i32>} : memref<32x64xf32, #tpu.memory_space<vmem>>, vector<1x16xf32>,
        %get3A_385 = arith.constant 1 : i32
        %get3A_386 = arith.index_cast %get3A_385 : i32 to index
        %get3A_387 = arith.index_cast %add3A_372 : i32 to index
        %get3A_388 = arith.index_cast %squeeze3A_368 : i32 to index
        %get3A_389 = arith.constant 16 : index
        %get3A_390 = tpu.vector_load %arg6[%get3A_386, %get3A_387, %get3A_388, %get3A_389] {strides = array<i32>} : memref<2x32x8x64xf32, #tpu.memory_space<vmem>>, vector<1x1x1x16xf32>,
        %get3A_391 = vector.shape_cast %get3A_390 : vector<1x1x1x16xf32> to vector<16xf32>
        %swap3A_392 = arith.index_cast %add3A_372 : i32 to index
        %swap3A_393 = arith.constant 16 : index
        %swap3A_394 = tpu.vector_load %arg7[%swap3A_392, %swap3A_393] {strides = array<i32>} : memref<32x64xf32, #tpu.memory_space<vmem>>, vector<1x16xf32>,
        %swap3A_395 = vector.shape_cast %swap3A_394 : vector<1x16xf32> to vector<16xf32>
        %swap3A_396 = vector.shape_cast %get3A_391 : vector<16xf32> to vector<1x16xf32>
        tpu.vector_store %arg7[%swap3A_392, %swap3A_393], %swap3A_396 {strides = array<i32>} : memref<32x64xf32, #tpu.memory_space<vmem>>, vector<1x16xf32>,
        %get3A_397 = arith.constant 1 : i32
        %get3A_398 = arith.index_cast %get3A_397 : i32 to index
        %get3A_399 = arith.index_cast %add3A_372 : i32 to index
        %get3A_400 = arith.index_cast %squeeze3A_368 : i32 to index
        %get3A_401 = arith.constant 32 : index
        %get3A_402 = tpu.vector_load %arg6[%get3A_398, %get3A_399, %get3A_400, %get3A_401] {strides = array<i32>} : memref<2x32x8x64xf32, #tpu.memory_space<vmem>>, vector<1x1x1x16xf32>,
        %get3A_403 = vector.shape_cast %get3A_402 : vector<1x1x1x16xf32> to vector<16xf32>
        %swap3A_404 = arith.index_cast %add3A_372 : i32 to index
        %swap3A_405 = arith.constant 32 : index
        %swap3A_406 = tpu.vector_load %arg7[%swap3A_404, %swap3A_405] {strides = array<i32>} : memref<32x64xf32, #tpu.memory_space<vmem>>, vector<1x16xf32>,
        %swap3A_407 = vector.shape_cast %swap3A_406 : vector<1x16xf32> to vector<16xf32>
        %swap3A_408 = vector.shape_cast %get3A_403 : vector<16xf32> to vector<1x16xf32>
        tpu.vector_store %arg7[%swap3A_404, %swap3A_405], %swap3A_408 {strides = array<i32>} : memref<32x64xf32, #tpu.memory_space<vmem>>, vector<1x16xf32>,
        %get3A_409 = arith.constant 1 : i32
        %get3A_410 = arith.index_cast %get3A_409 : i32 to index
        %get3A_411 = arith.index_cast %add3A_372 : i32 to index
        %get3A_412 = arith.index_cast %squeeze3A_368 : i32 to index
        %get3A_413 = arith.constant 48 : index
        %get3A_414 = tpu.vector_load %arg6[%get3A_410, %get3A_411, %get3A_412, %get3A_413] {strides = array<i32>} : memref<2x32x8x64xf32, #tpu.memory_space<vmem>>, vector<1x1x1x16xf32>,
        %get3A_415 = vector.shape_cast %get3A_414 : vector<1x1x1x16xf32> to vector<16xf32>
        %swap3A_416 = arith.index_cast %add3A_372 : i32 to index
        %swap3A_417 = arith.constant 48 : index
        %swap3A_418 = tpu.vector_load %arg7[%swap3A_416, %swap3A_417] {strides = array<i32>} : memref<32x64xf32, #tpu.memory_space<vmem>>, vector<1x16xf32>,
        %swap3A_419 = vector.shape_cast %swap3A_418 : vector<1x16xf32> to vector<16xf32>
        %swap3A_420 = vector.shape_cast %get3A_415 : vector<16xf32> to vector<1x16xf32>
        tpu.vector_store %arg7[%swap3A_416, %swap3A_417], %swap3A_420 {strides = array<i32>} : memref<32x64xf32, #tpu.memory_space<vmem>>, vector<1x16xf32>,
        %slice3A_421 = vector.extract_strided_slice %rem3A_99 {offsets = [6], sizes = [1], strides = [1]} : vector<16xi32> to vector<1xi32>
        %squeeze3A_422 = vector.extract %slice3A_421[0] : i32 from vector<1xi32>
        %mul3A_423 = arith.constant 16 : i32
        %mul3A_424 = arith.muli %scan3A_90, %mul3A_423 : i32
        %add3A_425 = arith.constant 6 : i32
        %add3A_426 = arith.addi %mul3A_424, %add3A_425 : i32
        %get3A_427 = arith.constant 1 : i32
        %get3A_428 = arith.index_cast %get3A_427 : i32 to index
        %get3A_429 = arith.index_cast %add3A_426 : i32 to index
        %get3A_430 = arith.index_cast %squeeze3A_422 : i32 to index
        %get3A_431 = arith.constant 0 : index
        %get3A_432 = tpu.vector_load %arg6[%get3A_428, %get3A_429, %get3A_430, %get3A_431] {strides = array<i32>} : memref<2x32x8x64xf32, #tpu.memory_space<vmem>>, vector<1x1x1x16xf32>,
        %get3A_433 = vector.shape_cast %get3A_432 : vector<1x1x1x16xf32> to vector<16xf32>
        %swap3A_434 = arith.index_cast %add3A_426 : i32 to index
        %swap3A_435 = arith.constant 0 : index
        %swap3A_436 = tpu.vector_load %arg7[%swap3A_434, %swap3A_435] {strides = array<i32>} : memref<32x64xf32, #tpu.memory_space<vmem>>, vector<1x16xf32>,
        %swap3A_437 = vector.shape_cast %swap3A_436 : vector<1x16xf32> to vector<16xf32>
        %swap3A_438 = vector.shape_cast %get3A_433 : vector<16xf32> to vector<1x16xf32>
        tpu.vector_store %arg7[%swap3A_434, %swap3A_435], %swap3A_438 {strides = array<i32>} : memref<32x64xf32, #tpu.memory_space<vmem>>, vector<1x16xf32>,
        %get3A_439 = arith.constant 1 : i32
        %get3A_440 = arith.index_cast %get3A_439 : i32 to index
        %get3A_441 = arith.index_cast %add3A_426 : i32 to index
        %get3A_442 = arith.index_cast %squeeze3A_422 : i32 to index
        %get3A_443 = arith.constant 16 : index
        %get3A_444 = tpu.vector_load %arg6[%get3A_440, %get3A_441, %get3A_442, %get3A_443] {strides = array<i32>} : memref<2x32x8x64xf32, #tpu.memory_space<vmem>>, vector<1x1x1x16xf32>,
        %get3A_445 = vector.shape_cast %get3A_444 : vector<1x1x1x16xf32> to vector<16xf32>
        %swap3A_446 = arith.index_cast %add3A_426 : i32 to index
        %swap3A_447 = arith.constant 16 : index
        %swap3A_448 = tpu.vector_load %arg7[%swap3A_446, %swap3A_447] {strides = array<i32>} : memref<32x64xf32, #tpu.memory_space<vmem>>, vector<1x16xf32>,
        %swap3A_449 = vector.shape_cast %swap3A_448 : vector<1x16xf32> to vector<16xf32>
        %swap3A_450 = vector.shape_cast %get3A_445 : vector<16xf32> to vector<1x16xf32>
        tpu.vector_store %arg7[%swap3A_446, %swap3A_447], %swap3A_450 {strides = array<i32>} : memref<32x64xf32, #tpu.memory_space<vmem>>, vector<1x16xf32>,
        %get3A_451 = arith.constant 1 : i32
        %get3A_452 = arith.index_cast %get3A_451 : i32 to index
        %get3A_453 = arith.index_cast %add3A_426 : i32 to index
        %get3A_454 = arith.index_cast %squeeze3A_422 : i32 to index
        %get3A_455 = arith.constant 32 : index
        %get3A_456 = tpu.vector_load %arg6[%get3A_452, %get3A_453, %get3A_454, %get3A_455] {strides = array<i32>} : memref<2x32x8x64xf32, #tpu.memory_space<vmem>>, vector<1x1x1x16xf32>,
        %get3A_457 = vector.shape_cast %get3A_456 : vector<1x1x1x16xf32> to vector<16xf32>
        %swap3A_458 = arith.index_cast %add3A_426 : i32 to index
        %swap3A_459 = arith.constant 32 : index
        %swap3A_460 = tpu.vector_load %arg7[%swap3A_458, %swap3A_459] {strides = array<i32>} : memref<32x64xf32, #tpu.memory_space<vmem>>, vector<1x16xf32>,
        %swap3A_461 = vector.shape_cast %swap3A_460 : vector<1x16xf32> to vector<16xf32>
        %swap3A_462 = vector.shape_cast %get3A_457 : vector<16xf32> to vector<1x16xf32>
        tpu.vector_store %arg7[%swap3A_458, %swap3A_459], %swap3A_462 {strides = array<i32>} : memref<32x64xf32, #tpu.memory_space<vmem>>, vector<1x16xf32>,
        %get3A_463 = arith.constant 1 : i32
        %get3A_464 = arith.index_cast %get3A_463 : i32 to index
        %get3A_465 = arith.index_cast %add3A_426 : i32 to index
        %get3A_466 = arith.index_cast %squeeze3A_422 : i32 to index
        %get3A_467 = arith.constant 48 : index
        %get3A_468 = tpu.vector_load %arg6[%get3A_464, %get3A_465, %get3A_466, %get3A_467] {strides = array<i32>} : memref<2x32x8x64xf32, #tpu.memory_space<vmem>>, vector<1x1x1x16xf32>,
        %get3A_469 = vector.shape_cast %get3A_468 : vector<1x1x1x16xf32> to vector<16xf32>
        %swap3A_470 = arith.index_cast %add3A_426 : i32 to index
        %swap3A_471 = arith.constant 48 : index
        %swap3A_472 = tpu.vector_load %arg7[%swap3A_470, %swap3A_471] {strides = array<i32>} : memref<32x64xf32, #tpu.memory_space<vmem>>, vector<1x16xf32>,
        %swap3A_473 = vector.shape_cast %swap3A_472 : vector<1x16xf32> to vector<16xf32>
        %swap3A_474 = vector.shape_cast %get3A_469 : vector<16xf32> to vector<1x16xf32>
        tpu.vector_store %arg7[%swap3A_470, %swap3A_471], %swap3A_474 {strides = array<i32>} : memref<32x64xf32, #tpu.memory_space<vmem>>, vector<1x16xf32>,
        %slice3A_475 = vector.extract_strided_slice %rem3A_99 {offsets = [7], sizes = [1], strides = [1]} : vector<16xi32> to vector<1xi32>
        %squeeze3A_476 = vector.extract %slice3A_475[0] : i32 from vector<1xi32>
        %mul3A_477 = arith.constant 16 : i32
        %mul3A_478 = arith.muli %scan3A_90, %mul3A_477 : i32
        %add3A_479 = arith.constant 7 : i32
        %add3A_480 = arith.addi %mul3A_478, %add3A_479 : i32
        %get3A_481 = arith.constant 1 : i32
        %get3A_482 = arith.index_cast %get3A_481 : i32 to index
        %get3A_483 = arith.index_cast %add3A_480 : i32 to index
        %get3A_484 = arith.index_cast %squeeze3A_476 : i32 to index
        %get3A_485 = arith.constant 0 : index
        %get3A_486 = tpu.vector_load %arg6[%get3A_482, %get3A_483, %get3A_484, %get3A_485] {strides = array<i32>} : memref<2x32x8x64xf32, #tpu.memory_space<vmem>>, vector<1x1x1x16xf32>,
        %get3A_487 = vector.shape_cast %get3A_486 : vector<1x1x1x16xf32> to vector<16xf32>
        %swap3A_488 = arith.index_cast %add3A_480 : i32 to index
        %swap3A_489 = arith.constant 0 : index
        %swap3A_490 = tpu.vector_load %arg7[%swap3A_488, %swap3A_489] {strides = array<i32>} : memref<32x64xf32, #tpu.memory_space<vmem>>, vector<1x16xf32>,
        %swap3A_491 = vector.shape_cast %swap3A_490 : vector<1x16xf32> to vector<16xf32>
        %swap3A_492 = vector.shape_cast %get3A_487 : vector<16xf32> to vector<1x16xf32>
        tpu.vector_store %arg7[%swap3A_488, %swap3A_489], %swap3A_492 {strides = array<i32>} : memref<32x64xf32, #tpu.memory_space<vmem>>, vector<1x16xf32>,
        %get3A_493 = arith.constant 1 : i32
        %get3A_494 = arith.index_cast %get3A_493 : i32 to index
        %get3A_495 = arith.index_cast %add3A_480 : i32 to index
        %get3A_496 = arith.index_cast %squeeze3A_476 : i32 to index
        %get3A_497 = arith.constant 16 : index
        %get3A_498 = tpu.vector_load %arg6[%get3A_494, %get3A_495, %get3A_496, %get3A_497] {strides = array<i32>} : memref<2x32x8x64xf32, #tpu.memory_space<vmem>>, vector<1x1x1x16xf32>,
        %get3A_499 = vector.shape_cast %get3A_498 : vector<1x1x1x16xf32> to vector<16xf32>
        %swap3A_500 = arith.index_cast %add3A_480 : i32 to index
        %swap3A_501 = arith.constant 16 : index
        %swap3A_502 = tpu.vector_load %arg7[%swap3A_500, %swap3A_501] {strides = array<i32>} : memref<32x64xf32, #tpu.memory_space<vmem>>, vector<1x16xf32>,
        %swap3A_503 = vector.shape_cast %swap3A_502 : vector<1x16xf32> to vector<16xf32>
        %swap3A_504 = vector.shape_cast %get3A_499 : vector<16xf32> to vector<1x16xf32>
        tpu.vector_store %arg7[%swap3A_500, %swap3A_501], %swap3A_504 {strides = array<i32>} : memref<32x64xf32, #tpu.memory_space<vmem>>, vector<1x16xf32>,
        %get3A_505 = arith.constant 1 : i32
        %get3A_506 = arith.index_cast %get3A_505 : i32 to index
        %get3A_507 = arith.index_cast %add3A_480 : i32 to index
        %get3A_508 = arith.index_cast %squeeze3A_476 : i32 to index
        %get3A_509 = arith.constant 32 : index
        %get3A_510 = tpu.vector_load %arg6[%get3A_506, %get3A_507, %get3A_508, %get3A_509] {strides = array<i32>} : memref<2x32x8x64xf32, #tpu.memory_space<vmem>>, vector<1x1x1x16xf32>,
        %get3A_511 = vector.shape_cast %get3A_510 : vector<1x1x1x16xf32> to vector<16xf32>
        %swap3A_512 = arith.index_cast %add3A_480 : i32 to index
        %swap3A_513 = arith.constant 32 : index
        %swap3A_514 = tpu.vector_load %arg7[%swap3A_512, %swap3A_513] {strides = array<i32>} : memref<32x64xf32, #tpu.memory_space<vmem>>, vector<1x16xf32>,
        %swap3A_515 = vector.shape_cast %swap3A_514 : vector<1x16xf32> to vector<16xf32>
        %swap3A_516 = vector.shape_cast %get3A_511 : vector<16xf32> to vector<1x16xf32>
        tpu.vector_store %arg7[%swap3A_512, %swap3A_513], %swap3A_516 {strides = array<i32>} : memref<32x64xf32, #tpu.memory_space<vmem>>, vector<1x16xf32>,
        %get3A_517 = arith.constant 1 : i32
        %get3A_518 = arith.index_cast %get3A_517 : i32 to index
        %get3A_519 = arith.index_cast %add3A_480 : i32 to index
        %get3A_520 = arith.index_cast %squeeze3A_476 : i32 to index
        %get3A_521 = arith.constant 48 : index
        %get3A_522 = tpu.vector_load %arg6[%get3A_518, %get3A_519, %get3A_520, %get3A_521] {strides = array<i32>} : memref<2x32x8x64xf32, #tpu.memory_space<vmem>>, vector<1x1x1x16xf32>,
        %get3A_523 = vector.shape_cast %get3A_522 : vector<1x1x1x16xf32> to vector<16xf32>
        %swap3A_524 = arith.index_cast %add3A_480 : i32 to index
        %swap3A_525 = arith.constant 48 : index
        %swap3A_526 = tpu.vector_load %arg7[%swap3A_524, %swap3A_525] {strides = array<i32>} : memref<32x64xf32, #tpu.memory_space<vmem>>, vector<1x16xf32>,
        %swap3A_527 = vector.shape_cast %swap3A_526 : vector<1x16xf32> to vector<16xf32>
        %swap3A_528 = vector.shape_cast %get3A_523 : vector<16xf32> to vector<1x16xf32>
        tpu.vector_store %arg7[%swap3A_524, %swap3A_525], %swap3A_528 {strides = array<i32>} : memref<32x64xf32, #tpu.memory_space<vmem>>, vector<1x16xf32>,
        %slice3A_529 = vector.extract_strided_slice %rem3A_99 {offsets = [8], sizes = [1], strides = [1]} : vector<16xi32> to vector<1xi32>
        %squeeze3A_530 = vector.extract %slice3A_529[0] : i32 from vector<1xi32>
        %mul3A_531 = arith.constant 16 : i32
        %mul3A_532 = arith.muli %scan3A_90, %mul3A_531 : i32
        %add3A_533 = arith.constant 8 : i32
        %add3A_534 = arith.addi %mul3A_532, %add3A_533 : i32
        %get3A_535 = arith.constant 1 : i32
        %get3A_536 = arith.index_cast %get3A_535 : i32 to index
        %get3A_537 = arith.index_cast %add3A_534 : i32 to index
        %get3A_538 = arith.index_cast %squeeze3A_530 : i32 to index
        %get3A_539 = arith.constant 0 : index
        %get3A_540 = tpu.vector_load %arg6[%get3A_536, %get3A_537, %get3A_538, %get3A_539] {strides = array<i32>} : memref<2x32x8x64xf32, #tpu.memory_space<vmem>>, vector<1x1x1x16xf32>,
        %get3A_541 = vector.shape_cast %get3A_540 : vector<1x1x1x16xf32> to vector<16xf32>
        %swap3A_542 = arith.index_cast %add3A_534 : i32 to index
        %swap3A_543 = arith.constant 0 : index
        %swap3A_544 = tpu.vector_load %arg7[%swap3A_542, %swap3A_543] {strides = array<i32>} : memref<32x64xf32, #tpu.memory_space<vmem>>, vector<1x16xf32>,
        %swap3A_545 = vector.shape_cast %swap3A_544 : vector<1x16xf32> to vector<16xf32>
        %swap3A_546 = vector.shape_cast %get3A_541 : vector<16xf32> to vector<1x16xf32>
        tpu.vector_store %arg7[%swap3A_542, %swap3A_543], %swap3A_546 {strides = array<i32>} : memref<32x64xf32, #tpu.memory_space<vmem>>, vector<1x16xf32>,
        %get3A_547 = arith.constant 1 : i32
        %get3A_548 = arith.index_cast %get3A_547 : i32 to index
        %get3A_549 = arith.index_cast %add3A_534 : i32 to index
        %get3A_550 = arith.index_cast %squeeze3A_530 : i32 to index
        %get3A_551 = arith.constant 16 : index
        %get3A_552 = tpu.vector_load %arg6[%get3A_548, %get3A_549, %get3A_550, %get3A_551] {strides = array<i32>} : memref<2x32x8x64xf32, #tpu.memory_space<vmem>>, vector<1x1x1x16xf32>,
        %get3A_553 = vector.shape_cast %get3A_552 : vector<1x1x1x16xf32> to vector<16xf32>
        %swap3A_554 = arith.index_cast %add3A_534 : i32 to index
        %swap3A_555 = arith.constant 16 : index
        %swap3A_556 = tpu.vector_load %arg7[%swap3A_554, %swap3A_555] {strides = array<i32>} : memref<32x64xf32, #tpu.memory_space<vmem>>, vector<1x16xf32>,
        %swap3A_557 = vector.shape_cast %swap3A_556 : vector<1x16xf32> to vector<16xf32>
        %swap3A_558 = vector.shape_cast %get3A_553 : vector<16xf32> to vector<1x16xf32>
        tpu.vector_store %arg7[%swap3A_554, %swap3A_555], %swap3A_558 {strides = array<i32>} : memref<32x64xf32, #tpu.memory_space<vmem>>, vector<1x16xf32>,
        %get3A_559 = arith.constant 1 : i32
        %get3A_560 = arith.index_cast %get3A_559 : i32 to index
        %get3A_561 = arith.index_cast %add3A_534 : i32 to index
        %get3A_562 = arith.index_cast %squeeze3A_530 : i32 to index
        %get3A_563 = arith.constant 32 : index
        %get3A_564 = tpu.vector_load %arg6[%get3A_560, %get3A_561, %get3A_562, %get3A_563] {strides = array<i32>} : memref<2x32x8x64xf32, #tpu.memory_space<vmem>>, vector<1x1x1x16xf32>,
        %get3A_565 = vector.shape_cast %get3A_564 : vector<1x1x1x16xf32> to vector<16xf32>
        %swap3A_566 = arith.index_cast %add3A_534 : i32 to index
        %swap3A_567 = arith.constant 32 : index
        %swap3A_568 = tpu.vector_load %arg7[%swap3A_566, %swap3A_567] {strides = array<i32>} : memref<32x64xf32, #tpu.memory_space<vmem>>, vector<1x16xf32>,
        %swap3A_569 = vector.shape_cast %swap3A_568 : vector<1x16xf32> to vector<16xf32>
        %swap3A_570 = vector.shape_cast %get3A_565 : vector<16xf32> to vector<1x16xf32>
        tpu.vector_store %arg7[%swap3A_566, %swap3A_567], %swap3A_570 {strides = array<i32>} : memref<32x64xf32, #tpu.memory_space<vmem>>, vector<1x16xf32>,
        %get3A_571 = arith.constant 1 : i32
        %get3A_572 = arith.index_cast %get3A_571 : i32 to index
        %get3A_573 = arith.index_cast %add3A_534 : i32 to index
        %get3A_574 = arith.index_cast %squeeze3A_530 : i32 to index
        %get3A_575 = arith.constant 48 : index
        %get3A_576 = tpu.vector_load %arg6[%get3A_572, %get3A_573, %get3A_574, %get3A_575] {strides = array<i32>} : memref<2x32x8x64xf32, #tpu.memory_space<vmem>>, vector<1x1x1x16xf32>,
        %get3A_577 = vector.shape_cast %get3A_576 : vector<1x1x1x16xf32> to vector<16xf32>
        %swap3A_578 = arith.index_cast %add3A_534 : i32 to index
        %swap3A_579 = arith.constant 48 : index
        %swap3A_580 = tpu.vector_load %arg7[%swap3A_578, %swap3A_579] {strides = array<i32>} : memref<32x64xf32, #tpu.memory_space<vmem>>, vector<1x16xf32>,
        %swap3A_581 = vector.shape_cast %swap3A_580 : vector<1x16xf32> to vector<16xf32>
        %swap3A_582 = vector.shape_cast %get3A_577 : vector<16xf32> to vector<1x16xf32>
        tpu.vector_store %arg7[%swap3A_578, %swap3A_579], %swap3A_582 {strides = array<i32>} : memref<32x64xf32, #tpu.memory_space<vmem>>, vector<1x16xf32>,
        %slice3A_583 = vector.extract_strided_slice %rem3A_99 {offsets = [9], sizes = [1], strides = [1]} : vector<16xi32> to vector<1xi32>
        %squeeze3A_584 = vector.extract %slice3A_583[0] : i32 from vector<1xi32>
        %mul3A_585 = arith.constant 16 : i32
        %mul3A_586 = arith.muli %scan3A_90, %mul3A_585 : i32
        %add3A_587 = arith.constant 9 : i32
        %add3A_588 = arith.addi %mul3A_586, %add3A_587 : i32
        %get3A_589 = arith.constant 1 : i32
        %get3A_590 = arith.index_cast %get3A_589 : i32 to index
        %get3A_591 = arith.index_cast %add3A_588 : i32 to index
        %get3A_592 = arith.index_cast %squeeze3A_584 : i32 to index
        %get3A_593 = arith.constant 0 : index
        %get3A_594 = tpu.vector_load %arg6[%get3A_590, %get3A_591, %get3A_592, %get3A_593] {strides = array<i32>} : memref<2x32x8x64xf32, #tpu.memory_space<vmem>>, vector<1x1x1x16xf32>,
        %get3A_595 = vector.shape_cast %get3A_594 : vector<1x1x1x16xf32> to vector<16xf32>
        %swap3A_596 = arith.index_cast %add3A_588 : i32 to index
        %swap3A_597 = arith.constant 0 : index
        %swap3A_598 = tpu.vector_load %arg7[%swap3A_596, %swap3A_597] {strides = array<i32>} : memref<32x64xf32, #tpu.memory_space<vmem>>, vector<1x16xf32>,
        %swap3A_599 = vector.shape_cast %swap3A_598 : vector<1x16xf32> to vector<16xf32>
        %swap3A_600 = vector.shape_cast %get3A_595 : vector<16xf32> to vector<1x16xf32>
        tpu.vector_store %arg7[%swap3A_596, %swap3A_597], %swap3A_600 {strides = array<i32>} : memref<32x64xf32, #tpu.memory_space<vmem>>, vector<1x16xf32>,
        %get3A_601 = arith.constant 1 : i32
        %get3A_602 = arith.index_cast %get3A_601 : i32 to index
        %get3A_603 = arith.index_cast %add3A_588 : i32 to index
        %get3A_604 = arith.index_cast %squeeze3A_584 : i32 to index
        %get3A_605 = arith.constant 16 : index
        %get3A_606 = tpu.vector_load %arg6[%get3A_602, %get3A_603, %get3A_604, %get3A_605] {strides = array<i32>} : memref<2x32x8x64xf32, #tpu.memory_space<vmem>>, vector<1x1x1x16xf32>,
        %get3A_607 = vector.shape_cast %get3A_606 : vector<1x1x1x16xf32> to vector<16xf32>
        %swap3A_608 = arith.index_cast %add3A_588 : i32 to index
        %swap3A_609 = arith.constant 16 : index
        %swap3A_610 = tpu.vector_load %arg7[%swap3A_608, %swap3A_609] {strides = array<i32>} : memref<32x64xf32, #tpu.memory_space<vmem>>, vector<1x16xf32>,
        %swap3A_611 = vector.shape_cast %swap3A_610 : vector<1x16xf32> to vector<16xf32>
        %swap3A_612 = vector.shape_cast %get3A_607 : vector<16xf32> to vector<1x16xf32>
        tpu.vector_store %arg7[%swap3A_608, %swap3A_609], %swap3A_612 {strides = array<i32>} : memref<32x64xf32, #tpu.memory_space<vmem>>, vector<1x16xf32>,
        %get3A_613 = arith.constant 1 : i32
        %get3A_614 = arith.index_cast %get3A_613 : i32 to index
        %get3A_615 = arith.index_cast %add3A_588 : i32 to index
        %get3A_616 = arith.index_cast %squeeze3A_584 : i32 to index
        %get3A_617 = arith.constant 32 : index
        %get3A_618 = tpu.vector_load %arg6[%get3A_614, %get3A_615, %get3A_616, %get3A_617] {strides = array<i32>} : memref<2x32x8x64xf32, #tpu.memory_space<vmem>>, vector<1x1x1x16xf32>,
        %get3A_619 = vector.shape_cast %get3A_618 : vector<1x1x1x16xf32> to vector<16xf32>
        %swap3A_620 = arith.index_cast %add3A_588 : i32 to index
        %swap3A_621 = arith.constant 32 : index
        %swap3A_622 = tpu.vector_load %arg7[%swap3A_620, %swap3A_621] {strides = array<i32>} : memref<32x64xf32, #tpu.memory_space<vmem>>, vector<1x16xf32>,
        %swap3A_623 = vector.shape_cast %swap3A_622 : vector<1x16xf32> to vector<16xf32>
        %swap3A_624 = vector.shape_cast %get3A_619 : vector<16xf32> to vector<1x16xf32>
        tpu.vector_store %arg7[%swap3A_620, %swap3A_621], %swap3A_624 {strides = array<i32>} : memref<32x64xf32, #tpu.memory_space<vmem>>, vector<1x16xf32>,
        %get3A_625 = arith.constant 1 : i32
        %get3A_626 = arith.index_cast %get3A_625 : i32 to index
        %get3A_627 = arith.index_cast %add3A_588 : i32 to index
        %get3A_628 = arith.index_cast %squeeze3A_584 : i32 to index
        %get3A_629 = arith.constant 48 : index
        %get3A_630 = tpu.vector_load %arg6[%get3A_626, %get3A_627, %get3A_628, %get3A_629] {strides = array<i32>} : memref<2x32x8x64xf32, #tpu.memory_space<vmem>>, vector<1x1x1x16xf32>,
        %get3A_631 = vector.shape_cast %get3A_630 : vector<1x1x1x16xf32> to vector<16xf32>
        %swap3A_632 = arith.index_cast %add3A_588 : i32 to index
        %swap3A_633 = arith.constant 48 : index
        %swap3A_634 = tpu.vector_load %arg7[%swap3A_632, %swap3A_633] {strides = array<i32>} : memref<32x64xf32, #tpu.memory_space<vmem>>, vector<1x16xf32>,
        %swap3A_635 = vector.shape_cast %swap3A_634 : vector<1x16xf32> to vector<16xf32>
        %swap3A_636 = vector.shape_cast %get3A_631 : vector<16xf32> to vector<1x16xf32>
        tpu.vector_store %arg7[%swap3A_632, %swap3A_633], %swap3A_636 {strides = array<i32>} : memref<32x64xf32, #tpu.memory_space<vmem>>, vector<1x16xf32>,
        %slice3A_637 = vector.extract_strided_slice %rem3A_99 {offsets = [10], sizes = [1], strides = [1]} : vector<16xi32> to vector<1xi32>
        %squeeze3A_638 = vector.extract %slice3A_637[0] : i32 from vector<1xi32>
        %mul3A_639 = arith.constant 16 : i32
        %mul3A_640 = arith.muli %scan3A_90, %mul3A_639 : i32
        %add3A_641 = arith.constant 10 : i32
        %add3A_642 = arith.addi %mul3A_640, %add3A_641 : i32
        %get3A_643 = arith.constant 1 : i32
        %get3A_644 = arith.index_cast %get3A_643 : i32 to index
        %get3A_645 = arith.index_cast %add3A_642 : i32 to index
        %get3A_646 = arith.index_cast %squeeze3A_638 : i32 to index
        %get3A_647 = arith.constant 0 : index
        %get3A_648 = tpu.vector_load %arg6[%get3A_644, %get3A_645, %get3A_646, %get3A_647] {strides = array<i32>} : memref<2x32x8x64xf32, #tpu.memory_space<vmem>>, vector<1x1x1x16xf32>,
        %get3A_649 = vector.shape_cast %get3A_648 : vector<1x1x1x16xf32> to vector<16xf32>
        %swap3A_650 = arith.index_cast %add3A_642 : i32 to index
        %swap3A_651 = arith.constant 0 : index
        %swap3A_652 = tpu.vector_load %arg7[%swap3A_650, %swap3A_651] {strides = array<i32>} : memref<32x64xf32, #tpu.memory_space<vmem>>, vector<1x16xf32>,
        %swap3A_653 = vector.shape_cast %swap3A_652 : vector<1x16xf32> to vector<16xf32>
        %swap3A_654 = vector.shape_cast %get3A_649 : vector<16xf32> to vector<1x16xf32>
        tpu.vector_store %arg7[%swap3A_650, %swap3A_651], %swap3A_654 {strides = array<i32>} : memref<32x64xf32, #tpu.memory_space<vmem>>, vector<1x16xf32>,
        %get3A_655 = arith.constant 1 : i32
        %get3A_656 = arith.index_cast %get3A_655 : i32 to index
        %get3A_657 = arith.index_cast %add3A_642 : i32 to index
        %get3A_658 = arith.index_cast %squeeze3A_638 : i32 to index
        %get3A_659 = arith.constant 16 : index
        %get3A_660 = tpu.vector_load %arg6[%get3A_656, %get3A_657, %get3A_658, %get3A_659] {strides = array<i32>} : memref<2x32x8x64xf32, #tpu.memory_space<vmem>>, vector<1x1x1x16xf32>,
        %get3A_661 = vector.shape_cast %get3A_660 : vector<1x1x1x16xf32> to vector<16xf32>
        %swap3A_662 = arith.index_cast %add3A_642 : i32 to index
        %swap3A_663 = arith.constant 16 : index
        %swap3A_664 = tpu.vector_load %arg7[%swap3A_662, %swap3A_663] {strides = array<i32>} : memref<32x64xf32, #tpu.memory_space<vmem>>, vector<1x16xf32>,
        %swap3A_665 = vector.shape_cast %swap3A_664 : vector<1x16xf32> to vector<16xf32>
        %swap3A_666 = vector.shape_cast %get3A_661 : vector<16xf32> to vector<1x16xf32>
        tpu.vector_store %arg7[%swap3A_662, %swap3A_663], %swap3A_666 {strides = array<i32>} : memref<32x64xf32, #tpu.memory_space<vmem>>, vector<1x16xf32>,
        %get3A_667 = arith.constant 1 : i32
        %get3A_668 = arith.index_cast %get3A_667 : i32 to index
        %get3A_669 = arith.index_cast %add3A_642 : i32 to index
        %get3A_670 = arith.index_cast %squeeze3A_638 : i32 to index
        %get3A_671 = arith.constant 32 : index
        %get3A_672 = tpu.vector_load %arg6[%get3A_668, %get3A_669, %get3A_670, %get3A_671] {strides = array<i32>} : memref<2x32x8x64xf32, #tpu.memory_space<vmem>>, vector<1x1x1x16xf32>,
        %get3A_673 = vector.shape_cast %get3A_672 : vector<1x1x1x16xf32> to vector<16xf32>
        %swap3A_674 = arith.index_cast %add3A_642 : i32 to index
        %swap3A_675 = arith.constant 32 : index
        %swap3A_676 = tpu.vector_load %arg7[%swap3A_674, %swap3A_675] {strides = array<i32>} : memref<32x64xf32, #tpu.memory_space<vmem>>, vector<1x16xf32>,
        %swap3A_677 = vector.shape_cast %swap3A_676 : vector<1x16xf32> to vector<16xf32>
        %swap3A_678 = vector.shape_cast %get3A_673 : vector<16xf32> to vector<1x16xf32>
        tpu.vector_store %arg7[%swap3A_674, %swap3A_675], %swap3A_678 {strides = array<i32>} : memref<32x64xf32, #tpu.memory_space<vmem>>, vector<1x16xf32>,
        %get3A_679 = arith.constant 1 : i32
        %get3A_680 = arith.index_cast %get3A_679 : i32 to index
        %get3A_681 = arith.index_cast %add3A_642 : i32 to index
        %get3A_682 = arith.index_cast %squeeze3A_638 : i32 to index
        %get3A_683 = arith.constant 48 : index
        %get3A_684 = tpu.vector_load %arg6[%get3A_680, %get3A_681, %get3A_682, %get3A_683] {strides = array<i32>} : memref<2x32x8x64xf32, #tpu.memory_space<vmem>>, vector<1x1x1x16xf32>,
        %get3A_685 = vector.shape_cast %get3A_684 : vector<1x1x1x16xf32> to vector<16xf32>
        %swap3A_686 = arith.index_cast %add3A_642 : i32 to index
        %swap3A_687 = arith.constant 48 : index
        %swap3A_688 = tpu.vector_load %arg7[%swap3A_686, %swap3A_687] {strides = array<i32>} : memref<32x64xf32, #tpu.memory_space<vmem>>, vector<1x16xf32>,
        %swap3A_689 = vector.shape_cast %swap3A_688 : vector<1x16xf32> to vector<16xf32>
        %swap3A_690 = vector.shape_cast %get3A_685 : vector<16xf32> to vector<1x16xf32>
        tpu.vector_store %arg7[%swap3A_686, %swap3A_687], %swap3A_690 {strides = array<i32>} : memref<32x64xf32, #tpu.memory_space<vmem>>, vector<1x16xf32>,
        %slice3A_691 = vector.extract_strided_slice %rem3A_99 {offsets = [11], sizes = [1], strides = [1]} : vector<16xi32> to vector<1xi32>
        %squeeze3A_692 = vector.extract %slice3A_691[0] : i32 from vector<1xi32>
        %mul3A_693 = arith.constant 16 : i32
        %mul3A_694 = arith.muli %scan3A_90, %mul3A_693 : i32
        %add3A_695 = arith.constant 11 : i32
        %add3A_696 = arith.addi %mul3A_694, %add3A_695 : i32
        %get3A_697 = arith.constant 1 : i32
        %get3A_698 = arith.index_cast %get3A_697 : i32 to index
        %get3A_699 = arith.index_cast %add3A_696 : i32 to index
        %get3A_700 = arith.index_cast %squeeze3A_692 : i32 to index
        %get3A_701 = arith.constant 0 : index
        %get3A_702 = tpu.vector_load %arg6[%get3A_698, %get3A_699, %get3A_700, %get3A_701] {strides = array<i32>} : memref<2x32x8x64xf32, #tpu.memory_space<vmem>>, vector<1x1x1x16xf32>,
        %get3A_703 = vector.shape_cast %get3A_702 : vector<1x1x1x16xf32> to vector<16xf32>
        %swap3A_704 = arith.index_cast %add3A_696 : i32 to index
        %swap3A_705 = arith.constant 0 : index
        %swap3A_706 = tpu.vector_load %arg7[%swap3A_704, %swap3A_705] {strides = array<i32>} : memref<32x64xf32, #tpu.memory_space<vmem>>, vector<1x16xf32>,
        %swap3A_707 = vector.shape_cast %swap3A_706 : vector<1x16xf32> to vector<16xf32>
        %swap3A_708 = vector.shape_cast %get3A_703 : vector<16xf32> to vector<1x16xf32>
        tpu.vector_store %arg7[%swap3A_704, %swap3A_705], %swap3A_708 {strides = array<i32>} : memref<32x64xf32, #tpu.memory_space<vmem>>, vector<1x16xf32>,
        %get3A_709 = arith.constant 1 : i32
        %get3A_710 = arith.index_cast %get3A_709 : i32 to index
        %get3A_711 = arith.index_cast %add3A_696 : i32 to index
        %get3A_712 = arith.index_cast %squeeze3A_692 : i32 to index
        %get3A_713 = arith.constant 16 : index
        %get3A_714 = tpu.vector_load %arg6[%get3A_710, %get3A_711, %get3A_712, %get3A_713] {strides = array<i32>} : memref<2x32x8x64xf32, #tpu.memory_space<vmem>>, vector<1x1x1x16xf32>,
        %get3A_715 = vector.shape_cast %get3A_714 : vector<1x1x1x16xf32> to vector<16xf32>
        %swap3A_716 = arith.index_cast %add3A_696 : i32 to index
        %swap3A_717 = arith.constant 16 : index
        %swap3A_718 = tpu.vector_load %arg7[%swap3A_716, %swap3A_717] {strides = array<i32>} : memref<32x64xf32, #tpu.memory_space<vmem>>, vector<1x16xf32>,
        %swap3A_719 = vector.shape_cast %swap3A_718 : vector<1x16xf32> to vector<16xf32>
        %swap3A_720 = vector.shape_cast %get3A_715 : vector<16xf32> to vector<1x16xf32>
        tpu.vector_store %arg7[%swap3A_716, %swap3A_717], %swap3A_720 {strides = array<i32>} : memref<32x64xf32, #tpu.memory_space<vmem>>, vector<1x16xf32>,
        %get3A_721 = arith.constant 1 : i32
        %get3A_722 = arith.index_cast %get3A_721 : i32 to index
        %get3A_723 = arith.index_cast %add3A_696 : i32 to index
        %get3A_724 = arith.index_cast %squeeze3A_692 : i32 to index
        %get3A_725 = arith.constant 32 : index
        %get3A_726 = tpu.vector_load %arg6[%get3A_722, %get3A_723, %get3A_724, %get3A_725] {strides = array<i32>} : memref<2x32x8x64xf32, #tpu.memory_space<vmem>>, vector<1x1x1x16xf32>,
        %get3A_727 = vector.shape_cast %get3A_726 : vector<1x1x1x16xf32> to vector<16xf32>
        %swap3A_728 = arith.index_cast %add3A_696 : i32 to index
        %swap3A_729 = arith.constant 32 : index
        %swap3A_730 = tpu.vector_load %arg7[%swap3A_728, %swap3A_729] {strides = array<i32>} : memref<32x64xf32, #tpu.memory_space<vmem>>, vector<1x16xf32>,
        %swap3A_731 = vector.shape_cast %swap3A_730 : vector<1x16xf32> to vector<16xf32>
        %swap3A_732 = vector.shape_cast %get3A_727 : vector<16xf32> to vector<1x16xf32>
        tpu.vector_store %arg7[%swap3A_728, %swap3A_729], %swap3A_732 {strides = array<i32>} : memref<32x64xf32, #tpu.memory_space<vmem>>, vector<1x16xf32>,
        %get3A_733 = arith.constant 1 : i32
        %get3A_734 = arith.index_cast %get3A_733 : i32 to index
        %get3A_735 = arith.index_cast %add3A_696 : i32 to index
        %get3A_736 = arith.index_cast %squeeze3A_692 : i32 to index
        %get3A_737 = arith.constant 48 : index
        %get3A_738 = tpu.vector_load %arg6[%get3A_734, %get3A_735, %get3A_736, %get3A_737] {strides = array<i32>} : memref<2x32x8x64xf32, #tpu.memory_space<vmem>>, vector<1x1x1x16xf32>,
        %get3A_739 = vector.shape_cast %get3A_738 : vector<1x1x1x16xf32> to vector<16xf32>
        %swap3A_740 = arith.index_cast %add3A_696 : i32 to index
        %swap3A_741 = arith.constant 48 : index
        %swap3A_742 = tpu.vector_load %arg7[%swap3A_740, %swap3A_741] {strides = array<i32>} : memref<32x64xf32, #tpu.memory_space<vmem>>, vector<1x16xf32>,
        %swap3A_743 = vector.shape_cast %swap3A_742 : vector<1x16xf32> to vector<16xf32>
        %swap3A_744 = vector.shape_cast %get3A_739 : vector<16xf32> to vector<1x16xf32>
        tpu.vector_store %arg7[%swap3A_740, %swap3A_741], %swap3A_744 {strides = array<i32>} : memref<32x64xf32, #tpu.memory_space<vmem>>, vector<1x16xf32>,
        %slice3A_745 = vector.extract_strided_slice %rem3A_99 {offsets = [12], sizes = [1], strides = [1]} : vector<16xi32> to vector<1xi32>
        %squeeze3A_746 = vector.extract %slice3A_745[0] : i32 from vector<1xi32>
        %mul3A_747 = arith.constant 16 : i32
        %mul3A_748 = arith.muli %scan3A_90, %mul3A_747 : i32
        %add3A_749 = arith.constant 12 : i32
        %add3A_750 = arith.addi %mul3A_748, %add3A_749 : i32
        %get3A_751 = arith.constant 1 : i32
        %get3A_752 = arith.index_cast %get3A_751 : i32 to index
        %get3A_753 = arith.index_cast %add3A_750 : i32 to index
        %get3A_754 = arith.index_cast %squeeze3A_746 : i32 to index
        %get3A_755 = arith.constant 0 : index
        %get3A_756 = tpu.vector_load %arg6[%get3A_752, %get3A_753, %get3A_754, %get3A_755] {strides = array<i32>} : memref<2x32x8x64xf32, #tpu.memory_space<vmem>>, vector<1x1x1x16xf32>,
        %get3A_757 = vector.shape_cast %get3A_756 : vector<1x1x1x16xf32> to vector<16xf32>
        %swap3A_758 = arith.index_cast %add3A_750 : i32 to index
        %swap3A_759 = arith.constant 0 : index
        %swap3A_760 = tpu.vector_load %arg7[%swap3A_758, %swap3A_759] {strides = array<i32>} : memref<32x64xf32, #tpu.memory_space<vmem>>, vector<1x16xf32>,
        %swap3A_761 = vector.shape_cast %swap3A_760 : vector<1x16xf32> to vector<16xf32>
        %swap3A_762 = vector.shape_cast %get3A_757 : vector<16xf32> to vector<1x16xf32>
        tpu.vector_store %arg7[%swap3A_758, %swap3A_759], %swap3A_762 {strides = array<i32>} : memref<32x64xf32, #tpu.memory_space<vmem>>, vector<1x16xf32>,
        %get3A_763 = arith.constant 1 : i32
        %get3A_764 = arith.index_cast %get3A_763 : i32 to index
        %get3A_765 = arith.index_cast %add3A_750 : i32 to index
        %get3A_766 = arith.index_cast %squeeze3A_746 : i32 to index
        %get3A_767 = arith.constant 16 : index
        %get3A_768 = tpu.vector_load %arg6[%get3A_764, %get3A_765, %get3A_766, %get3A_767] {strides = array<i32>} : memref<2x32x8x64xf32, #tpu.memory_space<vmem>>, vector<1x1x1x16xf32>,
        %get3A_769 = vector.shape_cast %get3A_768 : vector<1x1x1x16xf32> to vector<16xf32>
        %swap3A_770 = arith.index_cast %add3A_750 : i32 to index
        %swap3A_771 = arith.constant 16 : index
        %swap3A_772 = tpu.vector_load %arg7[%swap3A_770, %swap3A_771] {strides = array<i32>} : memref<32x64xf32, #tpu.memory_space<vmem>>, vector<1x16xf32>,
        %swap3A_773 = vector.shape_cast %swap3A_772 : vector<1x16xf32> to vector<16xf32>
        %swap3A_774 = vector.shape_cast %get3A_769 : vector<16xf32> to vector<1x16xf32>
        tpu.vector_store %arg7[%swap3A_770, %swap3A_771], %swap3A_774 {strides = array<i32>} : memref<32x64xf32, #tpu.memory_space<vmem>>, vector<1x16xf32>,
        %get3A_775 = arith.constant 1 : i32
        %get3A_776 = arith.index_cast %get3A_775 : i32 to index
        %get3A_777 = arith.index_cast %add3A_750 : i32 to index
        %get3A_778 = arith.index_cast %squeeze3A_746 : i32 to index
        %get3A_779 = arith.constant 32 : index
        %get3A_780 = tpu.vector_load %arg6[%get3A_776, %get3A_777, %get3A_778, %get3A_779] {strides = array<i32>} : memref<2x32x8x64xf32, #tpu.memory_space<vmem>>, vector<1x1x1x16xf32>,
        %get3A_781 = vector.shape_cast %get3A_780 : vector<1x1x1x16xf32> to vector<16xf32>
        %swap3A_782 = arith.index_cast %add3A_750 : i32 to index
        %swap3A_783 = arith.constant 32 : index
        %swap3A_784 = tpu.vector_load %arg7[%swap3A_782, %swap3A_783] {strides = array<i32>} : memref<32x64xf32, #tpu.memory_space<vmem>>, vector<1x16xf32>,
        %swap3A_785 = vector.shape_cast %swap3A_784 : vector<1x16xf32> to vector<16xf32>
        %swap3A_786 = vector.shape_cast %get3A_781 : vector<16xf32> to vector<1x16xf32>
        tpu.vector_store %arg7[%swap3A_782, %swap3A_783], %swap3A_786 {strides = array<i32>} : memref<32x64xf32, #tpu.memory_space<vmem>>, vector<1x16xf32>,
        %get3A_787 = arith.constant 1 : i32
        %get3A_788 = arith.index_cast %get3A_787 : i32 to index
        %get3A_789 = arith.index_cast %add3A_750 : i32 to index
        %get3A_790 = arith.index_cast %squeeze3A_746 : i32 to index
        %get3A_791 = arith.constant 48 : index
        %get3A_792 = tpu.vector_load %arg6[%get3A_788, %get3A_789, %get3A_790, %get3A_791] {strides = array<i32>} : memref<2x32x8x64xf32, #tpu.memory_space<vmem>>, vector<1x1x1x16xf32>,
        %get3A_793 = vector.shape_cast %get3A_792 : vector<1x1x1x16xf32> to vector<16xf32>
        %swap3A_794 = arith.index_cast %add3A_750 : i32 to index
        %swap3A_795 = arith.constant 48 : index
        %swap3A_796 = tpu.vector_load %arg7[%swap3A_794, %swap3A_795] {strides = array<i32>} : memref<32x64xf32, #tpu.memory_space<vmem>>, vector<1x16xf32>,
        %swap3A_797 = vector.shape_cast %swap3A_796 : vector<1x16xf32> to vector<16xf32>
        %swap3A_798 = vector.shape_cast %get3A_793 : vector<16xf32> to vector<1x16xf32>
        tpu.vector_store %arg7[%swap3A_794, %swap3A_795], %swap3A_798 {strides = array<i32>} : memref<32x64xf32, #tpu.memory_space<vmem>>, vector<1x16xf32>,
        %slice3A_799 = vector.extract_strided_slice %rem3A_99 {offsets = [13], sizes = [1], strides = [1]} : vector<16xi32> to vector<1xi32>
        %squeeze3A_800 = vector.extract %slice3A_799[0] : i32 from vector<1xi32>
        %mul3A_801 = arith.constant 16 : i32
        %mul3A_802 = arith.muli %scan3A_90, %mul3A_801 : i32
        %add3A_803 = arith.constant 13 : i32
        %add3A_804 = arith.addi %mul3A_802, %add3A_803 : i32
        %get3A_805 = arith.constant 1 : i32
        %get3A_806 = arith.index_cast %get3A_805 : i32 to index
        %get3A_807 = arith.index_cast %add3A_804 : i32 to index
        %get3A_808 = arith.index_cast %squeeze3A_800 : i32 to index
        %get3A_809 = arith.constant 0 : index
        %get3A_810 = tpu.vector_load %arg6[%get3A_806, %get3A_807, %get3A_808, %get3A_809] {strides = array<i32>} : memref<2x32x8x64xf32, #tpu.memory_space<vmem>>, vector<1x1x1x16xf32>,
        %get3A_811 = vector.shape_cast %get3A_810 : vector<1x1x1x16xf32> to vector<16xf32>
        %swap3A_812 = arith.index_cast %add3A_804 : i32 to index
        %swap3A_813 = arith.constant 0 : index
        %swap3A_814 = tpu.vector_load %arg7[%swap3A_812, %swap3A_813] {strides = array<i32>} : memref<32x64xf32, #tpu.memory_space<vmem>>, vector<1x16xf32>,
        %swap3A_815 = vector.shape_cast %swap3A_814 : vector<1x16xf32> to vector<16xf32>
        %swap3A_816 = vector.shape_cast %get3A_811 : vector<16xf32> to vector<1x16xf32>
        tpu.vector_store %arg7[%swap3A_812, %swap3A_813], %swap3A_816 {strides = array<i32>} : memref<32x64xf32, #tpu.memory_space<vmem>>, vector<1x16xf32>,
        %get3A_817 = arith.constant 1 : i32
        %get3A_818 = arith.index_cast %get3A_817 : i32 to index
        %get3A_819 = arith.index_cast %add3A_804 : i32 to index
        %get3A_820 = arith.index_cast %squeeze3A_800 : i32 to index
        %get3A_821 = arith.constant 16 : index
        %get3A_822 = tpu.vector_load %arg6[%get3A_818, %get3A_819, %get3A_820, %get3A_821] {strides = array<i32>} : memref<2x32x8x64xf32, #tpu.memory_space<vmem>>, vector<1x1x1x16xf32>,
        %get3A_823 = vector.shape_cast %get3A_822 : vector<1x1x1x16xf32> to vector<16xf32>
        %swap3A_824 = arith.index_cast %add3A_804 : i32 to index
        %swap3A_825 = arith.constant 16 : index
        %swap3A_826 = tpu.vector_load %arg7[%swap3A_824, %swap3A_825] {strides = array<i32>} : memref<32x64xf32, #tpu.memory_space<vmem>>, vector<1x16xf32>,
        %swap3A_827 = vector.shape_cast %swap3A_826 : vector<1x16xf32> to vector<16xf32>
        %swap3A_828 = vector.shape_cast %get3A_823 : vector<16xf32> to vector<1x16xf32>
        tpu.vector_store %arg7[%swap3A_824, %swap3A_825], %swap3A_828 {strides = array<i32>} : memref<32x64xf32, #tpu.memory_space<vmem>>, vector<1x16xf32>,
        %get3A_829 = arith.constant 1 : i32
        %get3A_830 = arith.index_cast %get3A_829 : i32 to index
        %get3A_831 = arith.index_cast %add3A_804 : i32 to index
        %get3A_832 = arith.index_cast %squeeze3A_800 : i32 to index
        %get3A_833 = arith.constant 32 : index
        %get3A_834 = tpu.vector_load %arg6[%get3A_830, %get3A_831, %get3A_832, %get3A_833] {strides = array<i32>} : memref<2x32x8x64xf32, #tpu.memory_space<vmem>>, vector<1x1x1x16xf32>,
        %get3A_835 = vector.shape_cast %get3A_834 : vector<1x1x1x16xf32> to vector<16xf32>
        %swap3A_836 = arith.index_cast %add3A_804 : i32 to index
        %swap3A_837 = arith.constant 32 : index
        %swap3A_838 = tpu.vector_load %arg7[%swap3A_836, %swap3A_837] {strides = array<i32>} : memref<32x64xf32, #tpu.memory_space<vmem>>, vector<1x16xf32>,
        %swap3A_839 = vector.shape_cast %swap3A_838 : vector<1x16xf32> to vector<16xf32>
        %swap3A_840 = vector.shape_cast %get3A_835 : vector<16xf32> to vector<1x16xf32>
        tpu.vector_store %arg7[%swap3A_836, %swap3A_837], %swap3A_840 {strides = array<i32>} : memref<32x64xf32, #tpu.memory_space<vmem>>, vector<1x16xf32>,
        %get3A_841 = arith.constant 1 : i32
        %get3A_842 = arith.index_cast %get3A_841 : i32 to index
        %get3A_843 = arith.index_cast %add3A_804 : i32 to index
        %get3A_844 = arith.index_cast %squeeze3A_800 : i32 to index
        %get3A_845 = arith.constant 48 : index
        %get3A_846 = tpu.vector_load %arg6[%get3A_842, %get3A_843, %get3A_844, %get3A_845] {strides = array<i32>} : memref<2x32x8x64xf32, #tpu.memory_space<vmem>>, vector<1x1x1x16xf32>,
        %get3A_847 = vector.shape_cast %get3A_846 : vector<1x1x1x16xf32> to vector<16xf32>
        %swap3A_848 = arith.index_cast %add3A_804 : i32 to index
        %swap3A_849 = arith.constant 48 : index
        %swap3A_850 = tpu.vector_load %arg7[%swap3A_848, %swap3A_849] {strides = array<i32>} : memref<32x64xf32, #tpu.memory_space<vmem>>, vector<1x16xf32>,
        %swap3A_851 = vector.shape_cast %swap3A_850 : vector<1x16xf32> to vector<16xf32>
        %swap3A_852 = vector.shape_cast %get3A_847 : vector<16xf32> to vector<1x16xf32>
        tpu.vector_store %arg7[%swap3A_848, %swap3A_849], %swap3A_852 {strides = array<i32>} : memref<32x64xf32, #tpu.memory_space<vmem>>, vector<1x16xf32>,
        %slice3A_853 = vector.extract_strided_slice %rem3A_99 {offsets = [14], sizes = [1], strides = [1]} : vector<16xi32> to vector<1xi32>
        %squeeze3A_854 = vector.extract %slice3A_853[0] : i32 from vector<1xi32>
        %mul3A_855 = arith.constant 16 : i32
        %mul3A_856 = arith.muli %scan3A_90, %mul3A_855 : i32
        %add3A_857 = arith.constant 14 : i32
        %add3A_858 = arith.addi %mul3A_856, %add3A_857 : i32
        %get3A_859 = arith.constant 1 : i32
        %get3A_860 = arith.index_cast %get3A_859 : i32 to index
        %get3A_861 = arith.index_cast %add3A_858 : i32 to index
        %get3A_862 = arith.index_cast %squeeze3A_854 : i32 to index
        %get3A_863 = arith.constant 0 : index
        %get3A_864 = tpu.vector_load %arg6[%get3A_860, %get3A_861, %get3A_862, %get3A_863] {strides = array<i32>} : memref<2x32x8x64xf32, #tpu.memory_space<vmem>>, vector<1x1x1x16xf32>,
        %get3A_865 = vector.shape_cast %get3A_864 : vector<1x1x1x16xf32> to vector<16xf32>
        %swap3A_866 = arith.index_cast %add3A_858 : i32 to index
        %swap3A_867 = arith.constant 0 : index
        %swap3A_868 = tpu.vector_load %arg7[%swap3A_866, %swap3A_867] {strides = array<i32>} : memref<32x64xf32, #tpu.memory_space<vmem>>, vector<1x16xf32>,
        %swap3A_869 = vector.shape_cast %swap3A_868 : vector<1x16xf32> to vector<16xf32>
        %swap3A_870 = vector.shape_cast %get3A_865 : vector<16xf32> to vector<1x16xf32>
        tpu.vector_store %arg7[%swap3A_866, %swap3A_867], %swap3A_870 {strides = array<i32>} : memref<32x64xf32, #tpu.memory_space<vmem>>, vector<1x16xf32>,
        %get3A_871 = arith.constant 1 : i32
        %get3A_872 = arith.index_cast %get3A_871 : i32 to index
        %get3A_873 = arith.index_cast %add3A_858 : i32 to index
        %get3A_874 = arith.index_cast %squeeze3A_854 : i32 to index
        %get3A_875 = arith.constant 16 : index
        %get3A_876 = tpu.vector_load %arg6[%get3A_872, %get3A_873, %get3A_874, %get3A_875] {strides = array<i32>} : memref<2x32x8x64xf32, #tpu.memory_space<vmem>>, vector<1x1x1x16xf32>,
        %get3A_877 = vector.shape_cast %get3A_876 : vector<1x1x1x16xf32> to vector<16xf32>
        %swap3A_878 = arith.index_cast %add3A_858 : i32 to index
        %swap3A_879 = arith.constant 16 : index
        %swap3A_880 = tpu.vector_load %arg7[%swap3A_878, %swap3A_879] {strides = array<i32>} : memref<32x64xf32, #tpu.memory_space<vmem>>, vector<1x16xf32>,
        %swap3A_881 = vector.shape_cast %swap3A_880 : vector<1x16xf32> to vector<16xf32>
        %swap3A_882 = vector.shape_cast %get3A_877 : vector<16xf32> to vector<1x16xf32>
        tpu.vector_store %arg7[%swap3A_878, %swap3A_879], %swap3A_882 {strides = array<i32>} : memref<32x64xf32, #tpu.memory_space<vmem>>, vector<1x16xf32>,
        %get3A_883 = arith.constant 1 : i32
        %get3A_884 = arith.index_cast %get3A_883 : i32 to index
        %get3A_885 = arith.index_cast %add3A_858 : i32 to index
        %get3A_886 = arith.index_cast %squeeze3A_854 : i32 to index
        %get3A_887 = arith.constant 32 : index
        %get3A_888 = tpu.vector_load %arg6[%get3A_884, %get3A_885, %get3A_886, %get3A_887] {strides = array<i32>} : memref<2x32x8x64xf32, #tpu.memory_space<vmem>>, vector<1x1x1x16xf32>,
        %get3A_889 = vector.shape_cast %get3A_888 : vector<1x1x1x16xf32> to vector<16xf32>
        %swap3A_890 = arith.index_cast %add3A_858 : i32 to index
        %swap3A_891 = arith.constant 32 : index
        %swap3A_892 = tpu.vector_load %arg7[%swap3A_890, %swap3A_891] {strides = array<i32>} : memref<32x64xf32, #tpu.memory_space<vmem>>, vector<1x16xf32>,
        %swap3A_893 = vector.shape_cast %swap3A_892 : vector<1x16xf32> to vector<16xf32>
        %swap3A_894 = vector.shape_cast %get3A_889 : vector<16xf32> to vector<1x16xf32>
        tpu.vector_store %arg7[%swap3A_890, %swap3A_891], %swap3A_894 {strides = array<i32>} : memref<32x64xf32, #tpu.memory_space<vmem>>, vector<1x16xf32>,
        %get3A_895 = arith.constant 1 : i32
        %get3A_896 = arith.index_cast %get3A_895 : i32 to index
        %get3A_897 = arith.index_cast %add3A_858 : i32 to index
        %get3A_898 = arith.index_cast %squeeze3A_854 : i32 to index
        %get3A_899 = arith.constant 48 : index
        %get3A_900 = tpu.vector_load %arg6[%get3A_896, %get3A_897, %get3A_898, %get3A_899] {strides = array<i32>} : memref<2x32x8x64xf32, #tpu.memory_space<vmem>>, vector<1x1x1x16xf32>,
        %get3A_901 = vector.shape_cast %get3A_900 : vector<1x1x1x16xf32> to vector<16xf32>
        %swap3A_902 = arith.index_cast %add3A_858 : i32 to index
        %swap3A_903 = arith.constant 48 : index
        %swap3A_904 = tpu.vector_load %arg7[%swap3A_902, %swap3A_903] {strides = array<i32>} : memref<32x64xf32, #tpu.memory_space<vmem>>, vector<1x16xf32>,
        %swap3A_905 = vector.shape_cast %swap3A_904 : vector<1x16xf32> to vector<16xf32>
        %swap3A_906 = vector.shape_cast %get3A_901 : vector<16xf32> to vector<1x16xf32>
        tpu.vector_store %arg7[%swap3A_902, %swap3A_903], %swap3A_906 {strides = array<i32>} : memref<32x64xf32, #tpu.memory_space<vmem>>, vector<1x16xf32>,
        %slice3A_907 = vector.extract_strided_slice %rem3A_99 {offsets = [15], sizes = [1], strides = [1]} : vector<16xi32> to vector<1xi32>
        %squeeze3A_908 = vector.extract %slice3A_907[0] : i32 from vector<1xi32>
        %mul3A_909 = arith.constant 16 : i32
        %mul3A_910 = arith.muli %scan3A_90, %mul3A_909 : i32
        %add3A_911 = arith.constant 15 : i32
        %add3A_912 = arith.addi %mul3A_910, %add3A_911 : i32
        %get3A_913 = arith.constant 1 : i32
        %get3A_914 = arith.index_cast %get3A_913 : i32 to index
        %get3A_915 = arith.index_cast %add3A_912 : i32 to index
        %get3A_916 = arith.index_cast %squeeze3A_908 : i32 to index
        %get3A_917 = arith.constant 0 : index
        %get3A_918 = tpu.vector_load %arg6[%get3A_914, %get3A_915, %get3A_916, %get3A_917] {strides = array<i32>} : memref<2x32x8x64xf32, #tpu.memory_space<vmem>>, vector<1x1x1x16xf32>,
        %get3A_919 = vector.shape_cast %get3A_918 : vector<1x1x1x16xf32> to vector<16xf32>
        %swap3A_920 = arith.index_cast %add3A_912 : i32 to index
        %swap3A_921 = arith.constant 0 : index
        %swap3A_922 = tpu.vector_load %arg7[%swap3A_920, %swap3A_921] {strides = array<i32>} : memref<32x64xf32, #tpu.memory_space<vmem>>, vector<1x16xf32>,
        %swap3A_923 = vector.shape_cast %swap3A_922 : vector<1x16xf32> to vector<16xf32>
        %swap3A_924 = vector.shape_cast %get3A_919 : vector<16xf32> to vector<1x16xf32>
        tpu.vector_store %arg7[%swap3A_920, %swap3A_921], %swap3A_924 {strides = array<i32>} : memref<32x64xf32, #tpu.memory_space<vmem>>, vector<1x16xf32>,
        %get3A_925 = arith.constant 1 : i32
        %get3A_926 = arith.index_cast %get3A_925 : i32 to index
        %get3A_927 = arith.index_cast %add3A_912 : i32 to index
        %get3A_928 = arith.index_cast %squeeze3A_908 : i32 to index
        %get3A_929 = arith.constant 16 : index
        %get3A_930 = tpu.vector_load %arg6[%get3A_926, %get3A_927, %get3A_928, %get3A_929] {strides = array<i32>} : memref<2x32x8x64xf32, #tpu.memory_space<vmem>>, vector<1x1x1x16xf32>,
        %get3A_931 = vector.shape_cast %get3A_930 : vector<1x1x1x16xf32> to vector<16xf32>
        %swap3A_932 = arith.index_cast %add3A_912 : i32 to index
        %swap3A_933 = arith.constant 16 : index
        %swap3A_934 = tpu.vector_load %arg7[%swap3A_932, %swap3A_933] {strides = array<i32>} : memref<32x64xf32, #tpu.memory_space<vmem>>, vector<1x16xf32>,
        %swap3A_935 = vector.shape_cast %swap3A_934 : vector<1x16xf32> to vector<16xf32>
        %swap3A_936 = vector.shape_cast %get3A_931 : vector<16xf32> to vector<1x16xf32>
        tpu.vector_store %arg7[%swap3A_932, %swap3A_933], %swap3A_936 {strides = array<i32>} : memref<32x64xf32, #tpu.memory_space<vmem>>, vector<1x16xf32>,
        %get3A_937 = arith.constant 1 : i32
        %get3A_938 = arith.index_cast %get3A_937 : i32 to index
        %get3A_939 = arith.index_cast %add3A_912 : i32 to index
        %get3A_940 = arith.index_cast %squeeze3A_908 : i32 to index
        %get3A_941 = arith.constant 32 : index
        %get3A_942 = tpu.vector_load %arg6[%get3A_938, %get3A_939, %get3A_940, %get3A_941] {strides = array<i32>} : memref<2x32x8x64xf32, #tpu.memory_space<vmem>>, vector<1x1x1x16xf32>,
        %get3A_943 = vector.shape_cast %get3A_942 : vector<1x1x1x16xf32> to vector<16xf32>
        %swap3A_944 = arith.index_cast %add3A_912 : i32 to index
        %swap3A_945 = arith.constant 32 : index
        %swap3A_946 = tpu.vector_load %arg7[%swap3A_944, %swap3A_945] {strides = array<i32>} : memref<32x64xf32, #tpu.memory_space<vmem>>, vector<1x16xf32>,
        %swap3A_947 = vector.shape_cast %swap3A_946 : vector<1x16xf32> to vector<16xf32>
        %swap3A_948 = vector.shape_cast %get3A_943 : vector<16xf32> to vector<1x16xf32>
        tpu.vector_store %arg7[%swap3A_944, %swap3A_945], %swap3A_948 {strides = array<i32>} : memref<32x64xf32, #tpu.memory_space<vmem>>, vector<1x16xf32>,
        %get3A_949 = arith.constant 1 : i32
        %get3A_950 = arith.index_cast %get3A_949 : i32 to index
        %get3A_951 = arith.index_cast %add3A_912 : i32 to index
        %get3A_952 = arith.index_cast %squeeze3A_908 : i32 to index
        %get3A_953 = arith.constant 48 : index
        %get3A_954 = tpu.vector_load %arg6[%get3A_950, %get3A_951, %get3A_952, %get3A_953] {strides = array<i32>} : memref<2x32x8x64xf32, #tpu.memory_space<vmem>>, vector<1x1x1x16xf32>,
        %get3A_955 = vector.shape_cast %get3A_954 : vector<1x1x1x16xf32> to vector<16xf32>
        %swap3A_956 = arith.index_cast %add3A_912 : i32 to index
        %swap3A_957 = arith.constant 48 : index
        %swap3A_958 = tpu.vector_load %arg7[%swap3A_956, %swap3A_957] {strides = array<i32>} : memref<32x64xf32, #tpu.memory_space<vmem>>, vector<1x16xf32>,
        %swap3A_959 = vector.shape_cast %swap3A_958 : vector<1x16xf32> to vector<16xf32>
        %swap3A_960 = vector.shape_cast %get3A_955 : vector<16xf32> to vector<1x16xf32>
        tpu.vector_store %arg7[%swap3A_956, %swap3A_957], %swap3A_960 {strides = array<i32>} : memref<32x64xf32, #tpu.memory_space<vmem>>, vector<1x16xf32>,
      }
      %scan3A_84 = arith.constant 2 : i32
      %mul3A_85 = arith.constant 640 : i32
      %mul3A_86 = arith.muli %add3A, %mul3A_85 : i32
      %mul3A_87 = arith.constant 32 : i32
      %mul3A_88 = arith.muli %add3A_78, %mul3A_87 : i32
      %add3A_89 = arith.addi %mul3A_86, %mul3A_88 : i32
      "tpu.region"() ({
        %run_scoped3A = tpu.sem_alloc : memref<!tpu.dma_semaphore, #tpu.memory_space<semaphore_mem>>
        %dma_start3A = arith.constant 0 : i32
        %dma_start3A_90 = tpu.memref_slice %arg4[%add3A_89, %dma_start3A] : memref<20480x64xf32, #tpu.memory_space<hbm>> -> memref<32x64xf32, #tpu.memory_space<hbm>>
        %dma_start3A_91 = arith.constant 0 : i32
        %dma_start3A_92 = tpu.memref_slice %arg4[%add3A_89, %dma_start3A_91] : memref<20480x64xf32, #tpu.memory_space<hbm>> -> memref<32x64xf32, #tpu.memory_space<hbm>>
        tpu.enqueue_dma source(%arg7 : memref<32x64xf32, #tpu.memory_space<vmem>>) target(%dma_start3A_92 : memref<32x64xf32, #tpu.memory_space<hbm>>) target_semaphore(%run_scoped3A : memref<!tpu.dma_semaphore, #tpu.memory_space<semaphore_mem>>)
        %dma_wait3A_93 = arith.constant 0 : i32
        %dma_wait3A_94 = tpu.memref_slice %arg4[%add3A_89, %dma_wait3A_93] : memref<20480x64xf32, #tpu.memory_space<hbm>> -> memref<32x64xf32, #tpu.memory_space<hbm>>
        %dma_wait3A_95 = arith.constant 0 : i32
        %dma_wait3A_96 = tpu.memref_slice %arg4[%add3A_89, %dma_wait3A_95] : memref<20480x64xf32, #tpu.memory_space<hbm>> -> memref<32x64xf32, #tpu.memory_space<hbm>>
        tpu.wait_dma2 semaphore(%run_scoped3A : memref<!tpu.dma_semaphore, #tpu.memory_space<semaphore_mem>>) src(%arg7 : memref<32x64xf32, #tpu.memory_space<vmem>>) dst(%dma_wait3A_96 : memref<32x64xf32, #tpu.memory_space<hbm>>)
        tpu.yield
      }) : () -> ()
    }
    %scan3A_13 = arith.constant 10 : i32
    return
  }
}

module attributes {stable_mosaic.version = 14 : i64} {
  func.func @_lstm_body(%arg0: i32, %arg1: memref<20x1024x128xbf16, #tpu.memory_space<vmem>>, %arg2: memref<384x1024xbf16, #tpu.memory_space<vmem>>, %arg3: memref<1x1024xf32, #tpu.memory_space<vmem>>, %arg4: memref<512x1024xbf16, #tpu.memory_space<vmem>>, %arg5: memref<1x1024xf32, #tpu.memory_space<vmem>>, %arg6: memref<256x1024xf32, #tpu.memory_space<vmem>>, %arg7: memref<1x1024xf32, #tpu.memory_space<vmem>>, %arg8: memref<1024x1024xf32, #tpu.memory_space<vmem>>, %arg9: memref<2x1024x256xf32, #tpu.memory_space<vmem>>, %arg10: memref<2x1024x256xf32, #tpu.memory_space<vmem>>, %arg11: memref<1024x256xf32, #tpu.memory_space<vmem>>, %arg12: memref<1024x256xf32, #tpu.memory_space<vmem>>, %arg13: memref<1024x256xf32, #tpu.memory_space<vmem>>, %arg14: memref<1024x256xf32, #tpu.memory_space<vmem>>, %arg15: memref<1024x384xbf16, #tpu.memory_space<vmem>>, %arg16: memref<1024x512xbf16, #tpu.memory_space<vmem>>) attributes {dimension_semantics = [#tpu.dimension_semantics<arbitrary>], iteration_bounds = array<i64: 1>, scalar_prefetch = 0 : i64, scratch_operands = 6 : i64, tpu.core_type = #tpu.core_type<tc>, window_params = [{transform_indices = @transform_0, window_bounds = array<i64: 20, 1024, 128>}, {pipeline_mode = #tpu.pipeline_mode<synchronous>, transform_indices = @transform_1, window_bounds = array<i64: 384, 1024>}, {pipeline_mode = #tpu.pipeline_mode<synchronous>, transform_indices = @transform_2, window_bounds = array<i64: 1, 1024>}, {pipeline_mode = #tpu.pipeline_mode<synchronous>, transform_indices = @transform_3, window_bounds = array<i64: 512, 1024>}, {pipeline_mode = #tpu.pipeline_mode<synchronous>, transform_indices = @transform_4, window_bounds = array<i64: 1, 1024>}, {pipeline_mode = #tpu.pipeline_mode<synchronous>, transform_indices = @transform_5, window_bounds = array<i64: 256, 1024>}, {pipeline_mode = #tpu.pipeline_mode<synchronous>, transform_indices = @transform_6, window_bounds = array<i64: 1, 1024>}, {transform_indices = @transform_7, window_bounds = array<i64: 1024, 1024>}, {transform_indices = @transform_8, window_bounds = array<i64: 2, 1024, 256>}, {transform_indices = @transform_9, window_bounds = array<i64: 2, 1024, 256>}]} {
    %broadcast_in_dim3A = arith.constant 0.000000e+00 : f32
    %broadcast_in_dim3A_0 = vector.broadcast %broadcast_in_dim3A : f32 to vector<1024x256xf32>
    %swap3A = arith.constant 0 : index
    %swap3A_1 = arith.constant 0 : index
    %swap3A_2 = vector.load %arg11[%swap3A, %swap3A_1] : memref<1024x256xf32, #tpu.memory_space<vmem>>, vector<1024x256xf32>
    tpu.vector_store %arg11[%swap3A, %swap3A_1], %broadcast_in_dim3A_0 {strides = array<i32>} : memref<1024x256xf32, #tpu.memory_space<vmem>>, vector<1024x256xf32>,
    %broadcast_in_dim3A_3 = arith.constant 0.000000e+00 : f32
    %broadcast_in_dim3A_4 = vector.broadcast %broadcast_in_dim3A_3 : f32 to vector<1024x256xf32>
    %swap3A_5 = arith.constant 0 : index
    %swap3A_6 = arith.constant 0 : index
    %swap3A_7 = vector.load %arg12[%swap3A_5, %swap3A_6] : memref<1024x256xf32, #tpu.memory_space<vmem>>, vector<1024x256xf32>
    tpu.vector_store %arg12[%swap3A_5, %swap3A_6], %broadcast_in_dim3A_4 {strides = array<i32>} : memref<1024x256xf32, #tpu.memory_space<vmem>>, vector<1024x256xf32>,
    %broadcast_in_dim3A_8 = arith.constant 0.000000e+00 : f32
    %broadcast_in_dim3A_9 = vector.broadcast %broadcast_in_dim3A_8 : f32 to vector<1024x256xf32>
    %swap3A_10 = arith.constant 0 : index
    %swap3A_11 = arith.constant 0 : index
    %swap3A_12 = vector.load %arg13[%swap3A_10, %swap3A_11] : memref<1024x256xf32, #tpu.memory_space<vmem>>, vector<1024x256xf32>
    tpu.vector_store %arg13[%swap3A_10, %swap3A_11], %broadcast_in_dim3A_9 {strides = array<i32>} : memref<1024x256xf32, #tpu.memory_space<vmem>>, vector<1024x256xf32>,
    %broadcast_in_dim3A_13 = arith.constant 0.000000e+00 : f32
    %broadcast_in_dim3A_14 = vector.broadcast %broadcast_in_dim3A_13 : f32 to vector<1024x256xf32>
    %swap3A_15 = arith.constant 0 : index
    %swap3A_16 = arith.constant 0 : index
    %swap3A_17 = vector.load %arg14[%swap3A_15, %swap3A_16] : memref<1024x256xf32, #tpu.memory_space<vmem>>, vector<1024x256xf32>
    tpu.vector_store %arg14[%swap3A_15, %swap3A_16], %broadcast_in_dim3A_14 {strides = array<i32>} : memref<1024x256xf32, #tpu.memory_space<vmem>>, vector<1024x256xf32>,
    %broadcast_in_dim3A_18 = arith.constant 0.000000e+00 : bf16
    %broadcast_in_dim3A_19 = vector.broadcast %broadcast_in_dim3A_18 : bf16 to vector<1024x384xbf16>
    %swap3A_20 = arith.constant 0 : index
    %swap3A_21 = arith.constant 0 : index
    %swap3A_22 = vector.load %arg15[%swap3A_20, %swap3A_21] : memref<1024x384xbf16, #tpu.memory_space<vmem>>, vector<1024x384xbf16>
    tpu.vector_store %arg15[%swap3A_20, %swap3A_21], %broadcast_in_dim3A_19 {strides = array<i32>} : memref<1024x384xbf16, #tpu.memory_space<vmem>>, vector<1024x384xbf16>,
    %broadcast_in_dim3A_23 = arith.constant 0.000000e+00 : bf16
    %broadcast_in_dim3A_24 = vector.broadcast %broadcast_in_dim3A_23 : bf16 to vector<1024x512xbf16>
    %swap3A_25 = arith.constant 0 : index
    %swap3A_26 = arith.constant 0 : index
    %swap3A_27 = vector.load %arg16[%swap3A_25, %swap3A_26] : memref<1024x512xbf16, #tpu.memory_space<vmem>>, vector<1024x512xbf16>
    tpu.vector_store %arg16[%swap3A_25, %swap3A_26], %broadcast_in_dim3A_24 {strides = array<i32>} : memref<1024x512xbf16, #tpu.memory_space<vmem>>, vector<1024x512xbf16>,
    %scan3A = arith.constant 0 : i32
    %scan3A_28 = arith.constant 20 : i32
    %scan3A_29 = arith.addi %scan3A, %scan3A_28 : i32
    %scan3A_30 = arith.constant 1 : i32
    scf.for %scan3A_81 = %scan3A to %scan3A_29 step %scan3A_30  : i32 {
      %get3A_82 = arith.index_cast %scan3A_81 : i32 to index
      %get3A_83 = arith.constant 0 : index
      %get3A_84 = arith.constant 0 : index
      %get3A_85 = vector.load %arg1[%get3A_82, %get3A_83, %get3A_84] : memref<20x1024x128xbf16, #tpu.memory_space<vmem>>, vector<1x1024x128xbf16>
      %get3A_86 = vector.shape_cast %get3A_85 : vector<1x1024x128xbf16> to vector<1024x128xbf16>
      %swap3A_87 = arith.constant 0 : index
      %swap3A_88 = arith.constant 256 : index
      %swap3A_89 = vector.load %arg15[%swap3A_87, %swap3A_88] : memref<1024x384xbf16, #tpu.memory_space<vmem>>, vector<1024x128xbf16>
      tpu.vector_store %arg15[%swap3A_87, %swap3A_88], %get3A_86 {strides = array<i32>} : memref<1024x384xbf16, #tpu.memory_space<vmem>>, vector<1024x128xbf16>,
      %get3A_90 = arith.constant 0 : index
      %get3A_91 = arith.constant 0 : index
      %get3A_92 = vector.load %arg15[%get3A_90, %get3A_91] : memref<1024x384xbf16, #tpu.memory_space<vmem>>, vector<1024x384xbf16>
      %get3A_93 = arith.constant 0 : index
      %get3A_94 = arith.constant 0 : index
      %get3A_95 = vector.load %arg2[%get3A_93, %get3A_94] : memref<384x1024xbf16, #tpu.memory_space<vmem>>, vector<384x1024xbf16>
      %dot_general3A_96 = arith.constant dense<0.000000e+00> : vector<1024x1024xf32>
      %dot_general3A_97 = tpu.matmul %get3A_92, %get3A_95, %dot_general3A_96 {dimension_numbers = #tpu.dot_dimension_numbers<[1], [0], [0], [1], [0, 0, 1, 1], [], []>, transpose_lhs_hint = false} : vector<1024x384xbf16>, vector<384x1024xbf16>, vector<1024x1024xf32> -> vector<1024x1024xf32>
      %get3A_98 = arith.constant 0 : index
      %get3A_99 = arith.constant 0 : index
      %get3A_100 = vector.load %arg3[%get3A_98, %get3A_99] : memref<1x1024xf32, #tpu.memory_space<vmem>>, vector<1x1024xf32>
      %add3A_101 = vector.broadcast %get3A_100 : vector<1x1024xf32> to vector<1024x1024xf32>
      %add3A_102 = arith.addf %dot_general3A_97, %add3A_101 : vector<1024x1024xf32>
      %get3A_103 = arith.constant 0 : index
      %get3A_104 = arith.constant 0 : index
      %get3A_105 = vector.load %arg12[%get3A_103, %get3A_104] : memref<1024x256xf32, #tpu.memory_space<vmem>>, vector<1024x256xf32>
      %slice3A = vector.extract_strided_slice %add3A_102 {offsets = [0, 0], sizes = [1024, 256], strides = [1, 1]} : vector<1024x1024xf32> to vector<1024x256xf32>
      %mul3A = arith.constant 5.000000e-01 : f32
      %mul3A_106 = vector.broadcast %mul3A : f32 to vector<1024x256xf32>
      %mul3A_107 = arith.mulf %mul3A_106, %slice3A : vector<1024x256xf32>
      %tanh3A = math.tanh %mul3A_107 : vector<1024x256xf32>
      %mul3A_108 = arith.constant 5.000000e-01 : f32
      %mul3A_109 = vector.broadcast %mul3A_108 : f32 to vector<1024x256xf32>
      %mul3A_110 = arith.mulf %mul3A_109, %tanh3A : vector<1024x256xf32>
      %add3A_111 = arith.constant 5.000000e-01 : f32
      %add3A_112 = vector.broadcast %add3A_111 : f32 to vector<1024x256xf32>
      %add3A_113 = arith.addf %mul3A_110, %add3A_112 : vector<1024x256xf32>
      %slice3A_114 = vector.extract_strided_slice %add3A_102 {offsets = [0, 256], sizes = [1024, 256], strides = [1, 1]} : vector<1024x1024xf32> to vector<1024x256xf32>
      %mul3A_115 = arith.constant 5.000000e-01 : f32
      %mul3A_116 = vector.broadcast %mul3A_115 : f32 to vector<1024x256xf32>
      %mul3A_117 = arith.mulf %mul3A_116, %slice3A_114 : vector<1024x256xf32>
      %tanh3A_118 = math.tanh %mul3A_117 : vector<1024x256xf32>
      %mul3A_119 = arith.constant 5.000000e-01 : f32
      %mul3A_120 = vector.broadcast %mul3A_119 : f32 to vector<1024x256xf32>
      %mul3A_121 = arith.mulf %mul3A_120, %tanh3A_118 : vector<1024x256xf32>
      %add3A_122 = arith.constant 5.000000e-01 : f32
      %add3A_123 = vector.broadcast %add3A_122 : f32 to vector<1024x256xf32>
      %add3A_124 = arith.addf %mul3A_121, %add3A_123 : vector<1024x256xf32>
      %slice3A_125 = vector.extract_strided_slice %add3A_102 {offsets = [0, 512], sizes = [1024, 256], strides = [1, 1]} : vector<1024x1024xf32> to vector<1024x256xf32>
      %tanh3A_126 = math.tanh %slice3A_125 : vector<1024x256xf32>
      %slice3A_127 = vector.extract_strided_slice %add3A_102 {offsets = [0, 768], sizes = [1024, 256], strides = [1, 1]} : vector<1024x1024xf32> to vector<1024x256xf32>
      %mul3A_128 = arith.constant 5.000000e-01 : f32
      %mul3A_129 = vector.broadcast %mul3A_128 : f32 to vector<1024x256xf32>
      %mul3A_130 = arith.mulf %mul3A_129, %slice3A_127 : vector<1024x256xf32>
      %tanh3A_131 = math.tanh %mul3A_130 : vector<1024x256xf32>
      %mul3A_132 = arith.constant 5.000000e-01 : f32
      %mul3A_133 = vector.broadcast %mul3A_132 : f32 to vector<1024x256xf32>
      %mul3A_134 = arith.mulf %mul3A_133, %tanh3A_131 : vector<1024x256xf32>
      %add3A_135 = arith.constant 5.000000e-01 : f32
      %add3A_136 = vector.broadcast %add3A_135 : f32 to vector<1024x256xf32>
      %add3A_137 = arith.addf %mul3A_134, %add3A_136 : vector<1024x256xf32>
      %mul3A_138 = arith.mulf %add3A_124, %get3A_105 : vector<1024x256xf32>
      %mul3A_139 = arith.mulf %add3A_113, %tanh3A_126 : vector<1024x256xf32>
      %add3A_140 = arith.addf %mul3A_138, %mul3A_139 : vector<1024x256xf32>
      %tanh3A_141 = math.tanh %add3A_140 : vector<1024x256xf32>
      %mul3A_142 = arith.mulf %add3A_137, %tanh3A_141 : vector<1024x256xf32>
      %swap3A_143 = arith.constant 0 : index
      %swap3A_144 = arith.constant 0 : index
      %swap3A_145 = vector.load %arg11[%swap3A_143, %swap3A_144] : memref<1024x256xf32, #tpu.memory_space<vmem>>, vector<1024x256xf32>
      tpu.vector_store %arg11[%swap3A_143, %swap3A_144], %mul3A_142 {strides = array<i32>} : memref<1024x256xf32, #tpu.memory_space<vmem>>, vector<1024x256xf32>,
      %swap3A_146 = arith.constant 0 : index
      %swap3A_147 = arith.constant 0 : index
      %swap3A_148 = vector.load %arg12[%swap3A_146, %swap3A_147] : memref<1024x256xf32, #tpu.memory_space<vmem>>, vector<1024x256xf32>
      tpu.vector_store %arg12[%swap3A_146, %swap3A_147], %add3A_140 {strides = array<i32>} : memref<1024x256xf32, #tpu.memory_space<vmem>>, vector<1024x256xf32>,
      %convert_element_type3A = arith.truncf %mul3A_142 : vector<1024x256xf32> to vector<1024x256xbf16>
      %swap3A_149 = arith.constant 0 : index
      %swap3A_150 = arith.constant 0 : index
      %swap3A_151 = vector.load %arg15[%swap3A_149, %swap3A_150] : memref<1024x384xbf16, #tpu.memory_space<vmem>>, vector<1024x256xbf16>
      tpu.vector_store %arg15[%swap3A_149, %swap3A_150], %convert_element_type3A {strides = array<i32>} : memref<1024x384xbf16, #tpu.memory_space<vmem>>, vector<1024x256xbf16>,
      %swap3A_152 = arith.constant 0 : index
      %swap3A_153 = arith.constant 0 : index
      %swap3A_154 = vector.load %arg16[%swap3A_152, %swap3A_153] : memref<1024x512xbf16, #tpu.memory_space<vmem>>, vector<1024x256xbf16>
      tpu.vector_store %arg16[%swap3A_152, %swap3A_153], %convert_element_type3A {strides = array<i32>} : memref<1024x512xbf16, #tpu.memory_space<vmem>>, vector<1024x256xbf16>,
      %get3A_155 = arith.constant 0 : index
      %get3A_156 = arith.constant 0 : index
      %get3A_157 = vector.load %arg16[%get3A_155, %get3A_156] : memref<1024x512xbf16, #tpu.memory_space<vmem>>, vector<1024x512xbf16>
      %get3A_158 = arith.constant 0 : index
      %get3A_159 = arith.constant 0 : index
      %get3A_160 = vector.load %arg4[%get3A_158, %get3A_159] : memref<512x1024xbf16, #tpu.memory_space<vmem>>, vector<512x1024xbf16>
      %dot_general3A_161 = arith.constant dense<0.000000e+00> : vector<1024x1024xf32>
      %dot_general3A_162 = tpu.matmul %get3A_157, %get3A_160, %dot_general3A_161 {dimension_numbers = #tpu.dot_dimension_numbers<[1], [0], [0], [1], [0, 0, 1, 1], [], []>, transpose_lhs_hint = false} : vector<1024x512xbf16>, vector<512x1024xbf16>, vector<1024x1024xf32> -> vector<1024x1024xf32>
      %get3A_163 = arith.constant 0 : index
      %get3A_164 = arith.constant 0 : index
      %get3A_165 = vector.load %arg5[%get3A_163, %get3A_164] : memref<1x1024xf32, #tpu.memory_space<vmem>>, vector<1x1024xf32>
      %add3A_166 = vector.broadcast %get3A_165 : vector<1x1024xf32> to vector<1024x1024xf32>
      %add3A_167 = arith.addf %dot_general3A_162, %add3A_166 : vector<1024x1024xf32>
      %get3A_168 = arith.constant 0 : index
      %get3A_169 = arith.constant 0 : index
      %get3A_170 = vector.load %arg14[%get3A_168, %get3A_169] : memref<1024x256xf32, #tpu.memory_space<vmem>>, vector<1024x256xf32>
      %slice3A_171 = vector.extract_strided_slice %add3A_167 {offsets = [0, 0], sizes = [1024, 256], strides = [1, 1]} : vector<1024x1024xf32> to vector<1024x256xf32>
      %mul3A_172 = arith.constant 5.000000e-01 : f32
      %mul3A_173 = vector.broadcast %mul3A_172 : f32 to vector<1024x256xf32>
      %mul3A_174 = arith.mulf %mul3A_173, %slice3A_171 : vector<1024x256xf32>
      %tanh3A_175 = math.tanh %mul3A_174 : vector<1024x256xf32>
      %mul3A_176 = arith.constant 5.000000e-01 : f32
      %mul3A_177 = vector.broadcast %mul3A_176 : f32 to vector<1024x256xf32>
      %mul3A_178 = arith.mulf %mul3A_177, %tanh3A_175 : vector<1024x256xf32>
      %add3A_179 = arith.constant 5.000000e-01 : f32
      %add3A_180 = vector.broadcast %add3A_179 : f32 to vector<1024x256xf32>
      %add3A_181 = arith.addf %mul3A_178, %add3A_180 : vector<1024x256xf32>
      %slice3A_182 = vector.extract_strided_slice %add3A_167 {offsets = [0, 256], sizes = [1024, 256], strides = [1, 1]} : vector<1024x1024xf32> to vector<1024x256xf32>
      %mul3A_183 = arith.constant 5.000000e-01 : f32
      %mul3A_184 = vector.broadcast %mul3A_183 : f32 to vector<1024x256xf32>
      %mul3A_185 = arith.mulf %mul3A_184, %slice3A_182 : vector<1024x256xf32>
      %tanh3A_186 = math.tanh %mul3A_185 : vector<1024x256xf32>
      %mul3A_187 = arith.constant 5.000000e-01 : f32
      %mul3A_188 = vector.broadcast %mul3A_187 : f32 to vector<1024x256xf32>
      %mul3A_189 = arith.mulf %mul3A_188, %tanh3A_186 : vector<1024x256xf32>
      %add3A_190 = arith.constant 5.000000e-01 : f32
      %add3A_191 = vector.broadcast %add3A_190 : f32 to vector<1024x256xf32>
      %add3A_192 = arith.addf %mul3A_189, %add3A_191 : vector<1024x256xf32>
      %slice3A_193 = vector.extract_strided_slice %add3A_167 {offsets = [0, 512], sizes = [1024, 256], strides = [1, 1]} : vector<1024x1024xf32> to vector<1024x256xf32>
      %tanh3A_194 = math.tanh %slice3A_193 : vector<1024x256xf32>
      %slice3A_195 = vector.extract_strided_slice %add3A_167 {offsets = [0, 768], sizes = [1024, 256], strides = [1, 1]} : vector<1024x1024xf32> to vector<1024x256xf32>
      %mul3A_196 = arith.constant 5.000000e-01 : f32
      %mul3A_197 = vector.broadcast %mul3A_196 : f32 to vector<1024x256xf32>
      %mul3A_198 = arith.mulf %mul3A_197, %slice3A_195 : vector<1024x256xf32>
      %tanh3A_199 = math.tanh %mul3A_198 : vector<1024x256xf32>
      %mul3A_200 = arith.constant 5.000000e-01 : f32
      %mul3A_201 = vector.broadcast %mul3A_200 : f32 to vector<1024x256xf32>
      %mul3A_202 = arith.mulf %mul3A_201, %tanh3A_199 : vector<1024x256xf32>
      %add3A_203 = arith.constant 5.000000e-01 : f32
      %add3A_204 = vector.broadcast %add3A_203 : f32 to vector<1024x256xf32>
      %add3A_205 = arith.addf %mul3A_202, %add3A_204 : vector<1024x256xf32>
      %mul3A_206 = arith.mulf %add3A_192, %get3A_170 : vector<1024x256xf32>
      %mul3A_207 = arith.mulf %add3A_181, %tanh3A_194 : vector<1024x256xf32>
      %add3A_208 = arith.addf %mul3A_206, %mul3A_207 : vector<1024x256xf32>
      %tanh3A_209 = math.tanh %add3A_208 : vector<1024x256xf32>
      %mul3A_210 = arith.mulf %add3A_205, %tanh3A_209 : vector<1024x256xf32>
      %swap3A_211 = arith.constant 0 : index
      %swap3A_212 = arith.constant 0 : index
      %swap3A_213 = vector.load %arg13[%swap3A_211, %swap3A_212] : memref<1024x256xf32, #tpu.memory_space<vmem>>, vector<1024x256xf32>
      tpu.vector_store %arg13[%swap3A_211, %swap3A_212], %mul3A_210 {strides = array<i32>} : memref<1024x256xf32, #tpu.memory_space<vmem>>, vector<1024x256xf32>,
      %swap3A_214 = arith.constant 0 : index
      %swap3A_215 = arith.constant 0 : index
      %swap3A_216 = vector.load %arg14[%swap3A_214, %swap3A_215] : memref<1024x256xf32, #tpu.memory_space<vmem>>, vector<1024x256xf32>
      tpu.vector_store %arg14[%swap3A_214, %swap3A_215], %add3A_208 {strides = array<i32>} : memref<1024x256xf32, #tpu.memory_space<vmem>>, vector<1024x256xf32>,
      %convert_element_type3A_217 = arith.truncf %mul3A_210 : vector<1024x256xf32> to vector<1024x256xbf16>
      %swap3A_218 = arith.constant 0 : index
      %swap3A_219 = arith.constant 256 : index
      %swap3A_220 = vector.load %arg16[%swap3A_218, %swap3A_219] : memref<1024x512xbf16, #tpu.memory_space<vmem>>, vector<1024x256xbf16>
      tpu.vector_store %arg16[%swap3A_218, %swap3A_219], %convert_element_type3A_217 {strides = array<i32>} : memref<1024x512xbf16, #tpu.memory_space<vmem>>, vector<1024x256xbf16>,
    }
    %scan3A_31 = arith.constant 20 : i32
    %get3A = arith.constant 0 : index
    %get3A_32 = arith.constant 0 : index
    %get3A_33 = vector.load %arg13[%get3A, %get3A_32] : memref<1024x256xf32, #tpu.memory_space<vmem>>, vector<1024x256xf32>
    %get3A_34 = arith.constant 0 : index
    %get3A_35 = arith.constant 0 : index
    %get3A_36 = vector.load %arg6[%get3A_34, %get3A_35] : memref<256x1024xf32, #tpu.memory_space<vmem>>, vector<256x1024xf32>
    %dot_general3A = arith.constant dense<0.000000e+00> : vector<1024x1024xf32>
    %dot_general3A_37 = tpu.matmul %get3A_33, %get3A_36, %dot_general3A {dimension_numbers = #tpu.dot_dimension_numbers<[1], [0], [0], [1], [0, 0, 1, 1], [], []>, transpose_lhs_hint = false} : vector<1024x256xf32>, vector<256x1024xf32>, vector<1024x1024xf32> -> vector<1024x1024xf32>
    %get3A_38 = arith.constant 0 : index
    %get3A_39 = arith.constant 0 : index
    %get3A_40 = vector.load %arg7[%get3A_38, %get3A_39] : memref<1x1024xf32, #tpu.memory_space<vmem>>, vector<1x1024xf32>
    %add3A = vector.broadcast %get3A_40 : vector<1x1024xf32> to vector<1024x1024xf32>
    %add3A_41 = arith.addf %dot_general3A_37, %add3A : vector<1024x1024xf32>
    %swap3A_42 = arith.constant 0 : index
    %swap3A_43 = arith.constant 0 : index
    %swap3A_44 = vector.load %arg8[%swap3A_42, %swap3A_43] : memref<1024x1024xf32, #tpu.memory_space<vmem>>, vector<1024x1024xf32>
    tpu.vector_store %arg8[%swap3A_42, %swap3A_43], %add3A_41 {strides = array<i32>} : memref<1024x1024xf32, #tpu.memory_space<vmem>>, vector<1024x1024xf32>,
    %get3A_45 = arith.constant 0 : index
    %get3A_46 = arith.constant 0 : index
    %get3A_47 = vector.load %arg11[%get3A_45, %get3A_46] : memref<1024x256xf32, #tpu.memory_space<vmem>>, vector<1024x256xf32>
    %swap3A_48 = arith.constant 0 : index
    %swap3A_49 = arith.constant 0 : index
    %swap3A_50 = arith.constant 0 : index
    %swap3A_51 = vector.load %arg9[%swap3A_48, %swap3A_49, %swap3A_50] : memref<2x1024x256xf32, #tpu.memory_space<vmem>>, vector<1x1024x256xf32>
    %swap3A_52 = vector.shape_cast %swap3A_51 : vector<1x1024x256xf32> to vector<1024x256xf32>
    %swap3A_53 = vector.shape_cast %get3A_47 : vector<1024x256xf32> to vector<1x1024x256xf32>
    tpu.vector_store %arg9[%swap3A_48, %swap3A_49, %swap3A_50], %swap3A_53 {strides = array<i32>} : memref<2x1024x256xf32, #tpu.memory_space<vmem>>, vector<1x1024x256xf32>,
    %get3A_54 = arith.constant 0 : index
    %get3A_55 = arith.constant 0 : index
    %get3A_56 = vector.load %arg13[%get3A_54, %get3A_55] : memref<1024x256xf32, #tpu.memory_space<vmem>>, vector<1024x256xf32>
    %swap3A_57 = arith.constant 1 : index
    %swap3A_58 = arith.constant 0 : index
    %swap3A_59 = arith.constant 0 : index
    %swap3A_60 = vector.load %arg9[%swap3A_57, %swap3A_58, %swap3A_59] : memref<2x1024x256xf32, #tpu.memory_space<vmem>>, vector<1x1024x256xf32>
    %swap3A_61 = vector.shape_cast %swap3A_60 : vector<1x1024x256xf32> to vector<1024x256xf32>
    %swap3A_62 = vector.shape_cast %get3A_56 : vector<1024x256xf32> to vector<1x1024x256xf32>
    tpu.vector_store %arg9[%swap3A_57, %swap3A_58, %swap3A_59], %swap3A_62 {strides = array<i32>} : memref<2x1024x256xf32, #tpu.memory_space<vmem>>, vector<1x1024x256xf32>,
    %get3A_63 = arith.constant 0 : index
    %get3A_64 = arith.constant 0 : index
    %get3A_65 = vector.load %arg12[%get3A_63, %get3A_64] : memref<1024x256xf32, #tpu.memory_space<vmem>>, vector<1024x256xf32>
    %swap3A_66 = arith.constant 0 : index
    %swap3A_67 = arith.constant 0 : index
    %swap3A_68 = arith.constant 0 : index
    %swap3A_69 = vector.load %arg10[%swap3A_66, %swap3A_67, %swap3A_68] : memref<2x1024x256xf32, #tpu.memory_space<vmem>>, vector<1x1024x256xf32>
    %swap3A_70 = vector.shape_cast %swap3A_69 : vector<1x1024x256xf32> to vector<1024x256xf32>
    %swap3A_71 = vector.shape_cast %get3A_65 : vector<1024x256xf32> to vector<1x1024x256xf32>
    tpu.vector_store %arg10[%swap3A_66, %swap3A_67, %swap3A_68], %swap3A_71 {strides = array<i32>} : memref<2x1024x256xf32, #tpu.memory_space<vmem>>, vector<1x1024x256xf32>,
    %get3A_72 = arith.constant 0 : index
    %get3A_73 = arith.constant 0 : index
    %get3A_74 = vector.load %arg14[%get3A_72, %get3A_73] : memref<1024x256xf32, #tpu.memory_space<vmem>>, vector<1024x256xf32>
    %swap3A_75 = arith.constant 1 : index
    %swap3A_76 = arith.constant 0 : index
    %swap3A_77 = arith.constant 0 : index
    %swap3A_78 = vector.load %arg10[%swap3A_75, %swap3A_76, %swap3A_77] : memref<2x1024x256xf32, #tpu.memory_space<vmem>>, vector<1x1024x256xf32>
    %swap3A_79 = vector.shape_cast %swap3A_78 : vector<1x1024x256xf32> to vector<1024x256xf32>
    %swap3A_80 = vector.shape_cast %get3A_74 : vector<1024x256xf32> to vector<1x1024x256xf32>
    tpu.vector_store %arg10[%swap3A_75, %swap3A_76, %swap3A_77], %swap3A_80 {strides = array<i32>} : memref<2x1024x256xf32, #tpu.memory_space<vmem>>, vector<1x1024x256xf32>,
    return
  }
  func.func @transform_0(%arg0: i32) -> (i32, i32, i32) {
    %c0_i32 = arith.constant 0 : i32
    %c0_i32_0 = arith.constant 0 : i32
    %c0_i32_1 = arith.constant 0 : i32
    return %c0_i32, %arg0, %c0_i32_0 : i32, i32, i32
  }
  func.func @transform_1(%arg0: i32) -> (i32, i32) {
    %c0_i32 = arith.constant 0 : i32
    %c0_i32_0 = arith.constant 0 : i32
    %c0_i32_1 = arith.constant 0 : i32
    return %c0_i32, %c0_i32_0 : i32, i32
  }
  func.func @transform_2(%arg0: i32) -> (i32, i32) {
    %c0_i32 = arith.constant 0 : i32
    %c0_i32_0 = arith.constant 0 : i32
    %c0_i32_1 = arith.constant 0 : i32
    return %c0_i32, %c0_i32_0 : i32, i32
  }
  func.func @transform_3(%arg0: i32) -> (i32, i32) {
    %c0_i32 = arith.constant 0 : i32
    %c0_i32_0 = arith.constant 0 : i32
    %c0_i32_1 = arith.constant 0 : i32
    return %c0_i32, %c0_i32_0 : i32, i32
  }
  func.func @transform_4(%arg0: i32) -> (i32, i32) {
    %c0_i32 = arith.constant 0 : i32
    %c0_i32_0 = arith.constant 0 : i32
    %c0_i32_1 = arith.constant 0 : i32
    return %c0_i32, %c0_i32_0 : i32, i32
  }
  func.func @transform_5(%arg0: i32) -> (i32, i32) {
    %c0_i32 = arith.constant 0 : i32
    %c0_i32_0 = arith.constant 0 : i32
    %c0_i32_1 = arith.constant 0 : i32
    return %c0_i32, %c0_i32_0 : i32, i32
  }
  func.func @transform_6(%arg0: i32) -> (i32, i32) {
    %c0_i32 = arith.constant 0 : i32
    %c0_i32_0 = arith.constant 0 : i32
    %c0_i32_1 = arith.constant 0 : i32
    return %c0_i32, %c0_i32_0 : i32, i32
  }
  func.func @transform_7(%arg0: i32) -> (i32, i32) {
    %c0_i32 = arith.constant 0 : i32
    %c0_i32_0 = arith.constant 0 : i32
    return %arg0, %c0_i32 : i32, i32
  }
  func.func @transform_8(%arg0: i32) -> (i32, i32, i32) {
    %c0_i32 = arith.constant 0 : i32
    %c0_i32_0 = arith.constant 0 : i32
    %c0_i32_1 = arith.constant 0 : i32
    return %c0_i32, %arg0, %c0_i32_0 : i32, i32, i32
  }
  func.func @transform_9(%arg0: i32) -> (i32, i32, i32) {
    %c0_i32 = arith.constant 0 : i32
    %c0_i32_0 = arith.constant 0 : i32
    %c0_i32_1 = arith.constant 0 : i32
    return %c0_i32, %arg0, %c0_i32_0 : i32, i32, i32
  }
}

</mosaic_0001>

<sc_bundles>
// kernel: kernel.4.cloned.1.call-start
scs
__scs_entry_jumppad:
0x0: {  	(pc) =	sbr.rel $0x88, $3  }
0x1: {  	(tag) =	ssettag $0x0;
	lr =	simm.s32 $0x1  }
0x2: {  	[smem:$0x3F95] =	sst lr;
	_ =	strace $0xD0000000  }
0x3: {  	_ = 	snop  }
0x4: {  	_ = 	snop  }
0x5: {  	_ = 	snop  }
0x6: {  	_ = 	snop  }
0x7: {  	_ = 	snop  }
__scs_overlays_trampoline_lowered:
0x8: {  	[smem:$0x3FA4] =	sst s0  }
0x9: {  	[smem:$0x3FA5] =	sst s1  }
0xa: {  	[smem:$0x3FA6] =	sst s2  }
0xb: {  	[smem:$0x3FA7] =	sst s3  }
0xc: {  	[smem:$0x3FA8] =	sst s4  }
0xd: {  	[smem:$0x3FA9] =	sst s5  }
0xe: {  	[smem:$0x3FAA] =	sst s6  }
0xf: {  	[smem:$0x3FAB] =	sst s7  }
0x10: {  	[smem:$0x3FAC] =	sst s8  }
0x11: {  	[smem:$0x3FAD] =	sst s9;
	s0 =	simm.s32 @!p0 $0x0  }
0x12: {  	s1 =	sld [smem:$0x3F93];
	s0 =	simm.s32 @p0 $0x1  }
0x13: {  	[smem:$0x3FAE] =	sst s0;
	s0 =	simm.s32 @!p1 $0x0  }
0x14: {  	s2 =	sld [smem:$0x3F92];
	s0 =	simm.s32 @p1 $0x1  }
0x15: {  	[smem:$0x3FAF] =	sst s0;
	s0 =	simm.s32 @!p2 $0x0  }
0x16: {  	s3 =	sld [smem:$0x3FDB];
	s0 =	simm.s32 @p2 $0x1  }
0x17: {  	s4 =	simm.s32 $0x1BF5;
	[smem:$0x3FB1] =	sst s0  }
0x18: {  	s0 =	sld [smem:$0x3F94];
	_ =	swait.ge [sflag:s4], $0x0  }
0x19: {  	s7 =	sld [smem:$0x3F95]  }
0x1a: {  	s8 =	sadd.s32 $0xFFFFE003, lr  }
0x1b: {  	s9 =	sadd.s32 $0xFFFFFEF7, lr;
	s5 =	simm.s32 $0xFFFFFFFF;
	p2 =	slt.u32 s8, $0xFFFFF086  }
0x1c: {  	p1 =	slt.u32 s9, $0xF7A;
	s5 =	simm.s32 @!p2 $0x0  }
0x1d: {  	s5 =	simm.s32 @p1 $0x1;
	p0 =	seq.s32 s7, s2  }
0x1e: {  	s7 =	smul.u32 @!p0 $0xF7A, s2;
	p2 =	seq.s32 @!p0 s5, $0x0  }
0x1f: {  	s9 =	smul.u32 $0xF7A, s1;
	s8 =	simm.s32 @!p0 $0x1BF5;
	p2 =	por !p2, p0  }
0x20: {  	[sflag:s8] =	ssyncset.s32 @!p0 $0xFFFFF086;
	s6 =	sadd.s32 @!p0 s3, s7;
	s7 =	simm.s32 @!p0 $0x108  }
0x21: {  	s3 =	sadd.s32 s3, s9;
	s6 =	sadd.s32 @!p0 $0x88, s6;
	s7 =	simm.s32 @p2 $0x1082  }
0x22: {  	[simem:s7], [sflag:s8] =	dma.local @!p0 [hbm:s6], $0xF7A  }
0x23: {  	s9 =	sor.u32 $0xD0000000, s2;
	s6 =	simm.s32 $0x108;
	_ =	swait.ge @!p0 [sflag:s8], $0x0  }
0x24: {  	s3 =	sadd.s32 $0x88, s3;
	s6 =	simm.s32 @!p1 $0x1082;
	[sflag:s4] =	ssyncset.s32 $0xFFFFF086  }
0x25: {  	[simem:s6], [sflag:s4] =	dma.local [hbm:s3], $0xF7A  }
0x26: {  	[smem:$0x3F95] =	sst s1;
	(tag) =	ssettag s2;
	_ =	strace s9  }
0x27: {  	s1 =	sld [smem:$0x3FA5]  }
0x28: {  	s2 =	sld [smem:$0x3FA6]  }
0x29: {  	s4 =	sld [smem:$0x3FA8]  }
0x2a: {  	p0 =	seq.s32 s5, $0x0;
	s5 =	sld [smem:$0x3FA9]  }
0x2b: {  	s6 =	sld [smem:$0x3FAA]  }
0x2c: {  	s7 =	sld [smem:$0x3FAB]  }
0x2d: {  	s3 =	simm.s32 $0x108;
	s8 =	sld [smem:$0x3FAC]  }
0x2e: {  	s3 =	simm.s32 @!p0 $0x1082;
	s9 =	sld [smem:$0x3FAD]  }
0x2f: {  	lr =	sadd.s32 s0, s3;
	s0 =	sld [smem:$0x3FA4]  }
0x30: {  	s3 =	sld [smem:$0x3FA7]  }
0x31: {  	[smem:$0x3FB0] =	sst s10  }
0x32: {  	s10 =	sld [smem:$0x3FAE];
	_ =	sdelay $0x3  }
0x33: {  	p0 =	seq.s32 s10, $0x1;
	s10 =	sld [smem:$0x3FB0];
	_ =	sdelay $0x3  }
0x34: {  	[smem:$0x3FB0] =	sst s10  }
0x35: {  	s10 =	sld [smem:$0x3FAF];
	_ =	sdelay $0x3  }
0x36: {  	p1 =	seq.s32 s10, $0x1;
	s10 =	sld [smem:$0x3FB0];
	_ =	sdelay $0x3  }
0x37: {  	[smem:$0x3FB0] =	sst s10  }
0x38: {  	s10 =	sld [smem:$0x3FB1]  }
0x39: {  	_ = 	snop;
	(pc) =	sbr.ind lr, $3  }
0x3a: {  	_ = 	snop  }
0x3b: {  	_ = 	snop  }
0x3c: {  	p2 =	seq.s32 s10, $0x1;
	s10 =	sld [smem:$0x3FB0]  }
0x3d: {  	_ =	shalt  }
0x3e: {  	_ =	shalt  }
0x3f: {  	_ =	shalt  }
0x40: {  	_ =	shalt  }
0x41: {  	_ =	shalt  }
0x42: {  	_ =	shalt  }
0x43: {  	_ =	shalt  }
0x44: {  	_ =	shalt  }
0x45: {  	_ =	shalt  }
0x46: {  	_ =	shalt  }
0x47: {  	_ =	shalt  }
0x48: {  	_ =	shalt  }
0x49: {  	_ =	shalt  }
0x4a: {  	_ =	shalt  }
0x4b: {  	_ =	shalt  }
0x4c: {  	_ =	shalt  }
0x4d: {  	_ =	shalt  }
0x4e: {  	_ =	shalt  }
0x4f: {  	_ =	shalt  }
0x50: {  	_ =	shalt  }
0x51: {  	_ =	shalt  }
0x52: {  	_ =	shalt  }
0x53: {  	_ =	shalt  }
0x54: {  	_ =	shalt  }
0x55: {  	_ =	shalt  }
0x56: {  	_ =	shalt  }
0x57: {  	_ =	shalt  }
0x58: {  	_ =	shalt  }
0x59: {  	_ =	shalt  }
0x5a: {  	_ =	shalt  }
0x5b: {  	_ =	shalt  }
0x5c: {  	_ =	shalt  }
0x5d: {  	_ =	shalt  }
0x5e: {  	_ =	shalt  }
0x5f: {  	_ =	shalt  }
0x60: {  	_ =	shalt  }
0x61: {  	_ =	shalt  }
0x62: {  	_ =	shalt  }
0x63: {  	_ =	shalt  }
0x64: {  	_ =	shalt  }
0x65: {  	_ =	shalt  }
0x66: {  	_ =	shalt  }
0x67: {  	_ =	shalt  }
0x68: {  	_ =	shalt  }
0x69: {  	_ =	shalt  }
0x6a: {  	_ =	shalt  }
0x6b: {  	_ =	shalt  }
0x6c: {  	_ =	shalt  }
0x6d: {  	_ =	shalt  }
0x6e: {  	_ =	shalt  }
0x6f: {  	_ =	shalt  }
0x70: {  	_ =	shalt  }
0x71: {  	_ =	shalt  }
0x72: {  	_ =	shalt  }
0x73: {  	_ =	shalt  }
0x74: {  	_ =	shalt  }
0x75: {  	_ =	shalt  }
0x76: {  	_ =	shalt  }
0x77: {  	_ =	shalt  }
0x78: {  	_ =	shalt  }
0x79: {  	_ =	shalt  }
0x7a: {  	_ =	shalt  }
0x7b: {  	_ =	shalt  }
0x7c: {  	_ =	shalt  }
0x7d: {  	_ =	shalt  }
0x7e: {  	_ =	shalt  }
0x7f: {  	_ =	shalt  }
0x80: {  	_ =	shalt  }
0x81: {  	_ =	shalt  }
0x82: {  	_ =	shalt  }
0x83: {  	_ =	shalt  }
0x84: {  	_ =	shalt  }
0x85: {  	_ =	shalt  }
0x86: {  	_ =	shalt  }
0x87: {  	_ =	shalt  }
.Lfunc_end0:
.L_simem_size_0:
called_computation_lowered:
.L_overlay_start_0:
0x88: {  	s2 =	sld [smem:$0x3FD9]  }
0x89: {  	s3 =	sld [smem:$0x3FFE];
	_ =	sdelay $0x1  }
0x8a: {  	s1 =	srdreg.scid  }
0x8b: {  	s0 =	sand.u32 $0x1, s1  }
0x8c: {  	s14 =	sshll.u32 s0, $0xA;
	s2 =	sadd.s32 s3, s2  }
0x8d: {  	s2 =	sadd.s32 s2, s14  }
0x8e: {  	[smem:$0x3FBC] =	sst s2  }
0x8f: {  	_ = 	snop  }
0x90: {  	s2 =	sld [smem:$0x3FD0];
	_ =	sdelay $0x2  }
0x91: {  	s15 =	simm.s32 $0xA;
	s4 =	simm.s32 $0x10  }
0x92: {  	[smem:s4], [sflag:s15] =	dma.local [hbm:s2], $0x1  }
0x93: {  	_ =	swait.eq [sflag:s15], $0x1  }
0x94: {  	[sflag:s15] =	ssyncset.done $0x0  }
0x95: {  	[sflag:s15] =	ssyncadd.s32 $0xFFFFFFFF  }
0x96: {  	s16 =	sld [smem:$0x12];
	(tm) =	ssettm $0x1  }
0x97: {  	s17 =	sld [smem:$0x3FFB];
	_ =	sdelay $0x3  }
0x98: {  	_ =	strace s17  }
0x99: {  	s3 =	sld [smem:$0x3FFC];
	_ =	sdelay $0x3  }
0x9a: {  	_ =	strace s3  }
0x9b: {  	s3 =	sld [smem:$0x3FFD];
	_ =	sdelay $0x3  }
0x9c: {  	_ =	strace s3  }
0x9d: {  	_ =	strace $0x8FFFFFFF  }
0x9e: {  	s18 =	sld [smem:$0x3FDB];
	_ =	sdelay $0x1  }
0x9f: {  	s19 =	simm.s32 $_scs_section_size  }
0xa0: {  	s5 =	simm.s32 $_size__tile_overlayer_lowered;
	s6 =	simm.s32 $_tile_overlayer_lowered  }
0xa1: {  	s22 =	simm.s32 $0x1BFF;
	s21 =	sshll.u32 s6, $0x1;
	s3 =	sadd.s32 s19, s18  }
0xa2: {  	s7 =	simm.s32 $0x0;
	s20 =	sshll.u32 s5, $0x1;
	s5 =	sadd.s32 s21, s3  }
0xa3: {  	[timem:s7], [sflag:s22] =	dma.local [hbm:s5], s20  }
0xa4: {  	_ =	swait.ge [sflag:s22], s20  }
0xa5: {  	s4 =	ssub.s32 $0x0, s20;
	[sflag:s22] =	ssyncset.done $0x0  }
0xa6: {  	[sflag:s22] =	ssyncadd.s32 s4;
	_ =	sdelay $0x1  }
0xa7: {  	s23 =	simm.s32 $0x1B8B  }
0xa8: {  	_ =	swait.ge [sflag:s23], $0x1  }
0xa9: {  	[sflag:s23] =	ssyncset.done $0x0  }
0xaa: {  	s25 =	simm.s32 $0x1B8E;
	s24 =	sld [smem:$0x3FFE];
	[sflag:s23] =	ssyncadd.s32 $0xFFFFFFFF  }
0xab: {  	s26 =	simm.s32 $execute0_lowered;
	[smem:$0x3FD2] =	sst s25  }
0xac: {  	s5 =	sshll.u32 s26, $0x1;
	_ =	strace $0x80000046;
	[dreg:$0x1] =	wrdreg $0xFFFFFFFF  }
0xad: {  	s28 =	simm.s32 $_size_execute0_lowered;
	s3 =	sadd.s32 s3, s5;
	[dreg:$0x0] =	wrdreg $0x0  }
0xae: {  	s5 =	sshll.u32 s28, $0x1;
	[dreg:$0x2] =	wrdreg s3  }
0xaf: {  	[dreg:$0x3] =	wrdreg s5  }
0xb0: {  	[dreg:$0x4] =	wrdreg $0xC0  }
0xb1: {  	_ =	task [dreg:s7], $0x5FFFF  }
0xb2: {  	[dreg:$0x1] =	wrdreg $0xFFFFFFFF  }
0xb3: {  	[dreg:$0x0] =	wrdreg $0x60  }
0xb4: {  	[dreg:$0x2] =	wrdreg s16  }
0xb5: {  	[dreg:$0x3] =	wrdreg s24  }
0xb6: {  	[dreg:$0x4] =	wrdreg $0x9  }
0xb7: {  	_ =	task.clear_ibuf [dreg:s7], $0x5FFFF;
	_ =	strace $0x90000046  }
0xb8: {  	s29 =	simm.s32 $0x9;
	_ =	strace $0x80000048  }
0xb9: {  	_ =	swait.ge [sflag:s29], $0x1  }
0xba: {  	[sflag:s29] =	ssyncadd.s32 $0xFFFFFFFF  }
0xbb: {  	_ =	strace $0x90000048  }
0xbc: {  	_ =	sfence  }
0xbd: {  	s30 =	sld [smem:$0x0];
	_ =	sdelay $0x2  }
0xbe: {  	s31 =	sshll.u32 s1, $0xD;
	s1 =	sshrl.u32 s1, $0x2  }
0xbf: {  	s3 =	sand.u32 $0x4000, s31;
	s1 =	sadd.s32 s1, s30  }
0xc0: {  	s0 =	sor.u32 s3, s0;
	s1 =	sshll.u32 s1, $0x11  }
0xc1: {  	s0 =	sor.u32 s1, s0  }
0xc2: {  	s0 =	sadd.s32 $0x8F2B, s0  }
0xc3: {  	[sflag:s0] =	ssyncadd.remote.s32 $0x1  }
0xc4: {  	_ =	sfence.sel $0xFFFF  }
0xc5: {  	[dreg:$0x0] =	wrdreg $0xFFFFFFFF;
	(pc) =	sbr.abs _section_cstart, $3  }
0xc6: {  	[dreg:$0x1] =	wrdreg $0xFFFFFFFF  }
0xc7: {  	_ =	task.clear_ibuf [dreg:s7], $0x2FFFF;
	_ =	strace $0x9FFFFFFF  }
0xc8: {  	(tm) =	ssettm $0x7FFFFFFF  }
0xc9: {  	_ =	shalt  }
tec
execute0_lowered:
.L_overlay_start_1:
0x0: {  	(tag) =	ssettag $0x1  }
0x1: {  	s5 =	rddreg [dreg:$0x0]  }
0x2: {  	s4 =	rddreg [dreg:$0x1]  }
0x3: {  	s0 =	rddreg [dreg:$0x2];
	s3 =	srdreg.scid  }
0x4: {  	s1 =	stileid.u32;
	s2 =	simm.s32 $0x0;
	s10 =	simm.s32 $0x10280  }
0x5: {  	s11 =	simm.s32 $0x2;
	s3 =	sand.u32 $0x1, s3;
	s6 =	sshll.u32 s1, $0x1  }
0x6: {  	s12 =	simm.s32 $0x0;
	[smem:$0x7FF] =	sst s2;
	s6 =	sor.u32 s3, s6  }
0x7: {  	_ =	strace $0x80000047;
	s7 =	ssub.s32 $0x2, s3;
	s3 =	sadd.s32 $0x1A00, s4  }
0x8: {  	s4 =	sadd.s32 $0xF43E00, s4;
	s8 =	smul.u32 $0x50, s6;
	s9 =	sshrl.u32 s7, $0x1  }
0x9: {  	s6 =	smul.u32 $0x14000, s6;
	s7 =	ssub.s32 s7, s9;
	s9 =	simm.s32 $0x1  }
0xa: {  	s5 =	sadd.s32 s5, s8;
	s7 =	smax.u32 s7, $0x1;
	s8 =	simm.s32 $0x3  }
.LBB2_1:
0xb: {  	[tilespmem:s2], [sflag:$0x3] =	stream.linear.gather [hbm4b:s5+s2], $0x280, $0x38;
	[tilespmem:$0x11280] =	vst v63  }
0xc: {  	_ =	swait.ge [sflag:s8], $0x280  }
0xd: {  	[sflag:s8] =	ssyncset.done $0x0  }
0xe: {  	p0 =	por $0x1, $0x1;
	s14 =	simm.s32 $0x0;
	[sflag:s8] =	ssyncadd.s32 $0xFFFFFD80  }
.LBB2_2:
0xf: {  	s13 =	sshll.u32 s14, $0x4  }
0x10: {  	s13 =	sand.u32 $0x3FFFFFF0, s13  }
0x11: {  	v0 =	vld [tilespmem:s13+$0x0];
	_ =	sdelay $0x4  }
0x12: {  	v0 =	vshrl.u32 v0, $0x3  }
0x13: {  	v0 =	vshll.u32 v0, $0x7  }
0x14: {  	(v2sf) =	vpush v0, $0x0;
	_ =	sdelay $0x1  }
0x15: {  	(v2sf) =	vpush v0, $0x1;
	_ =	sdelay $0x1  }
0x16: {  	(v2sf) =	vpush v0, $0x2;
	_ =	sdelay $0x4  }
0x17: {  	(v2sf) =	vpush v0, $0x3;
	_ =	sdelay $0x5  }
0x18: {  	s15 =	spop (v2sf);
	(v2sf) =	vpush v0, $0x4;
	_ =	sdelay $0x1  }
0x19: {  	s17 =	spop (v2sf);
	(v2sf) =	vpush v0, $0x5;
	_ =	sdelay $0x1  }
0x1a: {  	s19 =	spop (v2sf);
	(v2sf) =	vpush v0, $0x6  }
0x1b: {  	s29 =	sshll.u32 s14, $0xE  }
0x1c: {  	s14 =	sand.u32 $0x3FFFC000, s29;
	s30 =	sand.u32 $0x1FFFFF80, s15  }
0x1d: {  	s31 =	sor.u32 $0x280, s14;
	s13 =	simm.s32 $0x0;
	s16 =	sadd.s32 s3, s30  }
0x1e: {  	[tilespmem:s31], [sflag:$0x1] =	stream.linear.gather [hbm4b:s16+s13], $0x400, $0x38;
	[tilespmem:$0x11280] =	vst v63  }
0x1f: {  	s15 =	sand.u32 $0x1FFFFF80, s17;
	s21 =	spop (v2sf);
	(v2sf) =	vpush v0, $0x7  }
0x20: {  	s18 =	sor.u32 $0x680, s14;
	s15 =	sadd.s32 s3, s15  }
0x21: {  	[tilespmem:s18], [sflag:$0x1] =	stream.linear.gather [hbm4b:s15+s13], $0x400, $0x38;
	[tilespmem:$0x11280] =	vst v63  }
0x22: {  	s15 =	sand.u32 $0x1FFFFF80, s19  }
0x23: {  	s20 =	sor.u32 $0xA80, s14;
	s15 =	sadd.s32 s3, s15  }
0x24: {  	[tilespmem:s20], [sflag:$0x1] =	stream.linear.gather [hbm4b:s15+s13], $0x400, $0x38;
	[tilespmem:$0x11280] =	vst v63  }
0x25: {  	s23 =	spop (v2sf);
	(v2sf) =	vpush v0, $0x8  }
0x26: {  	s15 =	sand.u32 $0x1FFFFF80, s21  }
0x27: {  	s22 =	sor.u32 $0xE80, s14;
	s15 =	sadd.s32 s3, s15;
	s25 =	spop (v2sf);
	(v2sf) =	vpush v0, $0x9  }
0x28: {  	[tilespmem:s22], [sflag:$0x1] =	stream.linear.gather [hbm4b:s15+s13], $0x400, $0x38;
	[tilespmem:$0x11280] =	vst v63  }
0x29: {  	s28 =	spop (v2sf);
	(v2sf) =	vpush v0, $0xA  }
0x2a: {  	s15 =	sand.u32 $0x1FFFFF80, s23  }
0x2b: {  	s24 =	sor.u32 $0x1280, s14;
	s15 =	sadd.s32 s3, s15  }
0x2c: {  	[tilespmem:s24], [sflag:$0x1] =	stream.linear.gather [hbm4b:s15+s13], $0x400, $0x38;
	[tilespmem:$0x11280] =	vst v63  }
0x2d: {  	s15 =	sand.u32 $0x1FFFFF80, s25  }
0x2e: {  	s26 =	sor.u32 $0x1680, s14;
	s30 =	spop (v2sf);
	s15 =	sadd.s32 s3, s15  }
0x2f: {  	(v2sf) =	vpush v0, $0xB;
	[tilespmem:s26], [sflag:$0x1] =	stream.linear.gather [hbm4b:s15+s13], $0x400, $0x38;
	[tilespmem:$0x11280] =	vst v63  }
0x30: {  	s15 =	sand.u32 $0x1FFFFF80, s28  }
0x31: {  	s29 =	sor.u32 $0x1A80, s14;
	s15 =	sadd.s32 s3, s15  }
0x32: {  	[tilespmem:s29], [sflag:$0x1] =	stream.linear.gather [hbm4b:s15+s13], $0x400, $0x38;
	[tilespmem:$0x11280] =	vst v63  }
0x33: {  	s15 =	sand.u32 $0x1FFFFF80, s30  }
0x34: {  	s31 =	sor.u32 $0x1E80, s14;
	s15 =	sadd.s32 s3, s15;
	s16 =	spop (v2sf);
	(v2sf) =	vpush v0, $0xC  }
0x35: {  	[tilespmem:s31], [sflag:$0x1] =	stream.linear.gather [hbm4b:s15+s13], $0x400, $0x38;
	[tilespmem:$0x11280] =	vst v63  }
0x36: {  	s18 =	spop (v2sf);
	(v2sf) =	vpush v0, $0xD  }
0x37: {  	s15 =	sand.u32 $0x1FFFFF80, s16  }
0x38: {  	s17 =	sor.u32 $0x2280, s14;
	s15 =	sadd.s32 s3, s15;
	s20 =	spop (v2sf)  }
0x39: {  	(v2sf) =	vpush v0, $0xE;
	[tilespmem:s17], [sflag:$0x1] =	stream.linear.gather [hbm4b:s15+s13], $0x400, $0x38;
	[tilespmem:$0x11280] =	vst v63  }
0x3a: {  	s15 =	sand.u32 $0x1FFFFF80, s18  }
0x3b: {  	s19 =	sor.u32 $0x2680, s14;
	s15 =	sadd.s32 s3, s15  }
0x3c: {  	[tilespmem:s19], [sflag:$0x1] =	stream.linear.gather [hbm4b:s15+s13], $0x400, $0x38;
	[tilespmem:$0x11280] =	vst v63  }
0x3d: {  	s15 =	sand.u32 $0x1FFFFF80, s20  }
0x3e: {  	s21 =	sor.u32 $0x2A80, s14;
	s22 =	spop (v2sf);
	(v2sf) =	vpush v0, $0xF;
	s15 =	sadd.s32 s3, s15  }
0x3f: {  	[tilespmem:s21], [sflag:$0x1] =	stream.linear.gather [hbm4b:s15+s13], $0x400, $0x38;
	[tilespmem:$0x11280] =	vst v63  }
0x40: {  	s15 =	sand.u32 $0x1FFFFF80, s22  }
0x41: {  	s23 =	sor.u32 $0x2E80, s14;
	s15 =	sadd.s32 s3, s15  }
0x42: {  	[tilespmem:s23], [sflag:$0x1] =	stream.linear.gather [hbm4b:s15+s13], $0x400, $0x38;
	[tilespmem:$0x11280] =	vst v63  }
0x43: {  	s24 =	spop (v2sf)  }
0x44: {  	s15 =	sand.u32 $0x1FFFFF80, s24  }
0x45: {  	s25 =	sor.u32 $0x3280, s14;
	s26 =	spop (v2sf);
	s15 =	sadd.s32 s3, s15  }
0x46: {  	[tilespmem:s25], [sflag:$0x1] =	stream.linear.gather [hbm4b:s15+s13], $0x400, $0x38;
	[tilespmem:$0x11280] =	vst v63  }
0x47: {  	s15 =	sand.u32 $0x1FFFFF80, s26  }
0x48: {  	s28 =	sor.u32 $0x3680, s14;
	s29 =	spop (v2sf);
	s15 =	sadd.s32 s3, s15  }
0x49: {  	[tilespmem:s28], [sflag:$0x1] =	stream.linear.gather [hbm4b:s15+s13], $0x400, $0x38;
	[tilespmem:$0x11280] =	vst v63  }
0x4a: {  	s15 =	sand.u32 $0x1FFFFF80, s29  }
0x4b: {  	p1 =	por p0, p0;
	s30 =	sor.u32 $0x3A80, s14;
	s15 =	sadd.s32 s3, s15  }
0x4c: {  	[tilespmem:s30], [sflag:$0x1] =	stream.linear.gather [hbm4b:s15+s13], $0x400, $0x38;
	[tilespmem:$0x11280] =	vst v63  }
.Ltmp0:
0x4d: {  	s31 =	spop (v2sf);
	(pc) =	sbr.rel @p1 .LBB2_2-.Ltmp0, $4  }
0x4e: {  	s15 =	sand.u32 $0x1FFFFF80, s31  }
0x4f: {  	s14 =	sor.u32 $0x3E80, s14;
	s15 =	sadd.s32 s3, s15  }
0x50: {  	[tilespmem:s14], [sflag:$0x1] =	stream.linear.gather [hbm4b:s15+s13], $0x400, $0x38;
	[tilespmem:$0x11280] =	vst v63  }
0x51: {  	p0 =	por $0x0, $0x0;
	s14 =	simm.s32 $0x1  }
.LBB2_3:
0x52: {  	s14 =	sshllo.u32 s13, $0x1  }
0x53: {  	s15 =	sshll.u32 s14, $0x5  }
0x54: {  	s15 =	sand.u32 $0x3FFFFFE0, s15  }
0x55: {  	v0 =	vmov s15  }
0x56: {  	_ =	swait.ge [sflag:s9], $0x8000  }
0x57: {  	[sflag:s9] =	ssyncset.done $0x0  }
0x58: {  	p0 =	por $0x1, $0x1;
	[sflag:s9] =	ssyncadd.s32 $0xFFFF8000;
	s15 =	simm.s32 $0x0  }
.LBB2_4:
0x59: {  	s16 =	sshll.u32 s15, $0x4  }
0x5a: {  	s16 =	sand.u32 $0x3FFFFFF0, s16  }
0x5b: {  	v1 =	vld.idx.msk [tilespmem:v0+s16+$0x0 ss:$0x1], $0xffff;
	_ =	sdelay $0x4  }
0x5c: {  	v1 =	vshrl.u32 v1, $0x3  }
0x5d: {  	v1 =	vshll.u32 v1, $0x7  }
0x5e: {  	(v2sf) =	vpush v1, $0x0;
	_ =	sdelay $0x1  }
0x5f: {  	(v2sf) =	vpush v1, $0x1;
	_ =	sdelay $0x2  }
0x60: {  	(v2sf) =	vpush v1, $0x2;
	_ =	sdelay $0x3  }
0x61: {  	(v2sf) =	vpush v1, $0x3;
	_ =	sdelay $0x5  }
0x62: {  	s29 =	spop (v2sf);
	(v2sf) =	vpush v1, $0x4  }
0x63: {  	s28 =	sshll.u32 s15, $0xE  }
0x64: {  	s15 =	sand.u32 $0x3FFFC000, s28;
	s16 =	sand.u32 $0x1FFFFF80, s29;
	s30 =	spop (v2sf);
	(v2sf) =	vpush v1, $0x5  }
0x65: {  	s17 =	sadd.s32 $0x8280, s15;
	s16 =	sadd.s32 s3, s16  }
0x66: {  	[tilespmem:s17], [sflag:$0x2] =	stream.linear.gather [hbm4b:s16+s2], $0x400, $0x38;
	[tilespmem:$0x11280] =	vst v63  }
0x67: {  	s17 =	spop (v2sf);
	(v2sf) =	vpush v1, $0x6;
	_ =	sdelay $0x3  }
0x68: {  	s19 =	spop (v2sf);
	(v2sf) =	vpush v1, $0x7;
	_ =	sdelay $0x1  }
0x69: {  	s16 =	sand.u32 $0x1FFFFF80, s30  }
0x6a: {  	s31 =	sadd.s32 $0x8680, s15;
	s16 =	sadd.s32 s3, s16  }
0x6b: {  	[tilespmem:s31], [sflag:$0x2] =	stream.linear.gather [hbm4b:s16+s2], $0x400, $0x38;
	[tilespmem:$0x11280] =	vst v63  }
0x6c: {  	s16 =	sand.u32 $0x1FFFFF80, s17  }
0x6d: {  	s18 =	sadd.s32 $0x8A80, s15;
	s16 =	sadd.s32 s3, s16;
	s21 =	spop (v2sf);
	(v2sf) =	vpush v1, $0x8  }
0x6e: {  	[tilespmem:s18], [sflag:$0x2] =	stream.linear.gather [hbm4b:s16+s2], $0x400, $0x38;
	[tilespmem:$0x11280] =	vst v63  }
0x6f: {  	s16 =	sand.u32 $0x1FFFFF80, s19;
	s23 =	spop (v2sf);
	(v2sf) =	vpush v1, $0x9  }
0x70: {  	s20 =	sadd.s32 $0x8E80, s15;
	s16 =	sadd.s32 s3, s16  }
0x71: {  	[tilespmem:s20], [sflag:$0x2] =	stream.linear.gather [hbm4b:s16+s2], $0x400, $0x38;
	[tilespmem:$0x11280] =	vst v63  }
0x72: {  	s16 =	sand.u32 $0x1FFFFF80, s21;
	s25 =	spop (v2sf);
	(v2sf) =	vpush v1, $0xA  }
0x73: {  	s22 =	sadd.s32 $0x9280, s15;
	s16 =	sadd.s32 s3, s16  }
0x74: {  	[tilespmem:s22], [sflag:$0x2] =	stream.linear.gather [hbm4b:s16+s2], $0x400, $0x38;
	[tilespmem:$0x11280] =	vst v63  }
0x75: {  	s16 =	sand.u32 $0x1FFFFF80, s23  }
0x76: {  	s24 =	sadd.s32 $0x9680, s15;
	s16 =	sadd.s32 s3, s16;
	s28 =	spop (v2sf)  }
0x77: {  	(v2sf) =	vpush v1, $0xB;
	[tilespmem:s24], [sflag:$0x2] =	stream.linear.gather [hbm4b:s16+s2], $0x400, $0x38;
	[tilespmem:$0x11280] =	vst v63  }
0x78: {  	s16 =	sand.u32 $0x1FFFFF80, s25  }
0x79: {  	s26 =	sadd.s32 $0x9A80, s15;
	s16 =	sadd.s32 s3, s16  }
0x7a: {  	[tilespmem:s26], [sflag:$0x2] =	stream.linear.gather [hbm4b:s16+s2], $0x400, $0x38;
	[tilespmem:$0x11280] =	vst v63  }
0x7b: {  	s16 =	sand.u32 $0x1FFFFF80, s28  }
0x7c: {  	s29 =	sadd.s32 $0x9E80, s15;
	s16 =	sadd.s32 s3, s16;
	s30 =	spop (v2sf);
	(v2sf) =	vpush v1, $0xC  }
0x7d: {  	[tilespmem:s29], [sflag:$0x2] =	stream.linear.gather [hbm4b:s16+s2], $0x400, $0x38;
	[tilespmem:$0x11280] =	vst v63  }
0x7e: {  	s16 =	sand.u32 $0x1FFFFF80, s30;
	s18 =	spop (v2sf);
	(v2sf) =	vpush v1, $0xD  }
0x7f: {  	s31 =	sadd.s32 $0xA280, s15;
	s16 =	sadd.s32 s3, s16  }
0x80: {  	[tilespmem:s31], [sflag:$0x2] =	stream.linear.gather [hbm4b:s16+s2], $0x400, $0x38;
	[tilespmem:$0x11280] =	vst v63  }
0x81: {  	s20 =	spop (v2sf);
	(v2sf) =	vpush v1, $0xE  }
0x82: {  	s16 =	sand.u32 $0x1FFFFF80, s18  }
0x83: {  	s19 =	sadd.s32 $0xA680, s15;
	s16 =	sadd.s32 s3, s16  }
0x84: {  	[tilespmem:s19], [sflag:$0x2] =	stream.linear.gather [hbm4b:s16+s2], $0x400, $0x38;
	[tilespmem:$0x11280] =	vst v63  }
0x85: {  	s16 =	sand.u32 $0x1FFFFF80, s20  }
0x86: {  	s21 =	sadd.s32 $0xAA80, s15;
	s22 =	spop (v2sf);
	(v2sf) =	vpush v1, $0xF;
	s16 =	sadd.s32 s3, s16  }
0x87: {  	[tilespmem:s21], [sflag:$0x2] =	stream.linear.gather [hbm4b:s16+s2], $0x400, $0x38;
	[tilespmem:$0x11280] =	vst v63  }
0x88: {  	s16 =	sand.u32 $0x1FFFFF80, s22  }
0x89: {  	s23 =	sadd.s32 $0xAE80, s15;
	s16 =	sadd.s32 s3, s16  }
0x8a: {  	[tilespmem:s23], [sflag:$0x2] =	stream.linear.gather [hbm4b:s16+s2], $0x400, $0x38;
	[tilespmem:$0x11280] =	vst v63  }
0x8b: {  	s24 =	spop (v2sf)  }
0x8c: {  	s16 =	sand.u32 $0x1FFFFF80, s24  }
0x8d: {  	s25 =	sadd.s32 $0xB280, s15;
	s26 =	spop (v2sf);
	s16 =	sadd.s32 s3, s16  }
0x8e: {  	[tilespmem:s25], [sflag:$0x2] =	stream.linear.gather [hbm4b:s16+s2], $0x400, $0x38;
	[tilespmem:$0x11280] =	vst v63  }
0x8f: {  	s16 =	sand.u32 $0x1FFFFF80, s26  }
0x90: {  	s28 =	sadd.s32 $0xB680, s15;
	s29 =	spop (v2sf);
	s16 =	sadd.s32 s3, s16  }
0x91: {  	[tilespmem:s28], [sflag:$0x2] =	stream.linear.gather [hbm4b:s16+s2], $0x400, $0x38;
	[tilespmem:$0x11280] =	vst v63  }
0x92: {  	s16 =	sand.u32 $0x1FFFFF80, s29  }
0x93: {  	p1 =	por p0, p0;
	s30 =	sadd.s32 $0xBA80, s15;
	s16 =	sadd.s32 s3, s16  }
0x94: {  	[tilespmem:s30], [sflag:$0x2] =	stream.linear.gather [hbm4b:s16+s2], $0x400, $0x38;
	[tilespmem:$0x11280] =	vst v63  }
.Ltmp1:
0x95: {  	s31 =	spop (v2sf);
	(pc) =	sbr.rel @p1 .LBB2_4-.Ltmp1, $4  }
0x96: {  	s16 =	sand.u32 $0x1FFFFF80, s31  }
0x97: {  	s15 =	sadd.s32 $0xBE80, s15;
	s16 =	sadd.s32 s3, s16  }
0x98: {  	[tilespmem:s15], [sflag:$0x2] =	stream.linear.gather [hbm4b:s16+s2], $0x400, $0x38;
	[tilespmem:$0x11280] =	vst v63  }
0x99: {  	p0 =	por $0x0, $0x0;
	s15 =	simm.s32 $0x1  }
0x9a: {  	s15 =	sshll.u32 s13, $0x6  }
0x9b: {  	s15 =	sand.u32 $0x3FFFFFC0, s15  }
0x9c: {  	v1 =	vmov s15;
	_ =	sdelay $0x2  }
0x9d: {  	s16 =	simm.s32 $0x0;
	p0 =	por $0x1, $0x1  }
.LBB2_6:
0x9e: {  	s17 =	sshll.u32 s16, $0x4  }
0x9f: {  	v2 =	vld.idx.msk [tilespmem:v1+s17+$0x0 ss:$0x1], $0xffff;
	_ =	sdelay $0x4  }
0xa0: {  	v3 =	vshra.s32 v2, $0x1F  }
0xa1: {  	v3 =	vshrl.u32 v3, $0x1D  }
0xa2: {  	v3 =	vadd.s32 v3, v2  }
0xa3: {  	v3 =	vshrl.u32 v3, $0x3  }
0xa4: {  	v3 =	vshll.u32 v3, $0x3  }
0xa5: {  	v2 =	vsub.s32 v2, v3  }
0xa6: {  	v2 =	vshll.u32 v2, $0x9  }
0xa7: {  	v2 =	vshra.s32 v2, $0x2  }
0xa8: {  	(v2sf) =	vpush v2, $0x0;
	_ =	sdelay $0xd  }
0xa9: {  	s18 =	sshll.u32 s16, $0xE  }
0xaa: {  	s18 =	sand.u32 $0x3FFFC000, s18;
	s19 =	spop (v2sf)  }
0xab: {  	s18 =	sadd.s32 s19, s18  }
0xac: {  	v3 =	vld [tilespmem:s18+$0x280];
	_ =	sdelay $0x2  }
0xad: {  	s23 =	sshll.u32 s16, $0xB  }
0xae: {  	s19 =	sand.u32 $0x3FFFF800, s23  }
0xaf: {  	[tilespmem:s19+$0x10280] =	vst v3  }
0xb0: {  	v3 =	vld [tilespmem:s18+$0x290]  }
0xb1: {  	(v2sf) =	vpush v2, $0x1;
	_ =	sdelay $0x3  }
0xb2: {  	[tilespmem:s19+$0x10290] =	vst v3  }
0xb3: {  	v3 =	vld [tilespmem:s18+$0x2A0];
	_ =	sdelay $0x4  }
0xb4: {  	[tilespmem:s19+$0x102A0] =	vst v3  }
0xb5: {  	v3 =	vld [tilespmem:s18+$0x2B0];
	_ =	sdelay $0x1  }
0xb6: {  	s24 =	sor.u32 $0x1, s17  }
0xb7: {  	s20 =	sshll.u32 s24, $0xA  }
0xb8: {  	s20 =	sand.u32 $0x3FFFC400, s20;
	s21 =	spop (v2sf)  }
0xb9: {  	s25 =	sadd.s32 s21, s20;
	[tilespmem:s19+$0x102B0] =	vst v3  }
0xba: {  	v3 =	vld [tilespmem:s25+$0x280];
	_ =	sdelay $0x2  }
0xbb: {  	s18 =	sshll.u32 s24, $0x7  }
0xbc: {  	s18 =	sand.u32 $0x3FFFF880, s18  }
0xbd: {  	[tilespmem:s18+$0x10280] =	vst v3  }
0xbe: {  	v3 =	vld [tilespmem:s25+$0x290]  }
0xbf: {  	(v2sf) =	vpush v2, $0x2;
	_ =	sdelay $0x3  }
0xc0: {  	[tilespmem:s18+$0x10290] =	vst v3  }
0xc1: {  	v3 =	vld [tilespmem:s25+$0x2A0];
	_ =	sdelay $0x4  }
0xc2: {  	[tilespmem:s18+$0x102A0] =	vst v3  }
0xc3: {  	v3 =	vld [tilespmem:s25+$0x2B0];
	_ =	sdelay $0x1  }
0xc4: {  	s26 =	sor.u32 $0x2, s17  }
0xc5: {  	s28 =	sshll.u32 s26, $0xA  }
0xc6: {  	s20 =	sand.u32 $0x3FFFC800, s28;
	s29 =	spop (v2sf)  }
0xc7: {  	s30 =	sadd.s32 s29, s20;
	[tilespmem:s18+$0x102B0] =	vst v3  }
0xc8: {  	v3 =	vld [tilespmem:s30+$0x280];
	_ =	sdelay $0x2  }
0xc9: {  	s19 =	sshll.u32 s26, $0x7  }
0xca: {  	s19 =	sand.u32 $0x3FFFF900, s19  }
0xcb: {  	[tilespmem:s19+$0x10280] =	vst v3  }
0xcc: {  	v3 =	vld [tilespmem:s30+$0x290]  }
0xcd: {  	(v2sf) =	vpush v2, $0x3;
	_ =	sdelay $0x3  }
0xce: {  	[tilespmem:s19+$0x10290] =	vst v3  }
0xcf: {  	v3 =	vld [tilespmem:s30+$0x2A0];
	_ =	sdelay $0x4  }
0xd0: {  	[tilespmem:s19+$0x102A0] =	vst v3  }
0xd1: {  	v3 =	vld [tilespmem:s30+$0x2B0];
	_ =	sdelay $0x1  }
0xd2: {  	s31 =	sor.u32 $0x3, s17  }
0xd3: {  	s21 =	sshll.u32 s31, $0xA  }
0xd4: {  	s20 =	sand.u32 $0x3FFFCC00, s21;
	s22 =	spop (v2sf)  }
0xd5: {  	s23 =	sadd.s32 s22, s20;
	[tilespmem:s19+$0x102B0] =	vst v3  }
0xd6: {  	v3 =	vld [tilespmem:s23+$0x280];
	_ =	sdelay $0x2  }
0xd7: {  	s18 =	sshll.u32 s31, $0x7  }
0xd8: {  	s18 =	sand.u32 $0x3FFFF980, s18  }
0xd9: {  	[tilespmem:s18+$0x10280] =	vst v3  }
0xda: {  	v3 =	vld [tilespmem:s23+$0x290]  }
0xdb: {  	(v2sf) =	vpush v2, $0x4;
	_ =	sdelay $0x3  }
0xdc: {  	[tilespmem:s18+$0x10290] =	vst v3  }
0xdd: {  	v3 =	vld [tilespmem:s23+$0x2A0];
	_ =	sdelay $0x4  }
0xde: {  	[tilespmem:s18+$0x102A0] =	vst v3  }
0xdf: {  	v3 =	vld [tilespmem:s23+$0x2B0];
	_ =	sdelay $0x1  }
0xe0: {  	s24 =	sor.u32 $0x4, s17  }
0xe1: {  	s25 =	sshll.u32 s24, $0xA  }
0xe2: {  	s20 =	sand.u32 $0x3FFFD000, s25;
	s26 =	spop (v2sf)  }
0xe3: {  	s28 =	sadd.s32 s26, s20;
	[tilespmem:s18+$0x102B0] =	vst v3  }
0xe4: {  	v3 =	vld [tilespmem:s28+$0x280];
	_ =	sdelay $0x2  }
0xe5: {  	s19 =	sshll.u32 s24, $0x7  }
0xe6: {  	s19 =	sand.u32 $0x3FFFFA00, s19  }
0xe7: {  	[tilespmem:s19+$0x10280] =	vst v3  }
0xe8: {  	v3 =	vld [tilespmem:s28+$0x290]  }
0xe9: {  	(v2sf) =	vpush v2, $0x5;
	_ =	sdelay $0x3  }
0xea: {  	[tilespmem:s19+$0x10290] =	vst v3  }
0xeb: {  	v3 =	vld [tilespmem:s28+$0x2A0];
	_ =	sdelay $0x4  }
0xec: {  	[tilespmem:s19+$0x102A0] =	vst v3  }
0xed: {  	v3 =	vld [tilespmem:s28+$0x2B0];
	_ =	sdelay $0x1  }
0xee: {  	s29 =	sor.u32 $0x5, s17  }
0xef: {  	s30 =	sshll.u32 s29, $0xA  }
0xf0: {  	s20 =	sand.u32 $0x3FFFD400, s30;
	s31 =	spop (v2sf)  }
0xf1: {  	s21 =	sadd.s32 s31, s20;
	[tilespmem:s19+$0x102B0] =	vst v3  }
0xf2: {  	v3 =	vld [tilespmem:s21+$0x280];
	_ =	sdelay $0x2  }
0xf3: {  	s18 =	sshll.u32 s29, $0x7  }
0xf4: {  	s18 =	sand.u32 $0x3FFFFA80, s18  }
0xf5: {  	[tilespmem:s18+$0x10280] =	vst v3  }
0xf6: {  	v3 =	vld [tilespmem:s21+$0x290]  }
0xf7: {  	(v2sf) =	vpush v2, $0x6;
	_ =	sdelay $0x3  }
0xf8: {  	[tilespmem:s18+$0x10290] =	vst v3  }
0xf9: {  	v3 =	vld [tilespmem:s21+$0x2A0];
	_ =	sdelay $0x4  }
0xfa: {  	[tilespmem:s18+$0x102A0] =	vst v3  }
0xfb: {  	v3 =	vld [tilespmem:s21+$0x2B0];
	_ =	sdelay $0x1  }
0xfc: {  	s22 =	sor.u32 $0x6, s17  }
0xfd: {  	s23 =	sshll.u32 s22, $0xA  }
0xfe: {  	s24 =	spop (v2sf);
	s20 =	sand.u32 $0x3FFFD800, s23  }
0xff: {  	s25 =	sadd.s32 s24, s20;
	[tilespmem:s18+$0x102B0] =	vst v3  }
0x100: {  	v3 =	vld [tilespmem:s25+$0x280];
	_ =	sdelay $0x2  }
0x101: {  	s19 =	sshll.u32 s22, $0x7  }
0x102: {  	s19 =	sand.u32 $0x3FFFFB00, s19  }
0x103: {  	[tilespmem:s19+$0x10280] =	vst v3  }
0x104: {  	v3 =	vld [tilespmem:s25+$0x290]  }
0x105: {  	(v2sf) =	vpush v2, $0x7;
	_ =	sdelay $0x3  }
0x106: {  	[tilespmem:s19+$0x10290] =	vst v3  }
0x107: {  	v3 =	vld [tilespmem:s25+$0x2A0];
	_ =	sdelay $0x4  }
0x108: {  	[tilespmem:s19+$0x102A0] =	vst v3  }
0x109: {  	v3 =	vld [tilespmem:s25+$0x2B0];
	_ =	sdelay $0x1  }
0x10a: {  	s26 =	sor.u32 $0x7, s17  }
0x10b: {  	s28 =	sshll.u32 s26, $0xA  }
0x10c: {  	s29 =	spop (v2sf);
	s20 =	sand.u32 $0x3FFFDC00, s28  }
0x10d: {  	s30 =	sadd.s32 s29, s20;
	[tilespmem:s19+$0x102B0] =	vst v3  }
0x10e: {  	v3 =	vld [tilespmem:s30+$0x280];
	_ =	sdelay $0x2  }
0x10f: {  	s18 =	sshll.u32 s26, $0x7  }
0x110: {  	s18 =	sand.u32 $0x3FFFFB80, s18  }
0x111: {  	[tilespmem:s18+$0x10280] =	vst v3  }
0x112: {  	v3 =	vld [tilespmem:s30+$0x290]  }
0x113: {  	(v2sf) =	vpush v2, $0x8;
	_ =	sdelay $0x3  }
0x114: {  	[tilespmem:s18+$0x10290] =	vst v3  }
0x115: {  	v3 =	vld [tilespmem:s30+$0x2A0];
	_ =	sdelay $0x4  }
0x116: {  	[tilespmem:s18+$0x102A0] =	vst v3  }
0x117: {  	v3 =	vld [tilespmem:s30+$0x2B0];
	_ =	sdelay $0x1  }
0x118: {  	s31 =	sor.u32 $0x8, s17  }
0x119: {  	s21 =	sshll.u32 s31, $0xA  }
0x11a: {  	s22 =	spop (v2sf);
	s20 =	sand.u32 $0x3FFFE000, s21  }
0x11b: {  	s23 =	sadd.s32 s22, s20;
	[tilespmem:s18+$0x102B0] =	vst v3  }
0x11c: {  	v3 =	vld [tilespmem:s23+$0x280];
	_ =	sdelay $0x2  }
0x11d: {  	s19 =	sshll.u32 s31, $0x7  }
0x11e: {  	s19 =	sand.u32 $0x3FFFFC00, s19  }
0x11f: {  	[tilespmem:s19+$0x10280] =	vst v3  }
0x120: {  	v3 =	vld [tilespmem:s23+$0x290]  }
0x121: {  	(v2sf) =	vpush v2, $0x9;
	_ =	sdelay $0x3  }
0x122: {  	[tilespmem:s19+$0x10290] =	vst v3  }
0x123: {  	v3 =	vld [tilespmem:s23+$0x2A0];
	_ =	sdelay $0x4  }
0x124: {  	[tilespmem:s19+$0x102A0] =	vst v3  }
0x125: {  	v3 =	vld [tilespmem:s23+$0x2B0];
	_ =	sdelay $0x1  }
0x126: {  	s24 =	sor.u32 $0x9, s17  }
0x127: {  	s25 =	sshll.u32 s24, $0xA  }
0x128: {  	s26 =	spop (v2sf);
	s20 =	sand.u32 $0x3FFFE400, s25  }
0x129: {  	s28 =	sadd.s32 s26, s20;
	[tilespmem:s19+$0x102B0] =	vst v3  }
0x12a: {  	v3 =	vld [tilespmem:s28+$0x280];
	_ =	sdelay $0x2  }
0x12b: {  	s18 =	sshll.u32 s24, $0x7  }
0x12c: {  	s18 =	sand.u32 $0x3FFFFC80, s18  }
0x12d: {  	[tilespmem:s18+$0x10280] =	vst v3  }
0x12e: {  	v3 =	vld [tilespmem:s28+$0x290]  }
0x12f: {  	(v2sf) =	vpush v2, $0xA;
	_ =	sdelay $0x3  }
0x130: {  	[tilespmem:s18+$0x10290] =	vst v3  }
0x131: {  	v3 =	vld [tilespmem:s28+$0x2A0];
	_ =	sdelay $0x4  }
0x132: {  	[tilespmem:s18+$0x102A0] =	vst v3  }
0x133: {  	v3 =	vld [tilespmem:s28+$0x2B0];
	_ =	sdelay $0x1  }
0x134: {  	s29 =	sor.u32 $0xA, s17  }
0x135: {  	s30 =	sshll.u32 s29, $0xA  }
0x136: {  	s31 =	spop (v2sf);
	s20 =	sand.u32 $0x3FFFE800, s30  }
0x137: {  	s21 =	sadd.s32 s31, s20;
	[tilespmem:s18+$0x102B0] =	vst v3  }
0x138: {  	v3 =	vld [tilespmem:s21+$0x280];
	_ =	sdelay $0x2  }
0x139: {  	s19 =	sshll.u32 s29, $0x7  }
0x13a: {  	s19 =	sand.u32 $0x3FFFFD00, s19  }
0x13b: {  	[tilespmem:s19+$0x10280] =	vst v3  }
0x13c: {  	v3 =	vld [tilespmem:s21+$0x290]  }
0x13d: {  	(v2sf) =	vpush v2, $0xB;
	_ =	sdelay $0x3  }
0x13e: {  	[tilespmem:s19+$0x10290] =	vst v3  }
0x13f: {  	v3 =	vld [tilespmem:s21+$0x2A0];
	_ =	sdelay $0x4  }
0x140: {  	[tilespmem:s19+$0x102A0] =	vst v3  }
0x141: {  	v3 =	vld [tilespmem:s21+$0x2B0];
	_ =	sdelay $0x1  }
0x142: {  	s22 =	sor.u32 $0xB, s17  }
0x143: {  	s23 =	sshll.u32 s22, $0xA  }
0x144: {  	s24 =	spop (v2sf);
	s20 =	sand.u32 $0x3FFFEC00, s23  }
0x145: {  	s25 =	sadd.s32 s24, s20;
	[tilespmem:s19+$0x102B0] =	vst v3  }
0x146: {  	v3 =	vld [tilespmem:s25+$0x280];
	_ =	sdelay $0x2  }
0x147: {  	s18 =	sshll.u32 s22, $0x7  }
0x148: {  	s18 =	sand.u32 $0x3FFFFD80, s18  }
0x149: {  	[tilespmem:s18+$0x10280] =	vst v3  }
0x14a: {  	v3 =	vld [tilespmem:s25+$0x290]  }
0x14b: {  	(v2sf) =	vpush v2, $0xC;
	_ =	sdelay $0x3  }
0x14c: {  	[tilespmem:s18+$0x10290] =	vst v3  }
0x14d: {  	v3 =	vld [tilespmem:s25+$0x2A0];
	_ =	sdelay $0x4  }
0x14e: {  	[tilespmem:s18+$0x102A0] =	vst v3  }
0x14f: {  	v3 =	vld [tilespmem:s25+$0x2B0];
	_ =	sdelay $0x1  }
0x150: {  	s26 =	sor.u32 $0xC, s17  }
0x151: {  	s28 =	sshll.u32 s26, $0xA  }
0x152: {  	s29 =	spop (v2sf);
	s20 =	sand.u32 $0x3FFFF000, s28  }
0x153: {  	s30 =	sadd.s32 s29, s20;
	[tilespmem:s18+$0x102B0] =	vst v3  }
0x154: {  	v3 =	vld [tilespmem:s30+$0x280];
	_ =	sdelay $0x2  }
0x155: {  	s19 =	sshll.u32 s26, $0x7  }
0x156: {  	s19 =	sand.u32 $0x3FFFFE00, s19  }
0x157: {  	[tilespmem:s19+$0x10280] =	vst v3  }
0x158: {  	v3 =	vld [tilespmem:s30+$0x290]  }
0x159: {  	(v2sf) =	vpush v2, $0xD;
	_ =	sdelay $0x3  }
0x15a: {  	[tilespmem:s19+$0x10290] =	vst v3  }
0x15b: {  	v3 =	vld [tilespmem:s30+$0x2A0];
	_ =	sdelay $0x4  }
0x15c: {  	[tilespmem:s19+$0x102A0] =	vst v3  }
0x15d: {  	v3 =	vld [tilespmem:s30+$0x2B0];
	_ =	sdelay $0x1  }
0x15e: {  	s31 =	sor.u32 $0xD, s17  }
0x15f: {  	s21 =	sshll.u32 s31, $0xA  }
0x160: {  	s22 =	spop (v2sf);
	s20 =	sand.u32 $0x3FFFF400, s21  }
0x161: {  	s23 =	sadd.s32 s22, s20;
	[tilespmem:s19+$0x102B0] =	vst v3  }
0x162: {  	v3 =	vld [tilespmem:s23+$0x280];
	_ =	sdelay $0x2  }
0x163: {  	s18 =	sshll.u32 s31, $0x7  }
0x164: {  	s18 =	sand.u32 $0x3FFFFE80, s18  }
0x165: {  	[tilespmem:s18+$0x10280] =	vst v3  }
0x166: {  	v3 =	vld [tilespmem:s23+$0x290]  }
0x167: {  	(v2sf) =	vpush v2, $0xE;
	_ =	sdelay $0x3  }
0x168: {  	[tilespmem:s18+$0x10290] =	vst v3  }
0x169: {  	v3 =	vld [tilespmem:s23+$0x2A0];
	_ =	sdelay $0x4  }
0x16a: {  	[tilespmem:s18+$0x102A0] =	vst v3  }
0x16b: {  	v3 =	vld [tilespmem:s23+$0x2B0];
	_ =	sdelay $0x1  }
0x16c: {  	s17 =	sor.u32 $0xE, s17  }
0x16d: {  	s24 =	sshll.u32 s17, $0xA  }
0x16e: {  	s25 =	spop (v2sf);
	s19 =	sand.u32 $0x3FFFF800, s24  }
0x16f: {  	s26 =	sadd.s32 s25, s19;
	[tilespmem:s18+$0x102B0] =	vst v3  }
0x170: {  	v3 =	vld [tilespmem:s26+$0x280];
	_ =	sdelay $0x2  }
0x171: {  	s17 =	sshll.u32 s17, $0x7  }
0x172: {  	s17 =	sand.u32 $0x3FFFFF00, s17  }
0x173: {  	[tilespmem:s17+$0x10280] =	vst v3  }
0x174: {  	v3 =	vld [tilespmem:s26+$0x290]  }
0x175: {  	(v2sf) =	vpush v2, $0xF;
	_ =	sdelay $0x3  }
0x176: {  	[tilespmem:s17+$0x10290] =	vst v3  }
0x177: {  	v2 =	vld [tilespmem:s26+$0x2A0];
	_ =	sdelay $0x4  }
0x178: {  	[tilespmem:s17+$0x102A0] =	vst v2  }
0x179: {  	v2 =	vld [tilespmem:s26+$0x2B0];
	_ =	sdelay $0x1  }
0x17a: {  	s28 =	sshllo.u32 s16, $0x4  }
0x17b: {  	s29 =	sshll.u32 s28, $0xA  }
0x17c: {  	s30 =	spop (v2sf);
	s18 =	sand.u32 $0x3FFFFC00, s29  }
0x17d: {  	s31 =	sadd.s32 s30, s18;
	[tilespmem:s17+$0x102B0] =	vst v2  }
0x17e: {  	v2 =	vld [tilespmem:s31+$0x280];
	_ =	sdelay $0x2  }
0x17f: {  	s16 =	sshll.u32 s28, $0x7  }
0x180: {  	s16 =	sand.u32 $0x3FFFFF80, s16  }
0x181: {  	[tilespmem:s16+$0x10280] =	vst v2  }
0x182: {  	v2 =	vld [tilespmem:s31+$0x290];
	_ =	sdelay $0x4  }
0x183: {  	[tilespmem:s16+$0x10290] =	vst v2  }
0x184: {  	v2 =	vld [tilespmem:s31+$0x2A0];
	_ =	sdelay $0x4  }
0x185: {  	[tilespmem:s16+$0x102A0] =	vst v2  }
0x186: {  	p1 =	por p0, p0;
	v2 =	vld [tilespmem:s31+$0x2B0]  }
.Ltmp2:
0x187: {  	_ = 	snop;
	(pc) =	sbr.rel @p1 .LBB2_6-.Ltmp2, $2  }
0x188: {  	_ =	sdelay $0x2  }
0x189: {  	p0 =	por $0x0, $0x0;
	[tilespmem:s16+$0x102B0] =	vst v2;
	s16 =	simm.s32 $0x1  }
0x18a: {  	s16 =	sshll.u32 s13, $0xD  }
0x18b: {  	s16 =	sadd.s32 s6, s16  }
0x18c: {  	s16 =	sshrl.u32 s16, $0x3  }
0x18d: {  	s16 =	sadd.s32 s4, s16  }
0x18e: {  	[hbm4b:s16+s2] =	stream.linear.scatter [tilespmem:s10], [sflag:$0x3], $0x1000, $0x38;
	[tilespmem:$0x11280] =	vst v63  }
0x18f: {  	p0 =	seq.s32 s13, $0x9;
	_ =	swait.ge [sflag:s8], $0x1000  }
.Ltmp3:
0x190: {  	[sflag:s8] =	ssyncset.done $0x0;
	(pc) =	sbr.rel @p0 .LBB2_10-.Ltmp3, $4  }
0x191: {  	[sflag:s8] =	ssyncadd.s32 $0xFFFFF000  }
0x192: {  	_ =	swait.ge [sflag:s11], $0x8000  }
0x193: {  	[sflag:s11] =	ssyncset.done $0x0  }
0x194: {  	[sflag:s11] =	ssyncadd.s32 $0xFFFF8000  }
0x195: {  	s16 =	sadd.s32 $0x40, s15  }
0x196: {  	v1 =	vmov s16;
	_ =	sdelay $0x1  }
0x197: {  	s15 =	simm.s32 $0x0;
	p0 =	por $0x1, $0x1  }
.LBB2_9:
0x198: {  	s16 =	sshll.u32 s15, $0x4  }
0x199: {  	s16 =	sand.u32 $0x3FFFFFF0, s16  }
0x19a: {  	v2 =	vld.idx.msk [tilespmem:v1+s16+$0x0 ss:$0x1], $0xffff;
	_ =	sdelay $0x4  }
0x19b: {  	v2 =	vshrl.u32 v2, $0x3  }
0x19c: {  	v2 =	vshll.u32 v2, $0x7  }
0x19d: {  	(v2sf) =	vpush v2, $0x0;
	_ =	sdelay $0x1  }
0x19e: {  	(v2sf) =	vpush v2, $0x1;
	_ =	sdelay $0x2  }
0x19f: {  	(v2sf) =	vpush v2, $0x2;
	_ =	sdelay $0x3  }
0x1a0: {  	(v2sf) =	vpush v2, $0x3;
	_ =	sdelay $0x5  }
0x1a1: {  	s29 =	spop (v2sf);
	(v2sf) =	vpush v2, $0x4  }
0x1a2: {  	s28 =	sshll.u32 s15, $0xE  }
0x1a3: {  	s15 =	sand.u32 $0x3FFFC000, s28;
	s16 =	sand.u32 $0x1FFFFF80, s29;
	s30 =	spop (v2sf);
	(v2sf) =	vpush v2, $0x5  }
0x1a4: {  	s17 =	sor.u32 $0x280, s15;
	s16 =	sadd.s32 s3, s16  }
0x1a5: {  	[tilespmem:s17], [sflag:$0x1] =	stream.linear.gather [hbm4b:s16+s2], $0x400, $0x38;
	[tilespmem:$0x11280] =	vst v63  }
0x1a6: {  	s17 =	spop (v2sf);
	(v2sf) =	vpush v2, $0x6;
	_ =	sdelay $0x3  }
0x1a7: {  	s19 =	spop (v2sf);
	(v2sf) =	vpush v2, $0x7;
	_ =	sdelay $0x1  }
0x1a8: {  	s16 =	sand.u32 $0x1FFFFF80, s30  }
0x1a9: {  	s31 =	sor.u32 $0x680, s15;
	s16 =	sadd.s32 s3, s16  }
0x1aa: {  	[tilespmem:s31], [sflag:$0x1] =	stream.linear.gather [hbm4b:s16+s2], $0x400, $0x38;
	[tilespmem:$0x11280] =	vst v63  }
0x1ab: {  	s16 =	sand.u32 $0x1FFFFF80, s17  }
0x1ac: {  	s18 =	sor.u32 $0xA80, s15;
	s16 =	sadd.s32 s3, s16;
	s21 =	spop (v2sf);
	(v2sf) =	vpush v2, $0x8  }
0x1ad: {  	[tilespmem:s18], [sflag:$0x1] =	stream.linear.gather [hbm4b:s16+s2], $0x400, $0x38;
	[tilespmem:$0x11280] =	vst v63  }
0x1ae: {  	s16 =	sand.u32 $0x1FFFFF80, s19;
	s23 =	spop (v2sf);
	(v2sf) =	vpush v2, $0x9  }
0x1af: {  	s20 =	sor.u32 $0xE80, s15;
	s16 =	sadd.s32 s3, s16  }
0x1b0: {  	[tilespmem:s20], [sflag:$0x1] =	stream.linear.gather [hbm4b:s16+s2], $0x400, $0x38;
	[tilespmem:$0x11280] =	vst v63  }
0x1b1: {  	s16 =	sand.u32 $0x1FFFFF80, s21;
	s25 =	spop (v2sf);
	(v2sf) =	vpush v2, $0xA  }
0x1b2: {  	s22 =	sor.u32 $0x1280, s15;
	s16 =	sadd.s32 s3, s16  }
0x1b3: {  	[tilespmem:s22], [sflag:$0x1] =	stream.linear.gather [hbm4b:s16+s2], $0x400, $0x38;
	[tilespmem:$0x11280] =	vst v63  }
0x1b4: {  	s16 =	sand.u32 $0x1FFFFF80, s23  }
0x1b5: {  	s24 =	sor.u32 $0x1680, s15;
	s16 =	sadd.s32 s3, s16;
	s28 =	spop (v2sf)  }
0x1b6: {  	(v2sf) =	vpush v2, $0xB;
	[tilespmem:s24], [sflag:$0x1] =	stream.linear.gather [hbm4b:s16+s2], $0x400, $0x38;
	[tilespmem:$0x11280] =	vst v63  }
0x1b7: {  	s16 =	sand.u32 $0x1FFFFF80, s25  }
0x1b8: {  	s26 =	sor.u32 $0x1A80, s15;
	s16 =	sadd.s32 s3, s16  }
0x1b9: {  	[tilespmem:s26], [sflag:$0x1] =	stream.linear.gather [hbm4b:s16+s2], $0x400, $0x38;
	[tilespmem:$0x11280] =	vst v63  }
0x1ba: {  	s16 =	sand.u32 $0x1FFFFF80, s28  }
0x1bb: {  	s29 =	sor.u32 $0x1E80, s15;
	s16 =	sadd.s32 s3, s16;
	s30 =	spop (v2sf);
	(v2sf) =	vpush v2, $0xC  }
0x1bc: {  	[tilespmem:s29], [sflag:$0x1] =	stream.linear.gather [hbm4b:s16+s2], $0x400, $0x38;
	[tilespmem:$0x11280] =	vst v63  }
0x1bd: {  	s16 =	sand.u32 $0x1FFFFF80, s30;
	s18 =	spop (v2sf);
	(v2sf) =	vpush v2, $0xD  }
0x1be: {  	s31 =	sor.u32 $0x2280, s15;
	s16 =	sadd.s32 s3, s16  }
0x1bf: {  	[tilespmem:s31], [sflag:$0x1] =	stream.linear.gather [hbm4b:s16+s2], $0x400, $0x38;
	[tilespmem:$0x11280] =	vst v63  }
0x1c0: {  	s20 =	spop (v2sf);
	(v2sf) =	vpush v2, $0xE  }
0x1c1: {  	s16 =	sand.u32 $0x1FFFFF80, s18  }
0x1c2: {  	s19 =	sor.u32 $0x2680, s15;
	s16 =	sadd.s32 s3, s16  }
0x1c3: {  	[tilespmem:s19], [sflag:$0x1] =	stream.linear.gather [hbm4b:s16+s2], $0x400, $0x38;
	[tilespmem:$0x11280] =	vst v63  }
0x1c4: {  	s16 =	sand.u32 $0x1FFFFF80, s20  }
0x1c5: {  	s21 =	sor.u32 $0x2A80, s15;
	s22 =	spop (v2sf);
	(v2sf) =	vpush v2, $0xF;
	s16 =	sadd.s32 s3, s16  }
0x1c6: {  	[tilespmem:s21], [sflag:$0x1] =	stream.linear.gather [hbm4b:s16+s2], $0x400, $0x38;
	[tilespmem:$0x11280] =	vst v63  }
0x1c7: {  	s16 =	sand.u32 $0x1FFFFF80, s22  }
0x1c8: {  	s23 =	sor.u32 $0x2E80, s15;
	s16 =	sadd.s32 s3, s16  }
0x1c9: {  	[tilespmem:s23], [sflag:$0x1] =	stream.linear.gather [hbm4b:s16+s2], $0x400, $0x38;
	[tilespmem:$0x11280] =	vst v63  }
0x1ca: {  	s24 =	spop (v2sf)  }
0x1cb: {  	s16 =	sand.u32 $0x1FFFFF80, s24  }
0x1cc: {  	s25 =	sor.u32 $0x3280, s15;
	s26 =	spop (v2sf);
	s16 =	sadd.s32 s3, s16  }
0x1cd: {  	[tilespmem:s25], [sflag:$0x1] =	stream.linear.gather [hbm4b:s16+s2], $0x400, $0x38;
	[tilespmem:$0x11280] =	vst v63  }
0x1ce: {  	s16 =	sand.u32 $0x1FFFFF80, s26  }
0x1cf: {  	s28 =	sor.u32 $0x3680, s15;
	s29 =	spop (v2sf);
	s16 =	sadd.s32 s3, s16  }
0x1d0: {  	[tilespmem:s28], [sflag:$0x1] =	stream.linear.gather [hbm4b:s16+s2], $0x400, $0x38;
	[tilespmem:$0x11280] =	vst v63  }
0x1d1: {  	s16 =	sand.u32 $0x1FFFFF80, s29  }
0x1d2: {  	p1 =	por p0, p0;
	s30 =	sor.u32 $0x3A80, s15;
	s16 =	sadd.s32 s3, s16  }
0x1d3: {  	[tilespmem:s30], [sflag:$0x1] =	stream.linear.gather [hbm4b:s16+s2], $0x400, $0x38;
	[tilespmem:$0x11280] =	vst v63  }
.Ltmp4:
0x1d4: {  	s31 =	spop (v2sf);
	(pc) =	sbr.rel @p1 .LBB2_9-.Ltmp4, $4  }
0x1d5: {  	s16 =	sand.u32 $0x1FFFFF80, s31  }
0x1d6: {  	s15 =	sor.u32 $0x3E80, s15;
	s16 =	sadd.s32 s3, s16  }
0x1d7: {  	[tilespmem:s15], [sflag:$0x1] =	stream.linear.gather [hbm4b:s16+s2], $0x400, $0x38;
	[tilespmem:$0x11280] =	vst v63  }
0x1d8: {  	p0 =	por $0x0, $0x0;
	s15 =	simm.s32 $0x1  }
.LBB2_10:
0x1d9: {  	s13 =	sadd.s32 $0x1, s13;
	s15 =	simm.s32 $0x0;
	p0 =	por $0x1, $0x1  }
.LBB2_11:
0x1da: {  	s16 =	sshll.u32 s15, $0x4  }
0x1db: {  	v1 =	vld.idx.msk [tilespmem:v0+s16+$0x0 ss:$0x1], $0xffff;
	_ =	sdelay $0x4  }
0x1dc: {  	v2 =	vshra.s32 v1, $0x1F  }
0x1dd: {  	v2 =	vshrl.u32 v2, $0x1D  }
0x1de: {  	v2 =	vadd.s32 v2, v1  }
0x1df: {  	v2 =	vshrl.u32 v2, $0x3  }
0x1e0: {  	v2 =	vshll.u32 v2, $0x3  }
0x1e1: {  	v1 =	vsub.s32 v1, v2  }
0x1e2: {  	v1 =	vshll.u32 v1, $0x9  }
0x1e3: {  	v1 =	vshra.s32 v1, $0x2  }
0x1e4: {  	(v2sf) =	vpush v1, $0x0;
	_ =	sdelay $0xd  }
0x1e5: {  	s17 =	sshll.u32 s15, $0xE  }
0x1e6: {  	s17 =	sand.u32 $0x3FFFC000, s17;
	s18 =	spop (v2sf)  }
0x1e7: {  	s17 =	sadd.s32 s18, s17  }
0x1e8: {  	v2 =	vld [tilespmem:s17+$0x8280];
	_ =	sdelay $0x2  }
0x1e9: {  	s23 =	sshll.u32 s15, $0xB  }
0x1ea: {  	s18 =	sand.u32 $0x3FFFF800, s23  }
0x1eb: {  	[tilespmem:s18+$0x10280] =	vst v2  }
0x1ec: {  	v2 =	vld [tilespmem:s17+$0x8290]  }
0x1ed: {  	(v2sf) =	vpush v1, $0x1;
	_ =	sdelay $0x3  }
0x1ee: {  	[tilespmem:s18+$0x10290] =	vst v2  }
0x1ef: {  	v2 =	vld [tilespmem:s17+$0x82A0];
	_ =	sdelay $0x4  }
0x1f0: {  	[tilespmem:s18+$0x102A0] =	vst v2  }
0x1f1: {  	v2 =	vld [tilespmem:s17+$0x82B0];
	_ =	sdelay $0x1  }
0x1f2: {  	s24 =	sor.u32 $0x1, s16  }
0x1f3: {  	s19 =	sshll.u32 s24, $0xA  }
0x1f4: {  	s19 =	sand.u32 $0x3FFFC400, s19;
	s20 =	spop (v2sf)  }
0x1f5: {  	s25 =	sadd.s32 s20, s19;
	[tilespmem:s18+$0x102B0] =	vst v2  }
0x1f6: {  	v2 =	vld [tilespmem:s25+$0x8280];
	_ =	sdelay $0x2  }
0x1f7: {  	s17 =	sshll.u32 s24, $0x7  }
0x1f8: {  	s17 =	sand.u32 $0x3FFFF880, s17  }
0x1f9: {  	[tilespmem:s17+$0x10280] =	vst v2  }
0x1fa: {  	v2 =	vld [tilespmem:s25+$0x8290]  }
0x1fb: {  	(v2sf) =	vpush v1, $0x2;
	_ =	sdelay $0x3  }
0x1fc: {  	[tilespmem:s17+$0x10290] =	vst v2  }
0x1fd: {  	v2 =	vld [tilespmem:s25+$0x82A0];
	_ =	sdelay $0x4  }
0x1fe: {  	[tilespmem:s17+$0x102A0] =	vst v2  }
0x1ff: {  	v2 =	vld [tilespmem:s25+$0x82B0];
	_ =	sdelay $0x1  }
0x200: {  	s26 =	sor.u32 $0x2, s16  }
0x201: {  	s28 =	sshll.u32 s26, $0xA  }
0x202: {  	s19 =	sand.u32 $0x3FFFC800, s28;
	s29 =	spop (v2sf)  }
0x203: {  	s30 =	sadd.s32 s29, s19;
	[tilespmem:s17+$0x102B0] =	vst v2  }
0x204: {  	v2 =	vld [tilespmem:s30+$0x8280];
	_ =	sdelay $0x2  }
0x205: {  	s18 =	sshll.u32 s26, $0x7  }
0x206: {  	s18 =	sand.u32 $0x3FFFF900, s18  }
0x207: {  	[tilespmem:s18+$0x10280] =	vst v2  }
0x208: {  	v2 =	vld [tilespmem:s30+$0x8290]  }
0x209: {  	(v2sf) =	vpush v1, $0x3;
	_ =	sdelay $0x3  }
0x20a: {  	[tilespmem:s18+$0x10290] =	vst v2  }
0x20b: {  	v2 =	vld [tilespmem:s30+$0x82A0];
	_ =	sdelay $0x4  }
0x20c: {  	[tilespmem:s18+$0x102A0] =	vst v2  }
0x20d: {  	v2 =	vld [tilespmem:s30+$0x82B0];
	_ =	sdelay $0x1  }
0x20e: {  	s31 =	sor.u32 $0x3, s16  }
0x20f: {  	s21 =	sshll.u32 s31, $0xA  }
0x210: {  	s19 =	sand.u32 $0x3FFFCC00, s21;
	s22 =	spop (v2sf)  }
0x211: {  	s23 =	sadd.s32 s22, s19;
	[tilespmem:s18+$0x102B0] =	vst v2  }
0x212: {  	v2 =	vld [tilespmem:s23+$0x8280];
	_ =	sdelay $0x2  }
0x213: {  	s17 =	sshll.u32 s31, $0x7  }
0x214: {  	s17 =	sand.u32 $0x3FFFF980, s17  }
0x215: {  	[tilespmem:s17+$0x10280] =	vst v2  }
0x216: {  	v2 =	vld [tilespmem:s23+$0x8290]  }
0x217: {  	(v2sf) =	vpush v1, $0x4;
	_ =	sdelay $0x3  }
0x218: {  	[tilespmem:s17+$0x10290] =	vst v2  }
0x219: {  	v2 =	vld [tilespmem:s23+$0x82A0];
	_ =	sdelay $0x4  }
0x21a: {  	[tilespmem:s17+$0x102A0] =	vst v2  }
0x21b: {  	v2 =	vld [tilespmem:s23+$0x82B0];
	_ =	sdelay $0x1  }
0x21c: {  	s24 =	sor.u32 $0x4, s16  }
0x21d: {  	s25 =	sshll.u32 s24, $0xA  }
0x21e: {  	s19 =	sand.u32 $0x3FFFD000, s25;
	s26 =	spop (v2sf)  }
0x21f: {  	s28 =	sadd.s32 s26, s19;
	[tilespmem:s17+$0x102B0] =	vst v2  }
0x220: {  	v2 =	vld [tilespmem:s28+$0x8280];
	_ =	sdelay $0x2  }
0x221: {  	s18 =	sshll.u32 s24, $0x7  }
0x222: {  	s18 =	sand.u32 $0x3FFFFA00, s18  }
0x223: {  	[tilespmem:s18+$0x10280] =	vst v2  }
0x224: {  	v2 =	vld [tilespmem:s28+$0x8290]  }
0x225: {  	(v2sf) =	vpush v1, $0x5;
	_ =	sdelay $0x3  }
0x226: {  	[tilespmem:s18+$0x10290] =	vst v2  }
0x227: {  	v2 =	vld [tilespmem:s28+$0x82A0];
	_ =	sdelay $0x4  }
0x228: {  	[tilespmem:s18+$0x102A0] =	vst v2  }
0x229: {  	v2 =	vld [tilespmem:s28+$0x82B0];
	_ =	sdelay $0x1  }
0x22a: {  	s29 =	sor.u32 $0x5, s16  }
0x22b: {  	s30 =	sshll.u32 s29, $0xA  }
0x22c: {  	s19 =	sand.u32 $0x3FFFD400, s30;
	s31 =	spop (v2sf)  }
0x22d: {  	s21 =	sadd.s32 s31, s19;
	[tilespmem:s18+$0x102B0] =	vst v2  }
0x22e: {  	v2 =	vld [tilespmem:s21+$0x8280];
	_ =	sdelay $0x2  }
0x22f: {  	s17 =	sshll.u32 s29, $0x7  }
0x230: {  	s17 =	sand.u32 $0x3FFFFA80, s17  }
0x231: {  	[tilespmem:s17+$0x10280] =	vst v2  }
0x232: {  	v2 =	vld [tilespmem:s21+$0x8290]  }
0x233: {  	(v2sf) =	vpush v1, $0x6;
	_ =	sdelay $0x3  }
0x234: {  	[tilespmem:s17+$0x10290] =	vst v2  }
0x235: {  	v2 =	vld [tilespmem:s21+$0x82A0];
	_ =	sdelay $0x4  }
0x236: {  	[tilespmem:s17+$0x102A0] =	vst v2  }
0x237: {  	v2 =	vld [tilespmem:s21+$0x82B0];
	_ =	sdelay $0x1  }
0x238: {  	s22 =	sor.u32 $0x6, s16  }
0x239: {  	s23 =	sshll.u32 s22, $0xA  }
0x23a: {  	s24 =	spop (v2sf);
	s19 =	sand.u32 $0x3FFFD800, s23  }
0x23b: {  	s25 =	sadd.s32 s24, s19;
	[tilespmem:s17+$0x102B0] =	vst v2  }
0x23c: {  	v2 =	vld [tilespmem:s25+$0x8280];
	_ =	sdelay $0x2  }
0x23d: {  	s18 =	sshll.u32 s22, $0x7  }
0x23e: {  	s18 =	sand.u32 $0x3FFFFB00, s18  }
0x23f: {  	[tilespmem:s18+$0x10280] =	vst v2  }
0x240: {  	v2 =	vld [tilespmem:s25+$0x8290]  }
0x241: {  	(v2sf) =	vpush v1, $0x7;
	_ =	sdelay $0x3  }
0x242: {  	[tilespmem:s18+$0x10290] =	vst v2  }
0x243: {  	v2 =	vld [tilespmem:s25+$0x82A0];
	_ =	sdelay $0x4  }
0x244: {  	[tilespmem:s18+$0x102A0] =	vst v2  }
0x245: {  	v2 =	vld [tilespmem:s25+$0x82B0];
	_ =	sdelay $0x1  }
0x246: {  	s26 =	sor.u32 $0x7, s16  }
0x247: {  	s28 =	sshll.u32 s26, $0xA  }
0x248: {  	s29 =	spop (v2sf);
	s19 =	sand.u32 $0x3FFFDC00, s28  }
0x249: {  	s30 =	sadd.s32 s29, s19;
	[tilespmem:s18+$0x102B0] =	vst v2  }
0x24a: {  	v2 =	vld [tilespmem:s30+$0x8280];
	_ =	sdelay $0x2  }
0x24b: {  	s17 =	sshll.u32 s26, $0x7  }
0x24c: {  	s17 =	sand.u32 $0x3FFFFB80, s17  }
0x24d: {  	[tilespmem:s17+$0x10280] =	vst v2  }
0x24e: {  	v2 =	vld [tilespmem:s30+$0x8290]  }
0x24f: {  	(v2sf) =	vpush v1, $0x8;
	_ =	sdelay $0x3  }
0x250: {  	[tilespmem:s17+$0x10290] =	vst v2  }
0x251: {  	v2 =	vld [tilespmem:s30+$0x82A0];
	_ =	sdelay $0x4  }
0x252: {  	[tilespmem:s17+$0x102A0] =	vst v2  }
0x253: {  	v2 =	vld [tilespmem:s30+$0x82B0];
	_ =	sdelay $0x1  }
0x254: {  	s31 =	sor.u32 $0x8, s16  }
0x255: {  	s21 =	sshll.u32 s31, $0xA  }
0x256: {  	s22 =	spop (v2sf);
	s19 =	sand.u32 $0x3FFFE000, s21  }
0x257: {  	s23 =	sadd.s32 s22, s19;
	[tilespmem:s17+$0x102B0] =	vst v2  }
0x258: {  	v2 =	vld [tilespmem:s23+$0x8280];
	_ =	sdelay $0x2  }
0x259: {  	s18 =	sshll.u32 s31, $0x7  }
0x25a: {  	s18 =	sand.u32 $0x3FFFFC00, s18  }
0x25b: {  	[tilespmem:s18+$0x10280] =	vst v2  }
0x25c: {  	v2 =	vld [tilespmem:s23+$0x8290]  }
0x25d: {  	(v2sf) =	vpush v1, $0x9;
	_ =	sdelay $0x3  }
0x25e: {  	[tilespmem:s18+$0x10290] =	vst v2  }
0x25f: {  	v2 =	vld [tilespmem:s23+$0x82A0];
	_ =	sdelay $0x4  }
0x260: {  	[tilespmem:s18+$0x102A0] =	vst v2  }
0x261: {  	v2 =	vld [tilespmem:s23+$0x82B0];
	_ =	sdelay $0x1  }
0x262: {  	s24 =	sor.u32 $0x9, s16  }
0x263: {  	s25 =	sshll.u32 s24, $0xA  }
0x264: {  	s26 =	spop (v2sf);
	s19 =	sand.u32 $0x3FFFE400, s25  }
0x265: {  	s28 =	sadd.s32 s26, s19;
	[tilespmem:s18+$0x102B0] =	vst v2  }
0x266: {  	v2 =	vld [tilespmem:s28+$0x8280];
	_ =	sdelay $0x2  }
0x267: {  	s17 =	sshll.u32 s24, $0x7  }
0x268: {  	s17 =	sand.u32 $0x3FFFFC80, s17  }
0x269: {  	[tilespmem:s17+$0x10280] =	vst v2  }
0x26a: {  	v2 =	vld [tilespmem:s28+$0x8290]  }
0x26b: {  	(v2sf) =	vpush v1, $0xA;
	_ =	sdelay $0x3  }
0x26c: {  	[tilespmem:s17+$0x10290] =	vst v2  }
0x26d: {  	v2 =	vld [tilespmem:s28+$0x82A0];
	_ =	sdelay $0x4  }
0x26e: {  	[tilespmem:s17+$0x102A0] =	vst v2  }
0x26f: {  	v2 =	vld [tilespmem:s28+$0x82B0];
	_ =	sdelay $0x1  }
0x270: {  	s29 =	sor.u32 $0xA, s16  }
0x271: {  	s30 =	sshll.u32 s29, $0xA  }
0x272: {  	s31 =	spop (v2sf);
	s19 =	sand.u32 $0x3FFFE800, s30  }
0x273: {  	s21 =	sadd.s32 s31, s19;
	[tilespmem:s17+$0x102B0] =	vst v2  }
0x274: {  	v2 =	vld [tilespmem:s21+$0x8280];
	_ =	sdelay $0x2  }
0x275: {  	s18 =	sshll.u32 s29, $0x7  }
0x276: {  	s18 =	sand.u32 $0x3FFFFD00, s18  }
0x277: {  	[tilespmem:s18+$0x10280] =	vst v2  }
0x278: {  	v2 =	vld [tilespmem:s21+$0x8290]  }
0x279: {  	(v2sf) =	vpush v1, $0xB;
	_ =	sdelay $0x3  }
0x27a: {  	[tilespmem:s18+$0x10290] =	vst v2  }
0x27b: {  	v2 =	vld [tilespmem:s21+$0x82A0];
	_ =	sdelay $0x4  }
0x27c: {  	[tilespmem:s18+$0x102A0] =	vst v2  }
0x27d: {  	v2 =	vld [tilespmem:s21+$0x82B0];
	_ =	sdelay $0x1  }
0x27e: {  	s22 =	sor.u32 $0xB, s16  }
0x27f: {  	s23 =	sshll.u32 s22, $0xA  }
0x280: {  	s24 =	spop (v2sf);
	s19 =	sand.u32 $0x3FFFEC00, s23  }
0x281: {  	s25 =	sadd.s32 s24, s19;
	[tilespmem:s18+$0x102B0] =	vst v2  }
0x282: {  	v2 =	vld [tilespmem:s25+$0x8280];
	_ =	sdelay $0x2  }
0x283: {  	s17 =	sshll.u32 s22, $0x7  }
0x284: {  	s17 =	sand.u32 $0x3FFFFD80, s17  }
0x285: {  	[tilespmem:s17+$0x10280] =	vst v2  }
0x286: {  	v2 =	vld [tilespmem:s25+$0x8290]  }
0x287: {  	(v2sf) =	vpush v1, $0xC;
	_ =	sdelay $0x3  }
0x288: {  	[tilespmem:s17+$0x10290] =	vst v2  }
0x289: {  	v2 =	vld [tilespmem:s25+$0x82A0];
	_ =	sdelay $0x4  }
0x28a: {  	[tilespmem:s17+$0x102A0] =	vst v2  }
0x28b: {  	v2 =	vld [tilespmem:s25+$0x82B0];
	_ =	sdelay $0x1  }
0x28c: {  	s26 =	sor.u32 $0xC, s16  }
0x28d: {  	s28 =	sshll.u32 s26, $0xA  }
0x28e: {  	s29 =	spop (v2sf);
	s19 =	sand.u32 $0x3FFFF000, s28  }
0x28f: {  	s30 =	sadd.s32 s29, s19;
	[tilespmem:s17+$0x102B0] =	vst v2  }
0x290: {  	v2 =	vld [tilespmem:s30+$0x8280];
	_ =	sdelay $0x2  }
0x291: {  	s18 =	sshll.u32 s26, $0x7  }
0x292: {  	s18 =	sand.u32 $0x3FFFFE00, s18  }
0x293: {  	[tilespmem:s18+$0x10280] =	vst v2  }
0x294: {  	v2 =	vld [tilespmem:s30+$0x8290]  }
0x295: {  	(v2sf) =	vpush v1, $0xD;
	_ =	sdelay $0x3  }
0x296: {  	[tilespmem:s18+$0x10290] =	vst v2  }
0x297: {  	v2 =	vld [tilespmem:s30+$0x82A0];
	_ =	sdelay $0x4  }
0x298: {  	[tilespmem:s18+$0x102A0] =	vst v2  }
0x299: {  	v2 =	vld [tilespmem:s30+$0x82B0];
	_ =	sdelay $0x1  }
0x29a: {  	s31 =	sor.u32 $0xD, s16  }
0x29b: {  	s21 =	sshll.u32 s31, $0xA  }
0x29c: {  	s22 =	spop (v2sf);
	s19 =	sand.u32 $0x3FFFF400, s21  }
0x29d: {  	s23 =	sadd.s32 s22, s19;
	[tilespmem:s18+$0x102B0] =	vst v2  }
0x29e: {  	v2 =	vld [tilespmem:s23+$0x8280];
	_ =	sdelay $0x2  }
0x29f: {  	s17 =	sshll.u32 s31, $0x7  }
0x2a0: {  	s17 =	sand.u32 $0x3FFFFE80, s17  }
0x2a1: {  	[tilespmem:s17+$0x10280] =	vst v2  }
0x2a2: {  	v2 =	vld [tilespmem:s23+$0x8290]  }
0x2a3: {  	(v2sf) =	vpush v1, $0xE;
	_ =	sdelay $0x3  }
0x2a4: {  	[tilespmem:s17+$0x10290] =	vst v2  }
0x2a5: {  	v2 =	vld [tilespmem:s23+$0x82A0];
	_ =	sdelay $0x4  }
0x2a6: {  	[tilespmem:s17+$0x102A0] =	vst v2  }
0x2a7: {  	v2 =	vld [tilespmem:s23+$0x82B0];
	_ =	sdelay $0x1  }
0x2a8: {  	s16 =	sor.u32 $0xE, s16  }
0x2a9: {  	s24 =	sshll.u32 s16, $0xA  }
0x2aa: {  	s25 =	spop (v2sf);
	s18 =	sand.u32 $0x3FFFF800, s24  }
0x2ab: {  	s26 =	sadd.s32 s25, s18;
	[tilespmem:s17+$0x102B0] =	vst v2  }
0x2ac: {  	v2 =	vld [tilespmem:s26+$0x8280];
	_ =	sdelay $0x2  }
0x2ad: {  	s16 =	sshll.u32 s16, $0x7  }
0x2ae: {  	s16 =	sand.u32 $0x3FFFFF00, s16  }
0x2af: {  	[tilespmem:s16+$0x10280] =	vst v2  }
0x2b0: {  	v2 =	vld [tilespmem:s26+$0x8290]  }
0x2b1: {  	(v2sf) =	vpush v1, $0xF;
	_ =	sdelay $0x3  }
0x2b2: {  	[tilespmem:s16+$0x10290] =	vst v2  }
0x2b3: {  	v1 =	vld [tilespmem:s26+$0x82A0];
	_ =	sdelay $0x4  }
0x2b4: {  	[tilespmem:s16+$0x102A0] =	vst v1  }
0x2b5: {  	v1 =	vld [tilespmem:s26+$0x82B0];
	_ =	sdelay $0x1  }
0x2b6: {  	s28 =	sshllo.u32 s15, $0x4  }
0x2b7: {  	s29 =	sshll.u32 s28, $0xA  }
0x2b8: {  	s30 =	spop (v2sf);
	s17 =	sand.u32 $0x3FFFFC00, s29  }
0x2b9: {  	s31 =	sadd.s32 s30, s17;
	[tilespmem:s16+$0x102B0] =	vst v1  }
0x2ba: {  	v1 =	vld [tilespmem:s31+$0x8280];
	_ =	sdelay $0x2  }
0x2bb: {  	s15 =	sshll.u32 s28, $0x7  }
0x2bc: {  	s15 =	sand.u32 $0x3FFFFF80, s15  }
0x2bd: {  	[tilespmem:s15+$0x10280] =	vst v1  }
0x2be: {  	v1 =	vld [tilespmem:s31+$0x8290];
	_ =	sdelay $0x4  }
0x2bf: {  	[tilespmem:s15+$0x10290] =	vst v1  }
0x2c0: {  	v1 =	vld [tilespmem:s31+$0x82A0];
	_ =	sdelay $0x4  }
0x2c1: {  	[tilespmem:s15+$0x102A0] =	vst v1  }
0x2c2: {  	p1 =	por p0, p0;
	v1 =	vld [tilespmem:s31+$0x82B0]  }
.Ltmp5:
0x2c3: {  	_ = 	snop;
	(pc) =	sbr.rel @p1 .LBB2_11-.Ltmp5, $2  }
0x2c4: {  	_ =	sdelay $0x2  }
0x2c5: {  	p0 =	por $0x0, $0x0;
	[tilespmem:s15+$0x102B0] =	vst v1;
	s15 =	simm.s32 $0x1  }
0x2c6: {  	s14 =	sshll.u32 s14, $0xC  }
0x2c7: {  	s14 =	sadd.s32 s6, s14  }
0x2c8: {  	p0 =	sne.s32 s13, $0xA;
	s14 =	sshrl.u32 s14, $0x3  }
.Ltmp6:
0x2c9: {  	s14 =	sadd.s32 s4, s14;
	(pc) =	sbr.rel @p0 .LBB2_3-.Ltmp6, $4  }
0x2ca: {  	[hbm4b:s14+s2] =	stream.linear.scatter [tilespmem:s10], [sflag:$0x3], $0x1000, $0x38;
	[tilespmem:$0x11280] =	vst v63  }
0x2cb: {  	_ =	swait.ge [sflag:s8], $0x1000  }
0x2cc: {  	[sflag:s8] =	ssyncset.done $0x0  }
0x2cd: {  	[sflag:s8] =	ssyncadd.s32 $0xFFFFF000  }
0x2ce: {  	s12 =	sadd.s32 $0x1, s12  }
0x2cf: {  	p0 =	sne.s32 s12, s7  }
.Ltmp7:
0x2d0: {  	_ = 	snop;
	(pc) =	sbr.rel @p0 .LBB2_1-.Ltmp7, $1  }
0x2d1: {  	_ =	sdelay $0x3  }
0x2d2: {  	_ =	sfence.sel $0x180000  }
0x2d3: {  	[bflag:$0x0] =	sbarrier.arrive $0xFFFF  }
0x2d4: {  	p0 =	sne.s32 s1, $0x0;
	_ =	strace $0x90000047  }
0x2d5: {  	s0 =	sadd.s32 @!p0 $0x100000, s0;
	[bflag:$0x2] =	sbarrier.arrive $0xFFFF  }
0x2d6: {  	[sflag:s0] =	ssyncadd.tile.s32 @!p0 $0x1;
	_ =	shalt  }
.Lfunc_end2:
_tile_overlayer_lowered:
.L_overlay_start_2:
0x2d7: {  	(tag) =	ssettag $0x2  }
0x2d8: {  	s0 =	rddreg [dreg:$0x0];
	s2 =	stileid.u32  }
0x2d9: {  	s1 =	rddreg [dreg:$0x1];
	p0 =	sne.s32 s2, $0x0  }
0x2da: {  	s3 =	rddreg [dreg:$0x2];
	[bflag:$0x3] =	sbarrier.arrive $0xFFFF;
	s2 =	simm.s32 @!p0 $0x1C03  }
0x2db: {  	[timem:s3], [sflag:s2] =	dma.local @!p0 [hbm:s0], s1  }
0x2dc: {  	s0 =	simm.s32 @!p0 $0x3  }
0x2dd: {  	_ =	swait.ge @!p0 [sflag:s0], s1  }
0x2de: {  	s1 =	ssub.s32 @!p0 $0x0, s1;
	[sflag:s0] =	ssyncset.done @!p0 $0x0  }
0x2df: {  	[sflag:s0] =	ssyncadd.s32 @!p0 s1  }
0x2e0: {  	[bflag:$0x3] =	sbarrier.arrive $0xFFFF  }
0x2e1: {  	_ =	shalt  }

</sc_bundles>
